<compile_context>
chip_gen: v7x
topology: tpu7x:2x2x1
jax: 0.10.2.dev20260603
libtpu: 0.0.44.dev20260713+nightly
codegen_flags: <defaults>
</compile_context>

<pallas_src>
import functools

import jax
import jax.numpy as jnp
from jax import lax
from jax.experimental import pallas as pl
from jax.experimental.pallas import tpu as pltpu
from jax.experimental.pallas import tpu_sc as plsc

N = 10000
DF = 128
DH = 512
NLAB = 10

NC = 2
NS = 16
NW = NC * NS
CHUNK = 128
CPW = 80
EPW = CHUNK * CPW
EPAD = NW * EPW
NPAD = 10240
RPT = NPAD // NS


def _prep_edges(edge_index, edge_weight):
    src = edge_index[0].astype(jnp.int32)
    dst = edge_index[1].astype(jnp.int32)
    w = edge_weight.astype(jnp.float32)
    pad = EPAD - src.shape[0]
    packed = src | (dst << 16)
    packed = jnp.pad(packed, (0, pad))
    w = jnp.pad(w, (0, pad))
    return (packed.reshape(NW, CPW, 1, CHUNK),
            w.reshape(NW, CPW, 1, CHUNK))


def _sc_segment_sum(x, ed, wg):
    mesh = plsc.VectorSubcoreMesh(core_axis_name="c", subcore_axis_name="s")

    @functools.partial(
        pl.kernel,
        out_type=jax.ShapeDtypeStruct((NC, NPAD, DF), jnp.float32),
        mesh=mesh,
        scratch_types=[
            pltpu.VMEM((1, CHUNK), jnp.int32),
            pltpu.VMEM((1, CHUNK), jnp.int32),
            pltpu.VMEM((1, CHUNK), jnp.float32),
            pltpu.VMEM((1, CHUNK), jnp.float32),
            pltpu.VMEM((1, CHUNK), jnp.int32),
            pltpu.VMEM((1, CHUNK), jnp.int32),
            pltpu.VMEM((1, CHUNK), jnp.int32),
            pltpu.VMEM((1, CHUNK), jnp.int32),
            pltpu.VMEM((CHUNK, DF), jnp.float32),
            pltpu.VMEM((CHUNK, DF), jnp.float32),
            pltpu.VMEM_SHARED((NPAD, DF), jnp.float32),
            pltpu.SemaphoreType.DMA,
            pltpu.SemaphoreType.DMA,
            pltpu.SemaphoreType.DMA,
            pltpu.SemaphoreType.DMA,
            pltpu.SemaphoreType.DMA,
            pltpu.SemaphoreType.DMA,
        ],
    )
    def k(x_hbm, ed_hbm, wg_hbm, out_hbm,
          edA, edB, wgA, wgB, srcA, srcB, dstA, dstB, rowsA, rowsB, acc,
          gsemA, gsemB, esemA, esemB, wsemA, wsemB):
        cid = lax.axis_index("c")
        sid = lax.axis_index("s")
        wid = cid * NS + sid

        def zrow(r, carry):
            for j in range(DF // 16):
                rowsA[r, pl.ds(16 * j, 16)] = jnp.zeros((16,), jnp.float32)
            return carry
        lax.fori_loop(0, CHUNK, zrow, 0)
        row0 = sid * RPT
        for kk in range(RPT // CHUNK):
            pltpu.sync_copy(rowsA, acc.at[pl.ds(row0 + kk * CHUNK, CHUNK)])
        plsc.subcore_barrier()

        def e_issue(c, edb, esem, wgb, wsem):
            pltpu.async_copy(ed_hbm.at[wid, c], edb, esem)
            pltpu.async_copy(wg_hbm.at[wid, c], wgb, wsem)

        def e_wait(c, edb, esem, wgb, wsem):
            pltpu.make_async_copy(ed_hbm.at[wid, c], edb, esem).wait()
            pltpu.make_async_copy(wg_hbm.at[wid, c], wgb, wsem).wait()

        def unpack(edb, srcb, dstb):
            for g in range(CHUNK // 16):
                v = edb[0, pl.ds(16 * g, 16)]
                srcb[0, pl.ds(16 * g, 16)] = v & 0xFFFF
                dstb[0, pl.ds(16 * g, 16)] = v >> 16

        def g_issue(srcb, rows, gsem):
            pltpu.async_copy(x_hbm.at[srcb.at[0]], rows, gsem)

        def g_wait(srcb, rows, gsem):
            pltpu.make_async_copy(x_hbm.at[srcb.at[0]], rows, gsem).wait()

        def scale_and_scatter(wgb, dstb, rows):
            def gbody(g, carry):
                wv = wgb[0, pl.ds(16 * g, 16)]
                for l in range(16):
                    e = g * 16 + l
                    s = wv[l]
                    for j in range(DF // 16):
                        rows[e, pl.ds(16 * j, 16)] = (
                            rows[e, pl.ds(16 * j, 16)] * s)
                return carry
            lax.fori_loop(0, CHUNK // 16, gbody, 0)
            pltpu.sync_copy(rows, acc.at[dstb.at[0]], add=True)

        e_issue(0, edA, esemA, wgA, wsemA)
        e_wait(0, edA, esemA, wgA, wsemA)
        unpack(edA, srcA, dstA)
        g_issue(srcA, rowsA, gsemA)
        e_issue(1, edB, esemB, wgB, wsemB)

        bufs = ((edA, wgA, srcA, dstA, rowsA, gsemA, esemA, wsemA),
                (edB, wgB, srcB, dstB, rowsB, gsemB, esemB, wsemB))

        def pair(cc, carry):
            for par in range(2):
                c = 2 * cc + par
                edP, wgP, srcP, dstP, rowsP, gsemP, esemP, wsemP = bufs[par]
                edQ, wgQ, srcQ, dstQ, rowsQ, gsemQ, esemQ, wsemQ = bufs[1 - par]
                g_wait(srcP, rowsP, gsemP)

                @pl.when(c + 1 < CPW)
                def _():
                    e_wait(c + 1, edQ, esemQ, wgQ, wsemQ)
                    unpack(edQ, srcQ, dstQ)
                    g_issue(srcQ, rowsQ, gsemQ)

                scale_and_scatter(wgP, dstP, rowsP)

                @pl.when(c + 2 < CPW)
                def _():
                    e_issue(c + 2, edP, esemP, wgP, wsemP)
            return carry
        lax.fori_loop(0, CPW // 2, pair, 0)

        plsc.subcore_barrier()

        for kk in range(RPT // CHUNK):
            pltpu.sync_copy(acc.at[pl.ds(row0 + kk * CHUNK, CHUNK)],
                            out_hbm.at[cid, pl.ds(row0 + kk * CHUNK, CHUNK)])

    return k(x, ed, wg)


def _dense_head(x, t1p, W0, W1, b1, W2, b2):
    blk = 1000
    grid = N // blk

    def body(x_ref, t_ref, w0_ref, w1_ref, b1_ref, w2_ref, b2_ref,
             out_ref, acc_ref):
        i = pl.program_id(0)
        t1 = t_ref[0] + t_ref[1]
        h = jnp.dot(x_ref[...], w0_ref[...],
                    preferred_element_type=jnp.float32)
        h = h + jnp.dot(t1, w1_ref[...],
                        preferred_element_type=jnp.float32)
        h = jnp.maximum(h + b1_ref[...], 0.0)
        ps = jnp.sum(h, axis=0, keepdims=True)

        @pl.when(i == 0)
        def _():
            acc_ref[...] = ps

        @pl.when(i > 0)
        def _():
            acc_ref[...] = acc_ref[...] + ps

        @pl.when(i == grid - 1)
        def _():
            logits = jnp.dot(acc_ref[...], w2_ref[...],
                             preferred_element_type=jnp.float32) + b2_ref[...]
            m = jnp.max(logits, axis=-1, keepdims=True)
            e = jnp.exp(logits - m)
            out_ref[...] = e / jnp.sum(e, axis=-1, keepdims=True)

    return pl.pallas_call(
        body,
        grid=(grid,),
        in_specs=[
            pl.BlockSpec((blk, DF), lambda i: (i, 0)),
            pl.BlockSpec((NC, blk, DF), lambda i: (0, i, 0)),
            pl.BlockSpec((DF, DH), lambda i: (0, 0)),
            pl.BlockSpec((DF, DH), lambda i: (0, 0)),
            pl.BlockSpec((1, DH), lambda i: (0, 0)),
            pl.BlockSpec((DH, NLAB), lambda i: (0, 0)),
            pl.BlockSpec((1, NLAB), lambda i: (0, 0)),
        ],
        out_specs=pl.BlockSpec((1, NLAB), lambda i: (0, 0)),
        out_shape=jax.ShapeDtypeStruct((1, NLAB), jnp.float32),
        scratch_shapes=[pltpu.VMEM((1, DH), jnp.float32)],
    )(x, t1p, W0, W1, b1.reshape(1, DH), W2, b2.reshape(1, NLAB))


def kernel(x, edge_index, edge_weight, W0, W1, b1, W2, b2):
    ed, wg = _prep_edges(edge_index, edge_weight)
    t1p = _sc_segment_sum(x, ed, wg)
    return _dense_head(x, t1p, W0, W1, b1, W2, b2)

# --- scband reference (transcript-rebuilt; emitter-appended) ---
"""Pipeline reference for scband-cheb-gnn-model-3169685864613 (READ-ONLY COPY).

The authoritative reference and input builder live on the scoring server;
editing this copy changes nothing except your own understanding.
"""

import jax, jax.numpy as jnp
import numpy as np

N = 10000
E = 320000
D_FEAT = 128
D_HID = 512
N_LABELS = 10


def setup_inputs(seed: int = 0) -> dict:
    key = jax.random.key(seed)
    k1, k2, k3, k4, k5, k6, k7, k8 = jax.random.split(key, 8)
    x = jax.random.normal(k1, (N, D_FEAT), dtype=jnp.float32)
    edge_index = jax.random.randint(k2, (2, E), 0, N, dtype=jnp.int64)
    edge_weight = jax.random.uniform(k3, (E,), dtype=jnp.float32)
    # ChebConv(512, K=2) kernel: [K, in, out] -> two weight matrices + bias
    W0 = jax.random.normal(k4, (D_FEAT, D_HID), dtype=jnp.float32) * (1.0 / np.sqrt(D_FEAT))
    W1 = jax.random.normal(k5, (D_FEAT, D_HID), dtype=jnp.float32) * (1.0 / np.sqrt(D_FEAT))
    b1 = jnp.zeros((D_HID,), dtype=jnp.float32)
    # Dense(n_labels, softmax)
    W2 = jax.random.normal(k6, (D_HID, N_LABELS), dtype=jnp.float32) * (1.0 / np.sqrt(D_HID))
    b2 = jnp.zeros((N_LABELS,), dtype=jnp.float32)
    return {"x": x, "edge_index": edge_index, "edge_weight": edge_weight,
            "W0": W0, "W1": W1, "b1": b1, "W2": W2, "b2": b2}


def reference(x, edge_index, edge_weight, W0, W1, b1, W2, b2):
    # ChebGNN_model type=1: ChebConv(512, K=2, relu) -> GlobalSumPool -> Dense(n_labels, softmax)
    # Sparse adjacency (rescaled Laplacian) given as (edge_index, edge_weight).
    src = edge_index[0]
    dst = edge_index[1]
    # Chebyshev order K=2: T_0 = x ; T_1 = A @ x
    T0 = x
    gathered = jnp.take(x, src, axis=0) * edge_weight[:, None]
    T1 = jax.ops.segment_sum(gathered, dst, num_segments=x.shape[0])
    h = T0 @ W0 + T1 @ W1 + b1
    h = jax.nn.relu(h)
    # GlobalSumPool (single mode): sum over node axis
    pooled = jnp.sum(h, axis=0, keepdims=True)
    # Dense softmax head
    logits = pooled @ W2 + b2
    return jax.nn.softmax(logits, axis=-1)

if __name__ == "__main__":
    import jax
    _d = setup_inputs()
    print(jax.jit(kernel)(*tuple(_d.values())))

</pallas_src>

<mosaic_0001>
#map = affine_map<(d0, d1) -> (0, 0)>
#map1 = affine_map<(d0, d1) -> (0, 0, 0, 0)>
#map2 = affine_map<(d0, d1) -> (0, 0, 0)>
module attributes {stable_mosaic.version = 14 : i64} {
  func.func @k(%arg0: i32, %arg1: i32, %arg2: memref<10000x128xf32, #tpu.memory_space<hbm>>, %arg3: memref<32x80x1x128xi32, #tpu.memory_space<hbm>>, %arg4: memref<32x80x1x128xf32, #tpu.memory_space<hbm>>, %arg5: memref<2x10240x128xf32, #tpu.memory_space<hbm>>, %arg6: memref<1x128xi32, #tpu.memory_space<vmem>>, %arg7: memref<1x128xi32, #tpu.memory_space<vmem>>, %arg8: memref<1x128xf32, #tpu.memory_space<vmem>>, %arg9: memref<1x128xf32, #tpu.memory_space<vmem>>, %arg10: memref<1x128xi32, #tpu.memory_space<vmem>>, %arg11: memref<1x128xi32, #tpu.memory_space<vmem>>, %arg12: memref<1x128xi32, #tpu.memory_space<vmem>>, %arg13: memref<1x128xi32, #tpu.memory_space<vmem>>, %arg14: memref<128x128xf32, #tpu.memory_space<vmem>>, %arg15: memref<128x128xf32, #tpu.memory_space<vmem>>, %arg16: memref<10240x128xf32, #tpu.memory_space<vmem_shared>>, %arg17: memref<!tpu.dma_semaphore, #tpu.memory_space<semaphore_mem>>, %arg18: memref<!tpu.dma_semaphore, #tpu.memory_space<semaphore_mem>>, %arg19: memref<!tpu.dma_semaphore, #tpu.memory_space<semaphore_mem>>, %arg20: memref<!tpu.dma_semaphore, #tpu.memory_space<semaphore_mem>>, %arg21: memref<!tpu.dma_semaphore, #tpu.memory_space<semaphore_mem>>, %arg22: memref<!tpu.dma_semaphore, #tpu.memory_space<semaphore_mem>>) attributes {dimension_semantics = [#tpu.dimension_semantics<core_parallel>, #tpu.dimension_semantics<subcore_parallel>], iteration_bounds = array<i64: 2, 16>, scalar_prefetch = 0 : i64, scratch_operands = 17 : i64, tpu.core_type = #tpu.core_type<sc_vector_subcore>, window_params = [{transform_indices = #map}, {transform_indices = #map1}, {transform_indices = #map1}, {transform_indices = #map2}]} {
    %mul3A = arith.constant 16 : i32
    %mul3A_0 = arith.muli %arg0, %mul3A : i32
    %add3A = arith.addi %mul3A_0, %arg1 : i32
    %scan3A = arith.constant 0 : i32
    %scan3A_1 = arith.constant 0 : i32
    %scan3A_2 = arith.constant 128 : i32
    %scan3A_3 = arith.addi %scan3A_1, %scan3A_2 : i32
    %scan3A_4 = arith.constant 1 : i32
    scf.for %scan3A_284 = %scan3A_1 to %scan3A_3 step %scan3A_4  : i32 {
      %broadcast_in_dim3A = arith.constant 0.000000e+00 : f32
      %broadcast_in_dim3A_285 = vector.broadcast %broadcast_in_dim3A : f32 to vector<16xf32>
      %swap3A_286 = arith.index_cast %scan3A_284 : i32 to index
      %swap3A_287 = arith.constant 0 : index
      %swap3A_288 = tpu.vector_load %arg14[%swap3A_286, %swap3A_287] {strides = array<i32>} : memref<128x128xf32, #tpu.memory_space<vmem>>, vector<1x16xf32>,
      %swap3A_289 = vector.shape_cast %swap3A_288 : vector<1x16xf32> to vector<16xf32>
      %swap3A_290 = vector.shape_cast %broadcast_in_dim3A_285 : vector<16xf32> to vector<1x16xf32>
      tpu.vector_store %arg14[%swap3A_286, %swap3A_287], %swap3A_290 {strides = array<i32>} : memref<128x128xf32, #tpu.memory_space<vmem>>, vector<1x16xf32>,
      %broadcast_in_dim3A_291 = arith.constant 0.000000e+00 : f32
      %broadcast_in_dim3A_292 = vector.broadcast %broadcast_in_dim3A_291 : f32 to vector<16xf32>
      %swap3A_293 = arith.index_cast %scan3A_284 : i32 to index
      %swap3A_294 = arith.constant 16 : index
      %swap3A_295 = tpu.vector_load %arg14[%swap3A_293, %swap3A_294] {strides = array<i32>} : memref<128x128xf32, #tpu.memory_space<vmem>>, vector<1x16xf32>,
      %swap3A_296 = vector.shape_cast %swap3A_295 : vector<1x16xf32> to vector<16xf32>
      %swap3A_297 = vector.shape_cast %broadcast_in_dim3A_292 : vector<16xf32> to vector<1x16xf32>
      tpu.vector_store %arg14[%swap3A_293, %swap3A_294], %swap3A_297 {strides = array<i32>} : memref<128x128xf32, #tpu.memory_space<vmem>>, vector<1x16xf32>,
      %broadcast_in_dim3A_298 = arith.constant 0.000000e+00 : f32
      %broadcast_in_dim3A_299 = vector.broadcast %broadcast_in_dim3A_298 : f32 to vector<16xf32>
      %swap3A_300 = arith.index_cast %scan3A_284 : i32 to index
      %swap3A_301 = arith.constant 32 : index
      %swap3A_302 = tpu.vector_load %arg14[%swap3A_300, %swap3A_301] {strides = array<i32>} : memref<128x128xf32, #tpu.memory_space<vmem>>, vector<1x16xf32>,
      %swap3A_303 = vector.shape_cast %swap3A_302 : vector<1x16xf32> to vector<16xf32>
      %swap3A_304 = vector.shape_cast %broadcast_in_dim3A_299 : vector<16xf32> to vector<1x16xf32>
      tpu.vector_store %arg14[%swap3A_300, %swap3A_301], %swap3A_304 {strides = array<i32>} : memref<128x128xf32, #tpu.memory_space<vmem>>, vector<1x16xf32>,
      %broadcast_in_dim3A_305 = arith.constant 0.000000e+00 : f32
      %broadcast_in_dim3A_306 = vector.broadcast %broadcast_in_dim3A_305 : f32 to vector<16xf32>
      %swap3A_307 = arith.index_cast %scan3A_284 : i32 to index
      %swap3A_308 = arith.constant 48 : index
      %swap3A_309 = tpu.vector_load %arg14[%swap3A_307, %swap3A_308] {strides = array<i32>} : memref<128x128xf32, #tpu.memory_space<vmem>>, vector<1x16xf32>,
      %swap3A_310 = vector.shape_cast %swap3A_309 : vector<1x16xf32> to vector<16xf32>
      %swap3A_311 = vector.shape_cast %broadcast_in_dim3A_306 : vector<16xf32> to vector<1x16xf32>
      tpu.vector_store %arg14[%swap3A_307, %swap3A_308], %swap3A_311 {strides = array<i32>} : memref<128x128xf32, #tpu.memory_space<vmem>>, vector<1x16xf32>,
      %broadcast_in_dim3A_312 = arith.constant 0.000000e+00 : f32
      %broadcast_in_dim3A_313 = vector.broadcast %broadcast_in_dim3A_312 : f32 to vector<16xf32>
      %swap3A_314 = arith.index_cast %scan3A_284 : i32 to index
      %swap3A_315 = arith.constant 64 : index
      %swap3A_316 = tpu.vector_load %arg14[%swap3A_314, %swap3A_315] {strides = array<i32>} : memref<128x128xf32, #tpu.memory_space<vmem>>, vector<1x16xf32>,
      %swap3A_317 = vector.shape_cast %swap3A_316 : vector<1x16xf32> to vector<16xf32>
      %swap3A_318 = vector.shape_cast %broadcast_in_dim3A_313 : vector<16xf32> to vector<1x16xf32>
      tpu.vector_store %arg14[%swap3A_314, %swap3A_315], %swap3A_318 {strides = array<i32>} : memref<128x128xf32, #tpu.memory_space<vmem>>, vector<1x16xf32>,
      %broadcast_in_dim3A_319 = arith.constant 0.000000e+00 : f32
      %broadcast_in_dim3A_320 = vector.broadcast %broadcast_in_dim3A_319 : f32 to vector<16xf32>
      %swap3A_321 = arith.index_cast %scan3A_284 : i32 to index
      %swap3A_322 = arith.constant 80 : index
      %swap3A_323 = tpu.vector_load %arg14[%swap3A_321, %swap3A_322] {strides = array<i32>} : memref<128x128xf32, #tpu.memory_space<vmem>>, vector<1x16xf32>,
      %swap3A_324 = vector.shape_cast %swap3A_323 : vector<1x16xf32> to vector<16xf32>
      %swap3A_325 = vector.shape_cast %broadcast_in_dim3A_320 : vector<16xf32> to vector<1x16xf32>
      tpu.vector_store %arg14[%swap3A_321, %swap3A_322], %swap3A_325 {strides = array<i32>} : memref<128x128xf32, #tpu.memory_space<vmem>>, vector<1x16xf32>,
      %broadcast_in_dim3A_326 = arith.constant 0.000000e+00 : f32
      %broadcast_in_dim3A_327 = vector.broadcast %broadcast_in_dim3A_326 : f32 to vector<16xf32>
      %swap3A_328 = arith.index_cast %scan3A_284 : i32 to index
      %swap3A_329 = arith.constant 96 : index
      %swap3A_330 = tpu.vector_load %arg14[%swap3A_328, %swap3A_329] {strides = array<i32>} : memref<128x128xf32, #tpu.memory_space<vmem>>, vector<1x16xf32>,
      %swap3A_331 = vector.shape_cast %swap3A_330 : vector<1x16xf32> to vector<16xf32>
      %swap3A_332 = vector.shape_cast %broadcast_in_dim3A_327 : vector<16xf32> to vector<1x16xf32>
      tpu.vector_store %arg14[%swap3A_328, %swap3A_329], %swap3A_332 {strides = array<i32>} : memref<128x128xf32, #tpu.memory_space<vmem>>, vector<1x16xf32>,
      %broadcast_in_dim3A_333 = arith.constant 0.000000e+00 : f32
      %broadcast_in_dim3A_334 = vector.broadcast %broadcast_in_dim3A_333 : f32 to vector<16xf32>
      %swap3A_335 = arith.index_cast %scan3A_284 : i32 to index
      %swap3A_336 = arith.constant 112 : index
      %swap3A_337 = tpu.vector_load %arg14[%swap3A_335, %swap3A_336] {strides = array<i32>} : memref<128x128xf32, #tpu.memory_space<vmem>>, vector<1x16xf32>,
      %swap3A_338 = vector.shape_cast %swap3A_337 : vector<1x16xf32> to vector<16xf32>
      %swap3A_339 = vector.shape_cast %broadcast_in_dim3A_334 : vector<16xf32> to vector<1x16xf32>
      tpu.vector_store %arg14[%swap3A_335, %swap3A_336], %swap3A_339 {strides = array<i32>} : memref<128x128xf32, #tpu.memory_space<vmem>>, vector<1x16xf32>,
    }
    %scan3A_5 = arith.constant 128 : i32
    %mul3A_6 = arith.constant 640 : i32
    %mul3A_7 = arith.muli %arg1, %mul3A_6 : i32
    %add3A_8 = arith.constant 0 : i32
    %add3A_9 = arith.addi %mul3A_7, %add3A_8 : i32
    "tpu.region"() ({
      %run_scoped3A = tpu.sem_alloc : memref<!tpu.dma_semaphore, #tpu.memory_space<semaphore_mem>>
      %dma_start3A_284 = arith.constant 0 : i32
      %dma_start3A_285 = tpu.memref_slice %arg16[%add3A_9, %dma_start3A_284] : memref<10240x128xf32, #tpu.memory_space<vmem_shared>> -> memref<128x128xf32, #tpu.memory_space<vmem_shared>>
      %dma_start3A_286 = arith.constant 0 : i32
      %dma_start3A_287 = tpu.memref_slice %arg16[%add3A_9, %dma_start3A_286] : memref<10240x128xf32, #tpu.memory_space<vmem_shared>> -> memref<128x128xf32, #tpu.memory_space<vmem_shared>>
      tpu.enqueue_dma source(%arg14 : memref<128x128xf32, #tpu.memory_space<vmem>>) target(%dma_start3A_287 : memref<128x128xf32, #tpu.memory_space<vmem_shared>>) target_semaphore(%run_scoped3A : memref<!tpu.dma_semaphore, #tpu.memory_space<semaphore_mem>>)
      %dma_wait3A_288 = arith.constant 0 : i32
      %dma_wait3A_289 = tpu.memref_slice %arg16[%add3A_9, %dma_wait3A_288] : memref<10240x128xf32, #tpu.memory_space<vmem_shared>> -> memref<128x128xf32, #tpu.memory_space<vmem_shared>>
      %dma_wait3A_290 = arith.constant 0 : i32
      %dma_wait3A_291 = tpu.memref_slice %arg16[%add3A_9, %dma_wait3A_290] : memref<10240x128xf32, #tpu.memory_space<vmem_shared>> -> memref<128x128xf32, #tpu.memory_space<vmem_shared>>
      tpu.wait_dma2 semaphore(%run_scoped3A : memref<!tpu.dma_semaphore, #tpu.memory_space<semaphore_mem>>) src(%arg14 : memref<128x128xf32, #tpu.memory_space<vmem>>) dst(%dma_wait3A_291 : memref<128x128xf32, #tpu.memory_space<vmem_shared>>)
      tpu.yield
    }) : () -> ()
    %add3A_10 = arith.constant 128 : i32
    %add3A_11 = arith.addi %mul3A_7, %add3A_10 : i32
    "tpu.region"() ({
      %run_scoped3A = tpu.sem_alloc : memref<!tpu.dma_semaphore, #tpu.memory_space<semaphore_mem>>
      %dma_start3A_284 = arith.constant 0 : i32
      %dma_start3A_285 = tpu.memref_slice %arg16[%add3A_11, %dma_start3A_284] : memref<10240x128xf32, #tpu.memory_space<vmem_shared>> -> memref<128x128xf32, #tpu.memory_space<vmem_shared>>
      %dma_start3A_286 = arith.constant 0 : i32
      %dma_start3A_287 = tpu.memref_slice %arg16[%add3A_11, %dma_start3A_286] : memref<10240x128xf32, #tpu.memory_space<vmem_shared>> -> memref<128x128xf32, #tpu.memory_space<vmem_shared>>
      tpu.enqueue_dma source(%arg14 : memref<128x128xf32, #tpu.memory_space<vmem>>) target(%dma_start3A_287 : memref<128x128xf32, #tpu.memory_space<vmem_shared>>) target_semaphore(%run_scoped3A : memref<!tpu.dma_semaphore, #tpu.memory_space<semaphore_mem>>)
      %dma_wait3A_288 = arith.constant 0 : i32
      %dma_wait3A_289 = tpu.memref_slice %arg16[%add3A_11, %dma_wait3A_288] : memref<10240x128xf32, #tpu.memory_space<vmem_shared>> -> memref<128x128xf32, #tpu.memory_space<vmem_shared>>
      %dma_wait3A_290 = arith.constant 0 : i32
      %dma_wait3A_291 = tpu.memref_slice %arg16[%add3A_11, %dma_wait3A_290] : memref<10240x128xf32, #tpu.memory_space<vmem_shared>> -> memref<128x128xf32, #tpu.memory_space<vmem_shared>>
      tpu.wait_dma2 semaphore(%run_scoped3A : memref<!tpu.dma_semaphore, #tpu.memory_space<semaphore_mem>>) src(%arg14 : memref<128x128xf32, #tpu.memory_space<vmem>>) dst(%dma_wait3A_291 : memref<128x128xf32, #tpu.memory_space<vmem_shared>>)
      tpu.yield
    }) : () -> ()
    %add3A_12 = arith.constant 256 : i32
    %add3A_13 = arith.addi %mul3A_7, %add3A_12 : i32
    "tpu.region"() ({
      %run_scoped3A = tpu.sem_alloc : memref<!tpu.dma_semaphore, #tpu.memory_space<semaphore_mem>>
      %dma_start3A_284 = arith.constant 0 : i32
      %dma_start3A_285 = tpu.memref_slice %arg16[%add3A_13, %dma_start3A_284] : memref<10240x128xf32, #tpu.memory_space<vmem_shared>> -> memref<128x128xf32, #tpu.memory_space<vmem_shared>>
      %dma_start3A_286 = arith.constant 0 : i32
      %dma_start3A_287 = tpu.memref_slice %arg16[%add3A_13, %dma_start3A_286] : memref<10240x128xf32, #tpu.memory_space<vmem_shared>> -> memref<128x128xf32, #tpu.memory_space<vmem_shared>>
      tpu.enqueue_dma source(%arg14 : memref<128x128xf32, #tpu.memory_space<vmem>>) target(%dma_start3A_287 : memref<128x128xf32, #tpu.memory_space<vmem_shared>>) target_semaphore(%run_scoped3A : memref<!tpu.dma_semaphore, #tpu.memory_space<semaphore_mem>>)
      %dma_wait3A_288 = arith.constant 0 : i32
      %dma_wait3A_289 = tpu.memref_slice %arg16[%add3A_13, %dma_wait3A_288] : memref<10240x128xf32, #tpu.memory_space<vmem_shared>> -> memref<128x128xf32, #tpu.memory_space<vmem_shared>>
      %dma_wait3A_290 = arith.constant 0 : i32
      %dma_wait3A_291 = tpu.memref_slice %arg16[%add3A_13, %dma_wait3A_290] : memref<10240x128xf32, #tpu.memory_space<vmem_shared>> -> memref<128x128xf32, #tpu.memory_space<vmem_shared>>
      tpu.wait_dma2 semaphore(%run_scoped3A : memref<!tpu.dma_semaphore, #tpu.memory_space<semaphore_mem>>) src(%arg14 : memref<128x128xf32, #tpu.memory_space<vmem>>) dst(%dma_wait3A_291 : memref<128x128xf32, #tpu.memory_space<vmem_shared>>)
      tpu.yield
    }) : () -> ()
    %add3A_14 = arith.constant 384 : i32
    %add3A_15 = arith.addi %mul3A_7, %add3A_14 : i32
    "tpu.region"() ({
      %run_scoped3A = tpu.sem_alloc : memref<!tpu.dma_semaphore, #tpu.memory_space<semaphore_mem>>
      %dma_start3A_284 = arith.constant 0 : i32
      %dma_start3A_285 = tpu.memref_slice %arg16[%add3A_15, %dma_start3A_284] : memref<10240x128xf32, #tpu.memory_space<vmem_shared>> -> memref<128x128xf32, #tpu.memory_space<vmem_shared>>
      %dma_start3A_286 = arith.constant 0 : i32
      %dma_start3A_287 = tpu.memref_slice %arg16[%add3A_15, %dma_start3A_286] : memref<10240x128xf32, #tpu.memory_space<vmem_shared>> -> memref<128x128xf32, #tpu.memory_space<vmem_shared>>
      tpu.enqueue_dma source(%arg14 : memref<128x128xf32, #tpu.memory_space<vmem>>) target(%dma_start3A_287 : memref<128x128xf32, #tpu.memory_space<vmem_shared>>) target_semaphore(%run_scoped3A : memref<!tpu.dma_semaphore, #tpu.memory_space<semaphore_mem>>)
      %dma_wait3A_288 = arith.constant 0 : i32
      %dma_wait3A_289 = tpu.memref_slice %arg16[%add3A_15, %dma_wait3A_288] : memref<10240x128xf32, #tpu.memory_space<vmem_shared>> -> memref<128x128xf32, #tpu.memory_space<vmem_shared>>
      %dma_wait3A_290 = arith.constant 0 : i32
      %dma_wait3A_291 = tpu.memref_slice %arg16[%add3A_15, %dma_wait3A_290] : memref<10240x128xf32, #tpu.memory_space<vmem_shared>> -> memref<128x128xf32, #tpu.memory_space<vmem_shared>>
      tpu.wait_dma2 semaphore(%run_scoped3A : memref<!tpu.dma_semaphore, #tpu.memory_space<semaphore_mem>>) src(%arg14 : memref<128x128xf32, #tpu.memory_space<vmem>>) dst(%dma_wait3A_291 : memref<128x128xf32, #tpu.memory_space<vmem_shared>>)
      tpu.yield
    }) : () -> ()
    %add3A_16 = arith.constant 512 : i32
    %add3A_17 = arith.addi %mul3A_7, %add3A_16 : i32
    "tpu.region"() ({
      %run_scoped3A = tpu.sem_alloc : memref<!tpu.dma_semaphore, #tpu.memory_space<semaphore_mem>>
      %dma_start3A_284 = arith.constant 0 : i32
      %dma_start3A_285 = tpu.memref_slice %arg16[%add3A_17, %dma_start3A_284] : memref<10240x128xf32, #tpu.memory_space<vmem_shared>> -> memref<128x128xf32, #tpu.memory_space<vmem_shared>>
      %dma_start3A_286 = arith.constant 0 : i32
      %dma_start3A_287 = tpu.memref_slice %arg16[%add3A_17, %dma_start3A_286] : memref<10240x128xf32, #tpu.memory_space<vmem_shared>> -> memref<128x128xf32, #tpu.memory_space<vmem_shared>>
      tpu.enqueue_dma source(%arg14 : memref<128x128xf32, #tpu.memory_space<vmem>>) target(%dma_start3A_287 : memref<128x128xf32, #tpu.memory_space<vmem_shared>>) target_semaphore(%run_scoped3A : memref<!tpu.dma_semaphore, #tpu.memory_space<semaphore_mem>>)
      %dma_wait3A_288 = arith.constant 0 : i32
      %dma_wait3A_289 = tpu.memref_slice %arg16[%add3A_17, %dma_wait3A_288] : memref<10240x128xf32, #tpu.memory_space<vmem_shared>> -> memref<128x128xf32, #tpu.memory_space<vmem_shared>>
      %dma_wait3A_290 = arith.constant 0 : i32
      %dma_wait3A_291 = tpu.memref_slice %arg16[%add3A_17, %dma_wait3A_290] : memref<10240x128xf32, #tpu.memory_space<vmem_shared>> -> memref<128x128xf32, #tpu.memory_space<vmem_shared>>
      tpu.wait_dma2 semaphore(%run_scoped3A : memref<!tpu.dma_semaphore, #tpu.memory_space<semaphore_mem>>) src(%arg14 : memref<128x128xf32, #tpu.memory_space<vmem>>) dst(%dma_wait3A_291 : memref<128x128xf32, #tpu.memory_space<vmem_shared>>)
      tpu.yield
    }) : () -> ()
    %barrier3A = arith.constant 0 : index
    tpu.barrier barrier_id(%barrier3A)
    %dma_start3A = arith.constant 0 : i32
    %dma_start3A_18 = arith.constant 0 : i32
    %dma_start3A_19 = arith.constant 0 : i32
    %dma_start3A_20 = tpu.memref_slice %arg3[%add3A, %dma_start3A, %dma_start3A_18, %dma_start3A_19] : memref<32x80x1x128xi32, #tpu.memory_space<hbm>> -> memref<1x1x1x128xi32, #tpu.memory_space<hbm>>
    %dma_start3A_21 = tpu.memref_squeeze %dma_start3A_20 : memref<1x1x1x128xi32, #tpu.memory_space<hbm>> -> memref<1x128xi32, #tpu.memory_space<hbm>>
    %dma_start3A_22 = arith.constant 0 : i32
    %dma_start3A_23 = arith.constant 0 : i32
    %dma_start3A_24 = tpu.memref_slice %arg3[%add3A, %dma_start3A, %dma_start3A_22, %dma_start3A_23] : memref<32x80x1x128xi32, #tpu.memory_space<hbm>> -> memref<1x1x1x128xi32, #tpu.memory_space<hbm>>
    %dma_start3A_25 = tpu.memref_squeeze %dma_start3A_24 : memref<1x1x1x128xi32, #tpu.memory_space<hbm>> -> memref<1x128xi32, #tpu.memory_space<hbm>>
    tpu.enqueue_dma source(%dma_start3A_25 : memref<1x128xi32, #tpu.memory_space<hbm>>) target(%arg6 : memref<1x128xi32, #tpu.memory_space<vmem>>) target_semaphore(%arg19 : memref<!tpu.dma_semaphore, #tpu.memory_space<semaphore_mem>>)
    %dma_start3A_26 = arith.constant 0 : i32
    %dma_start3A_27 = arith.constant 0 : i32
    %dma_start3A_28 = arith.constant 0 : i32
    %dma_start3A_29 = tpu.memref_slice %arg4[%add3A, %dma_start3A_26, %dma_start3A_27, %dma_start3A_28] : memref<32x80x1x128xf32, #tpu.memory_space<hbm>> -> memref<1x1x1x128xf32, #tpu.memory_space<hbm>>
    %dma_start3A_30 = tpu.memref_squeeze %dma_start3A_29 : memref<1x1x1x128xf32, #tpu.memory_space<hbm>> -> memref<1x128xf32, #tpu.memory_space<hbm>>
    %dma_start3A_31 = arith.constant 0 : i32
    %dma_start3A_32 = arith.constant 0 : i32
    %dma_start3A_33 = tpu.memref_slice %arg4[%add3A, %dma_start3A_26, %dma_start3A_31, %dma_start3A_32] : memref<32x80x1x128xf32, #tpu.memory_space<hbm>> -> memref<1x1x1x128xf32, #tpu.memory_space<hbm>>
    %dma_start3A_34 = tpu.memref_squeeze %dma_start3A_33 : memref<1x1x1x128xf32, #tpu.memory_space<hbm>> -> memref<1x128xf32, #tpu.memory_space<hbm>>
    tpu.enqueue_dma source(%dma_start3A_34 : memref<1x128xf32, #tpu.memory_space<hbm>>) target(%arg8 : memref<1x128xf32, #tpu.memory_space<vmem>>) target_semaphore(%arg21 : memref<!tpu.dma_semaphore, #tpu.memory_space<semaphore_mem>>)
    %dma_wait3A = arith.constant 0 : i32
    %dma_wait3A_35 = arith.constant 0 : i32
    %dma_wait3A_36 = arith.constant 0 : i32
    %dma_wait3A_37 = tpu.memref_slice %arg3[%add3A, %dma_wait3A, %dma_wait3A_35, %dma_wait3A_36] : memref<32x80x1x128xi32, #tpu.memory_space<hbm>> -> memref<1x1x1x128xi32, #tpu.memory_space<hbm>>
    %dma_wait3A_38 = tpu.memref_squeeze %dma_wait3A_37 : memref<1x1x1x128xi32, #tpu.memory_space<hbm>> -> memref<1x128xi32, #tpu.memory_space<hbm>>
    %dma_wait3A_39 = arith.constant 0 : i32
    %dma_wait3A_40 = arith.constant 0 : i32
    %dma_wait3A_41 = tpu.memref_slice %arg3[%add3A, %dma_wait3A, %dma_wait3A_39, %dma_wait3A_40] : memref<32x80x1x128xi32, #tpu.memory_space<hbm>> -> memref<1x1x1x128xi32, #tpu.memory_space<hbm>>
    %dma_wait3A_42 = tpu.memref_squeeze %dma_wait3A_41 : memref<1x1x1x128xi32, #tpu.memory_space<hbm>> -> memref<1x128xi32, #tpu.memory_space<hbm>>
    tpu.wait_dma2 semaphore(%arg19 : memref<!tpu.dma_semaphore, #tpu.memory_space<semaphore_mem>>) src(%dma_wait3A_42 : memref<1x128xi32, #tpu.memory_space<hbm>>) dst(%arg6 : memref<1x128xi32, #tpu.memory_space<vmem>>)
    %dma_wait3A_43 = arith.constant 0 : i32
    %dma_wait3A_44 = arith.constant 0 : i32
    %dma_wait3A_45 = arith.constant 0 : i32
    %dma_wait3A_46 = tpu.memref_slice %arg4[%add3A, %dma_wait3A_43, %dma_wait3A_44, %dma_wait3A_45] : memref<32x80x1x128xf32, #tpu.memory_space<hbm>> -> memref<1x1x1x128xf32, #tpu.memory_space<hbm>>
    %dma_wait3A_47 = tpu.memref_squeeze %dma_wait3A_46 : memref<1x1x1x128xf32, #tpu.memory_space<hbm>> -> memref<1x128xf32, #tpu.memory_space<hbm>>
    %dma_wait3A_48 = arith.constant 0 : i32
    %dma_wait3A_49 = arith.constant 0 : i32
    %dma_wait3A_50 = tpu.memref_slice %arg4[%add3A, %dma_wait3A_43, %dma_wait3A_48, %dma_wait3A_49] : memref<32x80x1x128xf32, #tpu.memory_space<hbm>> -> memref<1x1x1x128xf32, #tpu.memory_space<hbm>>
    %dma_wait3A_51 = tpu.memref_squeeze %dma_wait3A_50 : memref<1x1x1x128xf32, #tpu.memory_space<hbm>> -> memref<1x128xf32, #tpu.memory_space<hbm>>
    tpu.wait_dma2 semaphore(%arg21 : memref<!tpu.dma_semaphore, #tpu.memory_space<semaphore_mem>>) src(%dma_wait3A_51 : memref<1x128xf32, #tpu.memory_space<hbm>>) dst(%arg8 : memref<1x128xf32, #tpu.memory_space<vmem>>)
    %get3A = arith.constant 0 : i32
    %get3A_52 = arith.index_cast %get3A : i32 to index
    %get3A_53 = arith.constant 0 : index
    %get3A_54 = tpu.vector_load %arg6[%get3A_52, %get3A_53] {strides = array<i32>} : memref<1x128xi32, #tpu.memory_space<vmem>>, vector<1x16xi32>,
    %get3A_55 = vector.shape_cast %get3A_54 : vector<1x16xi32> to vector<16xi32>
    %and3A = arith.constant 65535 : i32
    %and3A_56 = vector.broadcast %and3A : i32 to vector<16xi32>
    %and3A_57 = arith.andi %get3A_55, %and3A_56 : vector<16xi32>
    %swap3A = arith.constant 0 : i32
    %swap3A_58 = arith.index_cast %swap3A : i32 to index
    %swap3A_59 = arith.constant 0 : index
    %swap3A_60 = tpu.vector_load %arg10[%swap3A_58, %swap3A_59] {strides = array<i32>} : memref<1x128xi32, #tpu.memory_space<vmem>>, vector<1x16xi32>,
    %swap3A_61 = vector.shape_cast %swap3A_60 : vector<1x16xi32> to vector<16xi32>
    %swap3A_62 = vector.shape_cast %and3A_57 : vector<16xi32> to vector<1x16xi32>
    tpu.vector_store %arg10[%swap3A_58, %swap3A_59], %swap3A_62 {strides = array<i32>} : memref<1x128xi32, #tpu.memory_space<vmem>>, vector<1x16xi32>,
    %shift_right_arithmetic3A = arith.constant 16 : i32
    %shift_right_arithmetic3A_63 = vector.broadcast %shift_right_arithmetic3A : i32 to vector<16xi32>
    %shift_right_arithmetic3A_64 = arith.shrsi %get3A_55, %shift_right_arithmetic3A_63 : vector<16xi32>
    %swap3A_65 = arith.constant 0 : i32
    %swap3A_66 = arith.index_cast %swap3A_65 : i32 to index
    %swap3A_67 = arith.constant 0 : index
    %swap3A_68 = tpu.vector_load %arg12[%swap3A_66, %swap3A_67] {strides = array<i32>} : memref<1x128xi32, #tpu.memory_space<vmem>>, vector<1x16xi32>,
    %swap3A_69 = vector.shape_cast %swap3A_68 : vector<1x16xi32> to vector<16xi32>
    %swap3A_70 = vector.shape_cast %shift_right_arithmetic3A_64 : vector<16xi32> to vector<1x16xi32>
    tpu.vector_store %arg12[%swap3A_66, %swap3A_67], %swap3A_70 {strides = array<i32>} : memref<1x128xi32, #tpu.memory_space<vmem>>, vector<1x16xi32>,
    %get3A_71 = arith.constant 0 : i32
    %get3A_72 = arith.index_cast %get3A_71 : i32 to index
    %get3A_73 = arith.constant 16 : index
    %get3A_74 = tpu.vector_load %arg6[%get3A_72, %get3A_73] {strides = array<i32>} : memref<1x128xi32, #tpu.memory_space<vmem>>, vector<1x16xi32>,
    %get3A_75 = vector.shape_cast %get3A_74 : vector<1x16xi32> to vector<16xi32>
    %and3A_76 = arith.constant 65535 : i32
    %and3A_77 = vector.broadcast %and3A_76 : i32 to vector<16xi32>
    %and3A_78 = arith.andi %get3A_75, %and3A_77 : vector<16xi32>
    %swap3A_79 = arith.constant 0 : i32
    %swap3A_80 = arith.index_cast %swap3A_79 : i32 to index
    %swap3A_81 = arith.constant 16 : index
    %swap3A_82 = tpu.vector_load %arg10[%swap3A_80, %swap3A_81] {strides = array<i32>} : memref<1x128xi32, #tpu.memory_space<vmem>>, vector<1x16xi32>,
    %swap3A_83 = vector.shape_cast %swap3A_82 : vector<1x16xi32> to vector<16xi32>
    %swap3A_84 = vector.shape_cast %and3A_78 : vector<16xi32> to vector<1x16xi32>
    tpu.vector_store %arg10[%swap3A_80, %swap3A_81], %swap3A_84 {strides = array<i32>} : memref<1x128xi32, #tpu.memory_space<vmem>>, vector<1x16xi32>,
    %shift_right_arithmetic3A_85 = arith.constant 16 : i32
    %shift_right_arithmetic3A_86 = vector.broadcast %shift_right_arithmetic3A_85 : i32 to vector<16xi32>
    %shift_right_arithmetic3A_87 = arith.shrsi %get3A_75, %shift_right_arithmetic3A_86 : vector<16xi32>
    %swap3A_88 = arith.constant 0 : i32
    %swap3A_89 = arith.index_cast %swap3A_88 : i32 to index
    %swap3A_90 = arith.constant 16 : index
    %swap3A_91 = tpu.vector_load %arg12[%swap3A_89, %swap3A_90] {strides = array<i32>} : memref<1x128xi32, #tpu.memory_space<vmem>>, vector<1x16xi32>,
    %swap3A_92 = vector.shape_cast %swap3A_91 : vector<1x16xi32> to vector<16xi32>
    %swap3A_93 = vector.shape_cast %shift_right_arithmetic3A_87 : vector<16xi32> to vector<1x16xi32>
    tpu.vector_store %arg12[%swap3A_89, %swap3A_90], %swap3A_93 {strides = array<i32>} : memref<1x128xi32, #tpu.memory_space<vmem>>, vector<1x16xi32>,
    %get3A_94 = arith.constant 0 : i32
    %get3A_95 = arith.index_cast %get3A_94 : i32 to index
    %get3A_96 = arith.constant 32 : index
    %get3A_97 = tpu.vector_load %arg6[%get3A_95, %get3A_96] {strides = array<i32>} : memref<1x128xi32, #tpu.memory_space<vmem>>, vector<1x16xi32>,
    %get3A_98 = vector.shape_cast %get3A_97 : vector<1x16xi32> to vector<16xi32>
    %and3A_99 = arith.constant 65535 : i32
    %and3A_100 = vector.broadcast %and3A_99 : i32 to vector<16xi32>
    %and3A_101 = arith.andi %get3A_98, %and3A_100 : vector<16xi32>
    %swap3A_102 = arith.constant 0 : i32
    %swap3A_103 = arith.index_cast %swap3A_102 : i32 to index
    %swap3A_104 = arith.constant 32 : index
    %swap3A_105 = tpu.vector_load %arg10[%swap3A_103, %swap3A_104] {strides = array<i32>} : memref<1x128xi32, #tpu.memory_space<vmem>>, vector<1x16xi32>,
    %swap3A_106 = vector.shape_cast %swap3A_105 : vector<1x16xi32> to vector<16xi32>
    %swap3A_107 = vector.shape_cast %and3A_101 : vector<16xi32> to vector<1x16xi32>
    tpu.vector_store %arg10[%swap3A_103, %swap3A_104], %swap3A_107 {strides = array<i32>} : memref<1x128xi32, #tpu.memory_space<vmem>>, vector<1x16xi32>,
    %shift_right_arithmetic3A_108 = arith.constant 16 : i32
    %shift_right_arithmetic3A_109 = vector.broadcast %shift_right_arithmetic3A_108 : i32 to vector<16xi32>
    %shift_right_arithmetic3A_110 = arith.shrsi %get3A_98, %shift_right_arithmetic3A_109 : vector<16xi32>
    %swap3A_111 = arith.constant 0 : i32
    %swap3A_112 = arith.index_cast %swap3A_111 : i32 to index
    %swap3A_113 = arith.constant 32 : index
    %swap3A_114 = tpu.vector_load %arg12[%swap3A_112, %swap3A_113] {strides = array<i32>} : memref<1x128xi32, #tpu.memory_space<vmem>>, vector<1x16xi32>,
    %swap3A_115 = vector.shape_cast %swap3A_114 : vector<1x16xi32> to vector<16xi32>
    %swap3A_116 = vector.shape_cast %shift_right_arithmetic3A_110 : vector<16xi32> to vector<1x16xi32>
    tpu.vector_store %arg12[%swap3A_112, %swap3A_113], %swap3A_116 {strides = array<i32>} : memref<1x128xi32, #tpu.memory_space<vmem>>, vector<1x16xi32>,
    %get3A_117 = arith.constant 0 : i32
    %get3A_118 = arith.index_cast %get3A_117 : i32 to index
    %get3A_119 = arith.constant 48 : index
    %get3A_120 = tpu.vector_load %arg6[%get3A_118, %get3A_119] {strides = array<i32>} : memref<1x128xi32, #tpu.memory_space<vmem>>, vector<1x16xi32>,
    %get3A_121 = vector.shape_cast %get3A_120 : vector<1x16xi32> to vector<16xi32>
    %and3A_122 = arith.constant 65535 : i32
    %and3A_123 = vector.broadcast %and3A_122 : i32 to vector<16xi32>
    %and3A_124 = arith.andi %get3A_121, %and3A_123 : vector<16xi32>
    %swap3A_125 = arith.constant 0 : i32
    %swap3A_126 = arith.index_cast %swap3A_125 : i32 to index
    %swap3A_127 = arith.constant 48 : index
    %swap3A_128 = tpu.vector_load %arg10[%swap3A_126, %swap3A_127] {strides = array<i32>} : memref<1x128xi32, #tpu.memory_space<vmem>>, vector<1x16xi32>,
    %swap3A_129 = vector.shape_cast %swap3A_128 : vector<1x16xi32> to vector<16xi32>
    %swap3A_130 = vector.shape_cast %and3A_124 : vector<16xi32> to vector<1x16xi32>
    tpu.vector_store %arg10[%swap3A_126, %swap3A_127], %swap3A_130 {strides = array<i32>} : memref<1x128xi32, #tpu.memory_space<vmem>>, vector<1x16xi32>,
    %shift_right_arithmetic3A_131 = arith.constant 16 : i32
    %shift_right_arithmetic3A_132 = vector.broadcast %shift_right_arithmetic3A_131 : i32 to vector<16xi32>
    %shift_right_arithmetic3A_133 = arith.shrsi %get3A_121, %shift_right_arithmetic3A_132 : vector<16xi32>
    %swap3A_134 = arith.constant 0 : i32
    %swap3A_135 = arith.index_cast %swap3A_134 : i32 to index
    %swap3A_136 = arith.constant 48 : index
    %swap3A_137 = tpu.vector_load %arg12[%swap3A_135, %swap3A_136] {strides = array<i32>} : memref<1x128xi32, #tpu.memory_space<vmem>>, vector<1x16xi32>,
    %swap3A_138 = vector.shape_cast %swap3A_137 : vector<1x16xi32> to vector<16xi32>
    %swap3A_139 = vector.shape_cast %shift_right_arithmetic3A_133 : vector<16xi32> to vector<1x16xi32>
    tpu.vector_store %arg12[%swap3A_135, %swap3A_136], %swap3A_139 {strides = array<i32>} : memref<1x128xi32, #tpu.memory_space<vmem>>, vector<1x16xi32>,
    %get3A_140 = arith.constant 0 : i32
    %get3A_141 = arith.index_cast %get3A_140 : i32 to index
    %get3A_142 = arith.constant 64 : index
    %get3A_143 = tpu.vector_load %arg6[%get3A_141, %get3A_142] {strides = array<i32>} : memref<1x128xi32, #tpu.memory_space<vmem>>, vector<1x16xi32>,
    %get3A_144 = vector.shape_cast %get3A_143 : vector<1x16xi32> to vector<16xi32>
    %and3A_145 = arith.constant 65535 : i32
    %and3A_146 = vector.broadcast %and3A_145 : i32 to vector<16xi32>
    %and3A_147 = arith.andi %get3A_144, %and3A_146 : vector<16xi32>
    %swap3A_148 = arith.constant 0 : i32
    %swap3A_149 = arith.index_cast %swap3A_148 : i32 to index
    %swap3A_150 = arith.constant 64 : index
    %swap3A_151 = tpu.vector_load %arg10[%swap3A_149, %swap3A_150] {strides = array<i32>} : memref<1x128xi32, #tpu.memory_space<vmem>>, vector<1x16xi32>,
    %swap3A_152 = vector.shape_cast %swap3A_151 : vector<1x16xi32> to vector<16xi32>
    %swap3A_153 = vector.shape_cast %and3A_147 : vector<16xi32> to vector<1x16xi32>
    tpu.vector_store %arg10[%swap3A_149, %swap3A_150], %swap3A_153 {strides = array<i32>} : memref<1x128xi32, #tpu.memory_space<vmem>>, vector<1x16xi32>,
    %shift_right_arithmetic3A_154 = arith.constant 16 : i32
    %shift_right_arithmetic3A_155 = vector.broadcast %shift_right_arithmetic3A_154 : i32 to vector<16xi32>
    %shift_right_arithmetic3A_156 = arith.shrsi %get3A_144, %shift_right_arithmetic3A_155 : vector<16xi32>
    %swap3A_157 = arith.constant 0 : i32
    %swap3A_158 = arith.index_cast %swap3A_157 : i32 to index
    %swap3A_159 = arith.constant 64 : index
    %swap3A_160 = tpu.vector_load %arg12[%swap3A_158, %swap3A_159] {strides = array<i32>} : memref<1x128xi32, #tpu.memory_space<vmem>>, vector<1x16xi32>,
    %swap3A_161 = vector.shape_cast %swap3A_160 : vector<1x16xi32> to vector<16xi32>
    %swap3A_162 = vector.shape_cast %shift_right_arithmetic3A_156 : vector<16xi32> to vector<1x16xi32>
    tpu.vector_store %arg12[%swap3A_158, %swap3A_159], %swap3A_162 {strides = array<i32>} : memref<1x128xi32, #tpu.memory_space<vmem>>, vector<1x16xi32>,
    %get3A_163 = arith.constant 0 : i32
    %get3A_164 = arith.index_cast %get3A_163 : i32 to index
    %get3A_165 = arith.constant 80 : index
    %get3A_166 = tpu.vector_load %arg6[%get3A_164, %get3A_165] {strides = array<i32>} : memref<1x128xi32, #tpu.memory_space<vmem>>, vector<1x16xi32>,
    %get3A_167 = vector.shape_cast %get3A_166 : vector<1x16xi32> to vector<16xi32>
    %and3A_168 = arith.constant 65535 : i32
    %and3A_169 = vector.broadcast %and3A_168 : i32 to vector<16xi32>
    %and3A_170 = arith.andi %get3A_167, %and3A_169 : vector<16xi32>
    %swap3A_171 = arith.constant 0 : i32
    %swap3A_172 = arith.index_cast %swap3A_171 : i32 to index
    %swap3A_173 = arith.constant 80 : index
    %swap3A_174 = tpu.vector_load %arg10[%swap3A_172, %swap3A_173] {strides = array<i32>} : memref<1x128xi32, #tpu.memory_space<vmem>>, vector<1x16xi32>,
    %swap3A_175 = vector.shape_cast %swap3A_174 : vector<1x16xi32> to vector<16xi32>
    %swap3A_176 = vector.shape_cast %and3A_170 : vector<16xi32> to vector<1x16xi32>
    tpu.vector_store %arg10[%swap3A_172, %swap3A_173], %swap3A_176 {strides = array<i32>} : memref<1x128xi32, #tpu.memory_space<vmem>>, vector<1x16xi32>,
    %shift_right_arithmetic3A_177 = arith.constant 16 : i32
    %shift_right_arithmetic3A_178 = vector.broadcast %shift_right_arithmetic3A_177 : i32 to vector<16xi32>
    %shift_right_arithmetic3A_179 = arith.shrsi %get3A_167, %shift_right_arithmetic3A_178 : vector<16xi32>
    %swap3A_180 = arith.constant 0 : i32
    %swap3A_181 = arith.index_cast %swap3A_180 : i32 to index
    %swap3A_182 = arith.constant 80 : index
    %swap3A_183 = tpu.vector_load %arg12[%swap3A_181, %swap3A_182] {strides = array<i32>} : memref<1x128xi32, #tpu.memory_space<vmem>>, vector<1x16xi32>,
    %swap3A_184 = vector.shape_cast %swap3A_183 : vector<1x16xi32> to vector<16xi32>
    %swap3A_185 = vector.shape_cast %shift_right_arithmetic3A_179 : vector<16xi32> to vector<1x16xi32>
    tpu.vector_store %arg12[%swap3A_181, %swap3A_182], %swap3A_185 {strides = array<i32>} : memref<1x128xi32, #tpu.memory_space<vmem>>, vector<1x16xi32>,
    %get3A_186 = arith.constant 0 : i32
    %get3A_187 = arith.index_cast %get3A_186 : i32 to index
    %get3A_188 = arith.constant 96 : index
    %get3A_189 = tpu.vector_load %arg6[%get3A_187, %get3A_188] {strides = array<i32>} : memref<1x128xi32, #tpu.memory_space<vmem>>, vector<1x16xi32>,
    %get3A_190 = vector.shape_cast %get3A_189 : vector<1x16xi32> to vector<16xi32>
    %and3A_191 = arith.constant 65535 : i32
    %and3A_192 = vector.broadcast %and3A_191 : i32 to vector<16xi32>
    %and3A_193 = arith.andi %get3A_190, %and3A_192 : vector<16xi32>
    %swap3A_194 = arith.constant 0 : i32
    %swap3A_195 = arith.index_cast %swap3A_194 : i32 to index
    %swap3A_196 = arith.constant 96 : index
    %swap3A_197 = tpu.vector_load %arg10[%swap3A_195, %swap3A_196] {strides = array<i32>} : memref<1x128xi32, #tpu.memory_space<vmem>>, vector<1x16xi32>,
    %swap3A_198 = vector.shape_cast %swap3A_197 : vector<1x16xi32> to vector<16xi32>
    %swap3A_199 = vector.shape_cast %and3A_193 : vector<16xi32> to vector<1x16xi32>
    tpu.vector_store %arg10[%swap3A_195, %swap3A_196], %swap3A_199 {strides = array<i32>} : memref<1x128xi32, #tpu.memory_space<vmem>>, vector<1x16xi32>,
    %shift_right_arithmetic3A_200 = arith.constant 16 : i32
    %shift_right_arithmetic3A_201 = vector.broadcast %shift_right_arithmetic3A_200 : i32 to vector<16xi32>
    %shift_right_arithmetic3A_202 = arith.shrsi %get3A_190, %shift_right_arithmetic3A_201 : vector<16xi32>
    %swap3A_203 = arith.constant 0 : i32
    %swap3A_204 = arith.index_cast %swap3A_203 : i32 to index
    %swap3A_205 = arith.constant 96 : index
    %swap3A_206 = tpu.vector_load %arg12[%swap3A_204, %swap3A_205] {strides = array<i32>} : memref<1x128xi32, #tpu.memory_space<vmem>>, vector<1x16xi32>,
    %swap3A_207 = vector.shape_cast %swap3A_206 : vector<1x16xi32> to vector<16xi32>
    %swap3A_208 = vector.shape_cast %shift_right_arithmetic3A_202 : vector<16xi32> to vector<1x16xi32>
    tpu.vector_store %arg12[%swap3A_204, %swap3A_205], %swap3A_208 {strides = array<i32>} : memref<1x128xi32, #tpu.memory_space<vmem>>, vector<1x16xi32>,
    %get3A_209 = arith.constant 0 : i32
    %get3A_210 = arith.index_cast %get3A_209 : i32 to index
    %get3A_211 = arith.constant 112 : index
    %get3A_212 = tpu.vector_load %arg6[%get3A_210, %get3A_211] {strides = array<i32>} : memref<1x128xi32, #tpu.memory_space<vmem>>, vector<1x16xi32>,
    %get3A_213 = vector.shape_cast %get3A_212 : vector<1x16xi32> to vector<16xi32>
    %and3A_214 = arith.constant 65535 : i32
    %and3A_215 = vector.broadcast %and3A_214 : i32 to vector<16xi32>
    %and3A_216 = arith.andi %get3A_213, %and3A_215 : vector<16xi32>
    %swap3A_217 = arith.constant 0 : i32
    %swap3A_218 = arith.index_cast %swap3A_217 : i32 to index
    %swap3A_219 = arith.constant 112 : index
    %swap3A_220 = tpu.vector_load %arg10[%swap3A_218, %swap3A_219] {strides = array<i32>} : memref<1x128xi32, #tpu.memory_space<vmem>>, vector<1x16xi32>,
    %swap3A_221 = vector.shape_cast %swap3A_220 : vector<1x16xi32> to vector<16xi32>
    %swap3A_222 = vector.shape_cast %and3A_216 : vector<16xi32> to vector<1x16xi32>
    tpu.vector_store %arg10[%swap3A_218, %swap3A_219], %swap3A_222 {strides = array<i32>} : memref<1x128xi32, #tpu.memory_space<vmem>>, vector<1x16xi32>,
    %shift_right_arithmetic3A_223 = arith.constant 16 : i32
    %shift_right_arithmetic3A_224 = vector.broadcast %shift_right_arithmetic3A_223 : i32 to vector<16xi32>
    %shift_right_arithmetic3A_225 = arith.shrsi %get3A_213, %shift_right_arithmetic3A_224 : vector<16xi32>
    %swap3A_226 = arith.constant 0 : i32
    %swap3A_227 = arith.index_cast %swap3A_226 : i32 to index
    %swap3A_228 = arith.constant 112 : index
    %swap3A_229 = tpu.vector_load %arg12[%swap3A_227, %swap3A_228] {strides = array<i32>} : memref<1x128xi32, #tpu.memory_space<vmem>>, vector<1x16xi32>,
    %swap3A_230 = vector.shape_cast %swap3A_229 : vector<1x16xi32> to vector<16xi32>
    %swap3A_231 = vector.shape_cast %shift_right_arithmetic3A_225 : vector<16xi32> to vector<1x16xi32>
    tpu.vector_store %arg12[%swap3A_227, %swap3A_228], %swap3A_231 {strides = array<i32>} : memref<1x128xi32, #tpu.memory_space<vmem>>, vector<1x16xi32>,
    %dma_start3A_232 = arith.constant 0 : i32
    %dma_start3A_233 = arith.constant 0 : i32
    %dma_start3A_234 = tpu.memref_slice %arg10[%dma_start3A_232, %dma_start3A_233] : memref<1x128xi32, #tpu.memory_space<vmem>> -> memref<1x128xi32, #tpu.memory_space<vmem>>
    %dma_start3A_235 = tpu.memref_squeeze %dma_start3A_234 : memref<1x128xi32, #tpu.memory_space<vmem>> -> memref<128xi32, #tpu.memory_space<vmem>>
    %dma_start3A_236 = arith.constant 0 : i32
    %dma_start3A_237 = arith.constant 0 : i32
    %dma_start3A_238 = tpu.memref_slice %arg2[%dma_start3A_236, %dma_start3A_237] : memref<10000x128xf32, #tpu.memory_space<hbm>> -> memref<10000x128xf32, #tpu.memory_space<hbm>>
    tpu.enqueue_indirect_dma source(%dma_start3A_238 : memref<10000x128xf32, #tpu.memory_space<hbm>>) target(%arg14 : memref<128x128xf32, #tpu.memory_space<vmem>>) offsets(%dma_start3A_235 : memref<128xi32, #tpu.memory_space<vmem>>) semaphore(%arg17 : memref<!tpu.dma_semaphore, #tpu.memory_space<semaphore_mem>>)
    %dma_start3A_239 = arith.constant 1 : i32
    %dma_start3A_240 = arith.constant 0 : i32
    %dma_start3A_241 = arith.constant 0 : i32
    %dma_start3A_242 = tpu.memref_slice %arg3[%add3A, %dma_start3A_239, %dma_start3A_240, %dma_start3A_241] : memref<32x80x1x128xi32, #tpu.memory_space<hbm>> -> memref<1x1x1x128xi32, #tpu.memory_space<hbm>>
    %dma_start3A_243 = tpu.memref_squeeze %dma_start3A_242 : memref<1x1x1x128xi32, #tpu.memory_space<hbm>> -> memref<1x128xi32, #tpu.memory_space<hbm>>
    %dma_start3A_244 = arith.constant 0 : i32
    %dma_start3A_245 = arith.constant 0 : i32
    %dma_start3A_246 = tpu.memref_slice %arg3[%add3A, %dma_start3A_239, %dma_start3A_244, %dma_start3A_245] : memref<32x80x1x128xi32, #tpu.memory_space<hbm>> -> memref<1x1x1x128xi32, #tpu.memory_space<hbm>>
    %dma_start3A_247 = tpu.memref_squeeze %dma_start3A_246 : memref<1x1x1x128xi32, #tpu.memory_space<hbm>> -> memref<1x128xi32, #tpu.memory_space<hbm>>
    tpu.enqueue_dma source(%dma_start3A_247 : memref<1x128xi32, #tpu.memory_space<hbm>>) target(%arg7 : memref<1x128xi32, #tpu.memory_space<vmem>>) target_semaphore(%arg20 : memref<!tpu.dma_semaphore, #tpu.memory_space<semaphore_mem>>)
    %dma_start3A_248 = arith.constant 1 : i32
    %dma_start3A_249 = arith.constant 0 : i32
    %dma_start3A_250 = arith.constant 0 : i32
    %dma_start3A_251 = tpu.memref_slice %arg4[%add3A, %dma_start3A_248, %dma_start3A_249, %dma_start3A_250] : memref<32x80x1x128xf32, #tpu.memory_space<hbm>> -> memref<1x1x1x128xf32, #tpu.memory_space<hbm>>
    %dma_start3A_252 = tpu.memref_squeeze %dma_start3A_251 : memref<1x1x1x128xf32, #tpu.memory_space<hbm>> -> memref<1x128xf32, #tpu.memory_space<hbm>>
    %dma_start3A_253 = arith.constant 0 : i32
    %dma_start3A_254 = arith.constant 0 : i32
    %dma_start3A_255 = tpu.memref_slice %arg4[%add3A, %dma_start3A_248, %dma_start3A_253, %dma_start3A_254] : memref<32x80x1x128xf32, #tpu.memory_space<hbm>> -> memref<1x1x1x128xf32, #tpu.memory_space<hbm>>
    %dma_start3A_256 = tpu.memref_squeeze %dma_start3A_255 : memref<1x1x1x128xf32, #tpu.memory_space<hbm>> -> memref<1x128xf32, #tpu.memory_space<hbm>>
    tpu.enqueue_dma source(%dma_start3A_256 : memref<1x128xf32, #tpu.memory_space<hbm>>) target(%arg9 : memref<1x128xf32, #tpu.memory_space<vmem>>) target_semaphore(%arg22 : memref<!tpu.dma_semaphore, #tpu.memory_space<semaphore_mem>>)
    %scan3A_257 = arith.constant 0 : i32
    %scan3A_258 = arith.constant 0 : i32
    %scan3A_259 = arith.constant 40 : i32
    %scan3A_260 = arith.addi %scan3A_258, %scan3A_259 : i32
    %scan3A_261 = arith.constant 1 : i32
    scf.for %scan3A_284 = %scan3A_258 to %scan3A_260 step %scan3A_261  : i32 {
      %mul3A_285 = arith.constant 2 : i32
      %mul3A_286 = arith.muli %mul3A_285, %scan3A_284 : i32
      %add3A_287 = arith.constant 0 : i32
      %add3A_288 = arith.addi %mul3A_286, %add3A_287 : i32
      %dma_wait3A_289 = arith.constant 0 : i32
      %dma_wait3A_290 = arith.constant 0 : i32
      %dma_wait3A_291 = tpu.memref_slice %arg10[%dma_wait3A_289, %dma_wait3A_290] : memref<1x128xi32, #tpu.memory_space<vmem>> -> memref<1x128xi32, #tpu.memory_space<vmem>>
      %dma_wait3A_292 = tpu.memref_squeeze %dma_wait3A_291 : memref<1x128xi32, #tpu.memory_space<vmem>> -> memref<128xi32, #tpu.memory_space<vmem>>
      %dma_wait3A_293 = arith.constant 0 : i32
      %dma_wait3A_294 = arith.constant 0 : i32
      %dma_wait3A_295 = tpu.memref_slice %arg2[%dma_wait3A_293, %dma_wait3A_294] : memref<10000x128xf32, #tpu.memory_space<hbm>> -> memref<10000x128xf32, #tpu.memory_space<hbm>>
      tpu.wait_indirect_dma semaphore(%arg17 : memref<!tpu.dma_semaphore, #tpu.memory_space<semaphore_mem>>) src(%dma_wait3A_295 : memref<10000x128xf32, #tpu.memory_space<hbm>>) dst(%arg14 : memref<128x128xf32, #tpu.memory_space<vmem>>)
      %add3A_296 = arith.constant 1 : i32
      %add3A_297 = arith.addi %add3A_288, %add3A_296 : i32
      %lt3A = arith.constant 80 : i32
      %lt3A_298 = arith.cmpi slt, %add3A_297, %lt3A : i32
      %convert_element_type3A = arith.extui %lt3A_298 : i1 to i32
      %cond3A = arith.constant 0 : i32
      %cond3A_299 = arith.cmpi ne, %convert_element_type3A, %cond3A : i32
      scf.if %cond3A_299 {
        %add3A_345 = arith.constant 1 : i32
        %add3A_346 = arith.addi %add3A_288, %add3A_345 : i32
        %dma_wait3A_347 = arith.constant 0 : i32
        %dma_wait3A_348 = arith.constant 0 : i32
        %dma_wait3A_349 = tpu.memref_slice %arg3[%add3A, %add3A_346, %dma_wait3A_347, %dma_wait3A_348] : memref<32x80x1x128xi32, #tpu.memory_space<hbm>> -> memref<1x1x1x128xi32, #tpu.memory_space<hbm>>
        %dma_wait3A_350 = tpu.memref_squeeze %dma_wait3A_349 : memref<1x1x1x128xi32, #tpu.memory_space<hbm>> -> memref<1x128xi32, #tpu.memory_space<hbm>>
        %dma_wait3A_351 = arith.constant 0 : i32
        %dma_wait3A_352 = arith.constant 0 : i32
        %dma_wait3A_353 = tpu.memref_slice %arg3[%add3A, %add3A_346, %dma_wait3A_351, %dma_wait3A_352] : memref<32x80x1x128xi32, #tpu.memory_space<hbm>> -> memref<1x1x1x128xi32, #tpu.memory_space<hbm>>
        %dma_wait3A_354 = tpu.memref_squeeze %dma_wait3A_353 : memref<1x1x1x128xi32, #tpu.memory_space<hbm>> -> memref<1x128xi32, #tpu.memory_space<hbm>>
        tpu.wait_dma2 semaphore(%arg20 : memref<!tpu.dma_semaphore, #tpu.memory_space<semaphore_mem>>) src(%dma_wait3A_354 : memref<1x128xi32, #tpu.memory_space<hbm>>) dst(%arg7 : memref<1x128xi32, #tpu.memory_space<vmem>>)
        %dma_wait3A_355 = arith.constant 0 : i32
        %dma_wait3A_356 = arith.constant 0 : i32
        %dma_wait3A_357 = tpu.memref_slice %arg4[%add3A, %add3A_346, %dma_wait3A_355, %dma_wait3A_356] : memref<32x80x1x128xf32, #tpu.memory_space<hbm>> -> memref<1x1x1x128xf32, #tpu.memory_space<hbm>>
        %dma_wait3A_358 = tpu.memref_squeeze %dma_wait3A_357 : memref<1x1x1x128xf32, #tpu.memory_space<hbm>> -> memref<1x128xf32, #tpu.memory_space<hbm>>
        %dma_wait3A_359 = arith.constant 0 : i32
        %dma_wait3A_360 = arith.constant 0 : i32
        %dma_wait3A_361 = tpu.memref_slice %arg4[%add3A, %add3A_346, %dma_wait3A_359, %dma_wait3A_360] : memref<32x80x1x128xf32, #tpu.memory_space<hbm>> -> memref<1x1x1x128xf32, #tpu.memory_space<hbm>>
        %dma_wait3A_362 = tpu.memref_squeeze %dma_wait3A_361 : memref<1x1x1x128xf32, #tpu.memory_space<hbm>> -> memref<1x128xf32, #tpu.memory_space<hbm>>
        tpu.wait_dma2 semaphore(%arg22 : memref<!tpu.dma_semaphore, #tpu.memory_space<semaphore_mem>>) src(%dma_wait3A_362 : memref<1x128xf32, #tpu.memory_space<hbm>>) dst(%arg9 : memref<1x128xf32, #tpu.memory_space<vmem>>)
        %get3A_363 = arith.constant 0 : i32
        %get3A_364 = arith.index_cast %get3A_363 : i32 to index
        %get3A_365 = arith.constant 0 : index
        %get3A_366 = tpu.vector_load %arg7[%get3A_364, %get3A_365] {strides = array<i32>} : memref<1x128xi32, #tpu.memory_space<vmem>>, vector<1x16xi32>,
        %get3A_367 = vector.shape_cast %get3A_366 : vector<1x16xi32> to vector<16xi32>
        %and3A_368 = arith.constant 65535 : i32
        %and3A_369 = vector.broadcast %and3A_368 : i32 to vector<16xi32>
        %and3A_370 = arith.andi %get3A_367, %and3A_369 : vector<16xi32>
        %swap3A_371 = arith.constant 0 : i32
        %swap3A_372 = arith.index_cast %swap3A_371 : i32 to index
        %swap3A_373 = arith.constant 0 : index
        %swap3A_374 = tpu.vector_load %arg11[%swap3A_372, %swap3A_373] {strides = array<i32>} : memref<1x128xi32, #tpu.memory_space<vmem>>, vector<1x16xi32>,
        %swap3A_375 = vector.shape_cast %swap3A_374 : vector<1x16xi32> to vector<16xi32>
        %swap3A_376 = vector.shape_cast %and3A_370 : vector<16xi32> to vector<1x16xi32>
        tpu.vector_store %arg11[%swap3A_372, %swap3A_373], %swap3A_376 {strides = array<i32>} : memref<1x128xi32, #tpu.memory_space<vmem>>, vector<1x16xi32>,
        %shift_right_arithmetic3A_377 = arith.constant 16 : i32
        %shift_right_arithmetic3A_378 = vector.broadcast %shift_right_arithmetic3A_377 : i32 to vector<16xi32>
        %shift_right_arithmetic3A_379 = arith.shrsi %get3A_367, %shift_right_arithmetic3A_378 : vector<16xi32>
        %swap3A_380 = arith.constant 0 : i32
        %swap3A_381 = arith.index_cast %swap3A_380 : i32 to index
        %swap3A_382 = arith.constant 0 : index
        %swap3A_383 = tpu.vector_load %arg13[%swap3A_381, %swap3A_382] {strides = array<i32>} : memref<1x128xi32, #tpu.memory_space<vmem>>, vector<1x16xi32>,
        %swap3A_384 = vector.shape_cast %swap3A_383 : vector<1x16xi32> to vector<16xi32>
        %swap3A_385 = vector.shape_cast %shift_right_arithmetic3A_379 : vector<16xi32> to vector<1x16xi32>
        tpu.vector_store %arg13[%swap3A_381, %swap3A_382], %swap3A_385 {strides = array<i32>} : memref<1x128xi32, #tpu.memory_space<vmem>>, vector<1x16xi32>,
        %get3A_386 = arith.constant 0 : i32
        %get3A_387 = arith.index_cast %get3A_386 : i32 to index
        %get3A_388 = arith.constant 16 : index
        %get3A_389 = tpu.vector_load %arg7[%get3A_387, %get3A_388] {strides = array<i32>} : memref<1x128xi32, #tpu.memory_space<vmem>>, vector<1x16xi32>,
        %get3A_390 = vector.shape_cast %get3A_389 : vector<1x16xi32> to vector<16xi32>
        %and3A_391 = arith.constant 65535 : i32
        %and3A_392 = vector.broadcast %and3A_391 : i32 to vector<16xi32>
        %and3A_393 = arith.andi %get3A_390, %and3A_392 : vector<16xi32>
        %swap3A_394 = arith.constant 0 : i32
        %swap3A_395 = arith.index_cast %swap3A_394 : i32 to index
        %swap3A_396 = arith.constant 16 : index
        %swap3A_397 = tpu.vector_load %arg11[%swap3A_395, %swap3A_396] {strides = array<i32>} : memref<1x128xi32, #tpu.memory_space<vmem>>, vector<1x16xi32>,
        %swap3A_398 = vector.shape_cast %swap3A_397 : vector<1x16xi32> to vector<16xi32>
        %swap3A_399 = vector.shape_cast %and3A_393 : vector<16xi32> to vector<1x16xi32>
        tpu.vector_store %arg11[%swap3A_395, %swap3A_396], %swap3A_399 {strides = array<i32>} : memref<1x128xi32, #tpu.memory_space<vmem>>, vector<1x16xi32>,
        %shift_right_arithmetic3A_400 = arith.constant 16 : i32
        %shift_right_arithmetic3A_401 = vector.broadcast %shift_right_arithmetic3A_400 : i32 to vector<16xi32>
        %shift_right_arithmetic3A_402 = arith.shrsi %get3A_390, %shift_right_arithmetic3A_401 : vector<16xi32>
        %swap3A_403 = arith.constant 0 : i32
        %swap3A_404 = arith.index_cast %swap3A_403 : i32 to index
        %swap3A_405 = arith.constant 16 : index
        %swap3A_406 = tpu.vector_load %arg13[%swap3A_404, %swap3A_405] {strides = array<i32>} : memref<1x128xi32, #tpu.memory_space<vmem>>, vector<1x16xi32>,
        %swap3A_407 = vector.shape_cast %swap3A_406 : vector<1x16xi32> to vector<16xi32>
        %swap3A_408 = vector.shape_cast %shift_right_arithmetic3A_402 : vector<16xi32> to vector<1x16xi32>
        tpu.vector_store %arg13[%swap3A_404, %swap3A_405], %swap3A_408 {strides = array<i32>} : memref<1x128xi32, #tpu.memory_space<vmem>>, vector<1x16xi32>,
        %get3A_409 = arith.constant 0 : i32
        %get3A_410 = arith.index_cast %get3A_409 : i32 to index
        %get3A_411 = arith.constant 32 : index
        %get3A_412 = tpu.vector_load %arg7[%get3A_410, %get3A_411] {strides = array<i32>} : memref<1x128xi32, #tpu.memory_space<vmem>>, vector<1x16xi32>,
        %get3A_413 = vector.shape_cast %get3A_412 : vector<1x16xi32> to vector<16xi32>
        %and3A_414 = arith.constant 65535 : i32
        %and3A_415 = vector.broadcast %and3A_414 : i32 to vector<16xi32>
        %and3A_416 = arith.andi %get3A_413, %and3A_415 : vector<16xi32>
        %swap3A_417 = arith.constant 0 : i32
        %swap3A_418 = arith.index_cast %swap3A_417 : i32 to index
        %swap3A_419 = arith.constant 32 : index
        %swap3A_420 = tpu.vector_load %arg11[%swap3A_418, %swap3A_419] {strides = array<i32>} : memref<1x128xi32, #tpu.memory_space<vmem>>, vector<1x16xi32>,
        %swap3A_421 = vector.shape_cast %swap3A_420 : vector<1x16xi32> to vector<16xi32>
        %swap3A_422 = vector.shape_cast %and3A_416 : vector<16xi32> to vector<1x16xi32>
        tpu.vector_store %arg11[%swap3A_418, %swap3A_419], %swap3A_422 {strides = array<i32>} : memref<1x128xi32, #tpu.memory_space<vmem>>, vector<1x16xi32>,
        %shift_right_arithmetic3A_423 = arith.constant 16 : i32
        %shift_right_arithmetic3A_424 = vector.broadcast %shift_right_arithmetic3A_423 : i32 to vector<16xi32>
        %shift_right_arithmetic3A_425 = arith.shrsi %get3A_413, %shift_right_arithmetic3A_424 : vector<16xi32>
        %swap3A_426 = arith.constant 0 : i32
        %swap3A_427 = arith.index_cast %swap3A_426 : i32 to index
        %swap3A_428 = arith.constant 32 : index
        %swap3A_429 = tpu.vector_load %arg13[%swap3A_427, %swap3A_428] {strides = array<i32>} : memref<1x128xi32, #tpu.memory_space<vmem>>, vector<1x16xi32>,
        %swap3A_430 = vector.shape_cast %swap3A_429 : vector<1x16xi32> to vector<16xi32>
        %swap3A_431 = vector.shape_cast %shift_right_arithmetic3A_425 : vector<16xi32> to vector<1x16xi32>
        tpu.vector_store %arg13[%swap3A_427, %swap3A_428], %swap3A_431 {strides = array<i32>} : memref<1x128xi32, #tpu.memory_space<vmem>>, vector<1x16xi32>,
        %get3A_432 = arith.constant 0 : i32
        %get3A_433 = arith.index_cast %get3A_432 : i32 to index
        %get3A_434 = arith.constant 48 : index
        %get3A_435 = tpu.vector_load %arg7[%get3A_433, %get3A_434] {strides = array<i32>} : memref<1x128xi32, #tpu.memory_space<vmem>>, vector<1x16xi32>,
        %get3A_436 = vector.shape_cast %get3A_435 : vector<1x16xi32> to vector<16xi32>
        %and3A_437 = arith.constant 65535 : i32
        %and3A_438 = vector.broadcast %and3A_437 : i32 to vector<16xi32>
        %and3A_439 = arith.andi %get3A_436, %and3A_438 : vector<16xi32>
        %swap3A_440 = arith.constant 0 : i32
        %swap3A_441 = arith.index_cast %swap3A_440 : i32 to index
        %swap3A_442 = arith.constant 48 : index
        %swap3A_443 = tpu.vector_load %arg11[%swap3A_441, %swap3A_442] {strides = array<i32>} : memref<1x128xi32, #tpu.memory_space<vmem>>, vector<1x16xi32>,
        %swap3A_444 = vector.shape_cast %swap3A_443 : vector<1x16xi32> to vector<16xi32>
        %swap3A_445 = vector.shape_cast %and3A_439 : vector<16xi32> to vector<1x16xi32>
        tpu.vector_store %arg11[%swap3A_441, %swap3A_442], %swap3A_445 {strides = array<i32>} : memref<1x128xi32, #tpu.memory_space<vmem>>, vector<1x16xi32>,
        %shift_right_arithmetic3A_446 = arith.constant 16 : i32
        %shift_right_arithmetic3A_447 = vector.broadcast %shift_right_arithmetic3A_446 : i32 to vector<16xi32>
        %shift_right_arithmetic3A_448 = arith.shrsi %get3A_436, %shift_right_arithmetic3A_447 : vector<16xi32>
        %swap3A_449 = arith.constant 0 : i32
        %swap3A_450 = arith.index_cast %swap3A_449 : i32 to index
        %swap3A_451 = arith.constant 48 : index
        %swap3A_452 = tpu.vector_load %arg13[%swap3A_450, %swap3A_451] {strides = array<i32>} : memref<1x128xi32, #tpu.memory_space<vmem>>, vector<1x16xi32>,
        %swap3A_453 = vector.shape_cast %swap3A_452 : vector<1x16xi32> to vector<16xi32>
        %swap3A_454 = vector.shape_cast %shift_right_arithmetic3A_448 : vector<16xi32> to vector<1x16xi32>
        tpu.vector_store %arg13[%swap3A_450, %swap3A_451], %swap3A_454 {strides = array<i32>} : memref<1x128xi32, #tpu.memory_space<vmem>>, vector<1x16xi32>,
        %get3A_455 = arith.constant 0 : i32
        %get3A_456 = arith.index_cast %get3A_455 : i32 to index
        %get3A_457 = arith.constant 64 : index
        %get3A_458 = tpu.vector_load %arg7[%get3A_456, %get3A_457] {strides = array<i32>} : memref<1x128xi32, #tpu.memory_space<vmem>>, vector<1x16xi32>,
        %get3A_459 = vector.shape_cast %get3A_458 : vector<1x16xi32> to vector<16xi32>
        %and3A_460 = arith.constant 65535 : i32
        %and3A_461 = vector.broadcast %and3A_460 : i32 to vector<16xi32>
        %and3A_462 = arith.andi %get3A_459, %and3A_461 : vector<16xi32>
        %swap3A_463 = arith.constant 0 : i32
        %swap3A_464 = arith.index_cast %swap3A_463 : i32 to index
        %swap3A_465 = arith.constant 64 : index
        %swap3A_466 = tpu.vector_load %arg11[%swap3A_464, %swap3A_465] {strides = array<i32>} : memref<1x128xi32, #tpu.memory_space<vmem>>, vector<1x16xi32>,
        %swap3A_467 = vector.shape_cast %swap3A_466 : vector<1x16xi32> to vector<16xi32>
        %swap3A_468 = vector.shape_cast %and3A_462 : vector<16xi32> to vector<1x16xi32>
        tpu.vector_store %arg11[%swap3A_464, %swap3A_465], %swap3A_468 {strides = array<i32>} : memref<1x128xi32, #tpu.memory_space<vmem>>, vector<1x16xi32>,
        %shift_right_arithmetic3A_469 = arith.constant 16 : i32
        %shift_right_arithmetic3A_470 = vector.broadcast %shift_right_arithmetic3A_469 : i32 to vector<16xi32>
        %shift_right_arithmetic3A_471 = arith.shrsi %get3A_459, %shift_right_arithmetic3A_470 : vector<16xi32>
        %swap3A_472 = arith.constant 0 : i32
        %swap3A_473 = arith.index_cast %swap3A_472 : i32 to index
        %swap3A_474 = arith.constant 64 : index
        %swap3A_475 = tpu.vector_load %arg13[%swap3A_473, %swap3A_474] {strides = array<i32>} : memref<1x128xi32, #tpu.memory_space<vmem>>, vector<1x16xi32>,
        %swap3A_476 = vector.shape_cast %swap3A_475 : vector<1x16xi32> to vector<16xi32>
        %swap3A_477 = vector.shape_cast %shift_right_arithmetic3A_471 : vector<16xi32> to vector<1x16xi32>
        tpu.vector_store %arg13[%swap3A_473, %swap3A_474], %swap3A_477 {strides = array<i32>} : memref<1x128xi32, #tpu.memory_space<vmem>>, vector<1x16xi32>,
        %get3A_478 = arith.constant 0 : i32
        %get3A_479 = arith.index_cast %get3A_478 : i32 to index
        %get3A_480 = arith.constant 80 : index
        %get3A_481 = tpu.vector_load %arg7[%get3A_479, %get3A_480] {strides = array<i32>} : memref<1x128xi32, #tpu.memory_space<vmem>>, vector<1x16xi32>,
        %get3A_482 = vector.shape_cast %get3A_481 : vector<1x16xi32> to vector<16xi32>
        %and3A_483 = arith.constant 65535 : i32
        %and3A_484 = vector.broadcast %and3A_483 : i32 to vector<16xi32>
        %and3A_485 = arith.andi %get3A_482, %and3A_484 : vector<16xi32>
        %swap3A_486 = arith.constant 0 : i32
        %swap3A_487 = arith.index_cast %swap3A_486 : i32 to index
        %swap3A_488 = arith.constant 80 : index
        %swap3A_489 = tpu.vector_load %arg11[%swap3A_487, %swap3A_488] {strides = array<i32>} : memref<1x128xi32, #tpu.memory_space<vmem>>, vector<1x16xi32>,
        %swap3A_490 = vector.shape_cast %swap3A_489 : vector<1x16xi32> to vector<16xi32>
        %swap3A_491 = vector.shape_cast %and3A_485 : vector<16xi32> to vector<1x16xi32>
        tpu.vector_store %arg11[%swap3A_487, %swap3A_488], %swap3A_491 {strides = array<i32>} : memref<1x128xi32, #tpu.memory_space<vmem>>, vector<1x16xi32>,
        %shift_right_arithmetic3A_492 = arith.constant 16 : i32
        %shift_right_arithmetic3A_493 = vector.broadcast %shift_right_arithmetic3A_492 : i32 to vector<16xi32>
        %shift_right_arithmetic3A_494 = arith.shrsi %get3A_482, %shift_right_arithmetic3A_493 : vector<16xi32>
        %swap3A_495 = arith.constant 0 : i32
        %swap3A_496 = arith.index_cast %swap3A_495 : i32 to index
        %swap3A_497 = arith.constant 80 : index
        %swap3A_498 = tpu.vector_load %arg13[%swap3A_496, %swap3A_497] {strides = array<i32>} : memref<1x128xi32, #tpu.memory_space<vmem>>, vector<1x16xi32>,
        %swap3A_499 = vector.shape_cast %swap3A_498 : vector<1x16xi32> to vector<16xi32>
        %swap3A_500 = vector.shape_cast %shift_right_arithmetic3A_494 : vector<16xi32> to vector<1x16xi32>
        tpu.vector_store %arg13[%swap3A_496, %swap3A_497], %swap3A_500 {strides = array<i32>} : memref<1x128xi32, #tpu.memory_space<vmem>>, vector<1x16xi32>,
        %get3A_501 = arith.constant 0 : i32
        %get3A_502 = arith.index_cast %get3A_501 : i32 to index
        %get3A_503 = arith.constant 96 : index
        %get3A_504 = tpu.vector_load %arg7[%get3A_502, %get3A_503] {strides = array<i32>} : memref<1x128xi32, #tpu.memory_space<vmem>>, vector<1x16xi32>,
        %get3A_505 = vector.shape_cast %get3A_504 : vector<1x16xi32> to vector<16xi32>
        %and3A_506 = arith.constant 65535 : i32
        %and3A_507 = vector.broadcast %and3A_506 : i32 to vector<16xi32>
        %and3A_508 = arith.andi %get3A_505, %and3A_507 : vector<16xi32>
        %swap3A_509 = arith.constant 0 : i32
        %swap3A_510 = arith.index_cast %swap3A_509 : i32 to index
        %swap3A_511 = arith.constant 96 : index
        %swap3A_512 = tpu.vector_load %arg11[%swap3A_510, %swap3A_511] {strides = array<i32>} : memref<1x128xi32, #tpu.memory_space<vmem>>, vector<1x16xi32>,
        %swap3A_513 = vector.shape_cast %swap3A_512 : vector<1x16xi32> to vector<16xi32>
        %swap3A_514 = vector.shape_cast %and3A_508 : vector<16xi32> to vector<1x16xi32>
        tpu.vector_store %arg11[%swap3A_510, %swap3A_511], %swap3A_514 {strides = array<i32>} : memref<1x128xi32, #tpu.memory_space<vmem>>, vector<1x16xi32>,
        %shift_right_arithmetic3A_515 = arith.constant 16 : i32
        %shift_right_arithmetic3A_516 = vector.broadcast %shift_right_arithmetic3A_515 : i32 to vector<16xi32>
        %shift_right_arithmetic3A_517 = arith.shrsi %get3A_505, %shift_right_arithmetic3A_516 : vector<16xi32>
        %swap3A_518 = arith.constant 0 : i32
        %swap3A_519 = arith.index_cast %swap3A_518 : i32 to index
        %swap3A_520 = arith.constant 96 : index
        %swap3A_521 = tpu.vector_load %arg13[%swap3A_519, %swap3A_520] {strides = array<i32>} : memref<1x128xi32, #tpu.memory_space<vmem>>, vector<1x16xi32>,
        %swap3A_522 = vector.shape_cast %swap3A_521 : vector<1x16xi32> to vector<16xi32>
        %swap3A_523 = vector.shape_cast %shift_right_arithmetic3A_517 : vector<16xi32> to vector<1x16xi32>
        tpu.vector_store %arg13[%swap3A_519, %swap3A_520], %swap3A_523 {strides = array<i32>} : memref<1x128xi32, #tpu.memory_space<vmem>>, vector<1x16xi32>,
        %get3A_524 = arith.constant 0 : i32
        %get3A_525 = arith.index_cast %get3A_524 : i32 to index
        %get3A_526 = arith.constant 112 : index
        %get3A_527 = tpu.vector_load %arg7[%get3A_525, %get3A_526] {strides = array<i32>} : memref<1x128xi32, #tpu.memory_space<vmem>>, vector<1x16xi32>,
        %get3A_528 = vector.shape_cast %get3A_527 : vector<1x16xi32> to vector<16xi32>
        %and3A_529 = arith.constant 65535 : i32
        %and3A_530 = vector.broadcast %and3A_529 : i32 to vector<16xi32>
        %and3A_531 = arith.andi %get3A_528, %and3A_530 : vector<16xi32>
        %swap3A_532 = arith.constant 0 : i32
        %swap3A_533 = arith.index_cast %swap3A_532 : i32 to index
        %swap3A_534 = arith.constant 112 : index
        %swap3A_535 = tpu.vector_load %arg11[%swap3A_533, %swap3A_534] {strides = array<i32>} : memref<1x128xi32, #tpu.memory_space<vmem>>, vector<1x16xi32>,
        %swap3A_536 = vector.shape_cast %swap3A_535 : vector<1x16xi32> to vector<16xi32>
        %swap3A_537 = vector.shape_cast %and3A_531 : vector<16xi32> to vector<1x16xi32>
        tpu.vector_store %arg11[%swap3A_533, %swap3A_534], %swap3A_537 {strides = array<i32>} : memref<1x128xi32, #tpu.memory_space<vmem>>, vector<1x16xi32>,
        %shift_right_arithmetic3A_538 = arith.constant 16 : i32
        %shift_right_arithmetic3A_539 = vector.broadcast %shift_right_arithmetic3A_538 : i32 to vector<16xi32>
        %shift_right_arithmetic3A_540 = arith.shrsi %get3A_528, %shift_right_arithmetic3A_539 : vector<16xi32>
        %swap3A_541 = arith.constant 0 : i32
        %swap3A_542 = arith.index_cast %swap3A_541 : i32 to index
        %swap3A_543 = arith.constant 112 : index
        %swap3A_544 = tpu.vector_load %arg13[%swap3A_542, %swap3A_543] {strides = array<i32>} : memref<1x128xi32, #tpu.memory_space<vmem>>, vector<1x16xi32>,
        %swap3A_545 = vector.shape_cast %swap3A_544 : vector<1x16xi32> to vector<16xi32>
        %swap3A_546 = vector.shape_cast %shift_right_arithmetic3A_540 : vector<16xi32> to vector<1x16xi32>
        tpu.vector_store %arg13[%swap3A_542, %swap3A_543], %swap3A_546 {strides = array<i32>} : memref<1x128xi32, #tpu.memory_space<vmem>>, vector<1x16xi32>,
        %dma_start3A_547 = arith.constant 0 : i32
        %dma_start3A_548 = arith.constant 0 : i32
        %dma_start3A_549 = tpu.memref_slice %arg11[%dma_start3A_547, %dma_start3A_548] : memref<1x128xi32, #tpu.memory_space<vmem>> -> memref<1x128xi32, #tpu.memory_space<vmem>>
        %dma_start3A_550 = tpu.memref_squeeze %dma_start3A_549 : memref<1x128xi32, #tpu.memory_space<vmem>> -> memref<128xi32, #tpu.memory_space<vmem>>
        %dma_start3A_551 = arith.constant 0 : i32
        %dma_start3A_552 = arith.constant 0 : i32
        %dma_start3A_553 = tpu.memref_slice %arg2[%dma_start3A_551, %dma_start3A_552] : memref<10000x128xf32, #tpu.memory_space<hbm>> -> memref<10000x128xf32, #tpu.memory_space<hbm>>
        tpu.enqueue_indirect_dma source(%dma_start3A_553 : memref<10000x128xf32, #tpu.memory_space<hbm>>) target(%arg15 : memref<128x128xf32, #tpu.memory_space<vmem>>) offsets(%dma_start3A_550 : memref<128xi32, #tpu.memory_space<vmem>>) semaphore(%arg18 : memref<!tpu.dma_semaphore, #tpu.memory_space<semaphore_mem>>)
      } else {
      }
      %scan3A_300 = arith.constant 0 : i32
      %scan3A_301 = arith.constant 0 : i32
      %scan3A_302 = arith.constant 8 : i32
      %scan3A_303 = arith.addi %scan3A_301, %scan3A_302 : i32
      %scan3A_304 = arith.constant 1 : i32
      scf.for %scan3A_345 = %scan3A_301 to %scan3A_303 step %scan3A_304  : i32 {
        %mul3A_346 = arith.constant 16 : i32
        %mul3A_347 = arith.muli %mul3A_346, %scan3A_345 : i32
        %get3A_348 = arith.constant 0 : i32
        %get3A_349 = arith.index_cast %get3A_348 : i32 to index
        %get3A_350 = arith.index_cast %mul3A_347 : i32 to index
        %get3A_351 = tpu.vector_load %arg8[%get3A_349, %get3A_350] {strides = array<i32>} : memref<1x128xf32, #tpu.memory_space<vmem>>, vector<1x16xf32>,
        %get3A_352 = vector.shape_cast %get3A_351 : vector<1x16xf32> to vector<16xf32>
        %mul3A_353 = arith.constant 16 : i32
        %mul3A_354 = arith.muli %scan3A_345, %mul3A_353 : i32
        %add3A_355 = arith.constant 0 : i32
        %add3A_356 = arith.addi %mul3A_354, %add3A_355 : i32
        %slice3A = vector.extract_strided_slice %get3A_352 {offsets = [0], sizes = [1], strides = [1]} : vector<16xf32> to vector<1xf32>
        %squeeze3A = vector.extract %slice3A[0] : f32 from vector<1xf32>
        %get3A_357 = arith.index_cast %add3A_356 : i32 to index
        %get3A_358 = arith.constant 0 : index
        %get3A_359 = tpu.vector_load %arg14[%get3A_357, %get3A_358] {strides = array<i32>} : memref<128x128xf32, #tpu.memory_space<vmem>>, vector<1x16xf32>,
        %get3A_360 = vector.shape_cast %get3A_359 : vector<1x16xf32> to vector<16xf32>
        %mul3A_361 = vector.broadcast %squeeze3A : f32 to vector<16xf32>
        %mul3A_362 = arith.mulf %get3A_360, %mul3A_361 : vector<16xf32>
        %swap3A_363 = arith.index_cast %add3A_356 : i32 to index
        %swap3A_364 = arith.constant 0 : index
        %swap3A_365 = tpu.vector_load %arg14[%swap3A_363, %swap3A_364] {strides = array<i32>} : memref<128x128xf32, #tpu.memory_space<vmem>>, vector<1x16xf32>,
        %swap3A_366 = vector.shape_cast %swap3A_365 : vector<1x16xf32> to vector<16xf32>
        %swap3A_367 = vector.shape_cast %mul3A_362 : vector<16xf32> to vector<1x16xf32>
        tpu.vector_store %arg14[%swap3A_363, %swap3A_364], %swap3A_367 {strides = array<i32>} : memref<128x128xf32, #tpu.memory_space<vmem>>, vector<1x16xf32>,
        %get3A_368 = arith.index_cast %add3A_356 : i32 to index
        %get3A_369 = arith.constant 16 : index
        %get3A_370 = tpu.vector_load %arg14[%get3A_368, %get3A_369] {strides = array<i32>} : memref<128x128xf32, #tpu.memory_space<vmem>>, vector<1x16xf32>,
        %get3A_371 = vector.shape_cast %get3A_370 : vector<1x16xf32> to vector<16xf32>
        %mul3A_372 = vector.broadcast %squeeze3A : f32 to vector<16xf32>
        %mul3A_373 = arith.mulf %get3A_371, %mul3A_372 : vector<16xf32>
        %swap3A_374 = arith.index_cast %add3A_356 : i32 to index
        %swap3A_375 = arith.constant 16 : index
        %swap3A_376 = tpu.vector_load %arg14[%swap3A_374, %swap3A_375] {strides = array<i32>} : memref<128x128xf32, #tpu.memory_space<vmem>>, vector<1x16xf32>,
        %swap3A_377 = vector.shape_cast %swap3A_376 : vector<1x16xf32> to vector<16xf32>
        %swap3A_378 = vector.shape_cast %mul3A_373 : vector<16xf32> to vector<1x16xf32>
        tpu.vector_store %arg14[%swap3A_374, %swap3A_375], %swap3A_378 {strides = array<i32>} : memref<128x128xf32, #tpu.memory_space<vmem>>, vector<1x16xf32>,
        %get3A_379 = arith.index_cast %add3A_356 : i32 to index
        %get3A_380 = arith.constant 32 : index
        %get3A_381 = tpu.vector_load %arg14[%get3A_379, %get3A_380] {strides = array<i32>} : memref<128x128xf32, #tpu.memory_space<vmem>>, vector<1x16xf32>,
        %get3A_382 = vector.shape_cast %get3A_381 : vector<1x16xf32> to vector<16xf32>
        %mul3A_383 = vector.broadcast %squeeze3A : f32 to vector<16xf32>
        %mul3A_384 = arith.mulf %get3A_382, %mul3A_383 : vector<16xf32>
        %swap3A_385 = arith.index_cast %add3A_356 : i32 to index
        %swap3A_386 = arith.constant 32 : index
        %swap3A_387 = tpu.vector_load %arg14[%swap3A_385, %swap3A_386] {strides = array<i32>} : memref<128x128xf32, #tpu.memory_space<vmem>>, vector<1x16xf32>,
        %swap3A_388 = vector.shape_cast %swap3A_387 : vector<1x16xf32> to vector<16xf32>
        %swap3A_389 = vector.shape_cast %mul3A_384 : vector<16xf32> to vector<1x16xf32>
        tpu.vector_store %arg14[%swap3A_385, %swap3A_386], %swap3A_389 {strides = array<i32>} : memref<128x128xf32, #tpu.memory_space<vmem>>, vector<1x16xf32>,
        %get3A_390 = arith.index_cast %add3A_356 : i32 to index
        %get3A_391 = arith.constant 48 : index
        %get3A_392 = tpu.vector_load %arg14[%get3A_390, %get3A_391] {strides = array<i32>} : memref<128x128xf32, #tpu.memory_space<vmem>>, vector<1x16xf32>,
        %get3A_393 = vector.shape_cast %get3A_392 : vector<1x16xf32> to vector<16xf32>
        %mul3A_394 = vector.broadcast %squeeze3A : f32 to vector<16xf32>
        %mul3A_395 = arith.mulf %get3A_393, %mul3A_394 : vector<16xf32>
        %swap3A_396 = arith.index_cast %add3A_356 : i32 to index
        %swap3A_397 = arith.constant 48 : index
        %swap3A_398 = tpu.vector_load %arg14[%swap3A_396, %swap3A_397] {strides = array<i32>} : memref<128x128xf32, #tpu.memory_space<vmem>>, vector<1x16xf32>,
        %swap3A_399 = vector.shape_cast %swap3A_398 : vector<1x16xf32> to vector<16xf32>
        %swap3A_400 = vector.shape_cast %mul3A_395 : vector<16xf32> to vector<1x16xf32>
        tpu.vector_store %arg14[%swap3A_396, %swap3A_397], %swap3A_400 {strides = array<i32>} : memref<128x128xf32, #tpu.memory_space<vmem>>, vector<1x16xf32>,
        %get3A_401 = arith.index_cast %add3A_356 : i32 to index
        %get3A_402 = arith.constant 64 : index
        %get3A_403 = tpu.vector_load %arg14[%get3A_401, %get3A_402] {strides = array<i32>} : memref<128x128xf32, #tpu.memory_space<vmem>>, vector<1x16xf32>,
        %get3A_404 = vector.shape_cast %get3A_403 : vector<1x16xf32> to vector<16xf32>
        %mul3A_405 = vector.broadcast %squeeze3A : f32 to vector<16xf32>
        %mul3A_406 = arith.mulf %get3A_404, %mul3A_405 : vector<16xf32>
        %swap3A_407 = arith.index_cast %add3A_356 : i32 to index
        %swap3A_408 = arith.constant 64 : index
        %swap3A_409 = tpu.vector_load %arg14[%swap3A_407, %swap3A_408] {strides = array<i32>} : memref<128x128xf32, #tpu.memory_space<vmem>>, vector<1x16xf32>,
        %swap3A_410 = vector.shape_cast %swap3A_409 : vector<1x16xf32> to vector<16xf32>
        %swap3A_411 = vector.shape_cast %mul3A_406 : vector<16xf32> to vector<1x16xf32>
        tpu.vector_store %arg14[%swap3A_407, %swap3A_408], %swap3A_411 {strides = array<i32>} : memref<128x128xf32, #tpu.memory_space<vmem>>, vector<1x16xf32>,
        %get3A_412 = arith.index_cast %add3A_356 : i32 to index
        %get3A_413 = arith.constant 80 : index
        %get3A_414 = tpu.vector_load %arg14[%get3A_412, %get3A_413] {strides = array<i32>} : memref<128x128xf32, #tpu.memory_space<vmem>>, vector<1x16xf32>,
        %get3A_415 = vector.shape_cast %get3A_414 : vector<1x16xf32> to vector<16xf32>
        %mul3A_416 = vector.broadcast %squeeze3A : f32 to vector<16xf32>
        %mul3A_417 = arith.mulf %get3A_415, %mul3A_416 : vector<16xf32>
        %swap3A_418 = arith.index_cast %add3A_356 : i32 to index
        %swap3A_419 = arith.constant 80 : index
        %swap3A_420 = tpu.vector_load %arg14[%swap3A_418, %swap3A_419] {strides = array<i32>} : memref<128x128xf32, #tpu.memory_space<vmem>>, vector<1x16xf32>,
        %swap3A_421 = vector.shape_cast %swap3A_420 : vector<1x16xf32> to vector<16xf32>
        %swap3A_422 = vector.shape_cast %mul3A_417 : vector<16xf32> to vector<1x16xf32>
        tpu.vector_store %arg14[%swap3A_418, %swap3A_419], %swap3A_422 {strides = array<i32>} : memref<128x128xf32, #tpu.memory_space<vmem>>, vector<1x16xf32>,
        %get3A_423 = arith.index_cast %add3A_356 : i32 to index
        %get3A_424 = arith.constant 96 : index
        %get3A_425 = tpu.vector_load %arg14[%get3A_423, %get3A_424] {strides = array<i32>} : memref<128x128xf32, #tpu.memory_space<vmem>>, vector<1x16xf32>,
        %get3A_426 = vector.shape_cast %get3A_425 : vector<1x16xf32> to vector<16xf32>
        %mul3A_427 = vector.broadcast %squeeze3A : f32 to vector<16xf32>
        %mul3A_428 = arith.mulf %get3A_426, %mul3A_427 : vector<16xf32>
        %swap3A_429 = arith.index_cast %add3A_356 : i32 to index
        %swap3A_430 = arith.constant 96 : index
        %swap3A_431 = tpu.vector_load %arg14[%swap3A_429, %swap3A_430] {strides = array<i32>} : memref<128x128xf32, #tpu.memory_space<vmem>>, vector<1x16xf32>,
        %swap3A_432 = vector.shape_cast %swap3A_431 : vector<1x16xf32> to vector<16xf32>
        %swap3A_433 = vector.shape_cast %mul3A_428 : vector<16xf32> to vector<1x16xf32>
        tpu.vector_store %arg14[%swap3A_429, %swap3A_430], %swap3A_433 {strides = array<i32>} : memref<128x128xf32, #tpu.memory_space<vmem>>, vector<1x16xf32>,
        %get3A_434 = arith.index_cast %add3A_356 : i32 to index
        %get3A_435 = arith.constant 112 : index
        %get3A_436 = tpu.vector_load %arg14[%get3A_434, %get3A_435] {strides = array<i32>} : memref<128x128xf32, #tpu.memory_space<vmem>>, vector<1x16xf32>,
        %get3A_437 = vector.shape_cast %get3A_436 : vector<1x16xf32> to vector<16xf32>
        %mul3A_438 = vector.broadcast %squeeze3A : f32 to vector<16xf32>
        %mul3A_439 = arith.mulf %get3A_437, %mul3A_438 : vector<16xf32>
        %swap3A_440 = arith.index_cast %add3A_356 : i32 to index
        %swap3A_441 = arith.constant 112 : index
        %swap3A_442 = tpu.vector_load %arg14[%swap3A_440, %swap3A_441] {strides = array<i32>} : memref<128x128xf32, #tpu.memory_space<vmem>>, vector<1x16xf32>,
        %swap3A_443 = vector.shape_cast %swap3A_442 : vector<1x16xf32> to vector<16xf32>
        %swap3A_444 = vector.shape_cast %mul3A_439 : vector<16xf32> to vector<1x16xf32>
        tpu.vector_store %arg14[%swap3A_440, %swap3A_441], %swap3A_444 {strides = array<i32>} : memref<128x128xf32, #tpu.memory_space<vmem>>, vector<1x16xf32>,
        %mul3A_445 = arith.constant 16 : i32
        %mul3A_446 = arith.muli %scan3A_345, %mul3A_445 : i32
        %add3A_447 = arith.constant 1 : i32
        %add3A_448 = arith.addi %mul3A_446, %add3A_447 : i32
        %slice3A_449 = vector.extract_strided_slice %get3A_352 {offsets = [1], sizes = [1], strides = [1]} : vector<16xf32> to vector<1xf32>
        %squeeze3A_450 = vector.extract %slice3A_449[0] : f32 from vector<1xf32>
        %get3A_451 = arith.index_cast %add3A_448 : i32 to index
        %get3A_452 = arith.constant 0 : index
        %get3A_453 = tpu.vector_load %arg14[%get3A_451, %get3A_452] {strides = array<i32>} : memref<128x128xf32, #tpu.memory_space<vmem>>, vector<1x16xf32>,
        %get3A_454 = vector.shape_cast %get3A_453 : vector<1x16xf32> to vector<16xf32>
        %mul3A_455 = vector.broadcast %squeeze3A_450 : f32 to vector<16xf32>
        %mul3A_456 = arith.mulf %get3A_454, %mul3A_455 : vector<16xf32>
        %swap3A_457 = arith.index_cast %add3A_448 : i32 to index
        %swap3A_458 = arith.constant 0 : index
        %swap3A_459 = tpu.vector_load %arg14[%swap3A_457, %swap3A_458] {strides = array<i32>} : memref<128x128xf32, #tpu.memory_space<vmem>>, vector<1x16xf32>,
        %swap3A_460 = vector.shape_cast %swap3A_459 : vector<1x16xf32> to vector<16xf32>
        %swap3A_461 = vector.shape_cast %mul3A_456 : vector<16xf32> to vector<1x16xf32>
        tpu.vector_store %arg14[%swap3A_457, %swap3A_458], %swap3A_461 {strides = array<i32>} : memref<128x128xf32, #tpu.memory_space<vmem>>, vector<1x16xf32>,
        %get3A_462 = arith.index_cast %add3A_448 : i32 to index
        %get3A_463 = arith.constant 16 : index
        %get3A_464 = tpu.vector_load %arg14[%get3A_462, %get3A_463] {strides = array<i32>} : memref<128x128xf32, #tpu.memory_space<vmem>>, vector<1x16xf32>,
        %get3A_465 = vector.shape_cast %get3A_464 : vector<1x16xf32> to vector<16xf32>
        %mul3A_466 = vector.broadcast %squeeze3A_450 : f32 to vector<16xf32>
        %mul3A_467 = arith.mulf %get3A_465, %mul3A_466 : vector<16xf32>
        %swap3A_468 = arith.index_cast %add3A_448 : i32 to index
        %swap3A_469 = arith.constant 16 : index
        %swap3A_470 = tpu.vector_load %arg14[%swap3A_468, %swap3A_469] {strides = array<i32>} : memref<128x128xf32, #tpu.memory_space<vmem>>, vector<1x16xf32>,
        %swap3A_471 = vector.shape_cast %swap3A_470 : vector<1x16xf32> to vector<16xf32>
        %swap3A_472 = vector.shape_cast %mul3A_467 : vector<16xf32> to vector<1x16xf32>
        tpu.vector_store %arg14[%swap3A_468, %swap3A_469], %swap3A_472 {strides = array<i32>} : memref<128x128xf32, #tpu.memory_space<vmem>>, vector<1x16xf32>,
        %get3A_473 = arith.index_cast %add3A_448 : i32 to index
        %get3A_474 = arith.constant 32 : index
        %get3A_475 = tpu.vector_load %arg14[%get3A_473, %get3A_474] {strides = array<i32>} : memref<128x128xf32, #tpu.memory_space<vmem>>, vector<1x16xf32>,
        %get3A_476 = vector.shape_cast %get3A_475 : vector<1x16xf32> to vector<16xf32>
        %mul3A_477 = vector.broadcast %squeeze3A_450 : f32 to vector<16xf32>
        %mul3A_478 = arith.mulf %get3A_476, %mul3A_477 : vector<16xf32>
        %swap3A_479 = arith.index_cast %add3A_448 : i32 to index
        %swap3A_480 = arith.constant 32 : index
        %swap3A_481 = tpu.vector_load %arg14[%swap3A_479, %swap3A_480] {strides = array<i32>} : memref<128x128xf32, #tpu.memory_space<vmem>>, vector<1x16xf32>,
        %swap3A_482 = vector.shape_cast %swap3A_481 : vector<1x16xf32> to vector<16xf32>
        %swap3A_483 = vector.shape_cast %mul3A_478 : vector<16xf32> to vector<1x16xf32>
        tpu.vector_store %arg14[%swap3A_479, %swap3A_480], %swap3A_483 {strides = array<i32>} : memref<128x128xf32, #tpu.memory_space<vmem>>, vector<1x16xf32>,
        %get3A_484 = arith.index_cast %add3A_448 : i32 to index
        %get3A_485 = arith.constant 48 : index
        %get3A_486 = tpu.vector_load %arg14[%get3A_484, %get3A_485] {strides = array<i32>} : memref<128x128xf32, #tpu.memory_space<vmem>>, vector<1x16xf32>,
        %get3A_487 = vector.shape_cast %get3A_486 : vector<1x16xf32> to vector<16xf32>
        %mul3A_488 = vector.broadcast %squeeze3A_450 : f32 to vector<16xf32>
        %mul3A_489 = arith.mulf %get3A_487, %mul3A_488 : vector<16xf32>
        %swap3A_490 = arith.index_cast %add3A_448 : i32 to index
        %swap3A_491 = arith.constant 48 : index
        %swap3A_492 = tpu.vector_load %arg14[%swap3A_490, %swap3A_491] {strides = array<i32>} : memref<128x128xf32, #tpu.memory_space<vmem>>, vector<1x16xf32>,
        %swap3A_493 = vector.shape_cast %swap3A_492 : vector<1x16xf32> to vector<16xf32>
        %swap3A_494 = vector.shape_cast %mul3A_489 : vector<16xf32> to vector<1x16xf32>
        tpu.vector_store %arg14[%swap3A_490, %swap3A_491], %swap3A_494 {strides = array<i32>} : memref<128x128xf32, #tpu.memory_space<vmem>>, vector<1x16xf32>,
        %get3A_495 = arith.index_cast %add3A_448 : i32 to index
        %get3A_496 = arith.constant 64 : index
        %get3A_497 = tpu.vector_load %arg14[%get3A_495, %get3A_496] {strides = array<i32>} : memref<128x128xf32, #tpu.memory_space<vmem>>, vector<1x16xf32>,
        %get3A_498 = vector.shape_cast %get3A_497 : vector<1x16xf32> to vector<16xf32>
        %mul3A_499 = vector.broadcast %squeeze3A_450 : f32 to vector<16xf32>
        %mul3A_500 = arith.mulf %get3A_498, %mul3A_499 : vector<16xf32>
        %swap3A_501 = arith.index_cast %add3A_448 : i32 to index
        %swap3A_502 = arith.constant 64 : index
        %swap3A_503 = tpu.vector_load %arg14[%swap3A_501, %swap3A_502] {strides = array<i32>} : memref<128x128xf32, #tpu.memory_space<vmem>>, vector<1x16xf32>,
        %swap3A_504 = vector.shape_cast %swap3A_503 : vector<1x16xf32> to vector<16xf32>
        %swap3A_505 = vector.shape_cast %mul3A_500 : vector<16xf32> to vector<1x16xf32>
        tpu.vector_store %arg14[%swap3A_501, %swap3A_502], %swap3A_505 {strides = array<i32>} : memref<128x128xf32, #tpu.memory_space<vmem>>, vector<1x16xf32>,
        %get3A_506 = arith.index_cast %add3A_448 : i32 to index
        %get3A_507 = arith.constant 80 : index
        %get3A_508 = tpu.vector_load %arg14[%get3A_506, %get3A_507] {strides = array<i32>} : memref<128x128xf32, #tpu.memory_space<vmem>>, vector<1x16xf32>,
        %get3A_509 = vector.shape_cast %get3A_508 : vector<1x16xf32> to vector<16xf32>
        %mul3A_510 = vector.broadcast %squeeze3A_450 : f32 to vector<16xf32>
        %mul3A_511 = arith.mulf %get3A_509, %mul3A_510 : vector<16xf32>
        %swap3A_512 = arith.index_cast %add3A_448 : i32 to index
        %swap3A_513 = arith.constant 80 : index
        %swap3A_514 = tpu.vector_load %arg14[%swap3A_512, %swap3A_513] {strides = array<i32>} : memref<128x128xf32, #tpu.memory_space<vmem>>, vector<1x16xf32>,
        %swap3A_515 = vector.shape_cast %swap3A_514 : vector<1x16xf32> to vector<16xf32>
        %swap3A_516 = vector.shape_cast %mul3A_511 : vector<16xf32> to vector<1x16xf32>
        tpu.vector_store %arg14[%swap3A_512, %swap3A_513], %swap3A_516 {strides = array<i32>} : memref<128x128xf32, #tpu.memory_space<vmem>>, vector<1x16xf32>,
        %get3A_517 = arith.index_cast %add3A_448 : i32 to index
        %get3A_518 = arith.constant 96 : index
        %get3A_519 = tpu.vector_load %arg14[%get3A_517, %get3A_518] {strides = array<i32>} : memref<128x128xf32, #tpu.memory_space<vmem>>, vector<1x16xf32>,
        %get3A_520 = vector.shape_cast %get3A_519 : vector<1x16xf32> to vector<16xf32>
        %mul3A_521 = vector.broadcast %squeeze3A_450 : f32 to vector<16xf32>
        %mul3A_522 = arith.mulf %get3A_520, %mul3A_521 : vector<16xf32>
        %swap3A_523 = arith.index_cast %add3A_448 : i32 to index
        %swap3A_524 = arith.constant 96 : index
        %swap3A_525 = tpu.vector_load %arg14[%swap3A_523, %swap3A_524] {strides = array<i32>} : memref<128x128xf32, #tpu.memory_space<vmem>>, vector<1x16xf32>,
        %swap3A_526 = vector.shape_cast %swap3A_525 : vector<1x16xf32> to vector<16xf32>
        %swap3A_527 = vector.shape_cast %mul3A_522 : vector<16xf32> to vector<1x16xf32>
        tpu.vector_store %arg14[%swap3A_523, %swap3A_524], %swap3A_527 {strides = array<i32>} : memref<128x128xf32, #tpu.memory_space<vmem>>, vector<1x16xf32>,
        %get3A_528 = arith.index_cast %add3A_448 : i32 to index
        %get3A_529 = arith.constant 112 : index
        %get3A_530 = tpu.vector_load %arg14[%get3A_528, %get3A_529] {strides = array<i32>} : memref<128x128xf32, #tpu.memory_space<vmem>>, vector<1x16xf32>,
        %get3A_531 = vector.shape_cast %get3A_530 : vector<1x16xf32> to vector<16xf32>
        %mul3A_532 = vector.broadcast %squeeze3A_450 : f32 to vector<16xf32>
        %mul3A_533 = arith.mulf %get3A_531, %mul3A_532 : vector<16xf32>
        %swap3A_534 = arith.index_cast %add3A_448 : i32 to index
        %swap3A_535 = arith.constant 112 : index
        %swap3A_536 = tpu.vector_load %arg14[%swap3A_534, %swap3A_535] {strides = array<i32>} : memref<128x128xf32, #tpu.memory_space<vmem>>, vector<1x16xf32>,
        %swap3A_537 = vector.shape_cast %swap3A_536 : vector<1x16xf32> to vector<16xf32>
        %swap3A_538 = vector.shape_cast %mul3A_533 : vector<16xf32> to vector<1x16xf32>
        tpu.vector_store %arg14[%swap3A_534, %swap3A_535], %swap3A_538 {strides = array<i32>} : memref<128x128xf32, #tpu.memory_space<vmem>>, vector<1x16xf32>,
        %mul3A_539 = arith.constant 16 : i32
        %mul3A_540 = arith.muli %scan3A_345, %mul3A_539 : i32
        %add3A_541 = arith.constant 2 : i32
        %add3A_542 = arith.addi %mul3A_540, %add3A_541 : i32
        %slice3A_543 = vector.extract_strided_slice %get3A_352 {offsets = [2], sizes = [1], strides = [1]} : vector<16xf32> to vector<1xf32>
        %squeeze3A_544 = vector.extract %slice3A_543[0] : f32 from vector<1xf32>
        %get3A_545 = arith.index_cast %add3A_542 : i32 to index
        %get3A_546 = arith.constant 0 : index
        %get3A_547 = tpu.vector_load %arg14[%get3A_545, %get3A_546] {strides = array<i32>} : memref<128x128xf32, #tpu.memory_space<vmem>>, vector<1x16xf32>,
        %get3A_548 = vector.shape_cast %get3A_547 : vector<1x16xf32> to vector<16xf32>
        %mul3A_549 = vector.broadcast %squeeze3A_544 : f32 to vector<16xf32>
        %mul3A_550 = arith.mulf %get3A_548, %mul3A_549 : vector<16xf32>
        %swap3A_551 = arith.index_cast %add3A_542 : i32 to index
        %swap3A_552 = arith.constant 0 : index
        %swap3A_553 = tpu.vector_load %arg14[%swap3A_551, %swap3A_552] {strides = array<i32>} : memref<128x128xf32, #tpu.memory_space<vmem>>, vector<1x16xf32>,
        %swap3A_554 = vector.shape_cast %swap3A_553 : vector<1x16xf32> to vector<16xf32>
        %swap3A_555 = vector.shape_cast %mul3A_550 : vector<16xf32> to vector<1x16xf32>
        tpu.vector_store %arg14[%swap3A_551, %swap3A_552], %swap3A_555 {strides = array<i32>} : memref<128x128xf32, #tpu.memory_space<vmem>>, vector<1x16xf32>,
        %get3A_556 = arith.index_cast %add3A_542 : i32 to index
        %get3A_557 = arith.constant 16 : index
        %get3A_558 = tpu.vector_load %arg14[%get3A_556, %get3A_557] {strides = array<i32>} : memref<128x128xf32, #tpu.memory_space<vmem>>, vector<1x16xf32>,
        %get3A_559 = vector.shape_cast %get3A_558 : vector<1x16xf32> to vector<16xf32>
        %mul3A_560 = vector.broadcast %squeeze3A_544 : f32 to vector<16xf32>
        %mul3A_561 = arith.mulf %get3A_559, %mul3A_560 : vector<16xf32>
        %swap3A_562 = arith.index_cast %add3A_542 : i32 to index
        %swap3A_563 = arith.constant 16 : index
        %swap3A_564 = tpu.vector_load %arg14[%swap3A_562, %swap3A_563] {strides = array<i32>} : memref<128x128xf32, #tpu.memory_space<vmem>>, vector<1x16xf32>,
        %swap3A_565 = vector.shape_cast %swap3A_564 : vector<1x16xf32> to vector<16xf32>
        %swap3A_566 = vector.shape_cast %mul3A_561 : vector<16xf32> to vector<1x16xf32>
        tpu.vector_store %arg14[%swap3A_562, %swap3A_563], %swap3A_566 {strides = array<i32>} : memref<128x128xf32, #tpu.memory_space<vmem>>, vector<1x16xf32>,
        %get3A_567 = arith.index_cast %add3A_542 : i32 to index
        %get3A_568 = arith.constant 32 : index
        %get3A_569 = tpu.vector_load %arg14[%get3A_567, %get3A_568] {strides = array<i32>} : memref<128x128xf32, #tpu.memory_space<vmem>>, vector<1x16xf32>,
        %get3A_570 = vector.shape_cast %get3A_569 : vector<1x16xf32> to vector<16xf32>
        %mul3A_571 = vector.broadcast %squeeze3A_544 : f32 to vector<16xf32>
        %mul3A_572 = arith.mulf %get3A_570, %mul3A_571 : vector<16xf32>
        %swap3A_573 = arith.index_cast %add3A_542 : i32 to index
        %swap3A_574 = arith.constant 32 : index
        %swap3A_575 = tpu.vector_load %arg14[%swap3A_573, %swap3A_574] {strides = array<i32>} : memref<128x128xf32, #tpu.memory_space<vmem>>, vector<1x16xf32>,
        %swap3A_576 = vector.shape_cast %swap3A_575 : vector<1x16xf32> to vector<16xf32>
        %swap3A_577 = vector.shape_cast %mul3A_572 : vector<16xf32> to vector<1x16xf32>
        tpu.vector_store %arg14[%swap3A_573, %swap3A_574], %swap3A_577 {strides = array<i32>} : memref<128x128xf32, #tpu.memory_space<vmem>>, vector<1x16xf32>,
        %get3A_578 = arith.index_cast %add3A_542 : i32 to index
        %get3A_579 = arith.constant 48 : index
        %get3A_580 = tpu.vector_load %arg14[%get3A_578, %get3A_579] {strides = array<i32>} : memref<128x128xf32, #tpu.memory_space<vmem>>, vector<1x16xf32>,
        %get3A_581 = vector.shape_cast %get3A_580 : vector<1x16xf32> to vector<16xf32>
        %mul3A_582 = vector.broadcast %squeeze3A_544 : f32 to vector<16xf32>
        %mul3A_583 = arith.mulf %get3A_581, %mul3A_582 : vector<16xf32>
        %swap3A_584 = arith.index_cast %add3A_542 : i32 to index
        %swap3A_585 = arith.constant 48 : index
        %swap3A_586 = tpu.vector_load %arg14[%swap3A_584, %swap3A_585] {strides = array<i32>} : memref<128x128xf32, #tpu.memory_space<vmem>>, vector<1x16xf32>,
        %swap3A_587 = vector.shape_cast %swap3A_586 : vector<1x16xf32> to vector<16xf32>
        %swap3A_588 = vector.shape_cast %mul3A_583 : vector<16xf32> to vector<1x16xf32>
        tpu.vector_store %arg14[%swap3A_584, %swap3A_585], %swap3A_588 {strides = array<i32>} : memref<128x128xf32, #tpu.memory_space<vmem>>, vector<1x16xf32>,
        %get3A_589 = arith.index_cast %add3A_542 : i32 to index
        %get3A_590 = arith.constant 64 : index
        %get3A_591 = tpu.vector_load %arg14[%get3A_589, %get3A_590] {strides = array<i32>} : memref<128x128xf32, #tpu.memory_space<vmem>>, vector<1x16xf32>,
        %get3A_592 = vector.shape_cast %get3A_591 : vector<1x16xf32> to vector<16xf32>
        %mul3A_593 = vector.broadcast %squeeze3A_544 : f32 to vector<16xf32>
        %mul3A_594 = arith.mulf %get3A_592, %mul3A_593 : vector<16xf32>
        %swap3A_595 = arith.index_cast %add3A_542 : i32 to index
        %swap3A_596 = arith.constant 64 : index
        %swap3A_597 = tpu.vector_load %arg14[%swap3A_595, %swap3A_596] {strides = array<i32>} : memref<128x128xf32, #tpu.memory_space<vmem>>, vector<1x16xf32>,
        %swap3A_598 = vector.shape_cast %swap3A_597 : vector<1x16xf32> to vector<16xf32>
        %swap3A_599 = vector.shape_cast %mul3A_594 : vector<16xf32> to vector<1x16xf32>
        tpu.vector_store %arg14[%swap3A_595, %swap3A_596], %swap3A_599 {strides = array<i32>} : memref<128x128xf32, #tpu.memory_space<vmem>>, vector<1x16xf32>,
        %get3A_600 = arith.index_cast %add3A_542 : i32 to index
        %get3A_601 = arith.constant 80 : index
        %get3A_602 = tpu.vector_load %arg14[%get3A_600, %get3A_601] {strides = array<i32>} : memref<128x128xf32, #tpu.memory_space<vmem>>, vector<1x16xf32>,
        %get3A_603 = vector.shape_cast %get3A_602 : vector<1x16xf32> to vector<16xf32>
        %mul3A_604 = vector.broadcast %squeeze3A_544 : f32 to vector<16xf32>
        %mul3A_605 = arith.mulf %get3A_603, %mul3A_604 : vector<16xf32>
        %swap3A_606 = arith.index_cast %add3A_542 : i32 to index
        %swap3A_607 = arith.constant 80 : index
        %swap3A_608 = tpu.vector_load %arg14[%swap3A_606, %swap3A_607] {strides = array<i32>} : memref<128x128xf32, #tpu.memory_space<vmem>>, vector<1x16xf32>,
        %swap3A_609 = vector.shape_cast %swap3A_608 : vector<1x16xf32> to vector<16xf32>
        %swap3A_610 = vector.shape_cast %mul3A_605 : vector<16xf32> to vector<1x16xf32>
        tpu.vector_store %arg14[%swap3A_606, %swap3A_607], %swap3A_610 {strides = array<i32>} : memref<128x128xf32, #tpu.memory_space<vmem>>, vector<1x16xf32>,
        %get3A_611 = arith.index_cast %add3A_542 : i32 to index
        %get3A_612 = arith.constant 96 : index
        %get3A_613 = tpu.vector_load %arg14[%get3A_611, %get3A_612] {strides = array<i32>} : memref<128x128xf32, #tpu.memory_space<vmem>>, vector<1x16xf32>,
        %get3A_614 = vector.shape_cast %get3A_613 : vector<1x16xf32> to vector<16xf32>
        %mul3A_615 = vector.broadcast %squeeze3A_544 : f32 to vector<16xf32>
        %mul3A_616 = arith.mulf %get3A_614, %mul3A_615 : vector<16xf32>
        %swap3A_617 = arith.index_cast %add3A_542 : i32 to index
        %swap3A_618 = arith.constant 96 : index
        %swap3A_619 = tpu.vector_load %arg14[%swap3A_617, %swap3A_618] {strides = array<i32>} : memref<128x128xf32, #tpu.memory_space<vmem>>, vector<1x16xf32>,
        %swap3A_620 = vector.shape_cast %swap3A_619 : vector<1x16xf32> to vector<16xf32>
        %swap3A_621 = vector.shape_cast %mul3A_616 : vector<16xf32> to vector<1x16xf32>
        tpu.vector_store %arg14[%swap3A_617, %swap3A_618], %swap3A_621 {strides = array<i32>} : memref<128x128xf32, #tpu.memory_space<vmem>>, vector<1x16xf32>,
        %get3A_622 = arith.index_cast %add3A_542 : i32 to index
        %get3A_623 = arith.constant 112 : index
        %get3A_624 = tpu.vector_load %arg14[%get3A_622, %get3A_623] {strides = array<i32>} : memref<128x128xf32, #tpu.memory_space<vmem>>, vector<1x16xf32>,
        %get3A_625 = vector.shape_cast %get3A_624 : vector<1x16xf32> to vector<16xf32>
        %mul3A_626 = vector.broadcast %squeeze3A_544 : f32 to vector<16xf32>
        %mul3A_627 = arith.mulf %get3A_625, %mul3A_626 : vector<16xf32>
        %swap3A_628 = arith.index_cast %add3A_542 : i32 to index
        %swap3A_629 = arith.constant 112 : index
        %swap3A_630 = tpu.vector_load %arg14[%swap3A_628, %swap3A_629] {strides = array<i32>} : memref<128x128xf32, #tpu.memory_space<vmem>>, vector<1x16xf32>,
        %swap3A_631 = vector.shape_cast %swap3A_630 : vector<1x16xf32> to vector<16xf32>
        %swap3A_632 = vector.shape_cast %mul3A_627 : vector<16xf32> to vector<1x16xf32>
        tpu.vector_store %arg14[%swap3A_628, %swap3A_629], %swap3A_632 {strides = array<i32>} : memref<128x128xf32, #tpu.memory_space<vmem>>, vector<1x16xf32>,
        %mul3A_633 = arith.constant 16 : i32
        %mul3A_634 = arith.muli %scan3A_345, %mul3A_633 : i32
        %add3A_635 = arith.constant 3 : i32
        %add3A_636 = arith.addi %mul3A_634, %add3A_635 : i32
        %slice3A_637 = vector.extract_strided_slice %get3A_352 {offsets = [3], sizes = [1], strides = [1]} : vector<16xf32> to vector<1xf32>
        %squeeze3A_638 = vector.extract %slice3A_637[0] : f32 from vector<1xf32>
        %get3A_639 = arith.index_cast %add3A_636 : i32 to index
        %get3A_640 = arith.constant 0 : index
        %get3A_641 = tpu.vector_load %arg14[%get3A_639, %get3A_640] {strides = array<i32>} : memref<128x128xf32, #tpu.memory_space<vmem>>, vector<1x16xf32>,
        %get3A_642 = vector.shape_cast %get3A_641 : vector<1x16xf32> to vector<16xf32>
        %mul3A_643 = vector.broadcast %squeeze3A_638 : f32 to vector<16xf32>
        %mul3A_644 = arith.mulf %get3A_642, %mul3A_643 : vector<16xf32>
        %swap3A_645 = arith.index_cast %add3A_636 : i32 to index
        %swap3A_646 = arith.constant 0 : index
        %swap3A_647 = tpu.vector_load %arg14[%swap3A_645, %swap3A_646] {strides = array<i32>} : memref<128x128xf32, #tpu.memory_space<vmem>>, vector<1x16xf32>,
        %swap3A_648 = vector.shape_cast %swap3A_647 : vector<1x16xf32> to vector<16xf32>
        %swap3A_649 = vector.shape_cast %mul3A_644 : vector<16xf32> to vector<1x16xf32>
        tpu.vector_store %arg14[%swap3A_645, %swap3A_646], %swap3A_649 {strides = array<i32>} : memref<128x128xf32, #tpu.memory_space<vmem>>, vector<1x16xf32>,
        %get3A_650 = arith.index_cast %add3A_636 : i32 to index
        %get3A_651 = arith.constant 16 : index
        %get3A_652 = tpu.vector_load %arg14[%get3A_650, %get3A_651] {strides = array<i32>} : memref<128x128xf32, #tpu.memory_space<vmem>>, vector<1x16xf32>,
        %get3A_653 = vector.shape_cast %get3A_652 : vector<1x16xf32> to vector<16xf32>
        %mul3A_654 = vector.broadcast %squeeze3A_638 : f32 to vector<16xf32>
        %mul3A_655 = arith.mulf %get3A_653, %mul3A_654 : vector<16xf32>
        %swap3A_656 = arith.index_cast %add3A_636 : i32 to index
        %swap3A_657 = arith.constant 16 : index
        %swap3A_658 = tpu.vector_load %arg14[%swap3A_656, %swap3A_657] {strides = array<i32>} : memref<128x128xf32, #tpu.memory_space<vmem>>, vector<1x16xf32>,
        %swap3A_659 = vector.shape_cast %swap3A_658 : vector<1x16xf32> to vector<16xf32>
        %swap3A_660 = vector.shape_cast %mul3A_655 : vector<16xf32> to vector<1x16xf32>
        tpu.vector_store %arg14[%swap3A_656, %swap3A_657], %swap3A_660 {strides = array<i32>} : memref<128x128xf32, #tpu.memory_space<vmem>>, vector<1x16xf32>,
        %get3A_661 = arith.index_cast %add3A_636 : i32 to index
        %get3A_662 = arith.constant 32 : index
        %get3A_663 = tpu.vector_load %arg14[%get3A_661, %get3A_662] {strides = array<i32>} : memref<128x128xf32, #tpu.memory_space<vmem>>, vector<1x16xf32>,
        %get3A_664 = vector.shape_cast %get3A_663 : vector<1x16xf32> to vector<16xf32>
        %mul3A_665 = vector.broadcast %squeeze3A_638 : f32 to vector<16xf32>
        %mul3A_666 = arith.mulf %get3A_664, %mul3A_665 : vector<16xf32>
        %swap3A_667 = arith.index_cast %add3A_636 : i32 to index
        %swap3A_668 = arith.constant 32 : index
        %swap3A_669 = tpu.vector_load %arg14[%swap3A_667, %swap3A_668] {strides = array<i32>} : memref<128x128xf32, #tpu.memory_space<vmem>>, vector<1x16xf32>,
        %swap3A_670 = vector.shape_cast %swap3A_669 : vector<1x16xf32> to vector<16xf32>
        %swap3A_671 = vector.shape_cast %mul3A_666 : vector<16xf32> to vector<1x16xf32>
        tpu.vector_store %arg14[%swap3A_667, %swap3A_668], %swap3A_671 {strides = array<i32>} : memref<128x128xf32, #tpu.memory_space<vmem>>, vector<1x16xf32>,
        %get3A_672 = arith.index_cast %add3A_636 : i32 to index
        %get3A_673 = arith.constant 48 : index
        %get3A_674 = tpu.vector_load %arg14[%get3A_672, %get3A_673] {strides = array<i32>} : memref<128x128xf32, #tpu.memory_space<vmem>>, vector<1x16xf32>,
        %get3A_675 = vector.shape_cast %get3A_674 : vector<1x16xf32> to vector<16xf32>
        %mul3A_676 = vector.broadcast %squeeze3A_638 : f32 to vector<16xf32>
        %mul3A_677 = arith.mulf %get3A_675, %mul3A_676 : vector<16xf32>
        %swap3A_678 = arith.index_cast %add3A_636 : i32 to index
        %swap3A_679 = arith.constant 48 : index
        %swap3A_680 = tpu.vector_load %arg14[%swap3A_678, %swap3A_679] {strides = array<i32>} : memref<128x128xf32, #tpu.memory_space<vmem>>, vector<1x16xf32>,
        %swap3A_681 = vector.shape_cast %swap3A_680 : vector<1x16xf32> to vector<16xf32>
        %swap3A_682 = vector.shape_cast %mul3A_677 : vector<16xf32> to vector<1x16xf32>
        tpu.vector_store %arg14[%swap3A_678, %swap3A_679], %swap3A_682 {strides = array<i32>} : memref<128x128xf32, #tpu.memory_space<vmem>>, vector<1x16xf32>,
        %get3A_683 = arith.index_cast %add3A_636 : i32 to index
        %get3A_684 = arith.constant 64 : index
        %get3A_685 = tpu.vector_load %arg14[%get3A_683, %get3A_684] {strides = array<i32>} : memref<128x128xf32, #tpu.memory_space<vmem>>, vector<1x16xf32>,
        %get3A_686 = vector.shape_cast %get3A_685 : vector<1x16xf32> to vector<16xf32>
        %mul3A_687 = vector.broadcast %squeeze3A_638 : f32 to vector<16xf32>
        %mul3A_688 = arith.mulf %get3A_686, %mul3A_687 : vector<16xf32>
        %swap3A_689 = arith.index_cast %add3A_636 : i32 to index
        %swap3A_690 = arith.constant 64 : index
        %swap3A_691 = tpu.vector_load %arg14[%swap3A_689, %swap3A_690] {strides = array<i32>} : memref<128x128xf32, #tpu.memory_space<vmem>>, vector<1x16xf32>,
        %swap3A_692 = vector.shape_cast %swap3A_691 : vector<1x16xf32> to vector<16xf32>
        %swap3A_693 = vector.shape_cast %mul3A_688 : vector<16xf32> to vector<1x16xf32>
        tpu.vector_store %arg14[%swap3A_689, %swap3A_690], %swap3A_693 {strides = array<i32>} : memref<128x128xf32, #tpu.memory_space<vmem>>, vector<1x16xf32>,
        %get3A_694 = arith.index_cast %add3A_636 : i32 to index
        %get3A_695 = arith.constant 80 : index
        %get3A_696 = tpu.vector_load %arg14[%get3A_694, %get3A_695] {strides = array<i32>} : memref<128x128xf32, #tpu.memory_space<vmem>>, vector<1x16xf32>,
        %get3A_697 = vector.shape_cast %get3A_696 : vector<1x16xf32> to vector<16xf32>
        %mul3A_698 = vector.broadcast %squeeze3A_638 : f32 to vector<16xf32>
        %mul3A_699 = arith.mulf %get3A_697, %mul3A_698 : vector<16xf32>
        %swap3A_700 = arith.index_cast %add3A_636 : i32 to index
        %swap3A_701 = arith.constant 80 : index
        %swap3A_702 = tpu.vector_load %arg14[%swap3A_700, %swap3A_701] {strides = array<i32>} : memref<128x128xf32, #tpu.memory_space<vmem>>, vector<1x16xf32>,
        %swap3A_703 = vector.shape_cast %swap3A_702 : vector<1x16xf32> to vector<16xf32>
        %swap3A_704 = vector.shape_cast %mul3A_699 : vector<16xf32> to vector<1x16xf32>
        tpu.vector_store %arg14[%swap3A_700, %swap3A_701], %swap3A_704 {strides = array<i32>} : memref<128x128xf32, #tpu.memory_space<vmem>>, vector<1x16xf32>,
        %get3A_705 = arith.index_cast %add3A_636 : i32 to index
        %get3A_706 = arith.constant 96 : index
        %get3A_707 = tpu.vector_load %arg14[%get3A_705, %get3A_706] {strides = array<i32>} : memref<128x128xf32, #tpu.memory_space<vmem>>, vector<1x16xf32>,
        %get3A_708 = vector.shape_cast %get3A_707 : vector<1x16xf32> to vector<16xf32>
        %mul3A_709 = vector.broadcast %squeeze3A_638 : f32 to vector<16xf32>
        %mul3A_710 = arith.mulf %get3A_708, %mul3A_709 : vector<16xf32>
        %swap3A_711 = arith.index_cast %add3A_636 : i32 to index
        %swap3A_712 = arith.constant 96 : index
        %swap3A_713 = tpu.vector_load %arg14[%swap3A_711, %swap3A_712] {strides = array<i32>} : memref<128x128xf32, #tpu.memory_space<vmem>>, vector<1x16xf32>,
        %swap3A_714 = vector.shape_cast %swap3A_713 : vector<1x16xf32> to vector<16xf32>
        %swap3A_715 = vector.shape_cast %mul3A_710 : vector<16xf32> to vector<1x16xf32>
        tpu.vector_store %arg14[%swap3A_711, %swap3A_712], %swap3A_715 {strides = array<i32>} : memref<128x128xf32, #tpu.memory_space<vmem>>, vector<1x16xf32>,
        %get3A_716 = arith.index_cast %add3A_636 : i32 to index
        %get3A_717 = arith.constant 112 : index
        %get3A_718 = tpu.vector_load %arg14[%get3A_716, %get3A_717] {strides = array<i32>} : memref<128x128xf32, #tpu.memory_space<vmem>>, vector<1x16xf32>,
        %get3A_719 = vector.shape_cast %get3A_718 : vector<1x16xf32> to vector<16xf32>
        %mul3A_720 = vector.broadcast %squeeze3A_638 : f32 to vector<16xf32>
        %mul3A_721 = arith.mulf %get3A_719, %mul3A_720 : vector<16xf32>
        %swap3A_722 = arith.index_cast %add3A_636 : i32 to index
        %swap3A_723 = arith.constant 112 : index
        %swap3A_724 = tpu.vector_load %arg14[%swap3A_722, %swap3A_723] {strides = array<i32>} : memref<128x128xf32, #tpu.memory_space<vmem>>, vector<1x16xf32>,
        %swap3A_725 = vector.shape_cast %swap3A_724 : vector<1x16xf32> to vector<16xf32>
        %swap3A_726 = vector.shape_cast %mul3A_721 : vector<16xf32> to vector<1x16xf32>
        tpu.vector_store %arg14[%swap3A_722, %swap3A_723], %swap3A_726 {strides = array<i32>} : memref<128x128xf32, #tpu.memory_space<vmem>>, vector<1x16xf32>,
        %mul3A_727 = arith.constant 16 : i32
        %mul3A_728 = arith.muli %scan3A_345, %mul3A_727 : i32
        %add3A_729 = arith.constant 4 : i32
        %add3A_730 = arith.addi %mul3A_728, %add3A_729 : i32
        %slice3A_731 = vector.extract_strided_slice %get3A_352 {offsets = [4], sizes = [1], strides = [1]} : vector<16xf32> to vector<1xf32>
        %squeeze3A_732 = vector.extract %slice3A_731[0] : f32 from vector<1xf32>
        %get3A_733 = arith.index_cast %add3A_730 : i32 to index
        %get3A_734 = arith.constant 0 : index
        %get3A_735 = tpu.vector_load %arg14[%get3A_733, %get3A_734] {strides = array<i32>} : memref<128x128xf32, #tpu.memory_space<vmem>>, vector<1x16xf32>,
        %get3A_736 = vector.shape_cast %get3A_735 : vector<1x16xf32> to vector<16xf32>
        %mul3A_737 = vector.broadcast %squeeze3A_732 : f32 to vector<16xf32>
        %mul3A_738 = arith.mulf %get3A_736, %mul3A_737 : vector<16xf32>
        %swap3A_739 = arith.index_cast %add3A_730 : i32 to index
        %swap3A_740 = arith.constant 0 : index
        %swap3A_741 = tpu.vector_load %arg14[%swap3A_739, %swap3A_740] {strides = array<i32>} : memref<128x128xf32, #tpu.memory_space<vmem>>, vector<1x16xf32>,
        %swap3A_742 = vector.shape_cast %swap3A_741 : vector<1x16xf32> to vector<16xf32>
        %swap3A_743 = vector.shape_cast %mul3A_738 : vector<16xf32> to vector<1x16xf32>
        tpu.vector_store %arg14[%swap3A_739, %swap3A_740], %swap3A_743 {strides = array<i32>} : memref<128x128xf32, #tpu.memory_space<vmem>>, vector<1x16xf32>,
        %get3A_744 = arith.index_cast %add3A_730 : i32 to index
        %get3A_745 = arith.constant 16 : index
        %get3A_746 = tpu.vector_load %arg14[%get3A_744, %get3A_745] {strides = array<i32>} : memref<128x128xf32, #tpu.memory_space<vmem>>, vector<1x16xf32>,
        %get3A_747 = vector.shape_cast %get3A_746 : vector<1x16xf32> to vector<16xf32>
        %mul3A_748 = vector.broadcast %squeeze3A_732 : f32 to vector<16xf32>
        %mul3A_749 = arith.mulf %get3A_747, %mul3A_748 : vector<16xf32>
        %swap3A_750 = arith.index_cast %add3A_730 : i32 to index
        %swap3A_751 = arith.constant 16 : index
        %swap3A_752 = tpu.vector_load %arg14[%swap3A_750, %swap3A_751] {strides = array<i32>} : memref<128x128xf32, #tpu.memory_space<vmem>>, vector<1x16xf32>,
        %swap3A_753 = vector.shape_cast %swap3A_752 : vector<1x16xf32> to vector<16xf32>
        %swap3A_754 = vector.shape_cast %mul3A_749 : vector<16xf32> to vector<1x16xf32>
        tpu.vector_store %arg14[%swap3A_750, %swap3A_751], %swap3A_754 {strides = array<i32>} : memref<128x128xf32, #tpu.memory_space<vmem>>, vector<1x16xf32>,
        %get3A_755 = arith.index_cast %add3A_730 : i32 to index
        %get3A_756 = arith.constant 32 : index
        %get3A_757 = tpu.vector_load %arg14[%get3A_755, %get3A_756] {strides = array<i32>} : memref<128x128xf32, #tpu.memory_space<vmem>>, vector<1x16xf32>,
        %get3A_758 = vector.shape_cast %get3A_757 : vector<1x16xf32> to vector<16xf32>
        %mul3A_759 = vector.broadcast %squeeze3A_732 : f32 to vector<16xf32>
        %mul3A_760 = arith.mulf %get3A_758, %mul3A_759 : vector<16xf32>
        %swap3A_761 = arith.index_cast %add3A_730 : i32 to index
        %swap3A_762 = arith.constant 32 : index
        %swap3A_763 = tpu.vector_load %arg14[%swap3A_761, %swap3A_762] {strides = array<i32>} : memref<128x128xf32, #tpu.memory_space<vmem>>, vector<1x16xf32>,
        %swap3A_764 = vector.shape_cast %swap3A_763 : vector<1x16xf32> to vector<16xf32>
        %swap3A_765 = vector.shape_cast %mul3A_760 : vector<16xf32> to vector<1x16xf32>
        tpu.vector_store %arg14[%swap3A_761, %swap3A_762], %swap3A_765 {strides = array<i32>} : memref<128x128xf32, #tpu.memory_space<vmem>>, vector<1x16xf32>,
        %get3A_766 = arith.index_cast %add3A_730 : i32 to index
        %get3A_767 = arith.constant 48 : index
        %get3A_768 = tpu.vector_load %arg14[%get3A_766, %get3A_767] {strides = array<i32>} : memref<128x128xf32, #tpu.memory_space<vmem>>, vector<1x16xf32>,
        %get3A_769 = vector.shape_cast %get3A_768 : vector<1x16xf32> to vector<16xf32>
        %mul3A_770 = vector.broadcast %squeeze3A_732 : f32 to vector<16xf32>
        %mul3A_771 = arith.mulf %get3A_769, %mul3A_770 : vector<16xf32>
        %swap3A_772 = arith.index_cast %add3A_730 : i32 to index
        %swap3A_773 = arith.constant 48 : index
        %swap3A_774 = tpu.vector_load %arg14[%swap3A_772, %swap3A_773] {strides = array<i32>} : memref<128x128xf32, #tpu.memory_space<vmem>>, vector<1x16xf32>,
        %swap3A_775 = vector.shape_cast %swap3A_774 : vector<1x16xf32> to vector<16xf32>
        %swap3A_776 = vector.shape_cast %mul3A_771 : vector<16xf32> to vector<1x16xf32>
        tpu.vector_store %arg14[%swap3A_772, %swap3A_773], %swap3A_776 {strides = array<i32>} : memref<128x128xf32, #tpu.memory_space<vmem>>, vector<1x16xf32>,
        %get3A_777 = arith.index_cast %add3A_730 : i32 to index
        %get3A_778 = arith.constant 64 : index
        %get3A_779 = tpu.vector_load %arg14[%get3A_777, %get3A_778] {strides = array<i32>} : memref<128x128xf32, #tpu.memory_space<vmem>>, vector<1x16xf32>,
        %get3A_780 = vector.shape_cast %get3A_779 : vector<1x16xf32> to vector<16xf32>
        %mul3A_781 = vector.broadcast %squeeze3A_732 : f32 to vector<16xf32>
        %mul3A_782 = arith.mulf %get3A_780, %mul3A_781 : vector<16xf32>
        %swap3A_783 = arith.index_cast %add3A_730 : i32 to index
        %swap3A_784 = arith.constant 64 : index
        %swap3A_785 = tpu.vector_load %arg14[%swap3A_783, %swap3A_784] {strides = array<i32>} : memref<128x128xf32, #tpu.memory_space<vmem>>, vector<1x16xf32>,
        %swap3A_786 = vector.shape_cast %swap3A_785 : vector<1x16xf32> to vector<16xf32>
        %swap3A_787 = vector.shape_cast %mul3A_782 : vector<16xf32> to vector<1x16xf32>
        tpu.vector_store %arg14[%swap3A_783, %swap3A_784], %swap3A_787 {strides = array<i32>} : memref<128x128xf32, #tpu.memory_space<vmem>>, vector<1x16xf32>,
        %get3A_788 = arith.index_cast %add3A_730 : i32 to index
        %get3A_789 = arith.constant 80 : index
        %get3A_790 = tpu.vector_load %arg14[%get3A_788, %get3A_789] {strides = array<i32>} : memref<128x128xf32, #tpu.memory_space<vmem>>, vector<1x16xf32>,
        %get3A_791 = vector.shape_cast %get3A_790 : vector<1x16xf32> to vector<16xf32>
        %mul3A_792 = vector.broadcast %squeeze3A_732 : f32 to vector<16xf32>
        %mul3A_793 = arith.mulf %get3A_791, %mul3A_792 : vector<16xf32>
        %swap3A_794 = arith.index_cast %add3A_730 : i32 to index
        %swap3A_795 = arith.constant 80 : index
        %swap3A_796 = tpu.vector_load %arg14[%swap3A_794, %swap3A_795] {strides = array<i32>} : memref<128x128xf32, #tpu.memory_space<vmem>>, vector<1x16xf32>,
        %swap3A_797 = vector.shape_cast %swap3A_796 : vector<1x16xf32> to vector<16xf32>
        %swap3A_798 = vector.shape_cast %mul3A_793 : vector<16xf32> to vector<1x16xf32>
        tpu.vector_store %arg14[%swap3A_794, %swap3A_795], %swap3A_798 {strides = array<i32>} : memref<128x128xf32, #tpu.memory_space<vmem>>, vector<1x16xf32>,
        %get3A_799 = arith.index_cast %add3A_730 : i32 to index
        %get3A_800 = arith.constant 96 : index
        %get3A_801 = tpu.vector_load %arg14[%get3A_799, %get3A_800] {strides = array<i32>} : memref<128x128xf32, #tpu.memory_space<vmem>>, vector<1x16xf32>,
        %get3A_802 = vector.shape_cast %get3A_801 : vector<1x16xf32> to vector<16xf32>
        %mul3A_803 = vector.broadcast %squeeze3A_732 : f32 to vector<16xf32>
        %mul3A_804 = arith.mulf %get3A_802, %mul3A_803 : vector<16xf32>
        %swap3A_805 = arith.index_cast %add3A_730 : i32 to index
        %swap3A_806 = arith.constant 96 : index
        %swap3A_807 = tpu.vector_load %arg14[%swap3A_805, %swap3A_806] {strides = array<i32>} : memref<128x128xf32, #tpu.memory_space<vmem>>, vector<1x16xf32>,
        %swap3A_808 = vector.shape_cast %swap3A_807 : vector<1x16xf32> to vector<16xf32>
        %swap3A_809 = vector.shape_cast %mul3A_804 : vector<16xf32> to vector<1x16xf32>
        tpu.vector_store %arg14[%swap3A_805, %swap3A_806], %swap3A_809 {strides = array<i32>} : memref<128x128xf32, #tpu.memory_space<vmem>>, vector<1x16xf32>,
        %get3A_810 = arith.index_cast %add3A_730 : i32 to index
        %get3A_811 = arith.constant 112 : index
        %get3A_812 = tpu.vector_load %arg14[%get3A_810, %get3A_811] {strides = array<i32>} : memref<128x128xf32, #tpu.memory_space<vmem>>, vector<1x16xf32>,
        %get3A_813 = vector.shape_cast %get3A_812 : vector<1x16xf32> to vector<16xf32>
        %mul3A_814 = vector.broadcast %squeeze3A_732 : f32 to vector<16xf32>
        %mul3A_815 = arith.mulf %get3A_813, %mul3A_814 : vector<16xf32>
        %swap3A_816 = arith.index_cast %add3A_730 : i32 to index
        %swap3A_817 = arith.constant 112 : index
        %swap3A_818 = tpu.vector_load %arg14[%swap3A_816, %swap3A_817] {strides = array<i32>} : memref<128x128xf32, #tpu.memory_space<vmem>>, vector<1x16xf32>,
        %swap3A_819 = vector.shape_cast %swap3A_818 : vector<1x16xf32> to vector<16xf32>
        %swap3A_820 = vector.shape_cast %mul3A_815 : vector<16xf32> to vector<1x16xf32>
        tpu.vector_store %arg14[%swap3A_816, %swap3A_817], %swap3A_820 {strides = array<i32>} : memref<128x128xf32, #tpu.memory_space<vmem>>, vector<1x16xf32>,
        %mul3A_821 = arith.constant 16 : i32
        %mul3A_822 = arith.muli %scan3A_345, %mul3A_821 : i32
        %add3A_823 = arith.constant 5 : i32
        %add3A_824 = arith.addi %mul3A_822, %add3A_823 : i32
        %slice3A_825 = vector.extract_strided_slice %get3A_352 {offsets = [5], sizes = [1], strides = [1]} : vector<16xf32> to vector<1xf32>
        %squeeze3A_826 = vector.extract %slice3A_825[0] : f32 from vector<1xf32>
        %get3A_827 = arith.index_cast %add3A_824 : i32 to index
        %get3A_828 = arith.constant 0 : index
        %get3A_829 = tpu.vector_load %arg14[%get3A_827, %get3A_828] {strides = array<i32>} : memref<128x128xf32, #tpu.memory_space<vmem>>, vector<1x16xf32>,
        %get3A_830 = vector.shape_cast %get3A_829 : vector<1x16xf32> to vector<16xf32>
        %mul3A_831 = vector.broadcast %squeeze3A_826 : f32 to vector<16xf32>
        %mul3A_832 = arith.mulf %get3A_830, %mul3A_831 : vector<16xf32>
        %swap3A_833 = arith.index_cast %add3A_824 : i32 to index
        %swap3A_834 = arith.constant 0 : index
        %swap3A_835 = tpu.vector_load %arg14[%swap3A_833, %swap3A_834] {strides = array<i32>} : memref<128x128xf32, #tpu.memory_space<vmem>>, vector<1x16xf32>,
        %swap3A_836 = vector.shape_cast %swap3A_835 : vector<1x16xf32> to vector<16xf32>
        %swap3A_837 = vector.shape_cast %mul3A_832 : vector<16xf32> to vector<1x16xf32>
        tpu.vector_store %arg14[%swap3A_833, %swap3A_834], %swap3A_837 {strides = array<i32>} : memref<128x128xf32, #tpu.memory_space<vmem>>, vector<1x16xf32>,
        %get3A_838 = arith.index_cast %add3A_824 : i32 to index
        %get3A_839 = arith.constant 16 : index
        %get3A_840 = tpu.vector_load %arg14[%get3A_838, %get3A_839] {strides = array<i32>} : memref<128x128xf32, #tpu.memory_space<vmem>>, vector<1x16xf32>,
        %get3A_841 = vector.shape_cast %get3A_840 : vector<1x16xf32> to vector<16xf32>
        %mul3A_842 = vector.broadcast %squeeze3A_826 : f32 to vector<16xf32>
        %mul3A_843 = arith.mulf %get3A_841, %mul3A_842 : vector<16xf32>
        %swap3A_844 = arith.index_cast %add3A_824 : i32 to index
        %swap3A_845 = arith.constant 16 : index
        %swap3A_846 = tpu.vector_load %arg14[%swap3A_844, %swap3A_845] {strides = array<i32>} : memref<128x128xf32, #tpu.memory_space<vmem>>, vector<1x16xf32>,
        %swap3A_847 = vector.shape_cast %swap3A_846 : vector<1x16xf32> to vector<16xf32>
        %swap3A_848 = vector.shape_cast %mul3A_843 : vector<16xf32> to vector<1x16xf32>
        tpu.vector_store %arg14[%swap3A_844, %swap3A_845], %swap3A_848 {strides = array<i32>} : memref<128x128xf32, #tpu.memory_space<vmem>>, vector<1x16xf32>,
        %get3A_849 = arith.index_cast %add3A_824 : i32 to index
        %get3A_850 = arith.constant 32 : index
        %get3A_851 = tpu.vector_load %arg14[%get3A_849, %get3A_850] {strides = array<i32>} : memref<128x128xf32, #tpu.memory_space<vmem>>, vector<1x16xf32>,
        %get3A_852 = vector.shape_cast %get3A_851 : vector<1x16xf32> to vector<16xf32>
        %mul3A_853 = vector.broadcast %squeeze3A_826 : f32 to vector<16xf32>
        %mul3A_854 = arith.mulf %get3A_852, %mul3A_853 : vector<16xf32>
        %swap3A_855 = arith.index_cast %add3A_824 : i32 to index
        %swap3A_856 = arith.constant 32 : index
        %swap3A_857 = tpu.vector_load %arg14[%swap3A_855, %swap3A_856] {strides = array<i32>} : memref<128x128xf32, #tpu.memory_space<vmem>>, vector<1x16xf32>,
        %swap3A_858 = vector.shape_cast %swap3A_857 : vector<1x16xf32> to vector<16xf32>
        %swap3A_859 = vector.shape_cast %mul3A_854 : vector<16xf32> to vector<1x16xf32>
        tpu.vector_store %arg14[%swap3A_855, %swap3A_856], %swap3A_859 {strides = array<i32>} : memref<128x128xf32, #tpu.memory_space<vmem>>, vector<1x16xf32>,
        %get3A_860 = arith.index_cast %add3A_824 : i32 to index
        %get3A_861 = arith.constant 48 : index
        %get3A_862 = tpu.vector_load %arg14[%get3A_860, %get3A_861] {strides = array<i32>} : memref<128x128xf32, #tpu.memory_space<vmem>>, vector<1x16xf32>,
        %get3A_863 = vector.shape_cast %get3A_862 : vector<1x16xf32> to vector<16xf32>
        %mul3A_864 = vector.broadcast %squeeze3A_826 : f32 to vector<16xf32>
        %mul3A_865 = arith.mulf %get3A_863, %mul3A_864 : vector<16xf32>
        %swap3A_866 = arith.index_cast %add3A_824 : i32 to index
        %swap3A_867 = arith.constant 48 : index
        %swap3A_868 = tpu.vector_load %arg14[%swap3A_866, %swap3A_867] {strides = array<i32>} : memref<128x128xf32, #tpu.memory_space<vmem>>, vector<1x16xf32>,
        %swap3A_869 = vector.shape_cast %swap3A_868 : vector<1x16xf32> to vector<16xf32>
        %swap3A_870 = vector.shape_cast %mul3A_865 : vector<16xf32> to vector<1x16xf32>
        tpu.vector_store %arg14[%swap3A_866, %swap3A_867], %swap3A_870 {strides = array<i32>} : memref<128x128xf32, #tpu.memory_space<vmem>>, vector<1x16xf32>,
        %get3A_871 = arith.index_cast %add3A_824 : i32 to index
        %get3A_872 = arith.constant 64 : index
        %get3A_873 = tpu.vector_load %arg14[%get3A_871, %get3A_872] {strides = array<i32>} : memref<128x128xf32, #tpu.memory_space<vmem>>, vector<1x16xf32>,
        %get3A_874 = vector.shape_cast %get3A_873 : vector<1x16xf32> to vector<16xf32>
        %mul3A_875 = vector.broadcast %squeeze3A_826 : f32 to vector<16xf32>
        %mul3A_876 = arith.mulf %get3A_874, %mul3A_875 : vector<16xf32>
        %swap3A_877 = arith.index_cast %add3A_824 : i32 to index
        %swap3A_878 = arith.constant 64 : index
        %swap3A_879 = tpu.vector_load %arg14[%swap3A_877, %swap3A_878] {strides = array<i32>} : memref<128x128xf32, #tpu.memory_space<vmem>>, vector<1x16xf32>,
        %swap3A_880 = vector.shape_cast %swap3A_879 : vector<1x16xf32> to vector<16xf32>
        %swap3A_881 = vector.shape_cast %mul3A_876 : vector<16xf32> to vector<1x16xf32>
        tpu.vector_store %arg14[%swap3A_877, %swap3A_878], %swap3A_881 {strides = array<i32>} : memref<128x128xf32, #tpu.memory_space<vmem>>, vector<1x16xf32>,
        %get3A_882 = arith.index_cast %add3A_824 : i32 to index
        %get3A_883 = arith.constant 80 : index
        %get3A_884 = tpu.vector_load %arg14[%get3A_882, %get3A_883] {strides = array<i32>} : memref<128x128xf32, #tpu.memory_space<vmem>>, vector<1x16xf32>,
        %get3A_885 = vector.shape_cast %get3A_884 : vector<1x16xf32> to vector<16xf32>
        %mul3A_886 = vector.broadcast %squeeze3A_826 : f32 to vector<16xf32>
        %mul3A_887 = arith.mulf %get3A_885, %mul3A_886 : vector<16xf32>
        %swap3A_888 = arith.index_cast %add3A_824 : i32 to index
        %swap3A_889 = arith.constant 80 : index
        %swap3A_890 = tpu.vector_load %arg14[%swap3A_888, %swap3A_889] {strides = array<i32>} : memref<128x128xf32, #tpu.memory_space<vmem>>, vector<1x16xf32>,
        %swap3A_891 = vector.shape_cast %swap3A_890 : vector<1x16xf32> to vector<16xf32>
        %swap3A_892 = vector.shape_cast %mul3A_887 : vector<16xf32> to vector<1x16xf32>
        tpu.vector_store %arg14[%swap3A_888, %swap3A_889], %swap3A_892 {strides = array<i32>} : memref<128x128xf32, #tpu.memory_space<vmem>>, vector<1x16xf32>,
        %get3A_893 = arith.index_cast %add3A_824 : i32 to index
        %get3A_894 = arith.constant 96 : index
        %get3A_895 = tpu.vector_load %arg14[%get3A_893, %get3A_894] {strides = array<i32>} : memref<128x128xf32, #tpu.memory_space<vmem>>, vector<1x16xf32>,
        %get3A_896 = vector.shape_cast %get3A_895 : vector<1x16xf32> to vector<16xf32>
        %mul3A_897 = vector.broadcast %squeeze3A_826 : f32 to vector<16xf32>
        %mul3A_898 = arith.mulf %get3A_896, %mul3A_897 : vector<16xf32>
        %swap3A_899 = arith.index_cast %add3A_824 : i32 to index
        %swap3A_900 = arith.constant 96 : index
        %swap3A_901 = tpu.vector_load %arg14[%swap3A_899, %swap3A_900] {strides = array<i32>} : memref<128x128xf32, #tpu.memory_space<vmem>>, vector<1x16xf32>,
        %swap3A_902 = vector.shape_cast %swap3A_901 : vector<1x16xf32> to vector<16xf32>
        %swap3A_903 = vector.shape_cast %mul3A_898 : vector<16xf32> to vector<1x16xf32>
        tpu.vector_store %arg14[%swap3A_899, %swap3A_900], %swap3A_903 {strides = array<i32>} : memref<128x128xf32, #tpu.memory_space<vmem>>, vector<1x16xf32>,
        %get3A_904 = arith.index_cast %add3A_824 : i32 to index
        %get3A_905 = arith.constant 112 : index
        %get3A_906 = tpu.vector_load %arg14[%get3A_904, %get3A_905] {strides = array<i32>} : memref<128x128xf32, #tpu.memory_space<vmem>>, vector<1x16xf32>,
        %get3A_907 = vector.shape_cast %get3A_906 : vector<1x16xf32> to vector<16xf32>
        %mul3A_908 = vector.broadcast %squeeze3A_826 : f32 to vector<16xf32>
        %mul3A_909 = arith.mulf %get3A_907, %mul3A_908 : vector<16xf32>
        %swap3A_910 = arith.index_cast %add3A_824 : i32 to index
        %swap3A_911 = arith.constant 112 : index
        %swap3A_912 = tpu.vector_load %arg14[%swap3A_910, %swap3A_911] {strides = array<i32>} : memref<128x128xf32, #tpu.memory_space<vmem>>, vector<1x16xf32>,
        %swap3A_913 = vector.shape_cast %swap3A_912 : vector<1x16xf32> to vector<16xf32>
        %swap3A_914 = vector.shape_cast %mul3A_909 : vector<16xf32> to vector<1x16xf32>
        tpu.vector_store %arg14[%swap3A_910, %swap3A_911], %swap3A_914 {strides = array<i32>} : memref<128x128xf32, #tpu.memory_space<vmem>>, vector<1x16xf32>,
        %mul3A_915 = arith.constant 16 : i32
        %mul3A_916 = arith.muli %scan3A_345, %mul3A_915 : i32
        %add3A_917 = arith.constant 6 : i32
        %add3A_918 = arith.addi %mul3A_916, %add3A_917 : i32
        %slice3A_919 = vector.extract_strided_slice %get3A_352 {offsets = [6], sizes = [1], strides = [1]} : vector<16xf32> to vector<1xf32>
        %squeeze3A_920 = vector.extract %slice3A_919[0] : f32 from vector<1xf32>
        %get3A_921 = arith.index_cast %add3A_918 : i32 to index
        %get3A_922 = arith.constant 0 : index
        %get3A_923 = tpu.vector_load %arg14[%get3A_921, %get3A_922] {strides = array<i32>} : memref<128x128xf32, #tpu.memory_space<vmem>>, vector<1x16xf32>,
        %get3A_924 = vector.shape_cast %get3A_923 : vector<1x16xf32> to vector<16xf32>
        %mul3A_925 = vector.broadcast %squeeze3A_920 : f32 to vector<16xf32>
        %mul3A_926 = arith.mulf %get3A_924, %mul3A_925 : vector<16xf32>
        %swap3A_927 = arith.index_cast %add3A_918 : i32 to index
        %swap3A_928 = arith.constant 0 : index
        %swap3A_929 = tpu.vector_load %arg14[%swap3A_927, %swap3A_928] {strides = array<i32>} : memref<128x128xf32, #tpu.memory_space<vmem>>, vector<1x16xf32>,
        %swap3A_930 = vector.shape_cast %swap3A_929 : vector<1x16xf32> to vector<16xf32>
        %swap3A_931 = vector.shape_cast %mul3A_926 : vector<16xf32> to vector<1x16xf32>
        tpu.vector_store %arg14[%swap3A_927, %swap3A_928], %swap3A_931 {strides = array<i32>} : memref<128x128xf32, #tpu.memory_space<vmem>>, vector<1x16xf32>,
        %get3A_932 = arith.index_cast %add3A_918 : i32 to index
        %get3A_933 = arith.constant 16 : index
        %get3A_934 = tpu.vector_load %arg14[%get3A_932, %get3A_933] {strides = array<i32>} : memref<128x128xf32, #tpu.memory_space<vmem>>, vector<1x16xf32>,
        %get3A_935 = vector.shape_cast %get3A_934 : vector<1x16xf32> to vector<16xf32>
        %mul3A_936 = vector.broadcast %squeeze3A_920 : f32 to vector<16xf32>
        %mul3A_937 = arith.mulf %get3A_935, %mul3A_936 : vector<16xf32>
        %swap3A_938 = arith.index_cast %add3A_918 : i32 to index
        %swap3A_939 = arith.constant 16 : index
        %swap3A_940 = tpu.vector_load %arg14[%swap3A_938, %swap3A_939] {strides = array<i32>} : memref<128x128xf32, #tpu.memory_space<vmem>>, vector<1x16xf32>,
        %swap3A_941 = vector.shape_cast %swap3A_940 : vector<1x16xf32> to vector<16xf32>
        %swap3A_942 = vector.shape_cast %mul3A_937 : vector<16xf32> to vector<1x16xf32>
        tpu.vector_store %arg14[%swap3A_938, %swap3A_939], %swap3A_942 {strides = array<i32>} : memref<128x128xf32, #tpu.memory_space<vmem>>, vector<1x16xf32>,
        %get3A_943 = arith.index_cast %add3A_918 : i32 to index
        %get3A_944 = arith.constant 32 : index
        %get3A_945 = tpu.vector_load %arg14[%get3A_943, %get3A_944] {strides = array<i32>} : memref<128x128xf32, #tpu.memory_space<vmem>>, vector<1x16xf32>,
        %get3A_946 = vector.shape_cast %get3A_945 : vector<1x16xf32> to vector<16xf32>
        %mul3A_947 = vector.broadcast %squeeze3A_920 : f32 to vector<16xf32>
        %mul3A_948 = arith.mulf %get3A_946, %mul3A_947 : vector<16xf32>
        %swap3A_949 = arith.index_cast %add3A_918 : i32 to index
        %swap3A_950 = arith.constant 32 : index
        %swap3A_951 = tpu.vector_load %arg14[%swap3A_949, %swap3A_950] {strides = array<i32>} : memref<128x128xf32, #tpu.memory_space<vmem>>, vector<1x16xf32>,
        %swap3A_952 = vector.shape_cast %swap3A_951 : vector<1x16xf32> to vector<16xf32>
        %swap3A_953 = vector.shape_cast %mul3A_948 : vector<16xf32> to vector<1x16xf32>
        tpu.vector_store %arg14[%swap3A_949, %swap3A_950], %swap3A_953 {strides = array<i32>} : memref<128x128xf32, #tpu.memory_space<vmem>>, vector<1x16xf32>,
        %get3A_954 = arith.index_cast %add3A_918 : i32 to index
        %get3A_955 = arith.constant 48 : index
        %get3A_956 = tpu.vector_load %arg14[%get3A_954, %get3A_955] {strides = array<i32>} : memref<128x128xf32, #tpu.memory_space<vmem>>, vector<1x16xf32>,
        %get3A_957 = vector.shape_cast %get3A_956 : vector<1x16xf32> to vector<16xf32>
        %mul3A_958 = vector.broadcast %squeeze3A_920 : f32 to vector<16xf32>
        %mul3A_959 = arith.mulf %get3A_957, %mul3A_958 : vector<16xf32>
        %swap3A_960 = arith.index_cast %add3A_918 : i32 to index
        %swap3A_961 = arith.constant 48 : index
        %swap3A_962 = tpu.vector_load %arg14[%swap3A_960, %swap3A_961] {strides = array<i32>} : memref<128x128xf32, #tpu.memory_space<vmem>>, vector<1x16xf32>,
        %swap3A_963 = vector.shape_cast %swap3A_962 : vector<1x16xf32> to vector<16xf32>
        %swap3A_964 = vector.shape_cast %mul3A_959 : vector<16xf32> to vector<1x16xf32>
        tpu.vector_store %arg14[%swap3A_960, %swap3A_961], %swap3A_964 {strides = array<i32>} : memref<128x128xf32, #tpu.memory_space<vmem>>, vector<1x16xf32>,
        %get3A_965 = arith.index_cast %add3A_918 : i32 to index
        %get3A_966 = arith.constant 64 : index
        %get3A_967 = tpu.vector_load %arg14[%get3A_965, %get3A_966] {strides = array<i32>} : memref<128x128xf32, #tpu.memory_space<vmem>>, vector<1x16xf32>,
        %get3A_968 = vector.shape_cast %get3A_967 : vector<1x16xf32> to vector<16xf32>
        %mul3A_969 = vector.broadcast %squeeze3A_920 : f32 to vector<16xf32>
        %mul3A_970 = arith.mulf %get3A_968, %mul3A_969 : vector<16xf32>
        %swap3A_971 = arith.index_cast %add3A_918 : i32 to index
        %swap3A_972 = arith.constant 64 : index
        %swap3A_973 = tpu.vector_load %arg14[%swap3A_971, %swap3A_972] {strides = array<i32>} : memref<128x128xf32, #tpu.memory_space<vmem>>, vector<1x16xf32>,
        %swap3A_974 = vector.shape_cast %swap3A_973 : vector<1x16xf32> to vector<16xf32>
        %swap3A_975 = vector.shape_cast %mul3A_970 : vector<16xf32> to vector<1x16xf32>
        tpu.vector_store %arg14[%swap3A_971, %swap3A_972], %swap3A_975 {strides = array<i32>} : memref<128x128xf32, #tpu.memory_space<vmem>>, vector<1x16xf32>,
        %get3A_976 = arith.index_cast %add3A_918 : i32 to index
        %get3A_977 = arith.constant 80 : index
        %get3A_978 = tpu.vector_load %arg14[%get3A_976, %get3A_977] {strides = array<i32>} : memref<128x128xf32, #tpu.memory_space<vmem>>, vector<1x16xf32>,
        %get3A_979 = vector.shape_cast %get3A_978 : vector<1x16xf32> to vector<16xf32>
        %mul3A_980 = vector.broadcast %squeeze3A_920 : f32 to vector<16xf32>
        %mul3A_981 = arith.mulf %get3A_979, %mul3A_980 : vector<16xf32>
        %swap3A_982 = arith.index_cast %add3A_918 : i32 to index
        %swap3A_983 = arith.constant 80 : index
        %swap3A_984 = tpu.vector_load %arg14[%swap3A_982, %swap3A_983] {strides = array<i32>} : memref<128x128xf32, #tpu.memory_space<vmem>>, vector<1x16xf32>,
        %swap3A_985 = vector.shape_cast %swap3A_984 : vector<1x16xf32> to vector<16xf32>
        %swap3A_986 = vector.shape_cast %mul3A_981 : vector<16xf32> to vector<1x16xf32>
        tpu.vector_store %arg14[%swap3A_982, %swap3A_983], %swap3A_986 {strides = array<i32>} : memref<128x128xf32, #tpu.memory_space<vmem>>, vector<1x16xf32>,
        %get3A_987 = arith.index_cast %add3A_918 : i32 to index
        %get3A_988 = arith.constant 96 : index
        %get3A_989 = tpu.vector_load %arg14[%get3A_987, %get3A_988] {strides = array<i32>} : memref<128x128xf32, #tpu.memory_space<vmem>>, vector<1x16xf32>,
        %get3A_990 = vector.shape_cast %get3A_989 : vector<1x16xf32> to vector<16xf32>
        %mul3A_991 = vector.broadcast %squeeze3A_920 : f32 to vector<16xf32>
        %mul3A_992 = arith.mulf %get3A_990, %mul3A_991 : vector<16xf32>
        %swap3A_993 = arith.index_cast %add3A_918 : i32 to index
        %swap3A_994 = arith.constant 96 : index
        %swap3A_995 = tpu.vector_load %arg14[%swap3A_993, %swap3A_994] {strides = array<i32>} : memref<128x128xf32, #tpu.memory_space<vmem>>, vector<1x16xf32>,
        %swap3A_996 = vector.shape_cast %swap3A_995 : vector<1x16xf32> to vector<16xf32>
        %swap3A_997 = vector.shape_cast %mul3A_992 : vector<16xf32> to vector<1x16xf32>
        tpu.vector_store %arg14[%swap3A_993, %swap3A_994], %swap3A_997 {strides = array<i32>} : memref<128x128xf32, #tpu.memory_space<vmem>>, vector<1x16xf32>,
        %get3A_998 = arith.index_cast %add3A_918 : i32 to index
        %get3A_999 = arith.constant 112 : index
        %get3A_1000 = tpu.vector_load %arg14[%get3A_998, %get3A_999] {strides = array<i32>} : memref<128x128xf32, #tpu.memory_space<vmem>>, vector<1x16xf32>,
        %get3A_1001 = vector.shape_cast %get3A_1000 : vector<1x16xf32> to vector<16xf32>
        %mul3A_1002 = vector.broadcast %squeeze3A_920 : f32 to vector<16xf32>
        %mul3A_1003 = arith.mulf %get3A_1001, %mul3A_1002 : vector<16xf32>
        %swap3A_1004 = arith.index_cast %add3A_918 : i32 to index
        %swap3A_1005 = arith.constant 112 : index
        %swap3A_1006 = tpu.vector_load %arg14[%swap3A_1004, %swap3A_1005] {strides = array<i32>} : memref<128x128xf32, #tpu.memory_space<vmem>>, vector<1x16xf32>,
        %swap3A_1007 = vector.shape_cast %swap3A_1006 : vector<1x16xf32> to vector<16xf32>
        %swap3A_1008 = vector.shape_cast %mul3A_1003 : vector<16xf32> to vector<1x16xf32>
        tpu.vector_store %arg14[%swap3A_1004, %swap3A_1005], %swap3A_1008 {strides = array<i32>} : memref<128x128xf32, #tpu.memory_space<vmem>>, vector<1x16xf32>,
        %mul3A_1009 = arith.constant 16 : i32
        %mul3A_1010 = arith.muli %scan3A_345, %mul3A_1009 : i32
        %add3A_1011 = arith.constant 7 : i32
        %add3A_1012 = arith.addi %mul3A_1010, %add3A_1011 : i32
        %slice3A_1013 = vector.extract_strided_slice %get3A_352 {offsets = [7], sizes = [1], strides = [1]} : vector<16xf32> to vector<1xf32>
        %squeeze3A_1014 = vector.extract %slice3A_1013[0] : f32 from vector<1xf32>
        %get3A_1015 = arith.index_cast %add3A_1012 : i32 to index
        %get3A_1016 = arith.constant 0 : index
        %get3A_1017 = tpu.vector_load %arg14[%get3A_1015, %get3A_1016] {strides = array<i32>} : memref<128x128xf32, #tpu.memory_space<vmem>>, vector<1x16xf32>,
        %get3A_1018 = vector.shape_cast %get3A_1017 : vector<1x16xf32> to vector<16xf32>
        %mul3A_1019 = vector.broadcast %squeeze3A_1014 : f32 to vector<16xf32>
        %mul3A_1020 = arith.mulf %get3A_1018, %mul3A_1019 : vector<16xf32>
        %swap3A_1021 = arith.index_cast %add3A_1012 : i32 to index
        %swap3A_1022 = arith.constant 0 : index
        %swap3A_1023 = tpu.vector_load %arg14[%swap3A_1021, %swap3A_1022] {strides = array<i32>} : memref<128x128xf32, #tpu.memory_space<vmem>>, vector<1x16xf32>,
        %swap3A_1024 = vector.shape_cast %swap3A_1023 : vector<1x16xf32> to vector<16xf32>
        %swap3A_1025 = vector.shape_cast %mul3A_1020 : vector<16xf32> to vector<1x16xf32>
        tpu.vector_store %arg14[%swap3A_1021, %swap3A_1022], %swap3A_1025 {strides = array<i32>} : memref<128x128xf32, #tpu.memory_space<vmem>>, vector<1x16xf32>,
        %get3A_1026 = arith.index_cast %add3A_1012 : i32 to index
        %get3A_1027 = arith.constant 16 : index
        %get3A_1028 = tpu.vector_load %arg14[%get3A_1026, %get3A_1027] {strides = array<i32>} : memref<128x128xf32, #tpu.memory_space<vmem>>, vector<1x16xf32>,
        %get3A_1029 = vector.shape_cast %get3A_1028 : vector<1x16xf32> to vector<16xf32>
        %mul3A_1030 = vector.broadcast %squeeze3A_1014 : f32 to vector<16xf32>
        %mul3A_1031 = arith.mulf %get3A_1029, %mul3A_1030 : vector<16xf32>
        %swap3A_1032 = arith.index_cast %add3A_1012 : i32 to index
        %swap3A_1033 = arith.constant 16 : index
        %swap3A_1034 = tpu.vector_load %arg14[%swap3A_1032, %swap3A_1033] {strides = array<i32>} : memref<128x128xf32, #tpu.memory_space<vmem>>, vector<1x16xf32>,
        %swap3A_1035 = vector.shape_cast %swap3A_1034 : vector<1x16xf32> to vector<16xf32>
        %swap3A_1036 = vector.shape_cast %mul3A_1031 : vector<16xf32> to vector<1x16xf32>
        tpu.vector_store %arg14[%swap3A_1032, %swap3A_1033], %swap3A_1036 {strides = array<i32>} : memref<128x128xf32, #tpu.memory_space<vmem>>, vector<1x16xf32>,
        %get3A_1037 = arith.index_cast %add3A_1012 : i32 to index
        %get3A_1038 = arith.constant 32 : index
        %get3A_1039 = tpu.vector_load %arg14[%get3A_1037, %get3A_1038] {strides = array<i32>} : memref<128x128xf32, #tpu.memory_space<vmem>>, vector<1x16xf32>,
        %get3A_1040 = vector.shape_cast %get3A_1039 : vector<1x16xf32> to vector<16xf32>
        %mul3A_1041 = vector.broadcast %squeeze3A_1014 : f32 to vector<16xf32>
        %mul3A_1042 = arith.mulf %get3A_1040, %mul3A_1041 : vector<16xf32>
        %swap3A_1043 = arith.index_cast %add3A_1012 : i32 to index
        %swap3A_1044 = arith.constant 32 : index
        %swap3A_1045 = tpu.vector_load %arg14[%swap3A_1043, %swap3A_1044] {strides = array<i32>} : memref<128x128xf32, #tpu.memory_space<vmem>>, vector<1x16xf32>,
        %swap3A_1046 = vector.shape_cast %swap3A_1045 : vector<1x16xf32> to vector<16xf32>
        %swap3A_1047 = vector.shape_cast %mul3A_1042 : vector<16xf32> to vector<1x16xf32>
        tpu.vector_store %arg14[%swap3A_1043, %swap3A_1044], %swap3A_1047 {strides = array<i32>} : memref<128x128xf32, #tpu.memory_space<vmem>>, vector<1x16xf32>,
        %get3A_1048 = arith.index_cast %add3A_1012 : i32 to index
        %get3A_1049 = arith.constant 48 : index
        %get3A_1050 = tpu.vector_load %arg14[%get3A_1048, %get3A_1049] {strides = array<i32>} : memref<128x128xf32, #tpu.memory_space<vmem>>, vector<1x16xf32>,
        %get3A_1051 = vector.shape_cast %get3A_1050 : vector<1x16xf32> to vector<16xf32>
        %mul3A_1052 = vector.broadcast %squeeze3A_1014 : f32 to vector<16xf32>
        %mul3A_1053 = arith.mulf %get3A_1051, %mul3A_1052 : vector<16xf32>
        %swap3A_1054 = arith.index_cast %add3A_1012 : i32 to index
        %swap3A_1055 = arith.constant 48 : index
        %swap3A_1056 = tpu.vector_load %arg14[%swap3A_1054, %swap3A_1055] {strides = array<i32>} : memref<128x128xf32, #tpu.memory_space<vmem>>, vector<1x16xf32>,
        %swap3A_1057 = vector.shape_cast %swap3A_1056 : vector<1x16xf32> to vector<16xf32>
        %swap3A_1058 = vector.shape_cast %mul3A_1053 : vector<16xf32> to vector<1x16xf32>
        tpu.vector_store %arg14[%swap3A_1054, %swap3A_1055], %swap3A_1058 {strides = array<i32>} : memref<128x128xf32, #tpu.memory_space<vmem>>, vector<1x16xf32>,
        %get3A_1059 = arith.index_cast %add3A_1012 : i32 to index
        %get3A_1060 = arith.constant 64 : index
        %get3A_1061 = tpu.vector_load %arg14[%get3A_1059, %get3A_1060] {strides = array<i32>} : memref<128x128xf32, #tpu.memory_space<vmem>>, vector<1x16xf32>,
        %get3A_1062 = vector.shape_cast %get3A_1061 : vector<1x16xf32> to vector<16xf32>
        %mul3A_1063 = vector.broadcast %squeeze3A_1014 : f32 to vector<16xf32>
        %mul3A_1064 = arith.mulf %get3A_1062, %mul3A_1063 : vector<16xf32>
        %swap3A_1065 = arith.index_cast %add3A_1012 : i32 to index
        %swap3A_1066 = arith.constant 64 : index
        %swap3A_1067 = tpu.vector_load %arg14[%swap3A_1065, %swap3A_1066] {strides = array<i32>} : memref<128x128xf32, #tpu.memory_space<vmem>>, vector<1x16xf32>,
        %swap3A_1068 = vector.shape_cast %swap3A_1067 : vector<1x16xf32> to vector<16xf32>
        %swap3A_1069 = vector.shape_cast %mul3A_1064 : vector<16xf32> to vector<1x16xf32>
        tpu.vector_store %arg14[%swap3A_1065, %swap3A_1066], %swap3A_1069 {strides = array<i32>} : memref<128x128xf32, #tpu.memory_space<vmem>>, vector<1x16xf32>,
        %get3A_1070 = arith.index_cast %add3A_1012 : i32 to index
        %get3A_1071 = arith.constant 80 : index
        %get3A_1072 = tpu.vector_load %arg14[%get3A_1070, %get3A_1071] {strides = array<i32>} : memref<128x128xf32, #tpu.memory_space<vmem>>, vector<1x16xf32>,
        %get3A_1073 = vector.shape_cast %get3A_1072 : vector<1x16xf32> to vector<16xf32>
        %mul3A_1074 = vector.broadcast %squeeze3A_1014 : f32 to vector<16xf32>
        %mul3A_1075 = arith.mulf %get3A_1073, %mul3A_1074 : vector<16xf32>
        %swap3A_1076 = arith.index_cast %add3A_1012 : i32 to index
        %swap3A_1077 = arith.constant 80 : index
        %swap3A_1078 = tpu.vector_load %arg14[%swap3A_1076, %swap3A_1077] {strides = array<i32>} : memref<128x128xf32, #tpu.memory_space<vmem>>, vector<1x16xf32>,
        %swap3A_1079 = vector.shape_cast %swap3A_1078 : vector<1x16xf32> to vector<16xf32>
        %swap3A_1080 = vector.shape_cast %mul3A_1075 : vector<16xf32> to vector<1x16xf32>
        tpu.vector_store %arg14[%swap3A_1076, %swap3A_1077], %swap3A_1080 {strides = array<i32>} : memref<128x128xf32, #tpu.memory_space<vmem>>, vector<1x16xf32>,
        %get3A_1081 = arith.index_cast %add3A_1012 : i32 to index
        %get3A_1082 = arith.constant 96 : index
        %get3A_1083 = tpu.vector_load %arg14[%get3A_1081, %get3A_1082] {strides = array<i32>} : memref<128x128xf32, #tpu.memory_space<vmem>>, vector<1x16xf32>,
        %get3A_1084 = vector.shape_cast %get3A_1083 : vector<1x16xf32> to vector<16xf32>
        %mul3A_1085 = vector.broadcast %squeeze3A_1014 : f32 to vector<16xf32>
        %mul3A_1086 = arith.mulf %get3A_1084, %mul3A_1085 : vector<16xf32>
        %swap3A_1087 = arith.index_cast %add3A_1012 : i32 to index
        %swap3A_1088 = arith.constant 96 : index
        %swap3A_1089 = tpu.vector_load %arg14[%swap3A_1087, %swap3A_1088] {strides = array<i32>} : memref<128x128xf32, #tpu.memory_space<vmem>>, vector<1x16xf32>,
        %swap3A_1090 = vector.shape_cast %swap3A_1089 : vector<1x16xf32> to vector<16xf32>
        %swap3A_1091 = vector.shape_cast %mul3A_1086 : vector<16xf32> to vector<1x16xf32>
        tpu.vector_store %arg14[%swap3A_1087, %swap3A_1088], %swap3A_1091 {strides = array<i32>} : memref<128x128xf32, #tpu.memory_space<vmem>>, vector<1x16xf32>,
        %get3A_1092 = arith.index_cast %add3A_1012 : i32 to index
        %get3A_1093 = arith.constant 112 : index
        %get3A_1094 = tpu.vector_load %arg14[%get3A_1092, %get3A_1093] {strides = array<i32>} : memref<128x128xf32, #tpu.memory_space<vmem>>, vector<1x16xf32>,
        %get3A_1095 = vector.shape_cast %get3A_1094 : vector<1x16xf32> to vector<16xf32>
        %mul3A_1096 = vector.broadcast %squeeze3A_1014 : f32 to vector<16xf32>
        %mul3A_1097 = arith.mulf %get3A_1095, %mul3A_1096 : vector<16xf32>
        %swap3A_1098 = arith.index_cast %add3A_1012 : i32 to index
        %swap3A_1099 = arith.constant 112 : index
        %swap3A_1100 = tpu.vector_load %arg14[%swap3A_1098, %swap3A_1099] {strides = array<i32>} : memref<128x128xf32, #tpu.memory_space<vmem>>, vector<1x16xf32>,
        %swap3A_1101 = vector.shape_cast %swap3A_1100 : vector<1x16xf32> to vector<16xf32>
        %swap3A_1102 = vector.shape_cast %mul3A_1097 : vector<16xf32> to vector<1x16xf32>
        tpu.vector_store %arg14[%swap3A_1098, %swap3A_1099], %swap3A_1102 {strides = array<i32>} : memref<128x128xf32, #tpu.memory_space<vmem>>, vector<1x16xf32>,
        %mul3A_1103 = arith.constant 16 : i32
        %mul3A_1104 = arith.muli %scan3A_345, %mul3A_1103 : i32
        %add3A_1105 = arith.constant 8 : i32
        %add3A_1106 = arith.addi %mul3A_1104, %add3A_1105 : i32
        %slice3A_1107 = vector.extract_strided_slice %get3A_352 {offsets = [8], sizes = [1], strides = [1]} : vector<16xf32> to vector<1xf32>
        %squeeze3A_1108 = vector.extract %slice3A_1107[0] : f32 from vector<1xf32>
        %get3A_1109 = arith.index_cast %add3A_1106 : i32 to index
        %get3A_1110 = arith.constant 0 : index
        %get3A_1111 = tpu.vector_load %arg14[%get3A_1109, %get3A_1110] {strides = array<i32>} : memref<128x128xf32, #tpu.memory_space<vmem>>, vector<1x16xf32>,
        %get3A_1112 = vector.shape_cast %get3A_1111 : vector<1x16xf32> to vector<16xf32>
        %mul3A_1113 = vector.broadcast %squeeze3A_1108 : f32 to vector<16xf32>
        %mul3A_1114 = arith.mulf %get3A_1112, %mul3A_1113 : vector<16xf32>
        %swap3A_1115 = arith.index_cast %add3A_1106 : i32 to index
        %swap3A_1116 = arith.constant 0 : index
        %swap3A_1117 = tpu.vector_load %arg14[%swap3A_1115, %swap3A_1116] {strides = array<i32>} : memref<128x128xf32, #tpu.memory_space<vmem>>, vector<1x16xf32>,
        %swap3A_1118 = vector.shape_cast %swap3A_1117 : vector<1x16xf32> to vector<16xf32>
        %swap3A_1119 = vector.shape_cast %mul3A_1114 : vector<16xf32> to vector<1x16xf32>
        tpu.vector_store %arg14[%swap3A_1115, %swap3A_1116], %swap3A_1119 {strides = array<i32>} : memref<128x128xf32, #tpu.memory_space<vmem>>, vector<1x16xf32>,
        %get3A_1120 = arith.index_cast %add3A_1106 : i32 to index
        %get3A_1121 = arith.constant 16 : index
        %get3A_1122 = tpu.vector_load %arg14[%get3A_1120, %get3A_1121] {strides = array<i32>} : memref<128x128xf32, #tpu.memory_space<vmem>>, vector<1x16xf32>,
        %get3A_1123 = vector.shape_cast %get3A_1122 : vector<1x16xf32> to vector<16xf32>
        %mul3A_1124 = vector.broadcast %squeeze3A_1108 : f32 to vector<16xf32>
        %mul3A_1125 = arith.mulf %get3A_1123, %mul3A_1124 : vector<16xf32>
        %swap3A_1126 = arith.index_cast %add3A_1106 : i32 to index
        %swap3A_1127 = arith.constant 16 : index
        %swap3A_1128 = tpu.vector_load %arg14[%swap3A_1126, %swap3A_1127] {strides = array<i32>} : memref<128x128xf32, #tpu.memory_space<vmem>>, vector<1x16xf32>,
        %swap3A_1129 = vector.shape_cast %swap3A_1128 : vector<1x16xf32> to vector<16xf32>
        %swap3A_1130 = vector.shape_cast %mul3A_1125 : vector<16xf32> to vector<1x16xf32>
        tpu.vector_store %arg14[%swap3A_1126, %swap3A_1127], %swap3A_1130 {strides = array<i32>} : memref<128x128xf32, #tpu.memory_space<vmem>>, vector<1x16xf32>,
        %get3A_1131 = arith.index_cast %add3A_1106 : i32 to index
        %get3A_1132 = arith.constant 32 : index
        %get3A_1133 = tpu.vector_load %arg14[%get3A_1131, %get3A_1132] {strides = array<i32>} : memref<128x128xf32, #tpu.memory_space<vmem>>, vector<1x16xf32>,
        %get3A_1134 = vector.shape_cast %get3A_1133 : vector<1x16xf32> to vector<16xf32>
        %mul3A_1135 = vector.broadcast %squeeze3A_1108 : f32 to vector<16xf32>
        %mul3A_1136 = arith.mulf %get3A_1134, %mul3A_1135 : vector<16xf32>
        %swap3A_1137 = arith.index_cast %add3A_1106 : i32 to index
        %swap3A_1138 = arith.constant 32 : index
        %swap3A_1139 = tpu.vector_load %arg14[%swap3A_1137, %swap3A_1138] {strides = array<i32>} : memref<128x128xf32, #tpu.memory_space<vmem>>, vector<1x16xf32>,
        %swap3A_1140 = vector.shape_cast %swap3A_1139 : vector<1x16xf32> to vector<16xf32>
        %swap3A_1141 = vector.shape_cast %mul3A_1136 : vector<16xf32> to vector<1x16xf32>
        tpu.vector_store %arg14[%swap3A_1137, %swap3A_1138], %swap3A_1141 {strides = array<i32>} : memref<128x128xf32, #tpu.memory_space<vmem>>, vector<1x16xf32>,
        %get3A_1142 = arith.index_cast %add3A_1106 : i32 to index
        %get3A_1143 = arith.constant 48 : index
        %get3A_1144 = tpu.vector_load %arg14[%get3A_1142, %get3A_1143] {strides = array<i32>} : memref<128x128xf32, #tpu.memory_space<vmem>>, vector<1x16xf32>,
        %get3A_1145 = vector.shape_cast %get3A_1144 : vector<1x16xf32> to vector<16xf32>
        %mul3A_1146 = vector.broadcast %squeeze3A_1108 : f32 to vector<16xf32>
        %mul3A_1147 = arith.mulf %get3A_1145, %mul3A_1146 : vector<16xf32>
        %swap3A_1148 = arith.index_cast %add3A_1106 : i32 to index
        %swap3A_1149 = arith.constant 48 : index
        %swap3A_1150 = tpu.vector_load %arg14[%swap3A_1148, %swap3A_1149] {strides = array<i32>} : memref<128x128xf32, #tpu.memory_space<vmem>>, vector<1x16xf32>,
        %swap3A_1151 = vector.shape_cast %swap3A_1150 : vector<1x16xf32> to vector<16xf32>
        %swap3A_1152 = vector.shape_cast %mul3A_1147 : vector<16xf32> to vector<1x16xf32>
        tpu.vector_store %arg14[%swap3A_1148, %swap3A_1149], %swap3A_1152 {strides = array<i32>} : memref<128x128xf32, #tpu.memory_space<vmem>>, vector<1x16xf32>,
        %get3A_1153 = arith.index_cast %add3A_1106 : i32 to index
        %get3A_1154 = arith.constant 64 : index
        %get3A_1155 = tpu.vector_load %arg14[%get3A_1153, %get3A_1154] {strides = array<i32>} : memref<128x128xf32, #tpu.memory_space<vmem>>, vector<1x16xf32>,
        %get3A_1156 = vector.shape_cast %get3A_1155 : vector<1x16xf32> to vector<16xf32>
        %mul3A_1157 = vector.broadcast %squeeze3A_1108 : f32 to vector<16xf32>
        %mul3A_1158 = arith.mulf %get3A_1156, %mul3A_1157 : vector<16xf32>
        %swap3A_1159 = arith.index_cast %add3A_1106 : i32 to index
        %swap3A_1160 = arith.constant 64 : index
        %swap3A_1161 = tpu.vector_load %arg14[%swap3A_1159, %swap3A_1160] {strides = array<i32>} : memref<128x128xf32, #tpu.memory_space<vmem>>, vector<1x16xf32>,
        %swap3A_1162 = vector.shape_cast %swap3A_1161 : vector<1x16xf32> to vector<16xf32>
        %swap3A_1163 = vector.shape_cast %mul3A_1158 : vector<16xf32> to vector<1x16xf32>
        tpu.vector_store %arg14[%swap3A_1159, %swap3A_1160], %swap3A_1163 {strides = array<i32>} : memref<128x128xf32, #tpu.memory_space<vmem>>, vector<1x16xf32>,
        %get3A_1164 = arith.index_cast %add3A_1106 : i32 to index
        %get3A_1165 = arith.constant 80 : index
        %get3A_1166 = tpu.vector_load %arg14[%get3A_1164, %get3A_1165] {strides = array<i32>} : memref<128x128xf32, #tpu.memory_space<vmem>>, vector<1x16xf32>,
        %get3A_1167 = vector.shape_cast %get3A_1166 : vector<1x16xf32> to vector<16xf32>
        %mul3A_1168 = vector.broadcast %squeeze3A_1108 : f32 to vector<16xf32>
        %mul3A_1169 = arith.mulf %get3A_1167, %mul3A_1168 : vector<16xf32>
        %swap3A_1170 = arith.index_cast %add3A_1106 : i32 to index
        %swap3A_1171 = arith.constant 80 : index
        %swap3A_1172 = tpu.vector_load %arg14[%swap3A_1170, %swap3A_1171] {strides = array<i32>} : memref<128x128xf32, #tpu.memory_space<vmem>>, vector<1x16xf32>,
        %swap3A_1173 = vector.shape_cast %swap3A_1172 : vector<1x16xf32> to vector<16xf32>
        %swap3A_1174 = vector.shape_cast %mul3A_1169 : vector<16xf32> to vector<1x16xf32>
        tpu.vector_store %arg14[%swap3A_1170, %swap3A_1171], %swap3A_1174 {strides = array<i32>} : memref<128x128xf32, #tpu.memory_space<vmem>>, vector<1x16xf32>,
        %get3A_1175 = arith.index_cast %add3A_1106 : i32 to index
        %get3A_1176 = arith.constant 96 : index
        %get3A_1177 = tpu.vector_load %arg14[%get3A_1175, %get3A_1176] {strides = array<i32>} : memref<128x128xf32, #tpu.memory_space<vmem>>, vector<1x16xf32>,
        %get3A_1178 = vector.shape_cast %get3A_1177 : vector<1x16xf32> to vector<16xf32>
        %mul3A_1179 = vector.broadcast %squeeze3A_1108 : f32 to vector<16xf32>
        %mul3A_1180 = arith.mulf %get3A_1178, %mul3A_1179 : vector<16xf32>
        %swap3A_1181 = arith.index_cast %add3A_1106 : i32 to index
        %swap3A_1182 = arith.constant 96 : index
        %swap3A_1183 = tpu.vector_load %arg14[%swap3A_1181, %swap3A_1182] {strides = array<i32>} : memref<128x128xf32, #tpu.memory_space<vmem>>, vector<1x16xf32>,
        %swap3A_1184 = vector.shape_cast %swap3A_1183 : vector<1x16xf32> to vector<16xf32>
        %swap3A_1185 = vector.shape_cast %mul3A_1180 : vector<16xf32> to vector<1x16xf32>
        tpu.vector_store %arg14[%swap3A_1181, %swap3A_1182], %swap3A_1185 {strides = array<i32>} : memref<128x128xf32, #tpu.memory_space<vmem>>, vector<1x16xf32>,
        %get3A_1186 = arith.index_cast %add3A_1106 : i32 to index
        %get3A_1187 = arith.constant 112 : index
        %get3A_1188 = tpu.vector_load %arg14[%get3A_1186, %get3A_1187] {strides = array<i32>} : memref<128x128xf32, #tpu.memory_space<vmem>>, vector<1x16xf32>,
        %get3A_1189 = vector.shape_cast %get3A_1188 : vector<1x16xf32> to vector<16xf32>
        %mul3A_1190 = vector.broadcast %squeeze3A_1108 : f32 to vector<16xf32>
        %mul3A_1191 = arith.mulf %get3A_1189, %mul3A_1190 : vector<16xf32>
        %swap3A_1192 = arith.index_cast %add3A_1106 : i32 to index
        %swap3A_1193 = arith.constant 112 : index
        %swap3A_1194 = tpu.vector_load %arg14[%swap3A_1192, %swap3A_1193] {strides = array<i32>} : memref<128x128xf32, #tpu.memory_space<vmem>>, vector<1x16xf32>,
        %swap3A_1195 = vector.shape_cast %swap3A_1194 : vector<1x16xf32> to vector<16xf32>
        %swap3A_1196 = vector.shape_cast %mul3A_1191 : vector<16xf32> to vector<1x16xf32>
        tpu.vector_store %arg14[%swap3A_1192, %swap3A_1193], %swap3A_1196 {strides = array<i32>} : memref<128x128xf32, #tpu.memory_space<vmem>>, vector<1x16xf32>,
        %mul3A_1197 = arith.constant 16 : i32
        %mul3A_1198 = arith.muli %scan3A_345, %mul3A_1197 : i32
        %add3A_1199 = arith.constant 9 : i32
        %add3A_1200 = arith.addi %mul3A_1198, %add3A_1199 : i32
        %slice3A_1201 = vector.extract_strided_slice %get3A_352 {offsets = [9], sizes = [1], strides = [1]} : vector<16xf32> to vector<1xf32>
        %squeeze3A_1202 = vector.extract %slice3A_1201[0] : f32 from vector<1xf32>
        %get3A_1203 = arith.index_cast %add3A_1200 : i32 to index
        %get3A_1204 = arith.constant 0 : index
        %get3A_1205 = tpu.vector_load %arg14[%get3A_1203, %get3A_1204] {strides = array<i32>} : memref<128x128xf32, #tpu.memory_space<vmem>>, vector<1x16xf32>,
        %get3A_1206 = vector.shape_cast %get3A_1205 : vector<1x16xf32> to vector<16xf32>
        %mul3A_1207 = vector.broadcast %squeeze3A_1202 : f32 to vector<16xf32>
        %mul3A_1208 = arith.mulf %get3A_1206, %mul3A_1207 : vector<16xf32>
        %swap3A_1209 = arith.index_cast %add3A_1200 : i32 to index
        %swap3A_1210 = arith.constant 0 : index
        %swap3A_1211 = tpu.vector_load %arg14[%swap3A_1209, %swap3A_1210] {strides = array<i32>} : memref<128x128xf32, #tpu.memory_space<vmem>>, vector<1x16xf32>,
        %swap3A_1212 = vector.shape_cast %swap3A_1211 : vector<1x16xf32> to vector<16xf32>
        %swap3A_1213 = vector.shape_cast %mul3A_1208 : vector<16xf32> to vector<1x16xf32>
        tpu.vector_store %arg14[%swap3A_1209, %swap3A_1210], %swap3A_1213 {strides = array<i32>} : memref<128x128xf32, #tpu.memory_space<vmem>>, vector<1x16xf32>,
        %get3A_1214 = arith.index_cast %add3A_1200 : i32 to index
        %get3A_1215 = arith.constant 16 : index
        %get3A_1216 = tpu.vector_load %arg14[%get3A_1214, %get3A_1215] {strides = array<i32>} : memref<128x128xf32, #tpu.memory_space<vmem>>, vector<1x16xf32>,
        %get3A_1217 = vector.shape_cast %get3A_1216 : vector<1x16xf32> to vector<16xf32>
        %mul3A_1218 = vector.broadcast %squeeze3A_1202 : f32 to vector<16xf32>
        %mul3A_1219 = arith.mulf %get3A_1217, %mul3A_1218 : vector<16xf32>
        %swap3A_1220 = arith.index_cast %add3A_1200 : i32 to index
        %swap3A_1221 = arith.constant 16 : index
        %swap3A_1222 = tpu.vector_load %arg14[%swap3A_1220, %swap3A_1221] {strides = array<i32>} : memref<128x128xf32, #tpu.memory_space<vmem>>, vector<1x16xf32>,
        %swap3A_1223 = vector.shape_cast %swap3A_1222 : vector<1x16xf32> to vector<16xf32>
        %swap3A_1224 = vector.shape_cast %mul3A_1219 : vector<16xf32> to vector<1x16xf32>
        tpu.vector_store %arg14[%swap3A_1220, %swap3A_1221], %swap3A_1224 {strides = array<i32>} : memref<128x128xf32, #tpu.memory_space<vmem>>, vector<1x16xf32>,
        %get3A_1225 = arith.index_cast %add3A_1200 : i32 to index
        %get3A_1226 = arith.constant 32 : index
        %get3A_1227 = tpu.vector_load %arg14[%get3A_1225, %get3A_1226] {strides = array<i32>} : memref<128x128xf32, #tpu.memory_space<vmem>>, vector<1x16xf32>,
        %get3A_1228 = vector.shape_cast %get3A_1227 : vector<1x16xf32> to vector<16xf32>
        %mul3A_1229 = vector.broadcast %squeeze3A_1202 : f32 to vector<16xf32>
        %mul3A_1230 = arith.mulf %get3A_1228, %mul3A_1229 : vector<16xf32>
        %swap3A_1231 = arith.index_cast %add3A_1200 : i32 to index
        %swap3A_1232 = arith.constant 32 : index
        %swap3A_1233 = tpu.vector_load %arg14[%swap3A_1231, %swap3A_1232] {strides = array<i32>} : memref<128x128xf32, #tpu.memory_space<vmem>>, vector<1x16xf32>,
        %swap3A_1234 = vector.shape_cast %swap3A_1233 : vector<1x16xf32> to vector<16xf32>
        %swap3A_1235 = vector.shape_cast %mul3A_1230 : vector<16xf32> to vector<1x16xf32>
        tpu.vector_store %arg14[%swap3A_1231, %swap3A_1232], %swap3A_1235 {strides = array<i32>} : memref<128x128xf32, #tpu.memory_space<vmem>>, vector<1x16xf32>,
        %get3A_1236 = arith.index_cast %add3A_1200 : i32 to index
        %get3A_1237 = arith.constant 48 : index
        %get3A_1238 = tpu.vector_load %arg14[%get3A_1236, %get3A_1237] {strides = array<i32>} : memref<128x128xf32, #tpu.memory_space<vmem>>, vector<1x16xf32>,
        %get3A_1239 = vector.shape_cast %get3A_1238 : vector<1x16xf32> to vector<16xf32>
        %mul3A_1240 = vector.broadcast %squeeze3A_1202 : f32 to vector<16xf32>
        %mul3A_1241 = arith.mulf %get3A_1239, %mul3A_1240 : vector<16xf32>
        %swap3A_1242 = arith.index_cast %add3A_1200 : i32 to index
        %swap3A_1243 = arith.constant 48 : index
        %swap3A_1244 = tpu.vector_load %arg14[%swap3A_1242, %swap3A_1243] {strides = array<i32>} : memref<128x128xf32, #tpu.memory_space<vmem>>, vector<1x16xf32>,
        %swap3A_1245 = vector.shape_cast %swap3A_1244 : vector<1x16xf32> to vector<16xf32>
        %swap3A_1246 = vector.shape_cast %mul3A_1241 : vector<16xf32> to vector<1x16xf32>
        tpu.vector_store %arg14[%swap3A_1242, %swap3A_1243], %swap3A_1246 {strides = array<i32>} : memref<128x128xf32, #tpu.memory_space<vmem>>, vector<1x16xf32>,
        %get3A_1247 = arith.index_cast %add3A_1200 : i32 to index
        %get3A_1248 = arith.constant 64 : index
        %get3A_1249 = tpu.vector_load %arg14[%get3A_1247, %get3A_1248] {strides = array<i32>} : memref<128x128xf32, #tpu.memory_space<vmem>>, vector<1x16xf32>,
        %get3A_1250 = vector.shape_cast %get3A_1249 : vector<1x16xf32> to vector<16xf32>
        %mul3A_1251 = vector.broadcast %squeeze3A_1202 : f32 to vector<16xf32>
        %mul3A_1252 = arith.mulf %get3A_1250, %mul3A_1251 : vector<16xf32>
        %swap3A_1253 = arith.index_cast %add3A_1200 : i32 to index
        %swap3A_1254 = arith.constant 64 : index
        %swap3A_1255 = tpu.vector_load %arg14[%swap3A_1253, %swap3A_1254] {strides = array<i32>} : memref<128x128xf32, #tpu.memory_space<vmem>>, vector<1x16xf32>,
        %swap3A_1256 = vector.shape_cast %swap3A_1255 : vector<1x16xf32> to vector<16xf32>
        %swap3A_1257 = vector.shape_cast %mul3A_1252 : vector<16xf32> to vector<1x16xf32>
        tpu.vector_store %arg14[%swap3A_1253, %swap3A_1254], %swap3A_1257 {strides = array<i32>} : memref<128x128xf32, #tpu.memory_space<vmem>>, vector<1x16xf32>,
        %get3A_1258 = arith.index_cast %add3A_1200 : i32 to index
        %get3A_1259 = arith.constant 80 : index
        %get3A_1260 = tpu.vector_load %arg14[%get3A_1258, %get3A_1259] {strides = array<i32>} : memref<128x128xf32, #tpu.memory_space<vmem>>, vector<1x16xf32>,
        %get3A_1261 = vector.shape_cast %get3A_1260 : vector<1x16xf32> to vector<16xf32>
        %mul3A_1262 = vector.broadcast %squeeze3A_1202 : f32 to vector<16xf32>
        %mul3A_1263 = arith.mulf %get3A_1261, %mul3A_1262 : vector<16xf32>
        %swap3A_1264 = arith.index_cast %add3A_1200 : i32 to index
        %swap3A_1265 = arith.constant 80 : index
        %swap3A_1266 = tpu.vector_load %arg14[%swap3A_1264, %swap3A_1265] {strides = array<i32>} : memref<128x128xf32, #tpu.memory_space<vmem>>, vector<1x16xf32>,
        %swap3A_1267 = vector.shape_cast %swap3A_1266 : vector<1x16xf32> to vector<16xf32>
        %swap3A_1268 = vector.shape_cast %mul3A_1263 : vector<16xf32> to vector<1x16xf32>
        tpu.vector_store %arg14[%swap3A_1264, %swap3A_1265], %swap3A_1268 {strides = array<i32>} : memref<128x128xf32, #tpu.memory_space<vmem>>, vector<1x16xf32>,
        %get3A_1269 = arith.index_cast %add3A_1200 : i32 to index
        %get3A_1270 = arith.constant 96 : index
        %get3A_1271 = tpu.vector_load %arg14[%get3A_1269, %get3A_1270] {strides = array<i32>} : memref<128x128xf32, #tpu.memory_space<vmem>>, vector<1x16xf32>,
        %get3A_1272 = vector.shape_cast %get3A_1271 : vector<1x16xf32> to vector<16xf32>
        %mul3A_1273 = vector.broadcast %squeeze3A_1202 : f32 to vector<16xf32>
        %mul3A_1274 = arith.mulf %get3A_1272, %mul3A_1273 : vector<16xf32>
        %swap3A_1275 = arith.index_cast %add3A_1200 : i32 to index
        %swap3A_1276 = arith.constant 96 : index
        %swap3A_1277 = tpu.vector_load %arg14[%swap3A_1275, %swap3A_1276] {strides = array<i32>} : memref<128x128xf32, #tpu.memory_space<vmem>>, vector<1x16xf32>,
        %swap3A_1278 = vector.shape_cast %swap3A_1277 : vector<1x16xf32> to vector<16xf32>
        %swap3A_1279 = vector.shape_cast %mul3A_1274 : vector<16xf32> to vector<1x16xf32>
        tpu.vector_store %arg14[%swap3A_1275, %swap3A_1276], %swap3A_1279 {strides = array<i32>} : memref<128x128xf32, #tpu.memory_space<vmem>>, vector<1x16xf32>,
        %get3A_1280 = arith.index_cast %add3A_1200 : i32 to index
        %get3A_1281 = arith.constant 112 : index
        %get3A_1282 = tpu.vector_load %arg14[%get3A_1280, %get3A_1281] {strides = array<i32>} : memref<128x128xf32, #tpu.memory_space<vmem>>, vector<1x16xf32>,
        %get3A_1283 = vector.shape_cast %get3A_1282 : vector<1x16xf32> to vector<16xf32>
        %mul3A_1284 = vector.broadcast %squeeze3A_1202 : f32 to vector<16xf32>
        %mul3A_1285 = arith.mulf %get3A_1283, %mul3A_1284 : vector<16xf32>
        %swap3A_1286 = arith.index_cast %add3A_1200 : i32 to index
        %swap3A_1287 = arith.constant 112 : index
        %swap3A_1288 = tpu.vector_load %arg14[%swap3A_1286, %swap3A_1287] {strides = array<i32>} : memref<128x128xf32, #tpu.memory_space<vmem>>, vector<1x16xf32>,
        %swap3A_1289 = vector.shape_cast %swap3A_1288 : vector<1x16xf32> to vector<16xf32>
        %swap3A_1290 = vector.shape_cast %mul3A_1285 : vector<16xf32> to vector<1x16xf32>
        tpu.vector_store %arg14[%swap3A_1286, %swap3A_1287], %swap3A_1290 {strides = array<i32>} : memref<128x128xf32, #tpu.memory_space<vmem>>, vector<1x16xf32>,
        %mul3A_1291 = arith.constant 16 : i32
        %mul3A_1292 = arith.muli %scan3A_345, %mul3A_1291 : i32
        %add3A_1293 = arith.constant 10 : i32
        %add3A_1294 = arith.addi %mul3A_1292, %add3A_1293 : i32
        %slice3A_1295 = vector.extract_strided_slice %get3A_352 {offsets = [10], sizes = [1], strides = [1]} : vector<16xf32> to vector<1xf32>
        %squeeze3A_1296 = vector.extract %slice3A_1295[0] : f32 from vector<1xf32>
        %get3A_1297 = arith.index_cast %add3A_1294 : i32 to index
        %get3A_1298 = arith.constant 0 : index
        %get3A_1299 = tpu.vector_load %arg14[%get3A_1297, %get3A_1298] {strides = array<i32>} : memref<128x128xf32, #tpu.memory_space<vmem>>, vector<1x16xf32>,
        %get3A_1300 = vector.shape_cast %get3A_1299 : vector<1x16xf32> to vector<16xf32>
        %mul3A_1301 = vector.broadcast %squeeze3A_1296 : f32 to vector<16xf32>
        %mul3A_1302 = arith.mulf %get3A_1300, %mul3A_1301 : vector<16xf32>
        %swap3A_1303 = arith.index_cast %add3A_1294 : i32 to index
        %swap3A_1304 = arith.constant 0 : index
        %swap3A_1305 = tpu.vector_load %arg14[%swap3A_1303, %swap3A_1304] {strides = array<i32>} : memref<128x128xf32, #tpu.memory_space<vmem>>, vector<1x16xf32>,
        %swap3A_1306 = vector.shape_cast %swap3A_1305 : vector<1x16xf32> to vector<16xf32>
        %swap3A_1307 = vector.shape_cast %mul3A_1302 : vector<16xf32> to vector<1x16xf32>
        tpu.vector_store %arg14[%swap3A_1303, %swap3A_1304], %swap3A_1307 {strides = array<i32>} : memref<128x128xf32, #tpu.memory_space<vmem>>, vector<1x16xf32>,
        %get3A_1308 = arith.index_cast %add3A_1294 : i32 to index
        %get3A_1309 = arith.constant 16 : index
        %get3A_1310 = tpu.vector_load %arg14[%get3A_1308, %get3A_1309] {strides = array<i32>} : memref<128x128xf32, #tpu.memory_space<vmem>>, vector<1x16xf32>,
        %get3A_1311 = vector.shape_cast %get3A_1310 : vector<1x16xf32> to vector<16xf32>
        %mul3A_1312 = vector.broadcast %squeeze3A_1296 : f32 to vector<16xf32>
        %mul3A_1313 = arith.mulf %get3A_1311, %mul3A_1312 : vector<16xf32>
        %swap3A_1314 = arith.index_cast %add3A_1294 : i32 to index
        %swap3A_1315 = arith.constant 16 : index
        %swap3A_1316 = tpu.vector_load %arg14[%swap3A_1314, %swap3A_1315] {strides = array<i32>} : memref<128x128xf32, #tpu.memory_space<vmem>>, vector<1x16xf32>,
        %swap3A_1317 = vector.shape_cast %swap3A_1316 : vector<1x16xf32> to vector<16xf32>
        %swap3A_1318 = vector.shape_cast %mul3A_1313 : vector<16xf32> to vector<1x16xf32>
        tpu.vector_store %arg14[%swap3A_1314, %swap3A_1315], %swap3A_1318 {strides = array<i32>} : memref<128x128xf32, #tpu.memory_space<vmem>>, vector<1x16xf32>,
        %get3A_1319 = arith.index_cast %add3A_1294 : i32 to index
        %get3A_1320 = arith.constant 32 : index
        %get3A_1321 = tpu.vector_load %arg14[%get3A_1319, %get3A_1320] {strides = array<i32>} : memref<128x128xf32, #tpu.memory_space<vmem>>, vector<1x16xf32>,
        %get3A_1322 = vector.shape_cast %get3A_1321 : vector<1x16xf32> to vector<16xf32>
        %mul3A_1323 = vector.broadcast %squeeze3A_1296 : f32 to vector<16xf32>
        %mul3A_1324 = arith.mulf %get3A_1322, %mul3A_1323 : vector<16xf32>
        %swap3A_1325 = arith.index_cast %add3A_1294 : i32 to index
        %swap3A_1326 = arith.constant 32 : index
        %swap3A_1327 = tpu.vector_load %arg14[%swap3A_1325, %swap3A_1326] {strides = array<i32>} : memref<128x128xf32, #tpu.memory_space<vmem>>, vector<1x16xf32>,
        %swap3A_1328 = vector.shape_cast %swap3A_1327 : vector<1x16xf32> to vector<16xf32>
        %swap3A_1329 = vector.shape_cast %mul3A_1324 : vector<16xf32> to vector<1x16xf32>
        tpu.vector_store %arg14[%swap3A_1325, %swap3A_1326], %swap3A_1329 {strides = array<i32>} : memref<128x128xf32, #tpu.memory_space<vmem>>, vector<1x16xf32>,
        %get3A_1330 = arith.index_cast %add3A_1294 : i32 to index
        %get3A_1331 = arith.constant 48 : index
        %get3A_1332 = tpu.vector_load %arg14[%get3A_1330, %get3A_1331] {strides = array<i32>} : memref<128x128xf32, #tpu.memory_space<vmem>>, vector<1x16xf32>,
        %get3A_1333 = vector.shape_cast %get3A_1332 : vector<1x16xf32> to vector<16xf32>
        %mul3A_1334 = vector.broadcast %squeeze3A_1296 : f32 to vector<16xf32>
        %mul3A_1335 = arith.mulf %get3A_1333, %mul3A_1334 : vector<16xf32>
        %swap3A_1336 = arith.index_cast %add3A_1294 : i32 to index
        %swap3A_1337 = arith.constant 48 : index
        %swap3A_1338 = tpu.vector_load %arg14[%swap3A_1336, %swap3A_1337] {strides = array<i32>} : memref<128x128xf32, #tpu.memory_space<vmem>>, vector<1x16xf32>,
        %swap3A_1339 = vector.shape_cast %swap3A_1338 : vector<1x16xf32> to vector<16xf32>
        %swap3A_1340 = vector.shape_cast %mul3A_1335 : vector<16xf32> to vector<1x16xf32>
        tpu.vector_store %arg14[%swap3A_1336, %swap3A_1337], %swap3A_1340 {strides = array<i32>} : memref<128x128xf32, #tpu.memory_space<vmem>>, vector<1x16xf32>,
        %get3A_1341 = arith.index_cast %add3A_1294 : i32 to index
        %get3A_1342 = arith.constant 64 : index
        %get3A_1343 = tpu.vector_load %arg14[%get3A_1341, %get3A_1342] {strides = array<i32>} : memref<128x128xf32, #tpu.memory_space<vmem>>, vector<1x16xf32>,
        %get3A_1344 = vector.shape_cast %get3A_1343 : vector<1x16xf32> to vector<16xf32>
        %mul3A_1345 = vector.broadcast %squeeze3A_1296 : f32 to vector<16xf32>
        %mul3A_1346 = arith.mulf %get3A_1344, %mul3A_1345 : vector<16xf32>
        %swap3A_1347 = arith.index_cast %add3A_1294 : i32 to index
        %swap3A_1348 = arith.constant 64 : index
        %swap3A_1349 = tpu.vector_load %arg14[%swap3A_1347, %swap3A_1348] {strides = array<i32>} : memref<128x128xf32, #tpu.memory_space<vmem>>, vector<1x16xf32>,
        %swap3A_1350 = vector.shape_cast %swap3A_1349 : vector<1x16xf32> to vector<16xf32>
        %swap3A_1351 = vector.shape_cast %mul3A_1346 : vector<16xf32> to vector<1x16xf32>
        tpu.vector_store %arg14[%swap3A_1347, %swap3A_1348], %swap3A_1351 {strides = array<i32>} : memref<128x128xf32, #tpu.memory_space<vmem>>, vector<1x16xf32>,
        %get3A_1352 = arith.index_cast %add3A_1294 : i32 to index
        %get3A_1353 = arith.constant 80 : index
        %get3A_1354 = tpu.vector_load %arg14[%get3A_1352, %get3A_1353] {strides = array<i32>} : memref<128x128xf32, #tpu.memory_space<vmem>>, vector<1x16xf32>,
        %get3A_1355 = vector.shape_cast %get3A_1354 : vector<1x16xf32> to vector<16xf32>
        %mul3A_1356 = vector.broadcast %squeeze3A_1296 : f32 to vector<16xf32>
        %mul3A_1357 = arith.mulf %get3A_1355, %mul3A_1356 : vector<16xf32>
        %swap3A_1358 = arith.index_cast %add3A_1294 : i32 to index
        %swap3A_1359 = arith.constant 80 : index
        %swap3A_1360 = tpu.vector_load %arg14[%swap3A_1358, %swap3A_1359] {strides = array<i32>} : memref<128x128xf32, #tpu.memory_space<vmem>>, vector<1x16xf32>,
        %swap3A_1361 = vector.shape_cast %swap3A_1360 : vector<1x16xf32> to vector<16xf32>
        %swap3A_1362 = vector.shape_cast %mul3A_1357 : vector<16xf32> to vector<1x16xf32>
        tpu.vector_store %arg14[%swap3A_1358, %swap3A_1359], %swap3A_1362 {strides = array<i32>} : memref<128x128xf32, #tpu.memory_space<vmem>>, vector<1x16xf32>,
        %get3A_1363 = arith.index_cast %add3A_1294 : i32 to index
        %get3A_1364 = arith.constant 96 : index
        %get3A_1365 = tpu.vector_load %arg14[%get3A_1363, %get3A_1364] {strides = array<i32>} : memref<128x128xf32, #tpu.memory_space<vmem>>, vector<1x16xf32>,
        %get3A_1366 = vector.shape_cast %get3A_1365 : vector<1x16xf32> to vector<16xf32>
        %mul3A_1367 = vector.broadcast %squeeze3A_1296 : f32 to vector<16xf32>
        %mul3A_1368 = arith.mulf %get3A_1366, %mul3A_1367 : vector<16xf32>
        %swap3A_1369 = arith.index_cast %add3A_1294 : i32 to index
        %swap3A_1370 = arith.constant 96 : index
        %swap3A_1371 = tpu.vector_load %arg14[%swap3A_1369, %swap3A_1370] {strides = array<i32>} : memref<128x128xf32, #tpu.memory_space<vmem>>, vector<1x16xf32>,
        %swap3A_1372 = vector.shape_cast %swap3A_1371 : vector<1x16xf32> to vector<16xf32>
        %swap3A_1373 = vector.shape_cast %mul3A_1368 : vector<16xf32> to vector<1x16xf32>
        tpu.vector_store %arg14[%swap3A_1369, %swap3A_1370], %swap3A_1373 {strides = array<i32>} : memref<128x128xf32, #tpu.memory_space<vmem>>, vector<1x16xf32>,
        %get3A_1374 = arith.index_cast %add3A_1294 : i32 to index
        %get3A_1375 = arith.constant 112 : index
        %get3A_1376 = tpu.vector_load %arg14[%get3A_1374, %get3A_1375] {strides = array<i32>} : memref<128x128xf32, #tpu.memory_space<vmem>>, vector<1x16xf32>,
        %get3A_1377 = vector.shape_cast %get3A_1376 : vector<1x16xf32> to vector<16xf32>
        %mul3A_1378 = vector.broadcast %squeeze3A_1296 : f32 to vector<16xf32>
        %mul3A_1379 = arith.mulf %get3A_1377, %mul3A_1378 : vector<16xf32>
        %swap3A_1380 = arith.index_cast %add3A_1294 : i32 to index
        %swap3A_1381 = arith.constant 112 : index
        %swap3A_1382 = tpu.vector_load %arg14[%swap3A_1380, %swap3A_1381] {strides = array<i32>} : memref<128x128xf32, #tpu.memory_space<vmem>>, vector<1x16xf32>,
        %swap3A_1383 = vector.shape_cast %swap3A_1382 : vector<1x16xf32> to vector<16xf32>
        %swap3A_1384 = vector.shape_cast %mul3A_1379 : vector<16xf32> to vector<1x16xf32>
        tpu.vector_store %arg14[%swap3A_1380, %swap3A_1381], %swap3A_1384 {strides = array<i32>} : memref<128x128xf32, #tpu.memory_space<vmem>>, vector<1x16xf32>,
        %mul3A_1385 = arith.constant 16 : i32
        %mul3A_1386 = arith.muli %scan3A_345, %mul3A_1385 : i32
        %add3A_1387 = arith.constant 11 : i32
        %add3A_1388 = arith.addi %mul3A_1386, %add3A_1387 : i32
        %slice3A_1389 = vector.extract_strided_slice %get3A_352 {offsets = [11], sizes = [1], strides = [1]} : vector<16xf32> to vector<1xf32>
        %squeeze3A_1390 = vector.extract %slice3A_1389[0] : f32 from vector<1xf32>
        %get3A_1391 = arith.index_cast %add3A_1388 : i32 to index
        %get3A_1392 = arith.constant 0 : index
        %get3A_1393 = tpu.vector_load %arg14[%get3A_1391, %get3A_1392] {strides = array<i32>} : memref<128x128xf32, #tpu.memory_space<vmem>>, vector<1x16xf32>,
        %get3A_1394 = vector.shape_cast %get3A_1393 : vector<1x16xf32> to vector<16xf32>
        %mul3A_1395 = vector.broadcast %squeeze3A_1390 : f32 to vector<16xf32>
        %mul3A_1396 = arith.mulf %get3A_1394, %mul3A_1395 : vector<16xf32>
        %swap3A_1397 = arith.index_cast %add3A_1388 : i32 to index
        %swap3A_1398 = arith.constant 0 : index
        %swap3A_1399 = tpu.vector_load %arg14[%swap3A_1397, %swap3A_1398] {strides = array<i32>} : memref<128x128xf32, #tpu.memory_space<vmem>>, vector<1x16xf32>,
        %swap3A_1400 = vector.shape_cast %swap3A_1399 : vector<1x16xf32> to vector<16xf32>
        %swap3A_1401 = vector.shape_cast %mul3A_1396 : vector<16xf32> to vector<1x16xf32>
        tpu.vector_store %arg14[%swap3A_1397, %swap3A_1398], %swap3A_1401 {strides = array<i32>} : memref<128x128xf32, #tpu.memory_space<vmem>>, vector<1x16xf32>,
        %get3A_1402 = arith.index_cast %add3A_1388 : i32 to index
        %get3A_1403 = arith.constant 16 : index
        %get3A_1404 = tpu.vector_load %arg14[%get3A_1402, %get3A_1403] {strides = array<i32>} : memref<128x128xf32, #tpu.memory_space<vmem>>, vector<1x16xf32>,
        %get3A_1405 = vector.shape_cast %get3A_1404 : vector<1x16xf32> to vector<16xf32>
        %mul3A_1406 = vector.broadcast %squeeze3A_1390 : f32 to vector<16xf32>
        %mul3A_1407 = arith.mulf %get3A_1405, %mul3A_1406 : vector<16xf32>
        %swap3A_1408 = arith.index_cast %add3A_1388 : i32 to index
        %swap3A_1409 = arith.constant 16 : index
        %swap3A_1410 = tpu.vector_load %arg14[%swap3A_1408, %swap3A_1409] {strides = array<i32>} : memref<128x128xf32, #tpu.memory_space<vmem>>, vector<1x16xf32>,
        %swap3A_1411 = vector.shape_cast %swap3A_1410 : vector<1x16xf32> to vector<16xf32>
        %swap3A_1412 = vector.shape_cast %mul3A_1407 : vector<16xf32> to vector<1x16xf32>
        tpu.vector_store %arg14[%swap3A_1408, %swap3A_1409], %swap3A_1412 {strides = array<i32>} : memref<128x128xf32, #tpu.memory_space<vmem>>, vector<1x16xf32>,
        %get3A_1413 = arith.index_cast %add3A_1388 : i32 to index
        %get3A_1414 = arith.constant 32 : index
        %get3A_1415 = tpu.vector_load %arg14[%get3A_1413, %get3A_1414] {strides = array<i32>} : memref<128x128xf32, #tpu.memory_space<vmem>>, vector<1x16xf32>,
        %get3A_1416 = vector.shape_cast %get3A_1415 : vector<1x16xf32> to vector<16xf32>
        %mul3A_1417 = vector.broadcast %squeeze3A_1390 : f32 to vector<16xf32>
        %mul3A_1418 = arith.mulf %get3A_1416, %mul3A_1417 : vector<16xf32>
        %swap3A_1419 = arith.index_cast %add3A_1388 : i32 to index
        %swap3A_1420 = arith.constant 32 : index
        %swap3A_1421 = tpu.vector_load %arg14[%swap3A_1419, %swap3A_1420] {strides = array<i32>} : memref<128x128xf32, #tpu.memory_space<vmem>>, vector<1x16xf32>,
        %swap3A_1422 = vector.shape_cast %swap3A_1421 : vector<1x16xf32> to vector<16xf32>
        %swap3A_1423 = vector.shape_cast %mul3A_1418 : vector<16xf32> to vector<1x16xf32>
        tpu.vector_store %arg14[%swap3A_1419, %swap3A_1420], %swap3A_1423 {strides = array<i32>} : memref<128x128xf32, #tpu.memory_space<vmem>>, vector<1x16xf32>,
        %get3A_1424 = arith.index_cast %add3A_1388 : i32 to index
        %get3A_1425 = arith.constant 48 : index
        %get3A_1426 = tpu.vector_load %arg14[%get3A_1424, %get3A_1425] {strides = array<i32>} : memref<128x128xf32, #tpu.memory_space<vmem>>, vector<1x16xf32>,
        %get3A_1427 = vector.shape_cast %get3A_1426 : vector<1x16xf32> to vector<16xf32>
        %mul3A_1428 = vector.broadcast %squeeze3A_1390 : f32 to vector<16xf32>
        %mul3A_1429 = arith.mulf %get3A_1427, %mul3A_1428 : vector<16xf32>
        %swap3A_1430 = arith.index_cast %add3A_1388 : i32 to index
        %swap3A_1431 = arith.constant 48 : index
        %swap3A_1432 = tpu.vector_load %arg14[%swap3A_1430, %swap3A_1431] {strides = array<i32>} : memref<128x128xf32, #tpu.memory_space<vmem>>, vector<1x16xf32>,
        %swap3A_1433 = vector.shape_cast %swap3A_1432 : vector<1x16xf32> to vector<16xf32>
        %swap3A_1434 = vector.shape_cast %mul3A_1429 : vector<16xf32> to vector<1x16xf32>
        tpu.vector_store %arg14[%swap3A_1430, %swap3A_1431], %swap3A_1434 {strides = array<i32>} : memref<128x128xf32, #tpu.memory_space<vmem>>, vector<1x16xf32>,
        %get3A_1435 = arith.index_cast %add3A_1388 : i32 to index
        %get3A_1436 = arith.constant 64 : index
        %get3A_1437 = tpu.vector_load %arg14[%get3A_1435, %get3A_1436] {strides = array<i32>} : memref<128x128xf32, #tpu.memory_space<vmem>>, vector<1x16xf32>,
        %get3A_1438 = vector.shape_cast %get3A_1437 : vector<1x16xf32> to vector<16xf32>
        %mul3A_1439 = vector.broadcast %squeeze3A_1390 : f32 to vector<16xf32>
        %mul3A_1440 = arith.mulf %get3A_1438, %mul3A_1439 : vector<16xf32>
        %swap3A_1441 = arith.index_cast %add3A_1388 : i32 to index
        %swap3A_1442 = arith.constant 64 : index
        %swap3A_1443 = tpu.vector_load %arg14[%swap3A_1441, %swap3A_1442] {strides = array<i32>} : memref<128x128xf32, #tpu.memory_space<vmem>>, vector<1x16xf32>,
        %swap3A_1444 = vector.shape_cast %swap3A_1443 : vector<1x16xf32> to vector<16xf32>
        %swap3A_1445 = vector.shape_cast %mul3A_1440 : vector<16xf32> to vector<1x16xf32>
        tpu.vector_store %arg14[%swap3A_1441, %swap3A_1442], %swap3A_1445 {strides = array<i32>} : memref<128x128xf32, #tpu.memory_space<vmem>>, vector<1x16xf32>,
        %get3A_1446 = arith.index_cast %add3A_1388 : i32 to index
        %get3A_1447 = arith.constant 80 : index
        %get3A_1448 = tpu.vector_load %arg14[%get3A_1446, %get3A_1447] {strides = array<i32>} : memref<128x128xf32, #tpu.memory_space<vmem>>, vector<1x16xf32>,
        %get3A_1449 = vector.shape_cast %get3A_1448 : vector<1x16xf32> to vector<16xf32>
        %mul3A_1450 = vector.broadcast %squeeze3A_1390 : f32 to vector<16xf32>
        %mul3A_1451 = arith.mulf %get3A_1449, %mul3A_1450 : vector<16xf32>
        %swap3A_1452 = arith.index_cast %add3A_1388 : i32 to index
        %swap3A_1453 = arith.constant 80 : index
        %swap3A_1454 = tpu.vector_load %arg14[%swap3A_1452, %swap3A_1453] {strides = array<i32>} : memref<128x128xf32, #tpu.memory_space<vmem>>, vector<1x16xf32>,
        %swap3A_1455 = vector.shape_cast %swap3A_1454 : vector<1x16xf32> to vector<16xf32>
        %swap3A_1456 = vector.shape_cast %mul3A_1451 : vector<16xf32> to vector<1x16xf32>
        tpu.vector_store %arg14[%swap3A_1452, %swap3A_1453], %swap3A_1456 {strides = array<i32>} : memref<128x128xf32, #tpu.memory_space<vmem>>, vector<1x16xf32>,
        %get3A_1457 = arith.index_cast %add3A_1388 : i32 to index
        %get3A_1458 = arith.constant 96 : index
        %get3A_1459 = tpu.vector_load %arg14[%get3A_1457, %get3A_1458] {strides = array<i32>} : memref<128x128xf32, #tpu.memory_space<vmem>>, vector<1x16xf32>,
        %get3A_1460 = vector.shape_cast %get3A_1459 : vector<1x16xf32> to vector<16xf32>
        %mul3A_1461 = vector.broadcast %squeeze3A_1390 : f32 to vector<16xf32>
        %mul3A_1462 = arith.mulf %get3A_1460, %mul3A_1461 : vector<16xf32>
        %swap3A_1463 = arith.index_cast %add3A_1388 : i32 to index
        %swap3A_1464 = arith.constant 96 : index
        %swap3A_1465 = tpu.vector_load %arg14[%swap3A_1463, %swap3A_1464] {strides = array<i32>} : memref<128x128xf32, #tpu.memory_space<vmem>>, vector<1x16xf32>,
        %swap3A_1466 = vector.shape_cast %swap3A_1465 : vector<1x16xf32> to vector<16xf32>
        %swap3A_1467 = vector.shape_cast %mul3A_1462 : vector<16xf32> to vector<1x16xf32>
        tpu.vector_store %arg14[%swap3A_1463, %swap3A_1464], %swap3A_1467 {strides = array<i32>} : memref<128x128xf32, #tpu.memory_space<vmem>>, vector<1x16xf32>,
        %get3A_1468 = arith.index_cast %add3A_1388 : i32 to index
        %get3A_1469 = arith.constant 112 : index
        %get3A_1470 = tpu.vector_load %arg14[%get3A_1468, %get3A_1469] {strides = array<i32>} : memref<128x128xf32, #tpu.memory_space<vmem>>, vector<1x16xf32>,
        %get3A_1471 = vector.shape_cast %get3A_1470 : vector<1x16xf32> to vector<16xf32>
        %mul3A_1472 = vector.broadcast %squeeze3A_1390 : f32 to vector<16xf32>
        %mul3A_1473 = arith.mulf %get3A_1471, %mul3A_1472 : vector<16xf32>
        %swap3A_1474 = arith.index_cast %add3A_1388 : i32 to index
        %swap3A_1475 = arith.constant 112 : index
        %swap3A_1476 = tpu.vector_load %arg14[%swap3A_1474, %swap3A_1475] {strides = array<i32>} : memref<128x128xf32, #tpu.memory_space<vmem>>, vector<1x16xf32>,
        %swap3A_1477 = vector.shape_cast %swap3A_1476 : vector<1x16xf32> to vector<16xf32>
        %swap3A_1478 = vector.shape_cast %mul3A_1473 : vector<16xf32> to vector<1x16xf32>
        tpu.vector_store %arg14[%swap3A_1474, %swap3A_1475], %swap3A_1478 {strides = array<i32>} : memref<128x128xf32, #tpu.memory_space<vmem>>, vector<1x16xf32>,
        %mul3A_1479 = arith.constant 16 : i32
        %mul3A_1480 = arith.muli %scan3A_345, %mul3A_1479 : i32
        %add3A_1481 = arith.constant 12 : i32
        %add3A_1482 = arith.addi %mul3A_1480, %add3A_1481 : i32
        %slice3A_1483 = vector.extract_strided_slice %get3A_352 {offsets = [12], sizes = [1], strides = [1]} : vector<16xf32> to vector<1xf32>
        %squeeze3A_1484 = vector.extract %slice3A_1483[0] : f32 from vector<1xf32>
        %get3A_1485 = arith.index_cast %add3A_1482 : i32 to index
        %get3A_1486 = arith.constant 0 : index
        %get3A_1487 = tpu.vector_load %arg14[%get3A_1485, %get3A_1486] {strides = array<i32>} : memref<128x128xf32, #tpu.memory_space<vmem>>, vector<1x16xf32>,
        %get3A_1488 = vector.shape_cast %get3A_1487 : vector<1x16xf32> to vector<16xf32>
        %mul3A_1489 = vector.broadcast %squeeze3A_1484 : f32 to vector<16xf32>
        %mul3A_1490 = arith.mulf %get3A_1488, %mul3A_1489 : vector<16xf32>
        %swap3A_1491 = arith.index_cast %add3A_1482 : i32 to index
        %swap3A_1492 = arith.constant 0 : index
        %swap3A_1493 = tpu.vector_load %arg14[%swap3A_1491, %swap3A_1492] {strides = array<i32>} : memref<128x128xf32, #tpu.memory_space<vmem>>, vector<1x16xf32>,
        %swap3A_1494 = vector.shape_cast %swap3A_1493 : vector<1x16xf32> to vector<16xf32>
        %swap3A_1495 = vector.shape_cast %mul3A_1490 : vector<16xf32> to vector<1x16xf32>
        tpu.vector_store %arg14[%swap3A_1491, %swap3A_1492], %swap3A_1495 {strides = array<i32>} : memref<128x128xf32, #tpu.memory_space<vmem>>, vector<1x16xf32>,
        %get3A_1496 = arith.index_cast %add3A_1482 : i32 to index
        %get3A_1497 = arith.constant 16 : index
        %get3A_1498 = tpu.vector_load %arg14[%get3A_1496, %get3A_1497] {strides = array<i32>} : memref<128x128xf32, #tpu.memory_space<vmem>>, vector<1x16xf32>,
        %get3A_1499 = vector.shape_cast %get3A_1498 : vector<1x16xf32> to vector<16xf32>
        %mul3A_1500 = vector.broadcast %squeeze3A_1484 : f32 to vector<16xf32>
        %mul3A_1501 = arith.mulf %get3A_1499, %mul3A_1500 : vector<16xf32>
        %swap3A_1502 = arith.index_cast %add3A_1482 : i32 to index
        %swap3A_1503 = arith.constant 16 : index
        %swap3A_1504 = tpu.vector_load %arg14[%swap3A_1502, %swap3A_1503] {strides = array<i32>} : memref<128x128xf32, #tpu.memory_space<vmem>>, vector<1x16xf32>,
        %swap3A_1505 = vector.shape_cast %swap3A_1504 : vector<1x16xf32> to vector<16xf32>
        %swap3A_1506 = vector.shape_cast %mul3A_1501 : vector<16xf32> to vector<1x16xf32>
        tpu.vector_store %arg14[%swap3A_1502, %swap3A_1503], %swap3A_1506 {strides = array<i32>} : memref<128x128xf32, #tpu.memory_space<vmem>>, vector<1x16xf32>,
        %get3A_1507 = arith.index_cast %add3A_1482 : i32 to index
        %get3A_1508 = arith.constant 32 : index
        %get3A_1509 = tpu.vector_load %arg14[%get3A_1507, %get3A_1508] {strides = array<i32>} : memref<128x128xf32, #tpu.memory_space<vmem>>, vector<1x16xf32>,
        %get3A_1510 = vector.shape_cast %get3A_1509 : vector<1x16xf32> to vector<16xf32>
        %mul3A_1511 = vector.broadcast %squeeze3A_1484 : f32 to vector<16xf32>
        %mul3A_1512 = arith.mulf %get3A_1510, %mul3A_1511 : vector<16xf32>
        %swap3A_1513 = arith.index_cast %add3A_1482 : i32 to index
        %swap3A_1514 = arith.constant 32 : index
        %swap3A_1515 = tpu.vector_load %arg14[%swap3A_1513, %swap3A_1514] {strides = array<i32>} : memref<128x128xf32, #tpu.memory_space<vmem>>, vector<1x16xf32>,
        %swap3A_1516 = vector.shape_cast %swap3A_1515 : vector<1x16xf32> to vector<16xf32>
        %swap3A_1517 = vector.shape_cast %mul3A_1512 : vector<16xf32> to vector<1x16xf32>
        tpu.vector_store %arg14[%swap3A_1513, %swap3A_1514], %swap3A_1517 {strides = array<i32>} : memref<128x128xf32, #tpu.memory_space<vmem>>, vector<1x16xf32>,
        %get3A_1518 = arith.index_cast %add3A_1482 : i32 to index
        %get3A_1519 = arith.constant 48 : index
        %get3A_1520 = tpu.vector_load %arg14[%get3A_1518, %get3A_1519] {strides = array<i32>} : memref<128x128xf32, #tpu.memory_space<vmem>>, vector<1x16xf32>,
        %get3A_1521 = vector.shape_cast %get3A_1520 : vector<1x16xf32> to vector<16xf32>
        %mul3A_1522 = vector.broadcast %squeeze3A_1484 : f32 to vector<16xf32>
        %mul3A_1523 = arith.mulf %get3A_1521, %mul3A_1522 : vector<16xf32>
        %swap3A_1524 = arith.index_cast %add3A_1482 : i32 to index
        %swap3A_1525 = arith.constant 48 : index
        %swap3A_1526 = tpu.vector_load %arg14[%swap3A_1524, %swap3A_1525] {strides = array<i32>} : memref<128x128xf32, #tpu.memory_space<vmem>>, vector<1x16xf32>,
        %swap3A_1527 = vector.shape_cast %swap3A_1526 : vector<1x16xf32> to vector<16xf32>
        %swap3A_1528 = vector.shape_cast %mul3A_1523 : vector<16xf32> to vector<1x16xf32>
        tpu.vector_store %arg14[%swap3A_1524, %swap3A_1525], %swap3A_1528 {strides = array<i32>} : memref<128x128xf32, #tpu.memory_space<vmem>>, vector<1x16xf32>,
        %get3A_1529 = arith.index_cast %add3A_1482 : i32 to index
        %get3A_1530 = arith.constant 64 : index
        %get3A_1531 = tpu.vector_load %arg14[%get3A_1529, %get3A_1530] {strides = array<i32>} : memref<128x128xf32, #tpu.memory_space<vmem>>, vector<1x16xf32>,
        %get3A_1532 = vector.shape_cast %get3A_1531 : vector<1x16xf32> to vector<16xf32>
        %mul3A_1533 = vector.broadcast %squeeze3A_1484 : f32 to vector<16xf32>
        %mul3A_1534 = arith.mulf %get3A_1532, %mul3A_1533 : vector<16xf32>
        %swap3A_1535 = arith.index_cast %add3A_1482 : i32 to index
        %swap3A_1536 = arith.constant 64 : index
        %swap3A_1537 = tpu.vector_load %arg14[%swap3A_1535, %swap3A_1536] {strides = array<i32>} : memref<128x128xf32, #tpu.memory_space<vmem>>, vector<1x16xf32>,
        %swap3A_1538 = vector.shape_cast %swap3A_1537 : vector<1x16xf32> to vector<16xf32>
        %swap3A_1539 = vector.shape_cast %mul3A_1534 : vector<16xf32> to vector<1x16xf32>
        tpu.vector_store %arg14[%swap3A_1535, %swap3A_1536], %swap3A_1539 {strides = array<i32>} : memref<128x128xf32, #tpu.memory_space<vmem>>, vector<1x16xf32>,
        %get3A_1540 = arith.index_cast %add3A_1482 : i32 to index
        %get3A_1541 = arith.constant 80 : index
        %get3A_1542 = tpu.vector_load %arg14[%get3A_1540, %get3A_1541] {strides = array<i32>} : memref<128x128xf32, #tpu.memory_space<vmem>>, vector<1x16xf32>,
        %get3A_1543 = vector.shape_cast %get3A_1542 : vector<1x16xf32> to vector<16xf32>
        %mul3A_1544 = vector.broadcast %squeeze3A_1484 : f32 to vector<16xf32>
        %mul3A_1545 = arith.mulf %get3A_1543, %mul3A_1544 : vector<16xf32>
        %swap3A_1546 = arith.index_cast %add3A_1482 : i32 to index
        %swap3A_1547 = arith.constant 80 : index
        %swap3A_1548 = tpu.vector_load %arg14[%swap3A_1546, %swap3A_1547] {strides = array<i32>} : memref<128x128xf32, #tpu.memory_space<vmem>>, vector<1x16xf32>,
        %swap3A_1549 = vector.shape_cast %swap3A_1548 : vector<1x16xf32> to vector<16xf32>
        %swap3A_1550 = vector.shape_cast %mul3A_1545 : vector<16xf32> to vector<1x16xf32>
        tpu.vector_store %arg14[%swap3A_1546, %swap3A_1547], %swap3A_1550 {strides = array<i32>} : memref<128x128xf32, #tpu.memory_space<vmem>>, vector<1x16xf32>,
        %get3A_1551 = arith.index_cast %add3A_1482 : i32 to index
        %get3A_1552 = arith.constant 96 : index
        %get3A_1553 = tpu.vector_load %arg14[%get3A_1551, %get3A_1552] {strides = array<i32>} : memref<128x128xf32, #tpu.memory_space<vmem>>, vector<1x16xf32>,
        %get3A_1554 = vector.shape_cast %get3A_1553 : vector<1x16xf32> to vector<16xf32>
        %mul3A_1555 = vector.broadcast %squeeze3A_1484 : f32 to vector<16xf32>
        %mul3A_1556 = arith.mulf %get3A_1554, %mul3A_1555 : vector<16xf32>
        %swap3A_1557 = arith.index_cast %add3A_1482 : i32 to index
        %swap3A_1558 = arith.constant 96 : index
        %swap3A_1559 = tpu.vector_load %arg14[%swap3A_1557, %swap3A_1558] {strides = array<i32>} : memref<128x128xf32, #tpu.memory_space<vmem>>, vector<1x16xf32>,
        %swap3A_1560 = vector.shape_cast %swap3A_1559 : vector<1x16xf32> to vector<16xf32>
        %swap3A_1561 = vector.shape_cast %mul3A_1556 : vector<16xf32> to vector<1x16xf32>
        tpu.vector_store %arg14[%swap3A_1557, %swap3A_1558], %swap3A_1561 {strides = array<i32>} : memref<128x128xf32, #tpu.memory_space<vmem>>, vector<1x16xf32>,
        %get3A_1562 = arith.index_cast %add3A_1482 : i32 to index
        %get3A_1563 = arith.constant 112 : index
        %get3A_1564 = tpu.vector_load %arg14[%get3A_1562, %get3A_1563] {strides = array<i32>} : memref<128x128xf32, #tpu.memory_space<vmem>>, vector<1x16xf32>,
        %get3A_1565 = vector.shape_cast %get3A_1564 : vector<1x16xf32> to vector<16xf32>
        %mul3A_1566 = vector.broadcast %squeeze3A_1484 : f32 to vector<16xf32>
        %mul3A_1567 = arith.mulf %get3A_1565, %mul3A_1566 : vector<16xf32>
        %swap3A_1568 = arith.index_cast %add3A_1482 : i32 to index
        %swap3A_1569 = arith.constant 112 : index
        %swap3A_1570 = tpu.vector_load %arg14[%swap3A_1568, %swap3A_1569] {strides = array<i32>} : memref<128x128xf32, #tpu.memory_space<vmem>>, vector<1x16xf32>,
        %swap3A_1571 = vector.shape_cast %swap3A_1570 : vector<1x16xf32> to vector<16xf32>
        %swap3A_1572 = vector.shape_cast %mul3A_1567 : vector<16xf32> to vector<1x16xf32>
        tpu.vector_store %arg14[%swap3A_1568, %swap3A_1569], %swap3A_1572 {strides = array<i32>} : memref<128x128xf32, #tpu.memory_space<vmem>>, vector<1x16xf32>,
        %mul3A_1573 = arith.constant 16 : i32
        %mul3A_1574 = arith.muli %scan3A_345, %mul3A_1573 : i32
        %add3A_1575 = arith.constant 13 : i32
        %add3A_1576 = arith.addi %mul3A_1574, %add3A_1575 : i32
        %slice3A_1577 = vector.extract_strided_slice %get3A_352 {offsets = [13], sizes = [1], strides = [1]} : vector<16xf32> to vector<1xf32>
        %squeeze3A_1578 = vector.extract %slice3A_1577[0] : f32 from vector<1xf32>
        %get3A_1579 = arith.index_cast %add3A_1576 : i32 to index
        %get3A_1580 = arith.constant 0 : index
        %get3A_1581 = tpu.vector_load %arg14[%get3A_1579, %get3A_1580] {strides = array<i32>} : memref<128x128xf32, #tpu.memory_space<vmem>>, vector<1x16xf32>,
        %get3A_1582 = vector.shape_cast %get3A_1581 : vector<1x16xf32> to vector<16xf32>
        %mul3A_1583 = vector.broadcast %squeeze3A_1578 : f32 to vector<16xf32>
        %mul3A_1584 = arith.mulf %get3A_1582, %mul3A_1583 : vector<16xf32>
        %swap3A_1585 = arith.index_cast %add3A_1576 : i32 to index
        %swap3A_1586 = arith.constant 0 : index
        %swap3A_1587 = tpu.vector_load %arg14[%swap3A_1585, %swap3A_1586] {strides = array<i32>} : memref<128x128xf32, #tpu.memory_space<vmem>>, vector<1x16xf32>,
        %swap3A_1588 = vector.shape_cast %swap3A_1587 : vector<1x16xf32> to vector<16xf32>
        %swap3A_1589 = vector.shape_cast %mul3A_1584 : vector<16xf32> to vector<1x16xf32>
        tpu.vector_store %arg14[%swap3A_1585, %swap3A_1586], %swap3A_1589 {strides = array<i32>} : memref<128x128xf32, #tpu.memory_space<vmem>>, vector<1x16xf32>,
        %get3A_1590 = arith.index_cast %add3A_1576 : i32 to index
        %get3A_1591 = arith.constant 16 : index
        %get3A_1592 = tpu.vector_load %arg14[%get3A_1590, %get3A_1591] {strides = array<i32>} : memref<128x128xf32, #tpu.memory_space<vmem>>, vector<1x16xf32>,
        %get3A_1593 = vector.shape_cast %get3A_1592 : vector<1x16xf32> to vector<16xf32>
        %mul3A_1594 = vector.broadcast %squeeze3A_1578 : f32 to vector<16xf32>
        %mul3A_1595 = arith.mulf %get3A_1593, %mul3A_1594 : vector<16xf32>
        %swap3A_1596 = arith.index_cast %add3A_1576 : i32 to index
        %swap3A_1597 = arith.constant 16 : index
        %swap3A_1598 = tpu.vector_load %arg14[%swap3A_1596, %swap3A_1597] {strides = array<i32>} : memref<128x128xf32, #tpu.memory_space<vmem>>, vector<1x16xf32>,
        %swap3A_1599 = vector.shape_cast %swap3A_1598 : vector<1x16xf32> to vector<16xf32>
        %swap3A_1600 = vector.shape_cast %mul3A_1595 : vector<16xf32> to vector<1x16xf32>
        tpu.vector_store %arg14[%swap3A_1596, %swap3A_1597], %swap3A_1600 {strides = array<i32>} : memref<128x128xf32, #tpu.memory_space<vmem>>, vector<1x16xf32>,
        %get3A_1601 = arith.index_cast %add3A_1576 : i32 to index
        %get3A_1602 = arith.constant 32 : index
        %get3A_1603 = tpu.vector_load %arg14[%get3A_1601, %get3A_1602] {strides = array<i32>} : memref<128x128xf32, #tpu.memory_space<vmem>>, vector<1x16xf32>,
        %get3A_1604 = vector.shape_cast %get3A_1603 : vector<1x16xf32> to vector<16xf32>
        %mul3A_1605 = vector.broadcast %squeeze3A_1578 : f32 to vector<16xf32>
        %mul3A_1606 = arith.mulf %get3A_1604, %mul3A_1605 : vector<16xf32>
        %swap3A_1607 = arith.index_cast %add3A_1576 : i32 to index
        %swap3A_1608 = arith.constant 32 : index
        %swap3A_1609 = tpu.vector_load %arg14[%swap3A_1607, %swap3A_1608] {strides = array<i32>} : memref<128x128xf32, #tpu.memory_space<vmem>>, vector<1x16xf32>,
        %swap3A_1610 = vector.shape_cast %swap3A_1609 : vector<1x16xf32> to vector<16xf32>
        %swap3A_1611 = vector.shape_cast %mul3A_1606 : vector<16xf32> to vector<1x16xf32>
        tpu.vector_store %arg14[%swap3A_1607, %swap3A_1608], %swap3A_1611 {strides = array<i32>} : memref<128x128xf32, #tpu.memory_space<vmem>>, vector<1x16xf32>,
        %get3A_1612 = arith.index_cast %add3A_1576 : i32 to index
        %get3A_1613 = arith.constant 48 : index
        %get3A_1614 = tpu.vector_load %arg14[%get3A_1612, %get3A_1613] {strides = array<i32>} : memref<128x128xf32, #tpu.memory_space<vmem>>, vector<1x16xf32>,
        %get3A_1615 = vector.shape_cast %get3A_1614 : vector<1x16xf32> to vector<16xf32>
        %mul3A_1616 = vector.broadcast %squeeze3A_1578 : f32 to vector<16xf32>
        %mul3A_1617 = arith.mulf %get3A_1615, %mul3A_1616 : vector<16xf32>
        %swap3A_1618 = arith.index_cast %add3A_1576 : i32 to index
        %swap3A_1619 = arith.constant 48 : index
        %swap3A_1620 = tpu.vector_load %arg14[%swap3A_1618, %swap3A_1619] {strides = array<i32>} : memref<128x128xf32, #tpu.memory_space<vmem>>, vector<1x16xf32>,
        %swap3A_1621 = vector.shape_cast %swap3A_1620 : vector<1x16xf32> to vector<16xf32>
        %swap3A_1622 = vector.shape_cast %mul3A_1617 : vector<16xf32> to vector<1x16xf32>
        tpu.vector_store %arg14[%swap3A_1618, %swap3A_1619], %swap3A_1622 {strides = array<i32>} : memref<128x128xf32, #tpu.memory_space<vmem>>, vector<1x16xf32>,
        %get3A_1623 = arith.index_cast %add3A_1576 : i32 to index
        %get3A_1624 = arith.constant 64 : index
        %get3A_1625 = tpu.vector_load %arg14[%get3A_1623, %get3A_1624] {strides = array<i32>} : memref<128x128xf32, #tpu.memory_space<vmem>>, vector<1x16xf32>,
        %get3A_1626 = vector.shape_cast %get3A_1625 : vector<1x16xf32> to vector<16xf32>
        %mul3A_1627 = vector.broadcast %squeeze3A_1578 : f32 to vector<16xf32>
        %mul3A_1628 = arith.mulf %get3A_1626, %mul3A_1627 : vector<16xf32>
        %swap3A_1629 = arith.index_cast %add3A_1576 : i32 to index
        %swap3A_1630 = arith.constant 64 : index
        %swap3A_1631 = tpu.vector_load %arg14[%swap3A_1629, %swap3A_1630] {strides = array<i32>} : memref<128x128xf32, #tpu.memory_space<vmem>>, vector<1x16xf32>,
        %swap3A_1632 = vector.shape_cast %swap3A_1631 : vector<1x16xf32> to vector<16xf32>
        %swap3A_1633 = vector.shape_cast %mul3A_1628 : vector<16xf32> to vector<1x16xf32>
        tpu.vector_store %arg14[%swap3A_1629, %swap3A_1630], %swap3A_1633 {strides = array<i32>} : memref<128x128xf32, #tpu.memory_space<vmem>>, vector<1x16xf32>,
        %get3A_1634 = arith.index_cast %add3A_1576 : i32 to index
        %get3A_1635 = arith.constant 80 : index
        %get3A_1636 = tpu.vector_load %arg14[%get3A_1634, %get3A_1635] {strides = array<i32>} : memref<128x128xf32, #tpu.memory_space<vmem>>, vector<1x16xf32>,
        %get3A_1637 = vector.shape_cast %get3A_1636 : vector<1x16xf32> to vector<16xf32>
        %mul3A_1638 = vector.broadcast %squeeze3A_1578 : f32 to vector<16xf32>
        %mul3A_1639 = arith.mulf %get3A_1637, %mul3A_1638 : vector<16xf32>
        %swap3A_1640 = arith.index_cast %add3A_1576 : i32 to index
        %swap3A_1641 = arith.constant 80 : index
        %swap3A_1642 = tpu.vector_load %arg14[%swap3A_1640, %swap3A_1641] {strides = array<i32>} : memref<128x128xf32, #tpu.memory_space<vmem>>, vector<1x16xf32>,
        %swap3A_1643 = vector.shape_cast %swap3A_1642 : vector<1x16xf32> to vector<16xf32>
        %swap3A_1644 = vector.shape_cast %mul3A_1639 : vector<16xf32> to vector<1x16xf32>
        tpu.vector_store %arg14[%swap3A_1640, %swap3A_1641], %swap3A_1644 {strides = array<i32>} : memref<128x128xf32, #tpu.memory_space<vmem>>, vector<1x16xf32>,
        %get3A_1645 = arith.index_cast %add3A_1576 : i32 to index
        %get3A_1646 = arith.constant 96 : index
        %get3A_1647 = tpu.vector_load %arg14[%get3A_1645, %get3A_1646] {strides = array<i32>} : memref<128x128xf32, #tpu.memory_space<vmem>>, vector<1x16xf32>,
        %get3A_1648 = vector.shape_cast %get3A_1647 : vector<1x16xf32> to vector<16xf32>
        %mul3A_1649 = vector.broadcast %squeeze3A_1578 : f32 to vector<16xf32>
        %mul3A_1650 = arith.mulf %get3A_1648, %mul3A_1649 : vector<16xf32>
        %swap3A_1651 = arith.index_cast %add3A_1576 : i32 to index
        %swap3A_1652 = arith.constant 96 : index
        %swap3A_1653 = tpu.vector_load %arg14[%swap3A_1651, %swap3A_1652] {strides = array<i32>} : memref<128x128xf32, #tpu.memory_space<vmem>>, vector<1x16xf32>,
        %swap3A_1654 = vector.shape_cast %swap3A_1653 : vector<1x16xf32> to vector<16xf32>
        %swap3A_1655 = vector.shape_cast %mul3A_1650 : vector<16xf32> to vector<1x16xf32>
        tpu.vector_store %arg14[%swap3A_1651, %swap3A_1652], %swap3A_1655 {strides = array<i32>} : memref<128x128xf32, #tpu.memory_space<vmem>>, vector<1x16xf32>,
        %get3A_1656 = arith.index_cast %add3A_1576 : i32 to index
        %get3A_1657 = arith.constant 112 : index
        %get3A_1658 = tpu.vector_load %arg14[%get3A_1656, %get3A_1657] {strides = array<i32>} : memref<128x128xf32, #tpu.memory_space<vmem>>, vector<1x16xf32>,
        %get3A_1659 = vector.shape_cast %get3A_1658 : vector<1x16xf32> to vector<16xf32>
        %mul3A_1660 = vector.broadcast %squeeze3A_1578 : f32 to vector<16xf32>
        %mul3A_1661 = arith.mulf %get3A_1659, %mul3A_1660 : vector<16xf32>
        %swap3A_1662 = arith.index_cast %add3A_1576 : i32 to index
        %swap3A_1663 = arith.constant 112 : index
        %swap3A_1664 = tpu.vector_load %arg14[%swap3A_1662, %swap3A_1663] {strides = array<i32>} : memref<128x128xf32, #tpu.memory_space<vmem>>, vector<1x16xf32>,
        %swap3A_1665 = vector.shape_cast %swap3A_1664 : vector<1x16xf32> to vector<16xf32>
        %swap3A_1666 = vector.shape_cast %mul3A_1661 : vector<16xf32> to vector<1x16xf32>
        tpu.vector_store %arg14[%swap3A_1662, %swap3A_1663], %swap3A_1666 {strides = array<i32>} : memref<128x128xf32, #tpu.memory_space<vmem>>, vector<1x16xf32>,
        %mul3A_1667 = arith.constant 16 : i32
        %mul3A_1668 = arith.muli %scan3A_345, %mul3A_1667 : i32
        %add3A_1669 = arith.constant 14 : i32
        %add3A_1670 = arith.addi %mul3A_1668, %add3A_1669 : i32
        %slice3A_1671 = vector.extract_strided_slice %get3A_352 {offsets = [14], sizes = [1], strides = [1]} : vector<16xf32> to vector<1xf32>
        %squeeze3A_1672 = vector.extract %slice3A_1671[0] : f32 from vector<1xf32>
        %get3A_1673 = arith.index_cast %add3A_1670 : i32 to index
        %get3A_1674 = arith.constant 0 : index
        %get3A_1675 = tpu.vector_load %arg14[%get3A_1673, %get3A_1674] {strides = array<i32>} : memref<128x128xf32, #tpu.memory_space<vmem>>, vector<1x16xf32>,
        %get3A_1676 = vector.shape_cast %get3A_1675 : vector<1x16xf32> to vector<16xf32>
        %mul3A_1677 = vector.broadcast %squeeze3A_1672 : f32 to vector<16xf32>
        %mul3A_1678 = arith.mulf %get3A_1676, %mul3A_1677 : vector<16xf32>
        %swap3A_1679 = arith.index_cast %add3A_1670 : i32 to index
        %swap3A_1680 = arith.constant 0 : index
        %swap3A_1681 = tpu.vector_load %arg14[%swap3A_1679, %swap3A_1680] {strides = array<i32>} : memref<128x128xf32, #tpu.memory_space<vmem>>, vector<1x16xf32>,
        %swap3A_1682 = vector.shape_cast %swap3A_1681 : vector<1x16xf32> to vector<16xf32>
        %swap3A_1683 = vector.shape_cast %mul3A_1678 : vector<16xf32> to vector<1x16xf32>
        tpu.vector_store %arg14[%swap3A_1679, %swap3A_1680], %swap3A_1683 {strides = array<i32>} : memref<128x128xf32, #tpu.memory_space<vmem>>, vector<1x16xf32>,
        %get3A_1684 = arith.index_cast %add3A_1670 : i32 to index
        %get3A_1685 = arith.constant 16 : index
        %get3A_1686 = tpu.vector_load %arg14[%get3A_1684, %get3A_1685] {strides = array<i32>} : memref<128x128xf32, #tpu.memory_space<vmem>>, vector<1x16xf32>,
        %get3A_1687 = vector.shape_cast %get3A_1686 : vector<1x16xf32> to vector<16xf32>
        %mul3A_1688 = vector.broadcast %squeeze3A_1672 : f32 to vector<16xf32>
        %mul3A_1689 = arith.mulf %get3A_1687, %mul3A_1688 : vector<16xf32>
        %swap3A_1690 = arith.index_cast %add3A_1670 : i32 to index
        %swap3A_1691 = arith.constant 16 : index
        %swap3A_1692 = tpu.vector_load %arg14[%swap3A_1690, %swap3A_1691] {strides = array<i32>} : memref<128x128xf32, #tpu.memory_space<vmem>>, vector<1x16xf32>,
        %swap3A_1693 = vector.shape_cast %swap3A_1692 : vector<1x16xf32> to vector<16xf32>
        %swap3A_1694 = vector.shape_cast %mul3A_1689 : vector<16xf32> to vector<1x16xf32>
        tpu.vector_store %arg14[%swap3A_1690, %swap3A_1691], %swap3A_1694 {strides = array<i32>} : memref<128x128xf32, #tpu.memory_space<vmem>>, vector<1x16xf32>,
        %get3A_1695 = arith.index_cast %add3A_1670 : i32 to index
        %get3A_1696 = arith.constant 32 : index
        %get3A_1697 = tpu.vector_load %arg14[%get3A_1695, %get3A_1696] {strides = array<i32>} : memref<128x128xf32, #tpu.memory_space<vmem>>, vector<1x16xf32>,
        %get3A_1698 = vector.shape_cast %get3A_1697 : vector<1x16xf32> to vector<16xf32>
        %mul3A_1699 = vector.broadcast %squeeze3A_1672 : f32 to vector<16xf32>
        %mul3A_1700 = arith.mulf %get3A_1698, %mul3A_1699 : vector<16xf32>
        %swap3A_1701 = arith.index_cast %add3A_1670 : i32 to index
        %swap3A_1702 = arith.constant 32 : index
        %swap3A_1703 = tpu.vector_load %arg14[%swap3A_1701, %swap3A_1702] {strides = array<i32>} : memref<128x128xf32, #tpu.memory_space<vmem>>, vector<1x16xf32>,
        %swap3A_1704 = vector.shape_cast %swap3A_1703 : vector<1x16xf32> to vector<16xf32>
        %swap3A_1705 = vector.shape_cast %mul3A_1700 : vector<16xf32> to vector<1x16xf32>
        tpu.vector_store %arg14[%swap3A_1701, %swap3A_1702], %swap3A_1705 {strides = array<i32>} : memref<128x128xf32, #tpu.memory_space<vmem>>, vector<1x16xf32>,
        %get3A_1706 = arith.index_cast %add3A_1670 : i32 to index
        %get3A_1707 = arith.constant 48 : index
        %get3A_1708 = tpu.vector_load %arg14[%get3A_1706, %get3A_1707] {strides = array<i32>} : memref<128x128xf32, #tpu.memory_space<vmem>>, vector<1x16xf32>,
        %get3A_1709 = vector.shape_cast %get3A_1708 : vector<1x16xf32> to vector<16xf32>
        %mul3A_1710 = vector.broadcast %squeeze3A_1672 : f32 to vector<16xf32>
        %mul3A_1711 = arith.mulf %get3A_1709, %mul3A_1710 : vector<16xf32>
        %swap3A_1712 = arith.index_cast %add3A_1670 : i32 to index
        %swap3A_1713 = arith.constant 48 : index
        %swap3A_1714 = tpu.vector_load %arg14[%swap3A_1712, %swap3A_1713] {strides = array<i32>} : memref<128x128xf32, #tpu.memory_space<vmem>>, vector<1x16xf32>,
        %swap3A_1715 = vector.shape_cast %swap3A_1714 : vector<1x16xf32> to vector<16xf32>
        %swap3A_1716 = vector.shape_cast %mul3A_1711 : vector<16xf32> to vector<1x16xf32>
        tpu.vector_store %arg14[%swap3A_1712, %swap3A_1713], %swap3A_1716 {strides = array<i32>} : memref<128x128xf32, #tpu.memory_space<vmem>>, vector<1x16xf32>,
        %get3A_1717 = arith.index_cast %add3A_1670 : i32 to index
        %get3A_1718 = arith.constant 64 : index
        %get3A_1719 = tpu.vector_load %arg14[%get3A_1717, %get3A_1718] {strides = array<i32>} : memref<128x128xf32, #tpu.memory_space<vmem>>, vector<1x16xf32>,
        %get3A_1720 = vector.shape_cast %get3A_1719 : vector<1x16xf32> to vector<16xf32>
        %mul3A_1721 = vector.broadcast %squeeze3A_1672 : f32 to vector<16xf32>
        %mul3A_1722 = arith.mulf %get3A_1720, %mul3A_1721 : vector<16xf32>
        %swap3A_1723 = arith.index_cast %add3A_1670 : i32 to index
        %swap3A_1724 = arith.constant 64 : index
        %swap3A_1725 = tpu.vector_load %arg14[%swap3A_1723, %swap3A_1724] {strides = array<i32>} : memref<128x128xf32, #tpu.memory_space<vmem>>, vector<1x16xf32>,
        %swap3A_1726 = vector.shape_cast %swap3A_1725 : vector<1x16xf32> to vector<16xf32>
        %swap3A_1727 = vector.shape_cast %mul3A_1722 : vector<16xf32> to vector<1x16xf32>
        tpu.vector_store %arg14[%swap3A_1723, %swap3A_1724], %swap3A_1727 {strides = array<i32>} : memref<128x128xf32, #tpu.memory_space<vmem>>, vector<1x16xf32>,
        %get3A_1728 = arith.index_cast %add3A_1670 : i32 to index
        %get3A_1729 = arith.constant 80 : index
        %get3A_1730 = tpu.vector_load %arg14[%get3A_1728, %get3A_1729] {strides = array<i32>} : memref<128x128xf32, #tpu.memory_space<vmem>>, vector<1x16xf32>,
        %get3A_1731 = vector.shape_cast %get3A_1730 : vector<1x16xf32> to vector<16xf32>
        %mul3A_1732 = vector.broadcast %squeeze3A_1672 : f32 to vector<16xf32>
        %mul3A_1733 = arith.mulf %get3A_1731, %mul3A_1732 : vector<16xf32>
        %swap3A_1734 = arith.index_cast %add3A_1670 : i32 to index
        %swap3A_1735 = arith.constant 80 : index
        %swap3A_1736 = tpu.vector_load %arg14[%swap3A_1734, %swap3A_1735] {strides = array<i32>} : memref<128x128xf32, #tpu.memory_space<vmem>>, vector<1x16xf32>,
        %swap3A_1737 = vector.shape_cast %swap3A_1736 : vector<1x16xf32> to vector<16xf32>
        %swap3A_1738 = vector.shape_cast %mul3A_1733 : vector<16xf32> to vector<1x16xf32>
        tpu.vector_store %arg14[%swap3A_1734, %swap3A_1735], %swap3A_1738 {strides = array<i32>} : memref<128x128xf32, #tpu.memory_space<vmem>>, vector<1x16xf32>,
        %get3A_1739 = arith.index_cast %add3A_1670 : i32 to index
        %get3A_1740 = arith.constant 96 : index
        %get3A_1741 = tpu.vector_load %arg14[%get3A_1739, %get3A_1740] {strides = array<i32>} : memref<128x128xf32, #tpu.memory_space<vmem>>, vector<1x16xf32>,
        %get3A_1742 = vector.shape_cast %get3A_1741 : vector<1x16xf32> to vector<16xf32>
        %mul3A_1743 = vector.broadcast %squeeze3A_1672 : f32 to vector<16xf32>
        %mul3A_1744 = arith.mulf %get3A_1742, %mul3A_1743 : vector<16xf32>
        %swap3A_1745 = arith.index_cast %add3A_1670 : i32 to index
        %swap3A_1746 = arith.constant 96 : index
        %swap3A_1747 = tpu.vector_load %arg14[%swap3A_1745, %swap3A_1746] {strides = array<i32>} : memref<128x128xf32, #tpu.memory_space<vmem>>, vector<1x16xf32>,
        %swap3A_1748 = vector.shape_cast %swap3A_1747 : vector<1x16xf32> to vector<16xf32>
        %swap3A_1749 = vector.shape_cast %mul3A_1744 : vector<16xf32> to vector<1x16xf32>
        tpu.vector_store %arg14[%swap3A_1745, %swap3A_1746], %swap3A_1749 {strides = array<i32>} : memref<128x128xf32, #tpu.memory_space<vmem>>, vector<1x16xf32>,
        %get3A_1750 = arith.index_cast %add3A_1670 : i32 to index
        %get3A_1751 = arith.constant 112 : index
        %get3A_1752 = tpu.vector_load %arg14[%get3A_1750, %get3A_1751] {strides = array<i32>} : memref<128x128xf32, #tpu.memory_space<vmem>>, vector<1x16xf32>,
        %get3A_1753 = vector.shape_cast %get3A_1752 : vector<1x16xf32> to vector<16xf32>
        %mul3A_1754 = vector.broadcast %squeeze3A_1672 : f32 to vector<16xf32>
        %mul3A_1755 = arith.mulf %get3A_1753, %mul3A_1754 : vector<16xf32>
        %swap3A_1756 = arith.index_cast %add3A_1670 : i32 to index
        %swap3A_1757 = arith.constant 112 : index
        %swap3A_1758 = tpu.vector_load %arg14[%swap3A_1756, %swap3A_1757] {strides = array<i32>} : memref<128x128xf32, #tpu.memory_space<vmem>>, vector<1x16xf32>,
        %swap3A_1759 = vector.shape_cast %swap3A_1758 : vector<1x16xf32> to vector<16xf32>
        %swap3A_1760 = vector.shape_cast %mul3A_1755 : vector<16xf32> to vector<1x16xf32>
        tpu.vector_store %arg14[%swap3A_1756, %swap3A_1757], %swap3A_1760 {strides = array<i32>} : memref<128x128xf32, #tpu.memory_space<vmem>>, vector<1x16xf32>,
        %mul3A_1761 = arith.constant 16 : i32
        %mul3A_1762 = arith.muli %scan3A_345, %mul3A_1761 : i32
        %add3A_1763 = arith.constant 15 : i32
        %add3A_1764 = arith.addi %mul3A_1762, %add3A_1763 : i32
        %slice3A_1765 = vector.extract_strided_slice %get3A_352 {offsets = [15], sizes = [1], strides = [1]} : vector<16xf32> to vector<1xf32>
        %squeeze3A_1766 = vector.extract %slice3A_1765[0] : f32 from vector<1xf32>
        %get3A_1767 = arith.index_cast %add3A_1764 : i32 to index
        %get3A_1768 = arith.constant 0 : index
        %get3A_1769 = tpu.vector_load %arg14[%get3A_1767, %get3A_1768] {strides = array<i32>} : memref<128x128xf32, #tpu.memory_space<vmem>>, vector<1x16xf32>,
        %get3A_1770 = vector.shape_cast %get3A_1769 : vector<1x16xf32> to vector<16xf32>
        %mul3A_1771 = vector.broadcast %squeeze3A_1766 : f32 to vector<16xf32>
        %mul3A_1772 = arith.mulf %get3A_1770, %mul3A_1771 : vector<16xf32>
        %swap3A_1773 = arith.index_cast %add3A_1764 : i32 to index
        %swap3A_1774 = arith.constant 0 : index
        %swap3A_1775 = tpu.vector_load %arg14[%swap3A_1773, %swap3A_1774] {strides = array<i32>} : memref<128x128xf32, #tpu.memory_space<vmem>>, vector<1x16xf32>,
        %swap3A_1776 = vector.shape_cast %swap3A_1775 : vector<1x16xf32> to vector<16xf32>
        %swap3A_1777 = vector.shape_cast %mul3A_1772 : vector<16xf32> to vector<1x16xf32>
        tpu.vector_store %arg14[%swap3A_1773, %swap3A_1774], %swap3A_1777 {strides = array<i32>} : memref<128x128xf32, #tpu.memory_space<vmem>>, vector<1x16xf32>,
        %get3A_1778 = arith.index_cast %add3A_1764 : i32 to index
        %get3A_1779 = arith.constant 16 : index
        %get3A_1780 = tpu.vector_load %arg14[%get3A_1778, %get3A_1779] {strides = array<i32>} : memref<128x128xf32, #tpu.memory_space<vmem>>, vector<1x16xf32>,
        %get3A_1781 = vector.shape_cast %get3A_1780 : vector<1x16xf32> to vector<16xf32>
        %mul3A_1782 = vector.broadcast %squeeze3A_1766 : f32 to vector<16xf32>
        %mul3A_1783 = arith.mulf %get3A_1781, %mul3A_1782 : vector<16xf32>
        %swap3A_1784 = arith.index_cast %add3A_1764 : i32 to index
        %swap3A_1785 = arith.constant 16 : index
        %swap3A_1786 = tpu.vector_load %arg14[%swap3A_1784, %swap3A_1785] {strides = array<i32>} : memref<128x128xf32, #tpu.memory_space<vmem>>, vector<1x16xf32>,
        %swap3A_1787 = vector.shape_cast %swap3A_1786 : vector<1x16xf32> to vector<16xf32>
        %swap3A_1788 = vector.shape_cast %mul3A_1783 : vector<16xf32> to vector<1x16xf32>
        tpu.vector_store %arg14[%swap3A_1784, %swap3A_1785], %swap3A_1788 {strides = array<i32>} : memref<128x128xf32, #tpu.memory_space<vmem>>, vector<1x16xf32>,
        %get3A_1789 = arith.index_cast %add3A_1764 : i32 to index
        %get3A_1790 = arith.constant 32 : index
        %get3A_1791 = tpu.vector_load %arg14[%get3A_1789, %get3A_1790] {strides = array<i32>} : memref<128x128xf32, #tpu.memory_space<vmem>>, vector<1x16xf32>,
        %get3A_1792 = vector.shape_cast %get3A_1791 : vector<1x16xf32> to vector<16xf32>
        %mul3A_1793 = vector.broadcast %squeeze3A_1766 : f32 to vector<16xf32>
        %mul3A_1794 = arith.mulf %get3A_1792, %mul3A_1793 : vector<16xf32>
        %swap3A_1795 = arith.index_cast %add3A_1764 : i32 to index
        %swap3A_1796 = arith.constant 32 : index
        %swap3A_1797 = tpu.vector_load %arg14[%swap3A_1795, %swap3A_1796] {strides = array<i32>} : memref<128x128xf32, #tpu.memory_space<vmem>>, vector<1x16xf32>,
        %swap3A_1798 = vector.shape_cast %swap3A_1797 : vector<1x16xf32> to vector<16xf32>
        %swap3A_1799 = vector.shape_cast %mul3A_1794 : vector<16xf32> to vector<1x16xf32>
        tpu.vector_store %arg14[%swap3A_1795, %swap3A_1796], %swap3A_1799 {strides = array<i32>} : memref<128x128xf32, #tpu.memory_space<vmem>>, vector<1x16xf32>,
        %get3A_1800 = arith.index_cast %add3A_1764 : i32 to index
        %get3A_1801 = arith.constant 48 : index
        %get3A_1802 = tpu.vector_load %arg14[%get3A_1800, %get3A_1801] {strides = array<i32>} : memref<128x128xf32, #tpu.memory_space<vmem>>, vector<1x16xf32>,
        %get3A_1803 = vector.shape_cast %get3A_1802 : vector<1x16xf32> to vector<16xf32>
        %mul3A_1804 = vector.broadcast %squeeze3A_1766 : f32 to vector<16xf32>
        %mul3A_1805 = arith.mulf %get3A_1803, %mul3A_1804 : vector<16xf32>
        %swap3A_1806 = arith.index_cast %add3A_1764 : i32 to index
        %swap3A_1807 = arith.constant 48 : index
        %swap3A_1808 = tpu.vector_load %arg14[%swap3A_1806, %swap3A_1807] {strides = array<i32>} : memref<128x128xf32, #tpu.memory_space<vmem>>, vector<1x16xf32>,
        %swap3A_1809 = vector.shape_cast %swap3A_1808 : vector<1x16xf32> to vector<16xf32>
        %swap3A_1810 = vector.shape_cast %mul3A_1805 : vector<16xf32> to vector<1x16xf32>
        tpu.vector_store %arg14[%swap3A_1806, %swap3A_1807], %swap3A_1810 {strides = array<i32>} : memref<128x128xf32, #tpu.memory_space<vmem>>, vector<1x16xf32>,
        %get3A_1811 = arith.index_cast %add3A_1764 : i32 to index
        %get3A_1812 = arith.constant 64 : index
        %get3A_1813 = tpu.vector_load %arg14[%get3A_1811, %get3A_1812] {strides = array<i32>} : memref<128x128xf32, #tpu.memory_space<vmem>>, vector<1x16xf32>,
        %get3A_1814 = vector.shape_cast %get3A_1813 : vector<1x16xf32> to vector<16xf32>
        %mul3A_1815 = vector.broadcast %squeeze3A_1766 : f32 to vector<16xf32>
        %mul3A_1816 = arith.mulf %get3A_1814, %mul3A_1815 : vector<16xf32>
        %swap3A_1817 = arith.index_cast %add3A_1764 : i32 to index
        %swap3A_1818 = arith.constant 64 : index
        %swap3A_1819 = tpu.vector_load %arg14[%swap3A_1817, %swap3A_1818] {strides = array<i32>} : memref<128x128xf32, #tpu.memory_space<vmem>>, vector<1x16xf32>,
        %swap3A_1820 = vector.shape_cast %swap3A_1819 : vector<1x16xf32> to vector<16xf32>
        %swap3A_1821 = vector.shape_cast %mul3A_1816 : vector<16xf32> to vector<1x16xf32>
        tpu.vector_store %arg14[%swap3A_1817, %swap3A_1818], %swap3A_1821 {strides = array<i32>} : memref<128x128xf32, #tpu.memory_space<vmem>>, vector<1x16xf32>,
        %get3A_1822 = arith.index_cast %add3A_1764 : i32 to index
        %get3A_1823 = arith.constant 80 : index
        %get3A_1824 = tpu.vector_load %arg14[%get3A_1822, %get3A_1823] {strides = array<i32>} : memref<128x128xf32, #tpu.memory_space<vmem>>, vector<1x16xf32>,
        %get3A_1825 = vector.shape_cast %get3A_1824 : vector<1x16xf32> to vector<16xf32>
        %mul3A_1826 = vector.broadcast %squeeze3A_1766 : f32 to vector<16xf32>
        %mul3A_1827 = arith.mulf %get3A_1825, %mul3A_1826 : vector<16xf32>
        %swap3A_1828 = arith.index_cast %add3A_1764 : i32 to index
        %swap3A_1829 = arith.constant 80 : index
        %swap3A_1830 = tpu.vector_load %arg14[%swap3A_1828, %swap3A_1829] {strides = array<i32>} : memref<128x128xf32, #tpu.memory_space<vmem>>, vector<1x16xf32>,
        %swap3A_1831 = vector.shape_cast %swap3A_1830 : vector<1x16xf32> to vector<16xf32>
        %swap3A_1832 = vector.shape_cast %mul3A_1827 : vector<16xf32> to vector<1x16xf32>
        tpu.vector_store %arg14[%swap3A_1828, %swap3A_1829], %swap3A_1832 {strides = array<i32>} : memref<128x128xf32, #tpu.memory_space<vmem>>, vector<1x16xf32>,
        %get3A_1833 = arith.index_cast %add3A_1764 : i32 to index
        %get3A_1834 = arith.constant 96 : index
        %get3A_1835 = tpu.vector_load %arg14[%get3A_1833, %get3A_1834] {strides = array<i32>} : memref<128x128xf32, #tpu.memory_space<vmem>>, vector<1x16xf32>,
        %get3A_1836 = vector.shape_cast %get3A_1835 : vector<1x16xf32> to vector<16xf32>
        %mul3A_1837 = vector.broadcast %squeeze3A_1766 : f32 to vector<16xf32>
        %mul3A_1838 = arith.mulf %get3A_1836, %mul3A_1837 : vector<16xf32>
        %swap3A_1839 = arith.index_cast %add3A_1764 : i32 to index
        %swap3A_1840 = arith.constant 96 : index
        %swap3A_1841 = tpu.vector_load %arg14[%swap3A_1839, %swap3A_1840] {strides = array<i32>} : memref<128x128xf32, #tpu.memory_space<vmem>>, vector<1x16xf32>,
        %swap3A_1842 = vector.shape_cast %swap3A_1841 : vector<1x16xf32> to vector<16xf32>
        %swap3A_1843 = vector.shape_cast %mul3A_1838 : vector<16xf32> to vector<1x16xf32>
        tpu.vector_store %arg14[%swap3A_1839, %swap3A_1840], %swap3A_1843 {strides = array<i32>} : memref<128x128xf32, #tpu.memory_space<vmem>>, vector<1x16xf32>,
        %get3A_1844 = arith.index_cast %add3A_1764 : i32 to index
        %get3A_1845 = arith.constant 112 : index
        %get3A_1846 = tpu.vector_load %arg14[%get3A_1844, %get3A_1845] {strides = array<i32>} : memref<128x128xf32, #tpu.memory_space<vmem>>, vector<1x16xf32>,
        %get3A_1847 = vector.shape_cast %get3A_1846 : vector<1x16xf32> to vector<16xf32>
        %mul3A_1848 = vector.broadcast %squeeze3A_1766 : f32 to vector<16xf32>
        %mul3A_1849 = arith.mulf %get3A_1847, %mul3A_1848 : vector<16xf32>
        %swap3A_1850 = arith.index_cast %add3A_1764 : i32 to index
        %swap3A_1851 = arith.constant 112 : index
        %swap3A_1852 = tpu.vector_load %arg14[%swap3A_1850, %swap3A_1851] {strides = array<i32>} : memref<128x128xf32, #tpu.memory_space<vmem>>, vector<1x16xf32>,
        %swap3A_1853 = vector.shape_cast %swap3A_1852 : vector<1x16xf32> to vector<16xf32>
        %swap3A_1854 = vector.shape_cast %mul3A_1849 : vector<16xf32> to vector<1x16xf32>
        tpu.vector_store %arg14[%swap3A_1850, %swap3A_1851], %swap3A_1854 {strides = array<i32>} : memref<128x128xf32, #tpu.memory_space<vmem>>, vector<1x16xf32>,
      }
      %scan3A_305 = arith.constant 8 : i32
      %run_scoped3A = arith.constant 0 : i32
      "tpu.region"() ({
        %run_scoped3A_345 = tpu.sem_alloc : memref<!tpu.dma_semaphore, #tpu.memory_space<semaphore_mem>>
        %dma_start3A_346 = arith.constant 0 : i32
        %dma_start3A_347 = tpu.memref_slice %arg12[%run_scoped3A, %dma_start3A_346] : memref<1x128xi32, #tpu.memory_space<vmem>> -> memref<1x128xi32, #tpu.memory_space<vmem>>
        %dma_start3A_348 = tpu.memref_squeeze %dma_start3A_347 : memref<1x128xi32, #tpu.memory_space<vmem>> -> memref<128xi32, #tpu.memory_space<vmem>>
        %dma_start3A_349 = arith.constant 0 : i32
        %dma_start3A_350 = arith.constant 0 : i32
        %dma_start3A_351 = tpu.memref_slice %arg16[%dma_start3A_349, %dma_start3A_350] : memref<10240x128xf32, #tpu.memory_space<vmem_shared>> -> memref<10240x128xf32, #tpu.memory_space<vmem_shared>>
        tpu.enqueue_indirect_dma source(%arg14 : memref<128x128xf32, #tpu.memory_space<vmem>>) target(%dma_start3A_351 : memref<10240x128xf32, #tpu.memory_space<vmem_shared>>) offsets(%dma_start3A_348 : memref<128xi32, #tpu.memory_space<vmem>>) semaphore(%run_scoped3A_345 : memref<!tpu.dma_semaphore, #tpu.memory_space<semaphore_mem>>) {add = true}
        %dma_wait3A_352 = arith.constant 0 : i32
        %dma_wait3A_353 = tpu.memref_slice %arg12[%run_scoped3A, %dma_wait3A_352] : memref<1x128xi32, #tpu.memory_space<vmem>> -> memref<1x128xi32, #tpu.memory_space<vmem>>
        %dma_wait3A_354 = tpu.memref_squeeze %dma_wait3A_353 : memref<1x128xi32, #tpu.memory_space<vmem>> -> memref<128xi32, #tpu.memory_space<vmem>>
        %dma_wait3A_355 = arith.constant 0 : i32
        %dma_wait3A_356 = arith.constant 0 : i32
        %dma_wait3A_357 = tpu.memref_slice %arg16[%dma_wait3A_355, %dma_wait3A_356] : memref<10240x128xf32, #tpu.memory_space<vmem_shared>> -> memref<10240x128xf32, #tpu.memory_space<vmem_shared>>
        tpu.wait_indirect_dma semaphore(%run_scoped3A_345 : memref<!tpu.dma_semaphore, #tpu.memory_space<semaphore_mem>>) src(%arg14 : memref<128x128xf32, #tpu.memory_space<vmem>>) dst(%dma_wait3A_357 : memref<10240x128xf32, #tpu.memory_space<vmem_shared>>)
        tpu.yield
      }) : () -> ()
      %add3A_306 = arith.constant 2 : i32
      %add3A_307 = arith.addi %add3A_288, %add3A_306 : i32
      %lt3A_308 = arith.constant 80 : i32
      %lt3A_309 = arith.cmpi slt, %add3A_307, %lt3A_308 : i32
      %convert_element_type3A_310 = arith.extui %lt3A_309 : i1 to i32
      %cond3A_311 = arith.constant 0 : i32
      %cond3A_312 = arith.cmpi ne, %convert_element_type3A_310, %cond3A_311 : i32
      scf.if %cond3A_312 {
        %add3A_345 = arith.constant 2 : i32
        %add3A_346 = arith.addi %add3A_288, %add3A_345 : i32
        %dma_start3A_347 = arith.constant 0 : i32
        %dma_start3A_348 = arith.constant 0 : i32
        %dma_start3A_349 = tpu.memref_slice %arg3[%add3A, %add3A_346, %dma_start3A_347, %dma_start3A_348] : memref<32x80x1x128xi32, #tpu.memory_space<hbm>> -> memref<1x1x1x128xi32, #tpu.memory_space<hbm>>
        %dma_start3A_350 = tpu.memref_squeeze %dma_start3A_349 : memref<1x1x1x128xi32, #tpu.memory_space<hbm>> -> memref<1x128xi32, #tpu.memory_space<hbm>>
        %dma_start3A_351 = arith.constant 0 : i32
        %dma_start3A_352 = arith.constant 0 : i32
        %dma_start3A_353 = tpu.memref_slice %arg3[%add3A, %add3A_346, %dma_start3A_351, %dma_start3A_352] : memref<32x80x1x128xi32, #tpu.memory_space<hbm>> -> memref<1x1x1x128xi32, #tpu.memory_space<hbm>>
        %dma_start3A_354 = tpu.memref_squeeze %dma_start3A_353 : memref<1x1x1x128xi32, #tpu.memory_space<hbm>> -> memref<1x128xi32, #tpu.memory_space<hbm>>
        tpu.enqueue_dma source(%dma_start3A_354 : memref<1x128xi32, #tpu.memory_space<hbm>>) target(%arg6 : memref<1x128xi32, #tpu.memory_space<vmem>>) target_semaphore(%arg19 : memref<!tpu.dma_semaphore, #tpu.memory_space<semaphore_mem>>)
        %dma_start3A_355 = arith.constant 0 : i32
        %dma_start3A_356 = arith.constant 0 : i32
        %dma_start3A_357 = tpu.memref_slice %arg4[%add3A, %add3A_346, %dma_start3A_355, %dma_start3A_356] : memref<32x80x1x128xf32, #tpu.memory_space<hbm>> -> memref<1x1x1x128xf32, #tpu.memory_space<hbm>>
        %dma_start3A_358 = tpu.memref_squeeze %dma_start3A_357 : memref<1x1x1x128xf32, #tpu.memory_space<hbm>> -> memref<1x128xf32, #tpu.memory_space<hbm>>
        %dma_start3A_359 = arith.constant 0 : i32
        %dma_start3A_360 = arith.constant 0 : i32
        %dma_start3A_361 = tpu.memref_slice %arg4[%add3A, %add3A_346, %dma_start3A_359, %dma_start3A_360] : memref<32x80x1x128xf32, #tpu.memory_space<hbm>> -> memref<1x1x1x128xf32, #tpu.memory_space<hbm>>
        %dma_start3A_362 = tpu.memref_squeeze %dma_start3A_361 : memref<1x1x1x128xf32, #tpu.memory_space<hbm>> -> memref<1x128xf32, #tpu.memory_space<hbm>>
        tpu.enqueue_dma source(%dma_start3A_362 : memref<1x128xf32, #tpu.memory_space<hbm>>) target(%arg8 : memref<1x128xf32, #tpu.memory_space<vmem>>) target_semaphore(%arg21 : memref<!tpu.dma_semaphore, #tpu.memory_space<semaphore_mem>>)
      } else {
      }
      %mul3A_313 = arith.constant 2 : i32
      %mul3A_314 = arith.muli %mul3A_313, %scan3A_284 : i32
      %add3A_315 = arith.constant 1 : i32
      %add3A_316 = arith.addi %mul3A_314, %add3A_315 : i32
      %dma_wait3A_317 = arith.constant 0 : i32
      %dma_wait3A_318 = arith.constant 0 : i32
      %dma_wait3A_319 = tpu.memref_slice %arg11[%dma_wait3A_317, %dma_wait3A_318] : memref<1x128xi32, #tpu.memory_space<vmem>> -> memref<1x128xi32, #tpu.memory_space<vmem>>
      %dma_wait3A_320 = tpu.memref_squeeze %dma_wait3A_319 : memref<1x128xi32, #tpu.memory_space<vmem>> -> memref<128xi32, #tpu.memory_space<vmem>>
      %dma_wait3A_321 = arith.constant 0 : i32
      %dma_wait3A_322 = arith.constant 0 : i32
      %dma_wait3A_323 = tpu.memref_slice %arg2[%dma_wait3A_321, %dma_wait3A_322] : memref<10000x128xf32, #tpu.memory_space<hbm>> -> memref<10000x128xf32, #tpu.memory_space<hbm>>
      tpu.wait_indirect_dma semaphore(%arg18 : memref<!tpu.dma_semaphore, #tpu.memory_space<semaphore_mem>>) src(%dma_wait3A_323 : memref<10000x128xf32, #tpu.memory_space<hbm>>) dst(%arg15 : memref<128x128xf32, #tpu.memory_space<vmem>>)
      %add3A_324 = arith.constant 1 : i32
      %add3A_325 = arith.addi %add3A_316, %add3A_324 : i32
      %lt3A_326 = arith.constant 80 : i32
      %lt3A_327 = arith.cmpi slt, %add3A_325, %lt3A_326 : i32
      %convert_element_type3A_328 = arith.extui %lt3A_327 : i1 to i32
      %cond3A_329 = arith.constant 0 : i32
      %cond3A_330 = arith.cmpi ne, %convert_element_type3A_328, %cond3A_329 : i32
      scf.if %cond3A_330 {
        %add3A_345 = arith.constant 1 : i32
        %add3A_346 = arith.addi %add3A_316, %add3A_345 : i32
        %dma_wait3A_347 = arith.constant 0 : i32
        %dma_wait3A_348 = arith.constant 0 : i32
        %dma_wait3A_349 = tpu.memref_slice %arg3[%add3A, %add3A_346, %dma_wait3A_347, %dma_wait3A_348] : memref<32x80x1x128xi32, #tpu.memory_space<hbm>> -> memref<1x1x1x128xi32, #tpu.memory_space<hbm>>
        %dma_wait3A_350 = tpu.memref_squeeze %dma_wait3A_349 : memref<1x1x1x128xi32, #tpu.memory_space<hbm>> -> memref<1x128xi32, #tpu.memory_space<hbm>>
        %dma_wait3A_351 = arith.constant 0 : i32
        %dma_wait3A_352 = arith.constant 0 : i32
        %dma_wait3A_353 = tpu.memref_slice %arg3[%add3A, %add3A_346, %dma_wait3A_351, %dma_wait3A_352] : memref<32x80x1x128xi32, #tpu.memory_space<hbm>> -> memref<1x1x1x128xi32, #tpu.memory_space<hbm>>
        %dma_wait3A_354 = tpu.memref_squeeze %dma_wait3A_353 : memref<1x1x1x128xi32, #tpu.memory_space<hbm>> -> memref<1x128xi32, #tpu.memory_space<hbm>>
        tpu.wait_dma2 semaphore(%arg19 : memref<!tpu.dma_semaphore, #tpu.memory_space<semaphore_mem>>) src(%dma_wait3A_354 : memref<1x128xi32, #tpu.memory_space<hbm>>) dst(%arg6 : memref<1x128xi32, #tpu.memory_space<vmem>>)
        %dma_wait3A_355 = arith.constant 0 : i32
        %dma_wait3A_356 = arith.constant 0 : i32
        %dma_wait3A_357 = tpu.memref_slice %arg4[%add3A, %add3A_346, %dma_wait3A_355, %dma_wait3A_356] : memref<32x80x1x128xf32, #tpu.memory_space<hbm>> -> memref<1x1x1x128xf32, #tpu.memory_space<hbm>>
        %dma_wait3A_358 = tpu.memref_squeeze %dma_wait3A_357 : memref<1x1x1x128xf32, #tpu.memory_space<hbm>> -> memref<1x128xf32, #tpu.memory_space<hbm>>
        %dma_wait3A_359 = arith.constant 0 : i32
        %dma_wait3A_360 = arith.constant 0 : i32
        %dma_wait3A_361 = tpu.memref_slice %arg4[%add3A, %add3A_346, %dma_wait3A_359, %dma_wait3A_360] : memref<32x80x1x128xf32, #tpu.memory_space<hbm>> -> memref<1x1x1x128xf32, #tpu.memory_space<hbm>>
        %dma_wait3A_362 = tpu.memref_squeeze %dma_wait3A_361 : memref<1x1x1x128xf32, #tpu.memory_space<hbm>> -> memref<1x128xf32, #tpu.memory_space<hbm>>
        tpu.wait_dma2 semaphore(%arg21 : memref<!tpu.dma_semaphore, #tpu.memory_space<semaphore_mem>>) src(%dma_wait3A_362 : memref<1x128xf32, #tpu.memory_space<hbm>>) dst(%arg8 : memref<1x128xf32, #tpu.memory_space<vmem>>)
        %get3A_363 = arith.constant 0 : i32
        %get3A_364 = arith.index_cast %get3A_363 : i32 to index
        %get3A_365 = arith.constant 0 : index
        %get3A_366 = tpu.vector_load %arg6[%get3A_364, %get3A_365] {strides = array<i32>} : memref<1x128xi32, #tpu.memory_space<vmem>>, vector<1x16xi32>,
        %get3A_367 = vector.shape_cast %get3A_366 : vector<1x16xi32> to vector<16xi32>
        %and3A_368 = arith.constant 65535 : i32
        %and3A_369 = vector.broadcast %and3A_368 : i32 to vector<16xi32>
        %and3A_370 = arith.andi %get3A_367, %and3A_369 : vector<16xi32>
        %swap3A_371 = arith.constant 0 : i32
        %swap3A_372 = arith.index_cast %swap3A_371 : i32 to index
        %swap3A_373 = arith.constant 0 : index
        %swap3A_374 = tpu.vector_load %arg10[%swap3A_372, %swap3A_373] {strides = array<i32>} : memref<1x128xi32, #tpu.memory_space<vmem>>, vector<1x16xi32>,
        %swap3A_375 = vector.shape_cast %swap3A_374 : vector<1x16xi32> to vector<16xi32>
        %swap3A_376 = vector.shape_cast %and3A_370 : vector<16xi32> to vector<1x16xi32>
        tpu.vector_store %arg10[%swap3A_372, %swap3A_373], %swap3A_376 {strides = array<i32>} : memref<1x128xi32, #tpu.memory_space<vmem>>, vector<1x16xi32>,
        %shift_right_arithmetic3A_377 = arith.constant 16 : i32
        %shift_right_arithmetic3A_378 = vector.broadcast %shift_right_arithmetic3A_377 : i32 to vector<16xi32>
        %shift_right_arithmetic3A_379 = arith.shrsi %get3A_367, %shift_right_arithmetic3A_378 : vector<16xi32>
        %swap3A_380 = arith.constant 0 : i32
        %swap3A_381 = arith.index_cast %swap3A_380 : i32 to index
        %swap3A_382 = arith.constant 0 : index
        %swap3A_383 = tpu.vector_load %arg12[%swap3A_381, %swap3A_382] {strides = array<i32>} : memref<1x128xi32, #tpu.memory_space<vmem>>, vector<1x16xi32>,
        %swap3A_384 = vector.shape_cast %swap3A_383 : vector<1x16xi32> to vector<16xi32>
        %swap3A_385 = vector.shape_cast %shift_right_arithmetic3A_379 : vector<16xi32> to vector<1x16xi32>
        tpu.vector_store %arg12[%swap3A_381, %swap3A_382], %swap3A_385 {strides = array<i32>} : memref<1x128xi32, #tpu.memory_space<vmem>>, vector<1x16xi32>,
        %get3A_386 = arith.constant 0 : i32
        %get3A_387 = arith.index_cast %get3A_386 : i32 to index
        %get3A_388 = arith.constant 16 : index
        %get3A_389 = tpu.vector_load %arg6[%get3A_387, %get3A_388] {strides = array<i32>} : memref<1x128xi32, #tpu.memory_space<vmem>>, vector<1x16xi32>,
        %get3A_390 = vector.shape_cast %get3A_389 : vector<1x16xi32> to vector<16xi32>
        %and3A_391 = arith.constant 65535 : i32
        %and3A_392 = vector.broadcast %and3A_391 : i32 to vector<16xi32>
        %and3A_393 = arith.andi %get3A_390, %and3A_392 : vector<16xi32>
        %swap3A_394 = arith.constant 0 : i32
        %swap3A_395 = arith.index_cast %swap3A_394 : i32 to index
        %swap3A_396 = arith.constant 16 : index
        %swap3A_397 = tpu.vector_load %arg10[%swap3A_395, %swap3A_396] {strides = array<i32>} : memref<1x128xi32, #tpu.memory_space<vmem>>, vector<1x16xi32>,
        %swap3A_398 = vector.shape_cast %swap3A_397 : vector<1x16xi32> to vector<16xi32>
        %swap3A_399 = vector.shape_cast %and3A_393 : vector<16xi32> to vector<1x16xi32>
        tpu.vector_store %arg10[%swap3A_395, %swap3A_396], %swap3A_399 {strides = array<i32>} : memref<1x128xi32, #tpu.memory_space<vmem>>, vector<1x16xi32>,
        %shift_right_arithmetic3A_400 = arith.constant 16 : i32
        %shift_right_arithmetic3A_401 = vector.broadcast %shift_right_arithmetic3A_400 : i32 to vector<16xi32>
        %shift_right_arithmetic3A_402 = arith.shrsi %get3A_390, %shift_right_arithmetic3A_401 : vector<16xi32>
        %swap3A_403 = arith.constant 0 : i32
        %swap3A_404 = arith.index_cast %swap3A_403 : i32 to index
        %swap3A_405 = arith.constant 16 : index
        %swap3A_406 = tpu.vector_load %arg12[%swap3A_404, %swap3A_405] {strides = array<i32>} : memref<1x128xi32, #tpu.memory_space<vmem>>, vector<1x16xi32>,
        %swap3A_407 = vector.shape_cast %swap3A_406 : vector<1x16xi32> to vector<16xi32>
        %swap3A_408 = vector.shape_cast %shift_right_arithmetic3A_402 : vector<16xi32> to vector<1x16xi32>
        tpu.vector_store %arg12[%swap3A_404, %swap3A_405], %swap3A_408 {strides = array<i32>} : memref<1x128xi32, #tpu.memory_space<vmem>>, vector<1x16xi32>,
        %get3A_409 = arith.constant 0 : i32
        %get3A_410 = arith.index_cast %get3A_409 : i32 to index
        %get3A_411 = arith.constant 32 : index
        %get3A_412 = tpu.vector_load %arg6[%get3A_410, %get3A_411] {strides = array<i32>} : memref<1x128xi32, #tpu.memory_space<vmem>>, vector<1x16xi32>,
        %get3A_413 = vector.shape_cast %get3A_412 : vector<1x16xi32> to vector<16xi32>
        %and3A_414 = arith.constant 65535 : i32
        %and3A_415 = vector.broadcast %and3A_414 : i32 to vector<16xi32>
        %and3A_416 = arith.andi %get3A_413, %and3A_415 : vector<16xi32>
        %swap3A_417 = arith.constant 0 : i32
        %swap3A_418 = arith.index_cast %swap3A_417 : i32 to index
        %swap3A_419 = arith.constant 32 : index
        %swap3A_420 = tpu.vector_load %arg10[%swap3A_418, %swap3A_419] {strides = array<i32>} : memref<1x128xi32, #tpu.memory_space<vmem>>, vector<1x16xi32>,
        %swap3A_421 = vector.shape_cast %swap3A_420 : vector<1x16xi32> to vector<16xi32>
        %swap3A_422 = vector.shape_cast %and3A_416 : vector<16xi32> to vector<1x16xi32>
        tpu.vector_store %arg10[%swap3A_418, %swap3A_419], %swap3A_422 {strides = array<i32>} : memref<1x128xi32, #tpu.memory_space<vmem>>, vector<1x16xi32>,
        %shift_right_arithmetic3A_423 = arith.constant 16 : i32
        %shift_right_arithmetic3A_424 = vector.broadcast %shift_right_arithmetic3A_423 : i32 to vector<16xi32>
        %shift_right_arithmetic3A_425 = arith.shrsi %get3A_413, %shift_right_arithmetic3A_424 : vector<16xi32>
        %swap3A_426 = arith.constant 0 : i32
        %swap3A_427 = arith.index_cast %swap3A_426 : i32 to index
        %swap3A_428 = arith.constant 32 : index
        %swap3A_429 = tpu.vector_load %arg12[%swap3A_427, %swap3A_428] {strides = array<i32>} : memref<1x128xi32, #tpu.memory_space<vmem>>, vector<1x16xi32>,
        %swap3A_430 = vector.shape_cast %swap3A_429 : vector<1x16xi32> to vector<16xi32>
        %swap3A_431 = vector.shape_cast %shift_right_arithmetic3A_425 : vector<16xi32> to vector<1x16xi32>
        tpu.vector_store %arg12[%swap3A_427, %swap3A_428], %swap3A_431 {strides = array<i32>} : memref<1x128xi32, #tpu.memory_space<vmem>>, vector<1x16xi32>,
        %get3A_432 = arith.constant 0 : i32
        %get3A_433 = arith.index_cast %get3A_432 : i32 to index
        %get3A_434 = arith.constant 48 : index
        %get3A_435 = tpu.vector_load %arg6[%get3A_433, %get3A_434] {strides = array<i32>} : memref<1x128xi32, #tpu.memory_space<vmem>>, vector<1x16xi32>,
        %get3A_436 = vector.shape_cast %get3A_435 : vector<1x16xi32> to vector<16xi32>
        %and3A_437 = arith.constant 65535 : i32
        %and3A_438 = vector.broadcast %and3A_437 : i32 to vector<16xi32>
        %and3A_439 = arith.andi %get3A_436, %and3A_438 : vector<16xi32>
        %swap3A_440 = arith.constant 0 : i32
        %swap3A_441 = arith.index_cast %swap3A_440 : i32 to index
        %swap3A_442 = arith.constant 48 : index
        %swap3A_443 = tpu.vector_load %arg10[%swap3A_441, %swap3A_442] {strides = array<i32>} : memref<1x128xi32, #tpu.memory_space<vmem>>, vector<1x16xi32>,
        %swap3A_444 = vector.shape_cast %swap3A_443 : vector<1x16xi32> to vector<16xi32>
        %swap3A_445 = vector.shape_cast %and3A_439 : vector<16xi32> to vector<1x16xi32>
        tpu.vector_store %arg10[%swap3A_441, %swap3A_442], %swap3A_445 {strides = array<i32>} : memref<1x128xi32, #tpu.memory_space<vmem>>, vector<1x16xi32>,
        %shift_right_arithmetic3A_446 = arith.constant 16 : i32
        %shift_right_arithmetic3A_447 = vector.broadcast %shift_right_arithmetic3A_446 : i32 to vector<16xi32>
        %shift_right_arithmetic3A_448 = arith.shrsi %get3A_436, %shift_right_arithmetic3A_447 : vector<16xi32>
        %swap3A_449 = arith.constant 0 : i32
        %swap3A_450 = arith.index_cast %swap3A_449 : i32 to index
        %swap3A_451 = arith.constant 48 : index
        %swap3A_452 = tpu.vector_load %arg12[%swap3A_450, %swap3A_451] {strides = array<i32>} : memref<1x128xi32, #tpu.memory_space<vmem>>, vector<1x16xi32>,
        %swap3A_453 = vector.shape_cast %swap3A_452 : vector<1x16xi32> to vector<16xi32>
        %swap3A_454 = vector.shape_cast %shift_right_arithmetic3A_448 : vector<16xi32> to vector<1x16xi32>
        tpu.vector_store %arg12[%swap3A_450, %swap3A_451], %swap3A_454 {strides = array<i32>} : memref<1x128xi32, #tpu.memory_space<vmem>>, vector<1x16xi32>,
        %get3A_455 = arith.constant 0 : i32
        %get3A_456 = arith.index_cast %get3A_455 : i32 to index
        %get3A_457 = arith.constant 64 : index
        %get3A_458 = tpu.vector_load %arg6[%get3A_456, %get3A_457] {strides = array<i32>} : memref<1x128xi32, #tpu.memory_space<vmem>>, vector<1x16xi32>,
        %get3A_459 = vector.shape_cast %get3A_458 : vector<1x16xi32> to vector<16xi32>
        %and3A_460 = arith.constant 65535 : i32
        %and3A_461 = vector.broadcast %and3A_460 : i32 to vector<16xi32>
        %and3A_462 = arith.andi %get3A_459, %and3A_461 : vector<16xi32>
        %swap3A_463 = arith.constant 0 : i32
        %swap3A_464 = arith.index_cast %swap3A_463 : i32 to index
        %swap3A_465 = arith.constant 64 : index
        %swap3A_466 = tpu.vector_load %arg10[%swap3A_464, %swap3A_465] {strides = array<i32>} : memref<1x128xi32, #tpu.memory_space<vmem>>, vector<1x16xi32>,
        %swap3A_467 = vector.shape_cast %swap3A_466 : vector<1x16xi32> to vector<16xi32>
        %swap3A_468 = vector.shape_cast %and3A_462 : vector<16xi32> to vector<1x16xi32>
        tpu.vector_store %arg10[%swap3A_464, %swap3A_465], %swap3A_468 {strides = array<i32>} : memref<1x128xi32, #tpu.memory_space<vmem>>, vector<1x16xi32>,
        %shift_right_arithmetic3A_469 = arith.constant 16 : i32
        %shift_right_arithmetic3A_470 = vector.broadcast %shift_right_arithmetic3A_469 : i32 to vector<16xi32>
        %shift_right_arithmetic3A_471 = arith.shrsi %get3A_459, %shift_right_arithmetic3A_470 : vector<16xi32>
        %swap3A_472 = arith.constant 0 : i32
        %swap3A_473 = arith.index_cast %swap3A_472 : i32 to index
        %swap3A_474 = arith.constant 64 : index
        %swap3A_475 = tpu.vector_load %arg12[%swap3A_473, %swap3A_474] {strides = array<i32>} : memref<1x128xi32, #tpu.memory_space<vmem>>, vector<1x16xi32>,
        %swap3A_476 = vector.shape_cast %swap3A_475 : vector<1x16xi32> to vector<16xi32>
        %swap3A_477 = vector.shape_cast %shift_right_arithmetic3A_471 : vector<16xi32> to vector<1x16xi32>
        tpu.vector_store %arg12[%swap3A_473, %swap3A_474], %swap3A_477 {strides = array<i32>} : memref<1x128xi32, #tpu.memory_space<vmem>>, vector<1x16xi32>,
        %get3A_478 = arith.constant 0 : i32
        %get3A_479 = arith.index_cast %get3A_478 : i32 to index
        %get3A_480 = arith.constant 80 : index
        %get3A_481 = tpu.vector_load %arg6[%get3A_479, %get3A_480] {strides = array<i32>} : memref<1x128xi32, #tpu.memory_space<vmem>>, vector<1x16xi32>,
        %get3A_482 = vector.shape_cast %get3A_481 : vector<1x16xi32> to vector<16xi32>
        %and3A_483 = arith.constant 65535 : i32
        %and3A_484 = vector.broadcast %and3A_483 : i32 to vector<16xi32>
        %and3A_485 = arith.andi %get3A_482, %and3A_484 : vector<16xi32>
        %swap3A_486 = arith.constant 0 : i32
        %swap3A_487 = arith.index_cast %swap3A_486 : i32 to index
        %swap3A_488 = arith.constant 80 : index
        %swap3A_489 = tpu.vector_load %arg10[%swap3A_487, %swap3A_488] {strides = array<i32>} : memref<1x128xi32, #tpu.memory_space<vmem>>, vector<1x16xi32>,
        %swap3A_490 = vector.shape_cast %swap3A_489 : vector<1x16xi32> to vector<16xi32>
        %swap3A_491 = vector.shape_cast %and3A_485 : vector<16xi32> to vector<1x16xi32>
        tpu.vector_store %arg10[%swap3A_487, %swap3A_488], %swap3A_491 {strides = array<i32>} : memref<1x128xi32, #tpu.memory_space<vmem>>, vector<1x16xi32>,
        %shift_right_arithmetic3A_492 = arith.constant 16 : i32
        %shift_right_arithmetic3A_493 = vector.broadcast %shift_right_arithmetic3A_492 : i32 to vector<16xi32>
        %shift_right_arithmetic3A_494 = arith.shrsi %get3A_482, %shift_right_arithmetic3A_493 : vector<16xi32>
        %swap3A_495 = arith.constant 0 : i32
        %swap3A_496 = arith.index_cast %swap3A_495 : i32 to index
        %swap3A_497 = arith.constant 80 : index
        %swap3A_498 = tpu.vector_load %arg12[%swap3A_496, %swap3A_497] {strides = array<i32>} : memref<1x128xi32, #tpu.memory_space<vmem>>, vector<1x16xi32>,
        %swap3A_499 = vector.shape_cast %swap3A_498 : vector<1x16xi32> to vector<16xi32>
        %swap3A_500 = vector.shape_cast %shift_right_arithmetic3A_494 : vector<16xi32> to vector<1x16xi32>
        tpu.vector_store %arg12[%swap3A_496, %swap3A_497], %swap3A_500 {strides = array<i32>} : memref<1x128xi32, #tpu.memory_space<vmem>>, vector<1x16xi32>,
        %get3A_501 = arith.constant 0 : i32
        %get3A_502 = arith.index_cast %get3A_501 : i32 to index
        %get3A_503 = arith.constant 96 : index
        %get3A_504 = tpu.vector_load %arg6[%get3A_502, %get3A_503] {strides = array<i32>} : memref<1x128xi32, #tpu.memory_space<vmem>>, vector<1x16xi32>,
        %get3A_505 = vector.shape_cast %get3A_504 : vector<1x16xi32> to vector<16xi32>
        %and3A_506 = arith.constant 65535 : i32
        %and3A_507 = vector.broadcast %and3A_506 : i32 to vector<16xi32>
        %and3A_508 = arith.andi %get3A_505, %and3A_507 : vector<16xi32>
        %swap3A_509 = arith.constant 0 : i32
        %swap3A_510 = arith.index_cast %swap3A_509 : i32 to index
        %swap3A_511 = arith.constant 96 : index
        %swap3A_512 = tpu.vector_load %arg10[%swap3A_510, %swap3A_511] {strides = array<i32>} : memref<1x128xi32, #tpu.memory_space<vmem>>, vector<1x16xi32>,
        %swap3A_513 = vector.shape_cast %swap3A_512 : vector<1x16xi32> to vector<16xi32>
        %swap3A_514 = vector.shape_cast %and3A_508 : vector<16xi32> to vector<1x16xi32>
        tpu.vector_store %arg10[%swap3A_510, %swap3A_511], %swap3A_514 {strides = array<i32>} : memref<1x128xi32, #tpu.memory_space<vmem>>, vector<1x16xi32>,
        %shift_right_arithmetic3A_515 = arith.constant 16 : i32
        %shift_right_arithmetic3A_516 = vector.broadcast %shift_right_arithmetic3A_515 : i32 to vector<16xi32>
        %shift_right_arithmetic3A_517 = arith.shrsi %get3A_505, %shift_right_arithmetic3A_516 : vector<16xi32>
        %swap3A_518 = arith.constant 0 : i32
        %swap3A_519 = arith.index_cast %swap3A_518 : i32 to index
        %swap3A_520 = arith.constant 96 : index
        %swap3A_521 = tpu.vector_load %arg12[%swap3A_519, %swap3A_520] {strides = array<i32>} : memref<1x128xi32, #tpu.memory_space<vmem>>, vector<1x16xi32>,
        %swap3A_522 = vector.shape_cast %swap3A_521 : vector<1x16xi32> to vector<16xi32>
        %swap3A_523 = vector.shape_cast %shift_right_arithmetic3A_517 : vector<16xi32> to vector<1x16xi32>
        tpu.vector_store %arg12[%swap3A_519, %swap3A_520], %swap3A_523 {strides = array<i32>} : memref<1x128xi32, #tpu.memory_space<vmem>>, vector<1x16xi32>,
        %get3A_524 = arith.constant 0 : i32
        %get3A_525 = arith.index_cast %get3A_524 : i32 to index
        %get3A_526 = arith.constant 112 : index
        %get3A_527 = tpu.vector_load %arg6[%get3A_525, %get3A_526] {strides = array<i32>} : memref<1x128xi32, #tpu.memory_space<vmem>>, vector<1x16xi32>,
        %get3A_528 = vector.shape_cast %get3A_527 : vector<1x16xi32> to vector<16xi32>
        %and3A_529 = arith.constant 65535 : i32
        %and3A_530 = vector.broadcast %and3A_529 : i32 to vector<16xi32>
        %and3A_531 = arith.andi %get3A_528, %and3A_530 : vector<16xi32>
        %swap3A_532 = arith.constant 0 : i32
        %swap3A_533 = arith.index_cast %swap3A_532 : i32 to index
        %swap3A_534 = arith.constant 112 : index
        %swap3A_535 = tpu.vector_load %arg10[%swap3A_533, %swap3A_534] {strides = array<i32>} : memref<1x128xi32, #tpu.memory_space<vmem>>, vector<1x16xi32>,
        %swap3A_536 = vector.shape_cast %swap3A_535 : vector<1x16xi32> to vector<16xi32>
        %swap3A_537 = vector.shape_cast %and3A_531 : vector<16xi32> to vector<1x16xi32>
        tpu.vector_store %arg10[%swap3A_533, %swap3A_534], %swap3A_537 {strides = array<i32>} : memref<1x128xi32, #tpu.memory_space<vmem>>, vector<1x16xi32>,
        %shift_right_arithmetic3A_538 = arith.constant 16 : i32
        %shift_right_arithmetic3A_539 = vector.broadcast %shift_right_arithmetic3A_538 : i32 to vector<16xi32>
        %shift_right_arithmetic3A_540 = arith.shrsi %get3A_528, %shift_right_arithmetic3A_539 : vector<16xi32>
        %swap3A_541 = arith.constant 0 : i32
        %swap3A_542 = arith.index_cast %swap3A_541 : i32 to index
        %swap3A_543 = arith.constant 112 : index
        %swap3A_544 = tpu.vector_load %arg12[%swap3A_542, %swap3A_543] {strides = array<i32>} : memref<1x128xi32, #tpu.memory_space<vmem>>, vector<1x16xi32>,
        %swap3A_545 = vector.shape_cast %swap3A_544 : vector<1x16xi32> to vector<16xi32>
        %swap3A_546 = vector.shape_cast %shift_right_arithmetic3A_540 : vector<16xi32> to vector<1x16xi32>
        tpu.vector_store %arg12[%swap3A_542, %swap3A_543], %swap3A_546 {strides = array<i32>} : memref<1x128xi32, #tpu.memory_space<vmem>>, vector<1x16xi32>,
        %dma_start3A_547 = arith.constant 0 : i32
        %dma_start3A_548 = arith.constant 0 : i32
        %dma_start3A_549 = tpu.memref_slice %arg10[%dma_start3A_547, %dma_start3A_548] : memref<1x128xi32, #tpu.memory_space<vmem>> -> memref<1x128xi32, #tpu.memory_space<vmem>>
        %dma_start3A_550 = tpu.memref_squeeze %dma_start3A_549 : memref<1x128xi32, #tpu.memory_space<vmem>> -> memref<128xi32, #tpu.memory_space<vmem>>
        %dma_start3A_551 = arith.constant 0 : i32
        %dma_start3A_552 = arith.constant 0 : i32
        %dma_start3A_553 = tpu.memref_slice %arg2[%dma_start3A_551, %dma_start3A_552] : memref<10000x128xf32, #tpu.memory_space<hbm>> -> memref<10000x128xf32, #tpu.memory_space<hbm>>
        tpu.enqueue_indirect_dma source(%dma_start3A_553 : memref<10000x128xf32, #tpu.memory_space<hbm>>) target(%arg14 : memref<128x128xf32, #tpu.memory_space<vmem>>) offsets(%dma_start3A_550 : memref<128xi32, #tpu.memory_space<vmem>>) semaphore(%arg17 : memref<!tpu.dma_semaphore, #tpu.memory_space<semaphore_mem>>)
      } else {
      }
      %scan3A_331 = arith.constant 0 : i32
      %scan3A_332 = arith.constant 0 : i32
      %scan3A_333 = arith.constant 8 : i32
      %scan3A_334 = arith.addi %scan3A_332, %scan3A_333 : i32
      %scan3A_335 = arith.constant 1 : i32
      scf.for %scan3A_345 = %scan3A_332 to %scan3A_334 step %scan3A_335  : i32 {
        %mul3A_346 = arith.constant 16 : i32
        %mul3A_347 = arith.muli %mul3A_346, %scan3A_345 : i32
        %get3A_348 = arith.constant 0 : i32
        %get3A_349 = arith.index_cast %get3A_348 : i32 to index
        %get3A_350 = arith.index_cast %mul3A_347 : i32 to index
        %get3A_351 = tpu.vector_load %arg9[%get3A_349, %get3A_350] {strides = array<i32>} : memref<1x128xf32, #tpu.memory_space<vmem>>, vector<1x16xf32>,
        %get3A_352 = vector.shape_cast %get3A_351 : vector<1x16xf32> to vector<16xf32>
        %mul3A_353 = arith.constant 16 : i32
        %mul3A_354 = arith.muli %scan3A_345, %mul3A_353 : i32
        %add3A_355 = arith.constant 0 : i32
        %add3A_356 = arith.addi %mul3A_354, %add3A_355 : i32
        %slice3A = vector.extract_strided_slice %get3A_352 {offsets = [0], sizes = [1], strides = [1]} : vector<16xf32> to vector<1xf32>
        %squeeze3A = vector.extract %slice3A[0] : f32 from vector<1xf32>
        %get3A_357 = arith.index_cast %add3A_356 : i32 to index
        %get3A_358 = arith.constant 0 : index
        %get3A_359 = tpu.vector_load %arg15[%get3A_357, %get3A_358] {strides = array<i32>} : memref<128x128xf32, #tpu.memory_space<vmem>>, vector<1x16xf32>,
        %get3A_360 = vector.shape_cast %get3A_359 : vector<1x16xf32> to vector<16xf32>
        %mul3A_361 = vector.broadcast %squeeze3A : f32 to vector<16xf32>
        %mul3A_362 = arith.mulf %get3A_360, %mul3A_361 : vector<16xf32>
        %swap3A_363 = arith.index_cast %add3A_356 : i32 to index
        %swap3A_364 = arith.constant 0 : index
        %swap3A_365 = tpu.vector_load %arg15[%swap3A_363, %swap3A_364] {strides = array<i32>} : memref<128x128xf32, #tpu.memory_space<vmem>>, vector<1x16xf32>,
        %swap3A_366 = vector.shape_cast %swap3A_365 : vector<1x16xf32> to vector<16xf32>
        %swap3A_367 = vector.shape_cast %mul3A_362 : vector<16xf32> to vector<1x16xf32>
        tpu.vector_store %arg15[%swap3A_363, %swap3A_364], %swap3A_367 {strides = array<i32>} : memref<128x128xf32, #tpu.memory_space<vmem>>, vector<1x16xf32>,
        %get3A_368 = arith.index_cast %add3A_356 : i32 to index
        %get3A_369 = arith.constant 16 : index
        %get3A_370 = tpu.vector_load %arg15[%get3A_368, %get3A_369] {strides = array<i32>} : memref<128x128xf32, #tpu.memory_space<vmem>>, vector<1x16xf32>,
        %get3A_371 = vector.shape_cast %get3A_370 : vector<1x16xf32> to vector<16xf32>
        %mul3A_372 = vector.broadcast %squeeze3A : f32 to vector<16xf32>
        %mul3A_373 = arith.mulf %get3A_371, %mul3A_372 : vector<16xf32>
        %swap3A_374 = arith.index_cast %add3A_356 : i32 to index
        %swap3A_375 = arith.constant 16 : index
        %swap3A_376 = tpu.vector_load %arg15[%swap3A_374, %swap3A_375] {strides = array<i32>} : memref<128x128xf32, #tpu.memory_space<vmem>>, vector<1x16xf32>,
        %swap3A_377 = vector.shape_cast %swap3A_376 : vector<1x16xf32> to vector<16xf32>
        %swap3A_378 = vector.shape_cast %mul3A_373 : vector<16xf32> to vector<1x16xf32>
        tpu.vector_store %arg15[%swap3A_374, %swap3A_375], %swap3A_378 {strides = array<i32>} : memref<128x128xf32, #tpu.memory_space<vmem>>, vector<1x16xf32>,
        %get3A_379 = arith.index_cast %add3A_356 : i32 to index
        %get3A_380 = arith.constant 32 : index
        %get3A_381 = tpu.vector_load %arg15[%get3A_379, %get3A_380] {strides = array<i32>} : memref<128x128xf32, #tpu.memory_space<vmem>>, vector<1x16xf32>,
        %get3A_382 = vector.shape_cast %get3A_381 : vector<1x16xf32> to vector<16xf32>
        %mul3A_383 = vector.broadcast %squeeze3A : f32 to vector<16xf32>
        %mul3A_384 = arith.mulf %get3A_382, %mul3A_383 : vector<16xf32>
        %swap3A_385 = arith.index_cast %add3A_356 : i32 to index
        %swap3A_386 = arith.constant 32 : index
        %swap3A_387 = tpu.vector_load %arg15[%swap3A_385, %swap3A_386] {strides = array<i32>} : memref<128x128xf32, #tpu.memory_space<vmem>>, vector<1x16xf32>,
        %swap3A_388 = vector.shape_cast %swap3A_387 : vector<1x16xf32> to vector<16xf32>
        %swap3A_389 = vector.shape_cast %mul3A_384 : vector<16xf32> to vector<1x16xf32>
        tpu.vector_store %arg15[%swap3A_385, %swap3A_386], %swap3A_389 {strides = array<i32>} : memref<128x128xf32, #tpu.memory_space<vmem>>, vector<1x16xf32>,
        %get3A_390 = arith.index_cast %add3A_356 : i32 to index
        %get3A_391 = arith.constant 48 : index
        %get3A_392 = tpu.vector_load %arg15[%get3A_390, %get3A_391] {strides = array<i32>} : memref<128x128xf32, #tpu.memory_space<vmem>>, vector<1x16xf32>,
        %get3A_393 = vector.shape_cast %get3A_392 : vector<1x16xf32> to vector<16xf32>
        %mul3A_394 = vector.broadcast %squeeze3A : f32 to vector<16xf32>
        %mul3A_395 = arith.mulf %get3A_393, %mul3A_394 : vector<16xf32>
        %swap3A_396 = arith.index_cast %add3A_356 : i32 to index
        %swap3A_397 = arith.constant 48 : index
        %swap3A_398 = tpu.vector_load %arg15[%swap3A_396, %swap3A_397] {strides = array<i32>} : memref<128x128xf32, #tpu.memory_space<vmem>>, vector<1x16xf32>,
        %swap3A_399 = vector.shape_cast %swap3A_398 : vector<1x16xf32> to vector<16xf32>
        %swap3A_400 = vector.shape_cast %mul3A_395 : vector<16xf32> to vector<1x16xf32>
        tpu.vector_store %arg15[%swap3A_396, %swap3A_397], %swap3A_400 {strides = array<i32>} : memref<128x128xf32, #tpu.memory_space<vmem>>, vector<1x16xf32>,
        %get3A_401 = arith.index_cast %add3A_356 : i32 to index
        %get3A_402 = arith.constant 64 : index
        %get3A_403 = tpu.vector_load %arg15[%get3A_401, %get3A_402] {strides = array<i32>} : memref<128x128xf32, #tpu.memory_space<vmem>>, vector<1x16xf32>,
        %get3A_404 = vector.shape_cast %get3A_403 : vector<1x16xf32> to vector<16xf32>
        %mul3A_405 = vector.broadcast %squeeze3A : f32 to vector<16xf32>
        %mul3A_406 = arith.mulf %get3A_404, %mul3A_405 : vector<16xf32>
        %swap3A_407 = arith.index_cast %add3A_356 : i32 to index
        %swap3A_408 = arith.constant 64 : index
        %swap3A_409 = tpu.vector_load %arg15[%swap3A_407, %swap3A_408] {strides = array<i32>} : memref<128x128xf32, #tpu.memory_space<vmem>>, vector<1x16xf32>,
        %swap3A_410 = vector.shape_cast %swap3A_409 : vector<1x16xf32> to vector<16xf32>
        %swap3A_411 = vector.shape_cast %mul3A_406 : vector<16xf32> to vector<1x16xf32>
        tpu.vector_store %arg15[%swap3A_407, %swap3A_408], %swap3A_411 {strides = array<i32>} : memref<128x128xf32, #tpu.memory_space<vmem>>, vector<1x16xf32>,
        %get3A_412 = arith.index_cast %add3A_356 : i32 to index
        %get3A_413 = arith.constant 80 : index
        %get3A_414 = tpu.vector_load %arg15[%get3A_412, %get3A_413] {strides = array<i32>} : memref<128x128xf32, #tpu.memory_space<vmem>>, vector<1x16xf32>,
        %get3A_415 = vector.shape_cast %get3A_414 : vector<1x16xf32> to vector<16xf32>
        %mul3A_416 = vector.broadcast %squeeze3A : f32 to vector<16xf32>
        %mul3A_417 = arith.mulf %get3A_415, %mul3A_416 : vector<16xf32>
        %swap3A_418 = arith.index_cast %add3A_356 : i32 to index
        %swap3A_419 = arith.constant 80 : index
        %swap3A_420 = tpu.vector_load %arg15[%swap3A_418, %swap3A_419] {strides = array<i32>} : memref<128x128xf32, #tpu.memory_space<vmem>>, vector<1x16xf32>,
        %swap3A_421 = vector.shape_cast %swap3A_420 : vector<1x16xf32> to vector<16xf32>
        %swap3A_422 = vector.shape_cast %mul3A_417 : vector<16xf32> to vector<1x16xf32>
        tpu.vector_store %arg15[%swap3A_418, %swap3A_419], %swap3A_422 {strides = array<i32>} : memref<128x128xf32, #tpu.memory_space<vmem>>, vector<1x16xf32>,
        %get3A_423 = arith.index_cast %add3A_356 : i32 to index
        %get3A_424 = arith.constant 96 : index
        %get3A_425 = tpu.vector_load %arg15[%get3A_423, %get3A_424] {strides = array<i32>} : memref<128x128xf32, #tpu.memory_space<vmem>>, vector<1x16xf32>,
        %get3A_426 = vector.shape_cast %get3A_425 : vector<1x16xf32> to vector<16xf32>
        %mul3A_427 = vector.broadcast %squeeze3A : f32 to vector<16xf32>
        %mul3A_428 = arith.mulf %get3A_426, %mul3A_427 : vector<16xf32>
        %swap3A_429 = arith.index_cast %add3A_356 : i32 to index
        %swap3A_430 = arith.constant 96 : index
        %swap3A_431 = tpu.vector_load %arg15[%swap3A_429, %swap3A_430] {strides = array<i32>} : memref<128x128xf32, #tpu.memory_space<vmem>>, vector<1x16xf32>,
        %swap3A_432 = vector.shape_cast %swap3A_431 : vector<1x16xf32> to vector<16xf32>
        %swap3A_433 = vector.shape_cast %mul3A_428 : vector<16xf32> to vector<1x16xf32>
        tpu.vector_store %arg15[%swap3A_429, %swap3A_430], %swap3A_433 {strides = array<i32>} : memref<128x128xf32, #tpu.memory_space<vmem>>, vector<1x16xf32>,
        %get3A_434 = arith.index_cast %add3A_356 : i32 to index
        %get3A_435 = arith.constant 112 : index
        %get3A_436 = tpu.vector_load %arg15[%get3A_434, %get3A_435] {strides = array<i32>} : memref<128x128xf32, #tpu.memory_space<vmem>>, vector<1x16xf32>,
        %get3A_437 = vector.shape_cast %get3A_436 : vector<1x16xf32> to vector<16xf32>
        %mul3A_438 = vector.broadcast %squeeze3A : f32 to vector<16xf32>
        %mul3A_439 = arith.mulf %get3A_437, %mul3A_438 : vector<16xf32>
        %swap3A_440 = arith.index_cast %add3A_356 : i32 to index
        %swap3A_441 = arith.constant 112 : index
        %swap3A_442 = tpu.vector_load %arg15[%swap3A_440, %swap3A_441] {strides = array<i32>} : memref<128x128xf32, #tpu.memory_space<vmem>>, vector<1x16xf32>,
        %swap3A_443 = vector.shape_cast %swap3A_442 : vector<1x16xf32> to vector<16xf32>
        %swap3A_444 = vector.shape_cast %mul3A_439 : vector<16xf32> to vector<1x16xf32>
        tpu.vector_store %arg15[%swap3A_440, %swap3A_441], %swap3A_444 {strides = array<i32>} : memref<128x128xf32, #tpu.memory_space<vmem>>, vector<1x16xf32>,
        %mul3A_445 = arith.constant 16 : i32
        %mul3A_446 = arith.muli %scan3A_345, %mul3A_445 : i32
        %add3A_447 = arith.constant 1 : i32
        %add3A_448 = arith.addi %mul3A_446, %add3A_447 : i32
        %slice3A_449 = vector.extract_strided_slice %get3A_352 {offsets = [1], sizes = [1], strides = [1]} : vector<16xf32> to vector<1xf32>
        %squeeze3A_450 = vector.extract %slice3A_449[0] : f32 from vector<1xf32>
        %get3A_451 = arith.index_cast %add3A_448 : i32 to index
        %get3A_452 = arith.constant 0 : index
        %get3A_453 = tpu.vector_load %arg15[%get3A_451, %get3A_452] {strides = array<i32>} : memref<128x128xf32, #tpu.memory_space<vmem>>, vector<1x16xf32>,
        %get3A_454 = vector.shape_cast %get3A_453 : vector<1x16xf32> to vector<16xf32>
        %mul3A_455 = vector.broadcast %squeeze3A_450 : f32 to vector<16xf32>
        %mul3A_456 = arith.mulf %get3A_454, %mul3A_455 : vector<16xf32>
        %swap3A_457 = arith.index_cast %add3A_448 : i32 to index
        %swap3A_458 = arith.constant 0 : index
        %swap3A_459 = tpu.vector_load %arg15[%swap3A_457, %swap3A_458] {strides = array<i32>} : memref<128x128xf32, #tpu.memory_space<vmem>>, vector<1x16xf32>,
        %swap3A_460 = vector.shape_cast %swap3A_459 : vector<1x16xf32> to vector<16xf32>
        %swap3A_461 = vector.shape_cast %mul3A_456 : vector<16xf32> to vector<1x16xf32>
        tpu.vector_store %arg15[%swap3A_457, %swap3A_458], %swap3A_461 {strides = array<i32>} : memref<128x128xf32, #tpu.memory_space<vmem>>, vector<1x16xf32>,
        %get3A_462 = arith.index_cast %add3A_448 : i32 to index
        %get3A_463 = arith.constant 16 : index
        %get3A_464 = tpu.vector_load %arg15[%get3A_462, %get3A_463] {strides = array<i32>} : memref<128x128xf32, #tpu.memory_space<vmem>>, vector<1x16xf32>,
        %get3A_465 = vector.shape_cast %get3A_464 : vector<1x16xf32> to vector<16xf32>
        %mul3A_466 = vector.broadcast %squeeze3A_450 : f32 to vector<16xf32>
        %mul3A_467 = arith.mulf %get3A_465, %mul3A_466 : vector<16xf32>
        %swap3A_468 = arith.index_cast %add3A_448 : i32 to index
        %swap3A_469 = arith.constant 16 : index
        %swap3A_470 = tpu.vector_load %arg15[%swap3A_468, %swap3A_469] {strides = array<i32>} : memref<128x128xf32, #tpu.memory_space<vmem>>, vector<1x16xf32>,
        %swap3A_471 = vector.shape_cast %swap3A_470 : vector<1x16xf32> to vector<16xf32>
        %swap3A_472 = vector.shape_cast %mul3A_467 : vector<16xf32> to vector<1x16xf32>
        tpu.vector_store %arg15[%swap3A_468, %swap3A_469], %swap3A_472 {strides = array<i32>} : memref<128x128xf32, #tpu.memory_space<vmem>>, vector<1x16xf32>,
        %get3A_473 = arith.index_cast %add3A_448 : i32 to index
        %get3A_474 = arith.constant 32 : index
        %get3A_475 = tpu.vector_load %arg15[%get3A_473, %get3A_474] {strides = array<i32>} : memref<128x128xf32, #tpu.memory_space<vmem>>, vector<1x16xf32>,
        %get3A_476 = vector.shape_cast %get3A_475 : vector<1x16xf32> to vector<16xf32>
        %mul3A_477 = vector.broadcast %squeeze3A_450 : f32 to vector<16xf32>
        %mul3A_478 = arith.mulf %get3A_476, %mul3A_477 : vector<16xf32>
        %swap3A_479 = arith.index_cast %add3A_448 : i32 to index
        %swap3A_480 = arith.constant 32 : index
        %swap3A_481 = tpu.vector_load %arg15[%swap3A_479, %swap3A_480] {strides = array<i32>} : memref<128x128xf32, #tpu.memory_space<vmem>>, vector<1x16xf32>,
        %swap3A_482 = vector.shape_cast %swap3A_481 : vector<1x16xf32> to vector<16xf32>
        %swap3A_483 = vector.shape_cast %mul3A_478 : vector<16xf32> to vector<1x16xf32>
        tpu.vector_store %arg15[%swap3A_479, %swap3A_480], %swap3A_483 {strides = array<i32>} : memref<128x128xf32, #tpu.memory_space<vmem>>, vector<1x16xf32>,
        %get3A_484 = arith.index_cast %add3A_448 : i32 to index
        %get3A_485 = arith.constant 48 : index
        %get3A_486 = tpu.vector_load %arg15[%get3A_484, %get3A_485] {strides = array<i32>} : memref<128x128xf32, #tpu.memory_space<vmem>>, vector<1x16xf32>,
        %get3A_487 = vector.shape_cast %get3A_486 : vector<1x16xf32> to vector<16xf32>
        %mul3A_488 = vector.broadcast %squeeze3A_450 : f32 to vector<16xf32>
        %mul3A_489 = arith.mulf %get3A_487, %mul3A_488 : vector<16xf32>
        %swap3A_490 = arith.index_cast %add3A_448 : i32 to index
        %swap3A_491 = arith.constant 48 : index
        %swap3A_492 = tpu.vector_load %arg15[%swap3A_490, %swap3A_491] {strides = array<i32>} : memref<128x128xf32, #tpu.memory_space<vmem>>, vector<1x16xf32>,
        %swap3A_493 = vector.shape_cast %swap3A_492 : vector<1x16xf32> to vector<16xf32>
        %swap3A_494 = vector.shape_cast %mul3A_489 : vector<16xf32> to vector<1x16xf32>
        tpu.vector_store %arg15[%swap3A_490, %swap3A_491], %swap3A_494 {strides = array<i32>} : memref<128x128xf32, #tpu.memory_space<vmem>>, vector<1x16xf32>,
        %get3A_495 = arith.index_cast %add3A_448 : i32 to index
        %get3A_496 = arith.constant 64 : index
        %get3A_497 = tpu.vector_load %arg15[%get3A_495, %get3A_496] {strides = array<i32>} : memref<128x128xf32, #tpu.memory_space<vmem>>, vector<1x16xf32>,
        %get3A_498 = vector.shape_cast %get3A_497 : vector<1x16xf32> to vector<16xf32>
        %mul3A_499 = vector.broadcast %squeeze3A_450 : f32 to vector<16xf32>
        %mul3A_500 = arith.mulf %get3A_498, %mul3A_499 : vector<16xf32>
        %swap3A_501 = arith.index_cast %add3A_448 : i32 to index
        %swap3A_502 = arith.constant 64 : index
        %swap3A_503 = tpu.vector_load %arg15[%swap3A_501, %swap3A_502] {strides = array<i32>} : memref<128x128xf32, #tpu.memory_space<vmem>>, vector<1x16xf32>,
        %swap3A_504 = vector.shape_cast %swap3A_503 : vector<1x16xf32> to vector<16xf32>
        %swap3A_505 = vector.shape_cast %mul3A_500 : vector<16xf32> to vector<1x16xf32>
        tpu.vector_store %arg15[%swap3A_501, %swap3A_502], %swap3A_505 {strides = array<i32>} : memref<128x128xf32, #tpu.memory_space<vmem>>, vector<1x16xf32>,
        %get3A_506 = arith.index_cast %add3A_448 : i32 to index
        %get3A_507 = arith.constant 80 : index
        %get3A_508 = tpu.vector_load %arg15[%get3A_506, %get3A_507] {strides = array<i32>} : memref<128x128xf32, #tpu.memory_space<vmem>>, vector<1x16xf32>,
        %get3A_509 = vector.shape_cast %get3A_508 : vector<1x16xf32> to vector<16xf32>
        %mul3A_510 = vector.broadcast %squeeze3A_450 : f32 to vector<16xf32>
        %mul3A_511 = arith.mulf %get3A_509, %mul3A_510 : vector<16xf32>
        %swap3A_512 = arith.index_cast %add3A_448 : i32 to index
        %swap3A_513 = arith.constant 80 : index
        %swap3A_514 = tpu.vector_load %arg15[%swap3A_512, %swap3A_513] {strides = array<i32>} : memref<128x128xf32, #tpu.memory_space<vmem>>, vector<1x16xf32>,
        %swap3A_515 = vector.shape_cast %swap3A_514 : vector<1x16xf32> to vector<16xf32>
        %swap3A_516 = vector.shape_cast %mul3A_511 : vector<16xf32> to vector<1x16xf32>
        tpu.vector_store %arg15[%swap3A_512, %swap3A_513], %swap3A_516 {strides = array<i32>} : memref<128x128xf32, #tpu.memory_space<vmem>>, vector<1x16xf32>,
        %get3A_517 = arith.index_cast %add3A_448 : i32 to index
        %get3A_518 = arith.constant 96 : index
        %get3A_519 = tpu.vector_load %arg15[%get3A_517, %get3A_518] {strides = array<i32>} : memref<128x128xf32, #tpu.memory_space<vmem>>, vector<1x16xf32>,
        %get3A_520 = vector.shape_cast %get3A_519 : vector<1x16xf32> to vector<16xf32>
        %mul3A_521 = vector.broadcast %squeeze3A_450 : f32 to vector<16xf32>
        %mul3A_522 = arith.mulf %get3A_520, %mul3A_521 : vector<16xf32>
        %swap3A_523 = arith.index_cast %add3A_448 : i32 to index
        %swap3A_524 = arith.constant 96 : index
        %swap3A_525 = tpu.vector_load %arg15[%swap3A_523, %swap3A_524] {strides = array<i32>} : memref<128x128xf32, #tpu.memory_space<vmem>>, vector<1x16xf32>,
        %swap3A_526 = vector.shape_cast %swap3A_525 : vector<1x16xf32> to vector<16xf32>
        %swap3A_527 = vector.shape_cast %mul3A_522 : vector<16xf32> to vector<1x16xf32>
        tpu.vector_store %arg15[%swap3A_523, %swap3A_524], %swap3A_527 {strides = array<i32>} : memref<128x128xf32, #tpu.memory_space<vmem>>, vector<1x16xf32>,
        %get3A_528 = arith.index_cast %add3A_448 : i32 to index
        %get3A_529 = arith.constant 112 : index
        %get3A_530 = tpu.vector_load %arg15[%get3A_528, %get3A_529] {strides = array<i32>} : memref<128x128xf32, #tpu.memory_space<vmem>>, vector<1x16xf32>,
        %get3A_531 = vector.shape_cast %get3A_530 : vector<1x16xf32> to vector<16xf32>
        %mul3A_532 = vector.broadcast %squeeze3A_450 : f32 to vector<16xf32>
        %mul3A_533 = arith.mulf %get3A_531, %mul3A_532 : vector<16xf32>
        %swap3A_534 = arith.index_cast %add3A_448 : i32 to index
        %swap3A_535 = arith.constant 112 : index
        %swap3A_536 = tpu.vector_load %arg15[%swap3A_534, %swap3A_535] {strides = array<i32>} : memref<128x128xf32, #tpu.memory_space<vmem>>, vector<1x16xf32>,
        %swap3A_537 = vector.shape_cast %swap3A_536 : vector<1x16xf32> to vector<16xf32>
        %swap3A_538 = vector.shape_cast %mul3A_533 : vector<16xf32> to vector<1x16xf32>
        tpu.vector_store %arg15[%swap3A_534, %swap3A_535], %swap3A_538 {strides = array<i32>} : memref<128x128xf32, #tpu.memory_space<vmem>>, vector<1x16xf32>,
        %mul3A_539 = arith.constant 16 : i32
        %mul3A_540 = arith.muli %scan3A_345, %mul3A_539 : i32
        %add3A_541 = arith.constant 2 : i32
        %add3A_542 = arith.addi %mul3A_540, %add3A_541 : i32
        %slice3A_543 = vector.extract_strided_slice %get3A_352 {offsets = [2], sizes = [1], strides = [1]} : vector<16xf32> to vector<1xf32>
        %squeeze3A_544 = vector.extract %slice3A_543[0] : f32 from vector<1xf32>
        %get3A_545 = arith.index_cast %add3A_542 : i32 to index
        %get3A_546 = arith.constant 0 : index
        %get3A_547 = tpu.vector_load %arg15[%get3A_545, %get3A_546] {strides = array<i32>} : memref<128x128xf32, #tpu.memory_space<vmem>>, vector<1x16xf32>,
        %get3A_548 = vector.shape_cast %get3A_547 : vector<1x16xf32> to vector<16xf32>
        %mul3A_549 = vector.broadcast %squeeze3A_544 : f32 to vector<16xf32>
        %mul3A_550 = arith.mulf %get3A_548, %mul3A_549 : vector<16xf32>
        %swap3A_551 = arith.index_cast %add3A_542 : i32 to index
        %swap3A_552 = arith.constant 0 : index
        %swap3A_553 = tpu.vector_load %arg15[%swap3A_551, %swap3A_552] {strides = array<i32>} : memref<128x128xf32, #tpu.memory_space<vmem>>, vector<1x16xf32>,
        %swap3A_554 = vector.shape_cast %swap3A_553 : vector<1x16xf32> to vector<16xf32>
        %swap3A_555 = vector.shape_cast %mul3A_550 : vector<16xf32> to vector<1x16xf32>
        tpu.vector_store %arg15[%swap3A_551, %swap3A_552], %swap3A_555 {strides = array<i32>} : memref<128x128xf32, #tpu.memory_space<vmem>>, vector<1x16xf32>,
        %get3A_556 = arith.index_cast %add3A_542 : i32 to index
        %get3A_557 = arith.constant 16 : index
        %get3A_558 = tpu.vector_load %arg15[%get3A_556, %get3A_557] {strides = array<i32>} : memref<128x128xf32, #tpu.memory_space<vmem>>, vector<1x16xf32>,
        %get3A_559 = vector.shape_cast %get3A_558 : vector<1x16xf32> to vector<16xf32>
        %mul3A_560 = vector.broadcast %squeeze3A_544 : f32 to vector<16xf32>
        %mul3A_561 = arith.mulf %get3A_559, %mul3A_560 : vector<16xf32>
        %swap3A_562 = arith.index_cast %add3A_542 : i32 to index
        %swap3A_563 = arith.constant 16 : index
        %swap3A_564 = tpu.vector_load %arg15[%swap3A_562, %swap3A_563] {strides = array<i32>} : memref<128x128xf32, #tpu.memory_space<vmem>>, vector<1x16xf32>,
        %swap3A_565 = vector.shape_cast %swap3A_564 : vector<1x16xf32> to vector<16xf32>
        %swap3A_566 = vector.shape_cast %mul3A_561 : vector<16xf32> to vector<1x16xf32>
        tpu.vector_store %arg15[%swap3A_562, %swap3A_563], %swap3A_566 {strides = array<i32>} : memref<128x128xf32, #tpu.memory_space<vmem>>, vector<1x16xf32>,
        %get3A_567 = arith.index_cast %add3A_542 : i32 to index
        %get3A_568 = arith.constant 32 : index
        %get3A_569 = tpu.vector_load %arg15[%get3A_567, %get3A_568] {strides = array<i32>} : memref<128x128xf32, #tpu.memory_space<vmem>>, vector<1x16xf32>,
        %get3A_570 = vector.shape_cast %get3A_569 : vector<1x16xf32> to vector<16xf32>
        %mul3A_571 = vector.broadcast %squeeze3A_544 : f32 to vector<16xf32>
        %mul3A_572 = arith.mulf %get3A_570, %mul3A_571 : vector<16xf32>
        %swap3A_573 = arith.index_cast %add3A_542 : i32 to index
        %swap3A_574 = arith.constant 32 : index
        %swap3A_575 = tpu.vector_load %arg15[%swap3A_573, %swap3A_574] {strides = array<i32>} : memref<128x128xf32, #tpu.memory_space<vmem>>, vector<1x16xf32>,
        %swap3A_576 = vector.shape_cast %swap3A_575 : vector<1x16xf32> to vector<16xf32>
        %swap3A_577 = vector.shape_cast %mul3A_572 : vector<16xf32> to vector<1x16xf32>
        tpu.vector_store %arg15[%swap3A_573, %swap3A_574], %swap3A_577 {strides = array<i32>} : memref<128x128xf32, #tpu.memory_space<vmem>>, vector<1x16xf32>,
        %get3A_578 = arith.index_cast %add3A_542 : i32 to index
        %get3A_579 = arith.constant 48 : index
        %get3A_580 = tpu.vector_load %arg15[%get3A_578, %get3A_579] {strides = array<i32>} : memref<128x128xf32, #tpu.memory_space<vmem>>, vector<1x16xf32>,
        %get3A_581 = vector.shape_cast %get3A_580 : vector<1x16xf32> to vector<16xf32>
        %mul3A_582 = vector.broadcast %squeeze3A_544 : f32 to vector<16xf32>
        %mul3A_583 = arith.mulf %get3A_581, %mul3A_582 : vector<16xf32>
        %swap3A_584 = arith.index_cast %add3A_542 : i32 to index
        %swap3A_585 = arith.constant 48 : index
        %swap3A_586 = tpu.vector_load %arg15[%swap3A_584, %swap3A_585] {strides = array<i32>} : memref<128x128xf32, #tpu.memory_space<vmem>>, vector<1x16xf32>,
        %swap3A_587 = vector.shape_cast %swap3A_586 : vector<1x16xf32> to vector<16xf32>
        %swap3A_588 = vector.shape_cast %mul3A_583 : vector<16xf32> to vector<1x16xf32>
        tpu.vector_store %arg15[%swap3A_584, %swap3A_585], %swap3A_588 {strides = array<i32>} : memref<128x128xf32, #tpu.memory_space<vmem>>, vector<1x16xf32>,
        %get3A_589 = arith.index_cast %add3A_542 : i32 to index
        %get3A_590 = arith.constant 64 : index
        %get3A_591 = tpu.vector_load %arg15[%get3A_589, %get3A_590] {strides = array<i32>} : memref<128x128xf32, #tpu.memory_space<vmem>>, vector<1x16xf32>,
        %get3A_592 = vector.shape_cast %get3A_591 : vector<1x16xf32> to vector<16xf32>
        %mul3A_593 = vector.broadcast %squeeze3A_544 : f32 to vector<16xf32>
        %mul3A_594 = arith.mulf %get3A_592, %mul3A_593 : vector<16xf32>
        %swap3A_595 = arith.index_cast %add3A_542 : i32 to index
        %swap3A_596 = arith.constant 64 : index
        %swap3A_597 = tpu.vector_load %arg15[%swap3A_595, %swap3A_596] {strides = array<i32>} : memref<128x128xf32, #tpu.memory_space<vmem>>, vector<1x16xf32>,
        %swap3A_598 = vector.shape_cast %swap3A_597 : vector<1x16xf32> to vector<16xf32>
        %swap3A_599 = vector.shape_cast %mul3A_594 : vector<16xf32> to vector<1x16xf32>
        tpu.vector_store %arg15[%swap3A_595, %swap3A_596], %swap3A_599 {strides = array<i32>} : memref<128x128xf32, #tpu.memory_space<vmem>>, vector<1x16xf32>,
        %get3A_600 = arith.index_cast %add3A_542 : i32 to index
        %get3A_601 = arith.constant 80 : index
        %get3A_602 = tpu.vector_load %arg15[%get3A_600, %get3A_601] {strides = array<i32>} : memref<128x128xf32, #tpu.memory_space<vmem>>, vector<1x16xf32>,
        %get3A_603 = vector.shape_cast %get3A_602 : vector<1x16xf32> to vector<16xf32>
        %mul3A_604 = vector.broadcast %squeeze3A_544 : f32 to vector<16xf32>
        %mul3A_605 = arith.mulf %get3A_603, %mul3A_604 : vector<16xf32>
        %swap3A_606 = arith.index_cast %add3A_542 : i32 to index
        %swap3A_607 = arith.constant 80 : index
        %swap3A_608 = tpu.vector_load %arg15[%swap3A_606, %swap3A_607] {strides = array<i32>} : memref<128x128xf32, #tpu.memory_space<vmem>>, vector<1x16xf32>,
        %swap3A_609 = vector.shape_cast %swap3A_608 : vector<1x16xf32> to vector<16xf32>
        %swap3A_610 = vector.shape_cast %mul3A_605 : vector<16xf32> to vector<1x16xf32>
        tpu.vector_store %arg15[%swap3A_606, %swap3A_607], %swap3A_610 {strides = array<i32>} : memref<128x128xf32, #tpu.memory_space<vmem>>, vector<1x16xf32>,
        %get3A_611 = arith.index_cast %add3A_542 : i32 to index
        %get3A_612 = arith.constant 96 : index
        %get3A_613 = tpu.vector_load %arg15[%get3A_611, %get3A_612] {strides = array<i32>} : memref<128x128xf32, #tpu.memory_space<vmem>>, vector<1x16xf32>,
        %get3A_614 = vector.shape_cast %get3A_613 : vector<1x16xf32> to vector<16xf32>
        %mul3A_615 = vector.broadcast %squeeze3A_544 : f32 to vector<16xf32>
        %mul3A_616 = arith.mulf %get3A_614, %mul3A_615 : vector<16xf32>
        %swap3A_617 = arith.index_cast %add3A_542 : i32 to index
        %swap3A_618 = arith.constant 96 : index
        %swap3A_619 = tpu.vector_load %arg15[%swap3A_617, %swap3A_618] {strides = array<i32>} : memref<128x128xf32, #tpu.memory_space<vmem>>, vector<1x16xf32>,
        %swap3A_620 = vector.shape_cast %swap3A_619 : vector<1x16xf32> to vector<16xf32>
        %swap3A_621 = vector.shape_cast %mul3A_616 : vector<16xf32> to vector<1x16xf32>
        tpu.vector_store %arg15[%swap3A_617, %swap3A_618], %swap3A_621 {strides = array<i32>} : memref<128x128xf32, #tpu.memory_space<vmem>>, vector<1x16xf32>,
        %get3A_622 = arith.index_cast %add3A_542 : i32 to index
        %get3A_623 = arith.constant 112 : index
        %get3A_624 = tpu.vector_load %arg15[%get3A_622, %get3A_623] {strides = array<i32>} : memref<128x128xf32, #tpu.memory_space<vmem>>, vector<1x16xf32>,
        %get3A_625 = vector.shape_cast %get3A_624 : vector<1x16xf32> to vector<16xf32>
        %mul3A_626 = vector.broadcast %squeeze3A_544 : f32 to vector<16xf32>
        %mul3A_627 = arith.mulf %get3A_625, %mul3A_626 : vector<16xf32>
        %swap3A_628 = arith.index_cast %add3A_542 : i32 to index
        %swap3A_629 = arith.constant 112 : index
        %swap3A_630 = tpu.vector_load %arg15[%swap3A_628, %swap3A_629] {strides = array<i32>} : memref<128x128xf32, #tpu.memory_space<vmem>>, vector<1x16xf32>,
        %swap3A_631 = vector.shape_cast %swap3A_630 : vector<1x16xf32> to vector<16xf32>
        %swap3A_632 = vector.shape_cast %mul3A_627 : vector<16xf32> to vector<1x16xf32>
        tpu.vector_store %arg15[%swap3A_628, %swap3A_629], %swap3A_632 {strides = array<i32>} : memref<128x128xf32, #tpu.memory_space<vmem>>, vector<1x16xf32>,
        %mul3A_633 = arith.constant 16 : i32
        %mul3A_634 = arith.muli %scan3A_345, %mul3A_633 : i32
        %add3A_635 = arith.constant 3 : i32
        %add3A_636 = arith.addi %mul3A_634, %add3A_635 : i32
        %slice3A_637 = vector.extract_strided_slice %get3A_352 {offsets = [3], sizes = [1], strides = [1]} : vector<16xf32> to vector<1xf32>
        %squeeze3A_638 = vector.extract %slice3A_637[0] : f32 from vector<1xf32>
        %get3A_639 = arith.index_cast %add3A_636 : i32 to index
        %get3A_640 = arith.constant 0 : index
        %get3A_641 = tpu.vector_load %arg15[%get3A_639, %get3A_640] {strides = array<i32>} : memref<128x128xf32, #tpu.memory_space<vmem>>, vector<1x16xf32>,
        %get3A_642 = vector.shape_cast %get3A_641 : vector<1x16xf32> to vector<16xf32>
        %mul3A_643 = vector.broadcast %squeeze3A_638 : f32 to vector<16xf32>
        %mul3A_644 = arith.mulf %get3A_642, %mul3A_643 : vector<16xf32>
        %swap3A_645 = arith.index_cast %add3A_636 : i32 to index
        %swap3A_646 = arith.constant 0 : index
        %swap3A_647 = tpu.vector_load %arg15[%swap3A_645, %swap3A_646] {strides = array<i32>} : memref<128x128xf32, #tpu.memory_space<vmem>>, vector<1x16xf32>,
        %swap3A_648 = vector.shape_cast %swap3A_647 : vector<1x16xf32> to vector<16xf32>
        %swap3A_649 = vector.shape_cast %mul3A_644 : vector<16xf32> to vector<1x16xf32>
        tpu.vector_store %arg15[%swap3A_645, %swap3A_646], %swap3A_649 {strides = array<i32>} : memref<128x128xf32, #tpu.memory_space<vmem>>, vector<1x16xf32>,
        %get3A_650 = arith.index_cast %add3A_636 : i32 to index
        %get3A_651 = arith.constant 16 : index
        %get3A_652 = tpu.vector_load %arg15[%get3A_650, %get3A_651] {strides = array<i32>} : memref<128x128xf32, #tpu.memory_space<vmem>>, vector<1x16xf32>,
        %get3A_653 = vector.shape_cast %get3A_652 : vector<1x16xf32> to vector<16xf32>
        %mul3A_654 = vector.broadcast %squeeze3A_638 : f32 to vector<16xf32>
        %mul3A_655 = arith.mulf %get3A_653, %mul3A_654 : vector<16xf32>
        %swap3A_656 = arith.index_cast %add3A_636 : i32 to index
        %swap3A_657 = arith.constant 16 : index
        %swap3A_658 = tpu.vector_load %arg15[%swap3A_656, %swap3A_657] {strides = array<i32>} : memref<128x128xf32, #tpu.memory_space<vmem>>, vector<1x16xf32>,
        %swap3A_659 = vector.shape_cast %swap3A_658 : vector<1x16xf32> to vector<16xf32>
        %swap3A_660 = vector.shape_cast %mul3A_655 : vector<16xf32> to vector<1x16xf32>
        tpu.vector_store %arg15[%swap3A_656, %swap3A_657], %swap3A_660 {strides = array<i32>} : memref<128x128xf32, #tpu.memory_space<vmem>>, vector<1x16xf32>,
        %get3A_661 = arith.index_cast %add3A_636 : i32 to index
        %get3A_662 = arith.constant 32 : index
        %get3A_663 = tpu.vector_load %arg15[%get3A_661, %get3A_662] {strides = array<i32>} : memref<128x128xf32, #tpu.memory_space<vmem>>, vector<1x16xf32>,
        %get3A_664 = vector.shape_cast %get3A_663 : vector<1x16xf32> to vector<16xf32>
        %mul3A_665 = vector.broadcast %squeeze3A_638 : f32 to vector<16xf32>
        %mul3A_666 = arith.mulf %get3A_664, %mul3A_665 : vector<16xf32>
        %swap3A_667 = arith.index_cast %add3A_636 : i32 to index
        %swap3A_668 = arith.constant 32 : index
        %swap3A_669 = tpu.vector_load %arg15[%swap3A_667, %swap3A_668] {strides = array<i32>} : memref<128x128xf32, #tpu.memory_space<vmem>>, vector<1x16xf32>,
        %swap3A_670 = vector.shape_cast %swap3A_669 : vector<1x16xf32> to vector<16xf32>
        %swap3A_671 = vector.shape_cast %mul3A_666 : vector<16xf32> to vector<1x16xf32>
        tpu.vector_store %arg15[%swap3A_667, %swap3A_668], %swap3A_671 {strides = array<i32>} : memref<128x128xf32, #tpu.memory_space<vmem>>, vector<1x16xf32>,
        %get3A_672 = arith.index_cast %add3A_636 : i32 to index
        %get3A_673 = arith.constant 48 : index
        %get3A_674 = tpu.vector_load %arg15[%get3A_672, %get3A_673] {strides = array<i32>} : memref<128x128xf32, #tpu.memory_space<vmem>>, vector<1x16xf32>,
        %get3A_675 = vector.shape_cast %get3A_674 : vector<1x16xf32> to vector<16xf32>
        %mul3A_676 = vector.broadcast %squeeze3A_638 : f32 to vector<16xf32>
        %mul3A_677 = arith.mulf %get3A_675, %mul3A_676 : vector<16xf32>
        %swap3A_678 = arith.index_cast %add3A_636 : i32 to index
        %swap3A_679 = arith.constant 48 : index
        %swap3A_680 = tpu.vector_load %arg15[%swap3A_678, %swap3A_679] {strides = array<i32>} : memref<128x128xf32, #tpu.memory_space<vmem>>, vector<1x16xf32>,
        %swap3A_681 = vector.shape_cast %swap3A_680 : vector<1x16xf32> to vector<16xf32>
        %swap3A_682 = vector.shape_cast %mul3A_677 : vector<16xf32> to vector<1x16xf32>
        tpu.vector_store %arg15[%swap3A_678, %swap3A_679], %swap3A_682 {strides = array<i32>} : memref<128x128xf32, #tpu.memory_space<vmem>>, vector<1x16xf32>,
        %get3A_683 = arith.index_cast %add3A_636 : i32 to index
        %get3A_684 = arith.constant 64 : index
        %get3A_685 = tpu.vector_load %arg15[%get3A_683, %get3A_684] {strides = array<i32>} : memref<128x128xf32, #tpu.memory_space<vmem>>, vector<1x16xf32>,
        %get3A_686 = vector.shape_cast %get3A_685 : vector<1x16xf32> to vector<16xf32>
        %mul3A_687 = vector.broadcast %squeeze3A_638 : f32 to vector<16xf32>
        %mul3A_688 = arith.mulf %get3A_686, %mul3A_687 : vector<16xf32>
        %swap3A_689 = arith.index_cast %add3A_636 : i32 to index
        %swap3A_690 = arith.constant 64 : index
        %swap3A_691 = tpu.vector_load %arg15[%swap3A_689, %swap3A_690] {strides = array<i32>} : memref<128x128xf32, #tpu.memory_space<vmem>>, vector<1x16xf32>,
        %swap3A_692 = vector.shape_cast %swap3A_691 : vector<1x16xf32> to vector<16xf32>
        %swap3A_693 = vector.shape_cast %mul3A_688 : vector<16xf32> to vector<1x16xf32>
        tpu.vector_store %arg15[%swap3A_689, %swap3A_690], %swap3A_693 {strides = array<i32>} : memref<128x128xf32, #tpu.memory_space<vmem>>, vector<1x16xf32>,
        %get3A_694 = arith.index_cast %add3A_636 : i32 to index
        %get3A_695 = arith.constant 80 : index
        %get3A_696 = tpu.vector_load %arg15[%get3A_694, %get3A_695] {strides = array<i32>} : memref<128x128xf32, #tpu.memory_space<vmem>>, vector<1x16xf32>,
        %get3A_697 = vector.shape_cast %get3A_696 : vector<1x16xf32> to vector<16xf32>
        %mul3A_698 = vector.broadcast %squeeze3A_638 : f32 to vector<16xf32>
        %mul3A_699 = arith.mulf %get3A_697, %mul3A_698 : vector<16xf32>
        %swap3A_700 = arith.index_cast %add3A_636 : i32 to index
        %swap3A_701 = arith.constant 80 : index
        %swap3A_702 = tpu.vector_load %arg15[%swap3A_700, %swap3A_701] {strides = array<i32>} : memref<128x128xf32, #tpu.memory_space<vmem>>, vector<1x16xf32>,
        %swap3A_703 = vector.shape_cast %swap3A_702 : vector<1x16xf32> to vector<16xf32>
        %swap3A_704 = vector.shape_cast %mul3A_699 : vector<16xf32> to vector<1x16xf32>
        tpu.vector_store %arg15[%swap3A_700, %swap3A_701], %swap3A_704 {strides = array<i32>} : memref<128x128xf32, #tpu.memory_space<vmem>>, vector<1x16xf32>,
        %get3A_705 = arith.index_cast %add3A_636 : i32 to index
        %get3A_706 = arith.constant 96 : index
        %get3A_707 = tpu.vector_load %arg15[%get3A_705, %get3A_706] {strides = array<i32>} : memref<128x128xf32, #tpu.memory_space<vmem>>, vector<1x16xf32>,
        %get3A_708 = vector.shape_cast %get3A_707 : vector<1x16xf32> to vector<16xf32>
        %mul3A_709 = vector.broadcast %squeeze3A_638 : f32 to vector<16xf32>
        %mul3A_710 = arith.mulf %get3A_708, %mul3A_709 : vector<16xf32>
        %swap3A_711 = arith.index_cast %add3A_636 : i32 to index
        %swap3A_712 = arith.constant 96 : index
        %swap3A_713 = tpu.vector_load %arg15[%swap3A_711, %swap3A_712] {strides = array<i32>} : memref<128x128xf32, #tpu.memory_space<vmem>>, vector<1x16xf32>,
        %swap3A_714 = vector.shape_cast %swap3A_713 : vector<1x16xf32> to vector<16xf32>
        %swap3A_715 = vector.shape_cast %mul3A_710 : vector<16xf32> to vector<1x16xf32>
        tpu.vector_store %arg15[%swap3A_711, %swap3A_712], %swap3A_715 {strides = array<i32>} : memref<128x128xf32, #tpu.memory_space<vmem>>, vector<1x16xf32>,
        %get3A_716 = arith.index_cast %add3A_636 : i32 to index
        %get3A_717 = arith.constant 112 : index
        %get3A_718 = tpu.vector_load %arg15[%get3A_716, %get3A_717] {strides = array<i32>} : memref<128x128xf32, #tpu.memory_space<vmem>>, vector<1x16xf32>,
        %get3A_719 = vector.shape_cast %get3A_718 : vector<1x16xf32> to vector<16xf32>
        %mul3A_720 = vector.broadcast %squeeze3A_638 : f32 to vector<16xf32>
        %mul3A_721 = arith.mulf %get3A_719, %mul3A_720 : vector<16xf32>
        %swap3A_722 = arith.index_cast %add3A_636 : i32 to index
        %swap3A_723 = arith.constant 112 : index
        %swap3A_724 = tpu.vector_load %arg15[%swap3A_722, %swap3A_723] {strides = array<i32>} : memref<128x128xf32, #tpu.memory_space<vmem>>, vector<1x16xf32>,
        %swap3A_725 = vector.shape_cast %swap3A_724 : vector<1x16xf32> to vector<16xf32>
        %swap3A_726 = vector.shape_cast %mul3A_721 : vector<16xf32> to vector<1x16xf32>
        tpu.vector_store %arg15[%swap3A_722, %swap3A_723], %swap3A_726 {strides = array<i32>} : memref<128x128xf32, #tpu.memory_space<vmem>>, vector<1x16xf32>,
        %mul3A_727 = arith.constant 16 : i32
        %mul3A_728 = arith.muli %scan3A_345, %mul3A_727 : i32
        %add3A_729 = arith.constant 4 : i32
        %add3A_730 = arith.addi %mul3A_728, %add3A_729 : i32
        %slice3A_731 = vector.extract_strided_slice %get3A_352 {offsets = [4], sizes = [1], strides = [1]} : vector<16xf32> to vector<1xf32>
        %squeeze3A_732 = vector.extract %slice3A_731[0] : f32 from vector<1xf32>
        %get3A_733 = arith.index_cast %add3A_730 : i32 to index
        %get3A_734 = arith.constant 0 : index
        %get3A_735 = tpu.vector_load %arg15[%get3A_733, %get3A_734] {strides = array<i32>} : memref<128x128xf32, #tpu.memory_space<vmem>>, vector<1x16xf32>,
        %get3A_736 = vector.shape_cast %get3A_735 : vector<1x16xf32> to vector<16xf32>
        %mul3A_737 = vector.broadcast %squeeze3A_732 : f32 to vector<16xf32>
        %mul3A_738 = arith.mulf %get3A_736, %mul3A_737 : vector<16xf32>
        %swap3A_739 = arith.index_cast %add3A_730 : i32 to index
        %swap3A_740 = arith.constant 0 : index
        %swap3A_741 = tpu.vector_load %arg15[%swap3A_739, %swap3A_740] {strides = array<i32>} : memref<128x128xf32, #tpu.memory_space<vmem>>, vector<1x16xf32>,
        %swap3A_742 = vector.shape_cast %swap3A_741 : vector<1x16xf32> to vector<16xf32>
        %swap3A_743 = vector.shape_cast %mul3A_738 : vector<16xf32> to vector<1x16xf32>
        tpu.vector_store %arg15[%swap3A_739, %swap3A_740], %swap3A_743 {strides = array<i32>} : memref<128x128xf32, #tpu.memory_space<vmem>>, vector<1x16xf32>,
        %get3A_744 = arith.index_cast %add3A_730 : i32 to index
        %get3A_745 = arith.constant 16 : index
        %get3A_746 = tpu.vector_load %arg15[%get3A_744, %get3A_745] {strides = array<i32>} : memref<128x128xf32, #tpu.memory_space<vmem>>, vector<1x16xf32>,
        %get3A_747 = vector.shape_cast %get3A_746 : vector<1x16xf32> to vector<16xf32>
        %mul3A_748 = vector.broadcast %squeeze3A_732 : f32 to vector<16xf32>
        %mul3A_749 = arith.mulf %get3A_747, %mul3A_748 : vector<16xf32>
        %swap3A_750 = arith.index_cast %add3A_730 : i32 to index
        %swap3A_751 = arith.constant 16 : index
        %swap3A_752 = tpu.vector_load %arg15[%swap3A_750, %swap3A_751] {strides = array<i32>} : memref<128x128xf32, #tpu.memory_space<vmem>>, vector<1x16xf32>,
        %swap3A_753 = vector.shape_cast %swap3A_752 : vector<1x16xf32> to vector<16xf32>
        %swap3A_754 = vector.shape_cast %mul3A_749 : vector<16xf32> to vector<1x16xf32>
        tpu.vector_store %arg15[%swap3A_750, %swap3A_751], %swap3A_754 {strides = array<i32>} : memref<128x128xf32, #tpu.memory_space<vmem>>, vector<1x16xf32>,
        %get3A_755 = arith.index_cast %add3A_730 : i32 to index
        %get3A_756 = arith.constant 32 : index
        %get3A_757 = tpu.vector_load %arg15[%get3A_755, %get3A_756] {strides = array<i32>} : memref<128x128xf32, #tpu.memory_space<vmem>>, vector<1x16xf32>,
        %get3A_758 = vector.shape_cast %get3A_757 : vector<1x16xf32> to vector<16xf32>
        %mul3A_759 = vector.broadcast %squeeze3A_732 : f32 to vector<16xf32>
        %mul3A_760 = arith.mulf %get3A_758, %mul3A_759 : vector<16xf32>
        %swap3A_761 = arith.index_cast %add3A_730 : i32 to index
        %swap3A_762 = arith.constant 32 : index
        %swap3A_763 = tpu.vector_load %arg15[%swap3A_761, %swap3A_762] {strides = array<i32>} : memref<128x128xf32, #tpu.memory_space<vmem>>, vector<1x16xf32>,
        %swap3A_764 = vector.shape_cast %swap3A_763 : vector<1x16xf32> to vector<16xf32>
        %swap3A_765 = vector.shape_cast %mul3A_760 : vector<16xf32> to vector<1x16xf32>
        tpu.vector_store %arg15[%swap3A_761, %swap3A_762], %swap3A_765 {strides = array<i32>} : memref<128x128xf32, #tpu.memory_space<vmem>>, vector<1x16xf32>,
        %get3A_766 = arith.index_cast %add3A_730 : i32 to index
        %get3A_767 = arith.constant 48 : index
        %get3A_768 = tpu.vector_load %arg15[%get3A_766, %get3A_767] {strides = array<i32>} : memref<128x128xf32, #tpu.memory_space<vmem>>, vector<1x16xf32>,
        %get3A_769 = vector.shape_cast %get3A_768 : vector<1x16xf32> to vector<16xf32>
        %mul3A_770 = vector.broadcast %squeeze3A_732 : f32 to vector<16xf32>
        %mul3A_771 = arith.mulf %get3A_769, %mul3A_770 : vector<16xf32>
        %swap3A_772 = arith.index_cast %add3A_730 : i32 to index
        %swap3A_773 = arith.constant 48 : index
        %swap3A_774 = tpu.vector_load %arg15[%swap3A_772, %swap3A_773] {strides = array<i32>} : memref<128x128xf32, #tpu.memory_space<vmem>>, vector<1x16xf32>,
        %swap3A_775 = vector.shape_cast %swap3A_774 : vector<1x16xf32> to vector<16xf32>
        %swap3A_776 = vector.shape_cast %mul3A_771 : vector<16xf32> to vector<1x16xf32>
        tpu.vector_store %arg15[%swap3A_772, %swap3A_773], %swap3A_776 {strides = array<i32>} : memref<128x128xf32, #tpu.memory_space<vmem>>, vector<1x16xf32>,
        %get3A_777 = arith.index_cast %add3A_730 : i32 to index
        %get3A_778 = arith.constant 64 : index
        %get3A_779 = tpu.vector_load %arg15[%get3A_777, %get3A_778] {strides = array<i32>} : memref<128x128xf32, #tpu.memory_space<vmem>>, vector<1x16xf32>,
        %get3A_780 = vector.shape_cast %get3A_779 : vector<1x16xf32> to vector<16xf32>
        %mul3A_781 = vector.broadcast %squeeze3A_732 : f32 to vector<16xf32>
        %mul3A_782 = arith.mulf %get3A_780, %mul3A_781 : vector<16xf32>
        %swap3A_783 = arith.index_cast %add3A_730 : i32 to index
        %swap3A_784 = arith.constant 64 : index
        %swap3A_785 = tpu.vector_load %arg15[%swap3A_783, %swap3A_784] {strides = array<i32>} : memref<128x128xf32, #tpu.memory_space<vmem>>, vector<1x16xf32>,
        %swap3A_786 = vector.shape_cast %swap3A_785 : vector<1x16xf32> to vector<16xf32>
        %swap3A_787 = vector.shape_cast %mul3A_782 : vector<16xf32> to vector<1x16xf32>
        tpu.vector_store %arg15[%swap3A_783, %swap3A_784], %swap3A_787 {strides = array<i32>} : memref<128x128xf32, #tpu.memory_space<vmem>>, vector<1x16xf32>,
        %get3A_788 = arith.index_cast %add3A_730 : i32 to index
        %get3A_789 = arith.constant 80 : index
        %get3A_790 = tpu.vector_load %arg15[%get3A_788, %get3A_789] {strides = array<i32>} : memref<128x128xf32, #tpu.memory_space<vmem>>, vector<1x16xf32>,
        %get3A_791 = vector.shape_cast %get3A_790 : vector<1x16xf32> to vector<16xf32>
        %mul3A_792 = vector.broadcast %squeeze3A_732 : f32 to vector<16xf32>
        %mul3A_793 = arith.mulf %get3A_791, %mul3A_792 : vector<16xf32>
        %swap3A_794 = arith.index_cast %add3A_730 : i32 to index
        %swap3A_795 = arith.constant 80 : index
        %swap3A_796 = tpu.vector_load %arg15[%swap3A_794, %swap3A_795] {strides = array<i32>} : memref<128x128xf32, #tpu.memory_space<vmem>>, vector<1x16xf32>,
        %swap3A_797 = vector.shape_cast %swap3A_796 : vector<1x16xf32> to vector<16xf32>
        %swap3A_798 = vector.shape_cast %mul3A_793 : vector<16xf32> to vector<1x16xf32>
        tpu.vector_store %arg15[%swap3A_794, %swap3A_795], %swap3A_798 {strides = array<i32>} : memref<128x128xf32, #tpu.memory_space<vmem>>, vector<1x16xf32>,
        %get3A_799 = arith.index_cast %add3A_730 : i32 to index
        %get3A_800 = arith.constant 96 : index
        %get3A_801 = tpu.vector_load %arg15[%get3A_799, %get3A_800] {strides = array<i32>} : memref<128x128xf32, #tpu.memory_space<vmem>>, vector<1x16xf32>,
        %get3A_802 = vector.shape_cast %get3A_801 : vector<1x16xf32> to vector<16xf32>
        %mul3A_803 = vector.broadcast %squeeze3A_732 : f32 to vector<16xf32>
        %mul3A_804 = arith.mulf %get3A_802, %mul3A_803 : vector<16xf32>
        %swap3A_805 = arith.index_cast %add3A_730 : i32 to index
        %swap3A_806 = arith.constant 96 : index
        %swap3A_807 = tpu.vector_load %arg15[%swap3A_805, %swap3A_806] {strides = array<i32>} : memref<128x128xf32, #tpu.memory_space<vmem>>, vector<1x16xf32>,
        %swap3A_808 = vector.shape_cast %swap3A_807 : vector<1x16xf32> to vector<16xf32>
        %swap3A_809 = vector.shape_cast %mul3A_804 : vector<16xf32> to vector<1x16xf32>
        tpu.vector_store %arg15[%swap3A_805, %swap3A_806], %swap3A_809 {strides = array<i32>} : memref<128x128xf32, #tpu.memory_space<vmem>>, vector<1x16xf32>,
        %get3A_810 = arith.index_cast %add3A_730 : i32 to index
        %get3A_811 = arith.constant 112 : index
        %get3A_812 = tpu.vector_load %arg15[%get3A_810, %get3A_811] {strides = array<i32>} : memref<128x128xf32, #tpu.memory_space<vmem>>, vector<1x16xf32>,
        %get3A_813 = vector.shape_cast %get3A_812 : vector<1x16xf32> to vector<16xf32>
        %mul3A_814 = vector.broadcast %squeeze3A_732 : f32 to vector<16xf32>
        %mul3A_815 = arith.mulf %get3A_813, %mul3A_814 : vector<16xf32>
        %swap3A_816 = arith.index_cast %add3A_730 : i32 to index
        %swap3A_817 = arith.constant 112 : index
        %swap3A_818 = tpu.vector_load %arg15[%swap3A_816, %swap3A_817] {strides = array<i32>} : memref<128x128xf32, #tpu.memory_space<vmem>>, vector<1x16xf32>,
        %swap3A_819 = vector.shape_cast %swap3A_818 : vector<1x16xf32> to vector<16xf32>
        %swap3A_820 = vector.shape_cast %mul3A_815 : vector<16xf32> to vector<1x16xf32>
        tpu.vector_store %arg15[%swap3A_816, %swap3A_817], %swap3A_820 {strides = array<i32>} : memref<128x128xf32, #tpu.memory_space<vmem>>, vector<1x16xf32>,
        %mul3A_821 = arith.constant 16 : i32
        %mul3A_822 = arith.muli %scan3A_345, %mul3A_821 : i32
        %add3A_823 = arith.constant 5 : i32
        %add3A_824 = arith.addi %mul3A_822, %add3A_823 : i32
        %slice3A_825 = vector.extract_strided_slice %get3A_352 {offsets = [5], sizes = [1], strides = [1]} : vector<16xf32> to vector<1xf32>
        %squeeze3A_826 = vector.extract %slice3A_825[0] : f32 from vector<1xf32>
        %get3A_827 = arith.index_cast %add3A_824 : i32 to index
        %get3A_828 = arith.constant 0 : index
        %get3A_829 = tpu.vector_load %arg15[%get3A_827, %get3A_828] {strides = array<i32>} : memref<128x128xf32, #tpu.memory_space<vmem>>, vector<1x16xf32>,
        %get3A_830 = vector.shape_cast %get3A_829 : vector<1x16xf32> to vector<16xf32>
        %mul3A_831 = vector.broadcast %squeeze3A_826 : f32 to vector<16xf32>
        %mul3A_832 = arith.mulf %get3A_830, %mul3A_831 : vector<16xf32>
        %swap3A_833 = arith.index_cast %add3A_824 : i32 to index
        %swap3A_834 = arith.constant 0 : index
        %swap3A_835 = tpu.vector_load %arg15[%swap3A_833, %swap3A_834] {strides = array<i32>} : memref<128x128xf32, #tpu.memory_space<vmem>>, vector<1x16xf32>,
        %swap3A_836 = vector.shape_cast %swap3A_835 : vector<1x16xf32> to vector<16xf32>
        %swap3A_837 = vector.shape_cast %mul3A_832 : vector<16xf32> to vector<1x16xf32>
        tpu.vector_store %arg15[%swap3A_833, %swap3A_834], %swap3A_837 {strides = array<i32>} : memref<128x128xf32, #tpu.memory_space<vmem>>, vector<1x16xf32>,
        %get3A_838 = arith.index_cast %add3A_824 : i32 to index
        %get3A_839 = arith.constant 16 : index
        %get3A_840 = tpu.vector_load %arg15[%get3A_838, %get3A_839] {strides = array<i32>} : memref<128x128xf32, #tpu.memory_space<vmem>>, vector<1x16xf32>,
        %get3A_841 = vector.shape_cast %get3A_840 : vector<1x16xf32> to vector<16xf32>
        %mul3A_842 = vector.broadcast %squeeze3A_826 : f32 to vector<16xf32>
        %mul3A_843 = arith.mulf %get3A_841, %mul3A_842 : vector<16xf32>
        %swap3A_844 = arith.index_cast %add3A_824 : i32 to index
        %swap3A_845 = arith.constant 16 : index
        %swap3A_846 = tpu.vector_load %arg15[%swap3A_844, %swap3A_845] {strides = array<i32>} : memref<128x128xf32, #tpu.memory_space<vmem>>, vector<1x16xf32>,
        %swap3A_847 = vector.shape_cast %swap3A_846 : vector<1x16xf32> to vector<16xf32>
        %swap3A_848 = vector.shape_cast %mul3A_843 : vector<16xf32> to vector<1x16xf32>
        tpu.vector_store %arg15[%swap3A_844, %swap3A_845], %swap3A_848 {strides = array<i32>} : memref<128x128xf32, #tpu.memory_space<vmem>>, vector<1x16xf32>,
        %get3A_849 = arith.index_cast %add3A_824 : i32 to index
        %get3A_850 = arith.constant 32 : index
        %get3A_851 = tpu.vector_load %arg15[%get3A_849, %get3A_850] {strides = array<i32>} : memref<128x128xf32, #tpu.memory_space<vmem>>, vector<1x16xf32>,
        %get3A_852 = vector.shape_cast %get3A_851 : vector<1x16xf32> to vector<16xf32>
        %mul3A_853 = vector.broadcast %squeeze3A_826 : f32 to vector<16xf32>
        %mul3A_854 = arith.mulf %get3A_852, %mul3A_853 : vector<16xf32>
        %swap3A_855 = arith.index_cast %add3A_824 : i32 to index
        %swap3A_856 = arith.constant 32 : index
        %swap3A_857 = tpu.vector_load %arg15[%swap3A_855, %swap3A_856] {strides = array<i32>} : memref<128x128xf32, #tpu.memory_space<vmem>>, vector<1x16xf32>,
        %swap3A_858 = vector.shape_cast %swap3A_857 : vector<1x16xf32> to vector<16xf32>
        %swap3A_859 = vector.shape_cast %mul3A_854 : vector<16xf32> to vector<1x16xf32>
        tpu.vector_store %arg15[%swap3A_855, %swap3A_856], %swap3A_859 {strides = array<i32>} : memref<128x128xf32, #tpu.memory_space<vmem>>, vector<1x16xf32>,
        %get3A_860 = arith.index_cast %add3A_824 : i32 to index
        %get3A_861 = arith.constant 48 : index
        %get3A_862 = tpu.vector_load %arg15[%get3A_860, %get3A_861] {strides = array<i32>} : memref<128x128xf32, #tpu.memory_space<vmem>>, vector<1x16xf32>,
        %get3A_863 = vector.shape_cast %get3A_862 : vector<1x16xf32> to vector<16xf32>
        %mul3A_864 = vector.broadcast %squeeze3A_826 : f32 to vector<16xf32>
        %mul3A_865 = arith.mulf %get3A_863, %mul3A_864 : vector<16xf32>
        %swap3A_866 = arith.index_cast %add3A_824 : i32 to index
        %swap3A_867 = arith.constant 48 : index
        %swap3A_868 = tpu.vector_load %arg15[%swap3A_866, %swap3A_867] {strides = array<i32>} : memref<128x128xf32, #tpu.memory_space<vmem>>, vector<1x16xf32>,
        %swap3A_869 = vector.shape_cast %swap3A_868 : vector<1x16xf32> to vector<16xf32>
        %swap3A_870 = vector.shape_cast %mul3A_865 : vector<16xf32> to vector<1x16xf32>
        tpu.vector_store %arg15[%swap3A_866, %swap3A_867], %swap3A_870 {strides = array<i32>} : memref<128x128xf32, #tpu.memory_space<vmem>>, vector<1x16xf32>,
        %get3A_871 = arith.index_cast %add3A_824 : i32 to index
        %get3A_872 = arith.constant 64 : index
        %get3A_873 = tpu.vector_load %arg15[%get3A_871, %get3A_872] {strides = array<i32>} : memref<128x128xf32, #tpu.memory_space<vmem>>, vector<1x16xf32>,
        %get3A_874 = vector.shape_cast %get3A_873 : vector<1x16xf32> to vector<16xf32>
        %mul3A_875 = vector.broadcast %squeeze3A_826 : f32 to vector<16xf32>
        %mul3A_876 = arith.mulf %get3A_874, %mul3A_875 : vector<16xf32>
        %swap3A_877 = arith.index_cast %add3A_824 : i32 to index
        %swap3A_878 = arith.constant 64 : index
        %swap3A_879 = tpu.vector_load %arg15[%swap3A_877, %swap3A_878] {strides = array<i32>} : memref<128x128xf32, #tpu.memory_space<vmem>>, vector<1x16xf32>,
        %swap3A_880 = vector.shape_cast %swap3A_879 : vector<1x16xf32> to vector<16xf32>
        %swap3A_881 = vector.shape_cast %mul3A_876 : vector<16xf32> to vector<1x16xf32>
        tpu.vector_store %arg15[%swap3A_877, %swap3A_878], %swap3A_881 {strides = array<i32>} : memref<128x128xf32, #tpu.memory_space<vmem>>, vector<1x16xf32>,
        %get3A_882 = arith.index_cast %add3A_824 : i32 to index
        %get3A_883 = arith.constant 80 : index
        %get3A_884 = tpu.vector_load %arg15[%get3A_882, %get3A_883] {strides = array<i32>} : memref<128x128xf32, #tpu.memory_space<vmem>>, vector<1x16xf32>,
        %get3A_885 = vector.shape_cast %get3A_884 : vector<1x16xf32> to vector<16xf32>
        %mul3A_886 = vector.broadcast %squeeze3A_826 : f32 to vector<16xf32>
        %mul3A_887 = arith.mulf %get3A_885, %mul3A_886 : vector<16xf32>
        %swap3A_888 = arith.index_cast %add3A_824 : i32 to index
        %swap3A_889 = arith.constant 80 : index
        %swap3A_890 = tpu.vector_load %arg15[%swap3A_888, %swap3A_889] {strides = array<i32>} : memref<128x128xf32, #tpu.memory_space<vmem>>, vector<1x16xf32>,
        %swap3A_891 = vector.shape_cast %swap3A_890 : vector<1x16xf32> to vector<16xf32>
        %swap3A_892 = vector.shape_cast %mul3A_887 : vector<16xf32> to vector<1x16xf32>
        tpu.vector_store %arg15[%swap3A_888, %swap3A_889], %swap3A_892 {strides = array<i32>} : memref<128x128xf32, #tpu.memory_space<vmem>>, vector<1x16xf32>,
        %get3A_893 = arith.index_cast %add3A_824 : i32 to index
        %get3A_894 = arith.constant 96 : index
        %get3A_895 = tpu.vector_load %arg15[%get3A_893, %get3A_894] {strides = array<i32>} : memref<128x128xf32, #tpu.memory_space<vmem>>, vector<1x16xf32>,
        %get3A_896 = vector.shape_cast %get3A_895 : vector<1x16xf32> to vector<16xf32>
        %mul3A_897 = vector.broadcast %squeeze3A_826 : f32 to vector<16xf32>
        %mul3A_898 = arith.mulf %get3A_896, %mul3A_897 : vector<16xf32>
        %swap3A_899 = arith.index_cast %add3A_824 : i32 to index
        %swap3A_900 = arith.constant 96 : index
        %swap3A_901 = tpu.vector_load %arg15[%swap3A_899, %swap3A_900] {strides = array<i32>} : memref<128x128xf32, #tpu.memory_space<vmem>>, vector<1x16xf32>,
        %swap3A_902 = vector.shape_cast %swap3A_901 : vector<1x16xf32> to vector<16xf32>
        %swap3A_903 = vector.shape_cast %mul3A_898 : vector<16xf32> to vector<1x16xf32>
        tpu.vector_store %arg15[%swap3A_899, %swap3A_900], %swap3A_903 {strides = array<i32>} : memref<128x128xf32, #tpu.memory_space<vmem>>, vector<1x16xf32>,
        %get3A_904 = arith.index_cast %add3A_824 : i32 to index
        %get3A_905 = arith.constant 112 : index
        %get3A_906 = tpu.vector_load %arg15[%get3A_904, %get3A_905] {strides = array<i32>} : memref<128x128xf32, #tpu.memory_space<vmem>>, vector<1x16xf32>,
        %get3A_907 = vector.shape_cast %get3A_906 : vector<1x16xf32> to vector<16xf32>
        %mul3A_908 = vector.broadcast %squeeze3A_826 : f32 to vector<16xf32>
        %mul3A_909 = arith.mulf %get3A_907, %mul3A_908 : vector<16xf32>
        %swap3A_910 = arith.index_cast %add3A_824 : i32 to index
        %swap3A_911 = arith.constant 112 : index
        %swap3A_912 = tpu.vector_load %arg15[%swap3A_910, %swap3A_911] {strides = array<i32>} : memref<128x128xf32, #tpu.memory_space<vmem>>, vector<1x16xf32>,
        %swap3A_913 = vector.shape_cast %swap3A_912 : vector<1x16xf32> to vector<16xf32>
        %swap3A_914 = vector.shape_cast %mul3A_909 : vector<16xf32> to vector<1x16xf32>
        tpu.vector_store %arg15[%swap3A_910, %swap3A_911], %swap3A_914 {strides = array<i32>} : memref<128x128xf32, #tpu.memory_space<vmem>>, vector<1x16xf32>,
        %mul3A_915 = arith.constant 16 : i32
        %mul3A_916 = arith.muli %scan3A_345, %mul3A_915 : i32
        %add3A_917 = arith.constant 6 : i32
        %add3A_918 = arith.addi %mul3A_916, %add3A_917 : i32
        %slice3A_919 = vector.extract_strided_slice %get3A_352 {offsets = [6], sizes = [1], strides = [1]} : vector<16xf32> to vector<1xf32>
        %squeeze3A_920 = vector.extract %slice3A_919[0] : f32 from vector<1xf32>
        %get3A_921 = arith.index_cast %add3A_918 : i32 to index
        %get3A_922 = arith.constant 0 : index
        %get3A_923 = tpu.vector_load %arg15[%get3A_921, %get3A_922] {strides = array<i32>} : memref<128x128xf32, #tpu.memory_space<vmem>>, vector<1x16xf32>,
        %get3A_924 = vector.shape_cast %get3A_923 : vector<1x16xf32> to vector<16xf32>
        %mul3A_925 = vector.broadcast %squeeze3A_920 : f32 to vector<16xf32>
        %mul3A_926 = arith.mulf %get3A_924, %mul3A_925 : vector<16xf32>
        %swap3A_927 = arith.index_cast %add3A_918 : i32 to index
        %swap3A_928 = arith.constant 0 : index
        %swap3A_929 = tpu.vector_load %arg15[%swap3A_927, %swap3A_928] {strides = array<i32>} : memref<128x128xf32, #tpu.memory_space<vmem>>, vector<1x16xf32>,
        %swap3A_930 = vector.shape_cast %swap3A_929 : vector<1x16xf32> to vector<16xf32>
        %swap3A_931 = vector.shape_cast %mul3A_926 : vector<16xf32> to vector<1x16xf32>
        tpu.vector_store %arg15[%swap3A_927, %swap3A_928], %swap3A_931 {strides = array<i32>} : memref<128x128xf32, #tpu.memory_space<vmem>>, vector<1x16xf32>,
        %get3A_932 = arith.index_cast %add3A_918 : i32 to index
        %get3A_933 = arith.constant 16 : index
        %get3A_934 = tpu.vector_load %arg15[%get3A_932, %get3A_933] {strides = array<i32>} : memref<128x128xf32, #tpu.memory_space<vmem>>, vector<1x16xf32>,
        %get3A_935 = vector.shape_cast %get3A_934 : vector<1x16xf32> to vector<16xf32>
        %mul3A_936 = vector.broadcast %squeeze3A_920 : f32 to vector<16xf32>
        %mul3A_937 = arith.mulf %get3A_935, %mul3A_936 : vector<16xf32>
        %swap3A_938 = arith.index_cast %add3A_918 : i32 to index
        %swap3A_939 = arith.constant 16 : index
        %swap3A_940 = tpu.vector_load %arg15[%swap3A_938, %swap3A_939] {strides = array<i32>} : memref<128x128xf32, #tpu.memory_space<vmem>>, vector<1x16xf32>,
        %swap3A_941 = vector.shape_cast %swap3A_940 : vector<1x16xf32> to vector<16xf32>
        %swap3A_942 = vector.shape_cast %mul3A_937 : vector<16xf32> to vector<1x16xf32>
        tpu.vector_store %arg15[%swap3A_938, %swap3A_939], %swap3A_942 {strides = array<i32>} : memref<128x128xf32, #tpu.memory_space<vmem>>, vector<1x16xf32>,
        %get3A_943 = arith.index_cast %add3A_918 : i32 to index
        %get3A_944 = arith.constant 32 : index
        %get3A_945 = tpu.vector_load %arg15[%get3A_943, %get3A_944] {strides = array<i32>} : memref<128x128xf32, #tpu.memory_space<vmem>>, vector<1x16xf32>,
        %get3A_946 = vector.shape_cast %get3A_945 : vector<1x16xf32> to vector<16xf32>
        %mul3A_947 = vector.broadcast %squeeze3A_920 : f32 to vector<16xf32>
        %mul3A_948 = arith.mulf %get3A_946, %mul3A_947 : vector<16xf32>
        %swap3A_949 = arith.index_cast %add3A_918 : i32 to index
        %swap3A_950 = arith.constant 32 : index
        %swap3A_951 = tpu.vector_load %arg15[%swap3A_949, %swap3A_950] {strides = array<i32>} : memref<128x128xf32, #tpu.memory_space<vmem>>, vector<1x16xf32>,
        %swap3A_952 = vector.shape_cast %swap3A_951 : vector<1x16xf32> to vector<16xf32>
        %swap3A_953 = vector.shape_cast %mul3A_948 : vector<16xf32> to vector<1x16xf32>
        tpu.vector_store %arg15[%swap3A_949, %swap3A_950], %swap3A_953 {strides = array<i32>} : memref<128x128xf32, #tpu.memory_space<vmem>>, vector<1x16xf32>,
        %get3A_954 = arith.index_cast %add3A_918 : i32 to index
        %get3A_955 = arith.constant 48 : index
        %get3A_956 = tpu.vector_load %arg15[%get3A_954, %get3A_955] {strides = array<i32>} : memref<128x128xf32, #tpu.memory_space<vmem>>, vector<1x16xf32>,
        %get3A_957 = vector.shape_cast %get3A_956 : vector<1x16xf32> to vector<16xf32>
        %mul3A_958 = vector.broadcast %squeeze3A_920 : f32 to vector<16xf32>
        %mul3A_959 = arith.mulf %get3A_957, %mul3A_958 : vector<16xf32>
        %swap3A_960 = arith.index_cast %add3A_918 : i32 to index
        %swap3A_961 = arith.constant 48 : index
        %swap3A_962 = tpu.vector_load %arg15[%swap3A_960, %swap3A_961] {strides = array<i32>} : memref<128x128xf32, #tpu.memory_space<vmem>>, vector<1x16xf32>,
        %swap3A_963 = vector.shape_cast %swap3A_962 : vector<1x16xf32> to vector<16xf32>
        %swap3A_964 = vector.shape_cast %mul3A_959 : vector<16xf32> to vector<1x16xf32>
        tpu.vector_store %arg15[%swap3A_960, %swap3A_961], %swap3A_964 {strides = array<i32>} : memref<128x128xf32, #tpu.memory_space<vmem>>, vector<1x16xf32>,
        %get3A_965 = arith.index_cast %add3A_918 : i32 to index
        %get3A_966 = arith.constant 64 : index
        %get3A_967 = tpu.vector_load %arg15[%get3A_965, %get3A_966] {strides = array<i32>} : memref<128x128xf32, #tpu.memory_space<vmem>>, vector<1x16xf32>,
        %get3A_968 = vector.shape_cast %get3A_967 : vector<1x16xf32> to vector<16xf32>
        %mul3A_969 = vector.broadcast %squeeze3A_920 : f32 to vector<16xf32>
        %mul3A_970 = arith.mulf %get3A_968, %mul3A_969 : vector<16xf32>
        %swap3A_971 = arith.index_cast %add3A_918 : i32 to index
        %swap3A_972 = arith.constant 64 : index
        %swap3A_973 = tpu.vector_load %arg15[%swap3A_971, %swap3A_972] {strides = array<i32>} : memref<128x128xf32, #tpu.memory_space<vmem>>, vector<1x16xf32>,
        %swap3A_974 = vector.shape_cast %swap3A_973 : vector<1x16xf32> to vector<16xf32>
        %swap3A_975 = vector.shape_cast %mul3A_970 : vector<16xf32> to vector<1x16xf32>
        tpu.vector_store %arg15[%swap3A_971, %swap3A_972], %swap3A_975 {strides = array<i32>} : memref<128x128xf32, #tpu.memory_space<vmem>>, vector<1x16xf32>,
        %get3A_976 = arith.index_cast %add3A_918 : i32 to index
        %get3A_977 = arith.constant 80 : index
        %get3A_978 = tpu.vector_load %arg15[%get3A_976, %get3A_977] {strides = array<i32>} : memref<128x128xf32, #tpu.memory_space<vmem>>, vector<1x16xf32>,
        %get3A_979 = vector.shape_cast %get3A_978 : vector<1x16xf32> to vector<16xf32>
        %mul3A_980 = vector.broadcast %squeeze3A_920 : f32 to vector<16xf32>
        %mul3A_981 = arith.mulf %get3A_979, %mul3A_980 : vector<16xf32>
        %swap3A_982 = arith.index_cast %add3A_918 : i32 to index
        %swap3A_983 = arith.constant 80 : index
        %swap3A_984 = tpu.vector_load %arg15[%swap3A_982, %swap3A_983] {strides = array<i32>} : memref<128x128xf32, #tpu.memory_space<vmem>>, vector<1x16xf32>,
        %swap3A_985 = vector.shape_cast %swap3A_984 : vector<1x16xf32> to vector<16xf32>
        %swap3A_986 = vector.shape_cast %mul3A_981 : vector<16xf32> to vector<1x16xf32>
        tpu.vector_store %arg15[%swap3A_982, %swap3A_983], %swap3A_986 {strides = array<i32>} : memref<128x128xf32, #tpu.memory_space<vmem>>, vector<1x16xf32>,
        %get3A_987 = arith.index_cast %add3A_918 : i32 to index
        %get3A_988 = arith.constant 96 : index
        %get3A_989 = tpu.vector_load %arg15[%get3A_987, %get3A_988] {strides = array<i32>} : memref<128x128xf32, #tpu.memory_space<vmem>>, vector<1x16xf32>,
        %get3A_990 = vector.shape_cast %get3A_989 : vector<1x16xf32> to vector<16xf32>
        %mul3A_991 = vector.broadcast %squeeze3A_920 : f32 to vector<16xf32>
        %mul3A_992 = arith.mulf %get3A_990, %mul3A_991 : vector<16xf32>
        %swap3A_993 = arith.index_cast %add3A_918 : i32 to index
        %swap3A_994 = arith.constant 96 : index
        %swap3A_995 = tpu.vector_load %arg15[%swap3A_993, %swap3A_994] {strides = array<i32>} : memref<128x128xf32, #tpu.memory_space<vmem>>, vector<1x16xf32>,
        %swap3A_996 = vector.shape_cast %swap3A_995 : vector<1x16xf32> to vector<16xf32>
        %swap3A_997 = vector.shape_cast %mul3A_992 : vector<16xf32> to vector<1x16xf32>
        tpu.vector_store %arg15[%swap3A_993, %swap3A_994], %swap3A_997 {strides = array<i32>} : memref<128x128xf32, #tpu.memory_space<vmem>>, vector<1x16xf32>,
        %get3A_998 = arith.index_cast %add3A_918 : i32 to index
        %get3A_999 = arith.constant 112 : index
        %get3A_1000 = tpu.vector_load %arg15[%get3A_998, %get3A_999] {strides = array<i32>} : memref<128x128xf32, #tpu.memory_space<vmem>>, vector<1x16xf32>,
        %get3A_1001 = vector.shape_cast %get3A_1000 : vector<1x16xf32> to vector<16xf32>
        %mul3A_1002 = vector.broadcast %squeeze3A_920 : f32 to vector<16xf32>
        %mul3A_1003 = arith.mulf %get3A_1001, %mul3A_1002 : vector<16xf32>
        %swap3A_1004 = arith.index_cast %add3A_918 : i32 to index
        %swap3A_1005 = arith.constant 112 : index
        %swap3A_1006 = tpu.vector_load %arg15[%swap3A_1004, %swap3A_1005] {strides = array<i32>} : memref<128x128xf32, #tpu.memory_space<vmem>>, vector<1x16xf32>,
        %swap3A_1007 = vector.shape_cast %swap3A_1006 : vector<1x16xf32> to vector<16xf32>
        %swap3A_1008 = vector.shape_cast %mul3A_1003 : vector<16xf32> to vector<1x16xf32>
        tpu.vector_store %arg15[%swap3A_1004, %swap3A_1005], %swap3A_1008 {strides = array<i32>} : memref<128x128xf32, #tpu.memory_space<vmem>>, vector<1x16xf32>,
        %mul3A_1009 = arith.constant 16 : i32
        %mul3A_1010 = arith.muli %scan3A_345, %mul3A_1009 : i32
        %add3A_1011 = arith.constant 7 : i32
        %add3A_1012 = arith.addi %mul3A_1010, %add3A_1011 : i32
        %slice3A_1013 = vector.extract_strided_slice %get3A_352 {offsets = [7], sizes = [1], strides = [1]} : vector<16xf32> to vector<1xf32>
        %squeeze3A_1014 = vector.extract %slice3A_1013[0] : f32 from vector<1xf32>
        %get3A_1015 = arith.index_cast %add3A_1012 : i32 to index
        %get3A_1016 = arith.constant 0 : index
        %get3A_1017 = tpu.vector_load %arg15[%get3A_1015, %get3A_1016] {strides = array<i32>} : memref<128x128xf32, #tpu.memory_space<vmem>>, vector<1x16xf32>,
        %get3A_1018 = vector.shape_cast %get3A_1017 : vector<1x16xf32> to vector<16xf32>
        %mul3A_1019 = vector.broadcast %squeeze3A_1014 : f32 to vector<16xf32>
        %mul3A_1020 = arith.mulf %get3A_1018, %mul3A_1019 : vector<16xf32>
        %swap3A_1021 = arith.index_cast %add3A_1012 : i32 to index
        %swap3A_1022 = arith.constant 0 : index
        %swap3A_1023 = tpu.vector_load %arg15[%swap3A_1021, %swap3A_1022] {strides = array<i32>} : memref<128x128xf32, #tpu.memory_space<vmem>>, vector<1x16xf32>,
        %swap3A_1024 = vector.shape_cast %swap3A_1023 : vector<1x16xf32> to vector<16xf32>
        %swap3A_1025 = vector.shape_cast %mul3A_1020 : vector<16xf32> to vector<1x16xf32>
        tpu.vector_store %arg15[%swap3A_1021, %swap3A_1022], %swap3A_1025 {strides = array<i32>} : memref<128x128xf32, #tpu.memory_space<vmem>>, vector<1x16xf32>,
        %get3A_1026 = arith.index_cast %add3A_1012 : i32 to index
        %get3A_1027 = arith.constant 16 : index
        %get3A_1028 = tpu.vector_load %arg15[%get3A_1026, %get3A_1027] {strides = array<i32>} : memref<128x128xf32, #tpu.memory_space<vmem>>, vector<1x16xf32>,
        %get3A_1029 = vector.shape_cast %get3A_1028 : vector<1x16xf32> to vector<16xf32>
        %mul3A_1030 = vector.broadcast %squeeze3A_1014 : f32 to vector<16xf32>
        %mul3A_1031 = arith.mulf %get3A_1029, %mul3A_1030 : vector<16xf32>
        %swap3A_1032 = arith.index_cast %add3A_1012 : i32 to index
        %swap3A_1033 = arith.constant 16 : index
        %swap3A_1034 = tpu.vector_load %arg15[%swap3A_1032, %swap3A_1033] {strides = array<i32>} : memref<128x128xf32, #tpu.memory_space<vmem>>, vector<1x16xf32>,
        %swap3A_1035 = vector.shape_cast %swap3A_1034 : vector<1x16xf32> to vector<16xf32>
        %swap3A_1036 = vector.shape_cast %mul3A_1031 : vector<16xf32> to vector<1x16xf32>
        tpu.vector_store %arg15[%swap3A_1032, %swap3A_1033], %swap3A_1036 {strides = array<i32>} : memref<128x128xf32, #tpu.memory_space<vmem>>, vector<1x16xf32>,
        %get3A_1037 = arith.index_cast %add3A_1012 : i32 to index
        %get3A_1038 = arith.constant 32 : index
        %get3A_1039 = tpu.vector_load %arg15[%get3A_1037, %get3A_1038] {strides = array<i32>} : memref<128x128xf32, #tpu.memory_space<vmem>>, vector<1x16xf32>,
        %get3A_1040 = vector.shape_cast %get3A_1039 : vector<1x16xf32> to vector<16xf32>
        %mul3A_1041 = vector.broadcast %squeeze3A_1014 : f32 to vector<16xf32>
        %mul3A_1042 = arith.mulf %get3A_1040, %mul3A_1041 : vector<16xf32>
        %swap3A_1043 = arith.index_cast %add3A_1012 : i32 to index
        %swap3A_1044 = arith.constant 32 : index
        %swap3A_1045 = tpu.vector_load %arg15[%swap3A_1043, %swap3A_1044] {strides = array<i32>} : memref<128x128xf32, #tpu.memory_space<vmem>>, vector<1x16xf32>,
        %swap3A_1046 = vector.shape_cast %swap3A_1045 : vector<1x16xf32> to vector<16xf32>
        %swap3A_1047 = vector.shape_cast %mul3A_1042 : vector<16xf32> to vector<1x16xf32>
        tpu.vector_store %arg15[%swap3A_1043, %swap3A_1044], %swap3A_1047 {strides = array<i32>} : memref<128x128xf32, #tpu.memory_space<vmem>>, vector<1x16xf32>,
        %get3A_1048 = arith.index_cast %add3A_1012 : i32 to index
        %get3A_1049 = arith.constant 48 : index
        %get3A_1050 = tpu.vector_load %arg15[%get3A_1048, %get3A_1049] {strides = array<i32>} : memref<128x128xf32, #tpu.memory_space<vmem>>, vector<1x16xf32>,
        %get3A_1051 = vector.shape_cast %get3A_1050 : vector<1x16xf32> to vector<16xf32>
        %mul3A_1052 = vector.broadcast %squeeze3A_1014 : f32 to vector<16xf32>
        %mul3A_1053 = arith.mulf %get3A_1051, %mul3A_1052 : vector<16xf32>
        %swap3A_1054 = arith.index_cast %add3A_1012 : i32 to index
        %swap3A_1055 = arith.constant 48 : index
        %swap3A_1056 = tpu.vector_load %arg15[%swap3A_1054, %swap3A_1055] {strides = array<i32>} : memref<128x128xf32, #tpu.memory_space<vmem>>, vector<1x16xf32>,
        %swap3A_1057 = vector.shape_cast %swap3A_1056 : vector<1x16xf32> to vector<16xf32>
        %swap3A_1058 = vector.shape_cast %mul3A_1053 : vector<16xf32> to vector<1x16xf32>
        tpu.vector_store %arg15[%swap3A_1054, %swap3A_1055], %swap3A_1058 {strides = array<i32>} : memref<128x128xf32, #tpu.memory_space<vmem>>, vector<1x16xf32>,
        %get3A_1059 = arith.index_cast %add3A_1012 : i32 to index
        %get3A_1060 = arith.constant 64 : index
        %get3A_1061 = tpu.vector_load %arg15[%get3A_1059, %get3A_1060] {strides = array<i32>} : memref<128x128xf32, #tpu.memory_space<vmem>>, vector<1x16xf32>,
        %get3A_1062 = vector.shape_cast %get3A_1061 : vector<1x16xf32> to vector<16xf32>
        %mul3A_1063 = vector.broadcast %squeeze3A_1014 : f32 to vector<16xf32>
        %mul3A_1064 = arith.mulf %get3A_1062, %mul3A_1063 : vector<16xf32>
        %swap3A_1065 = arith.index_cast %add3A_1012 : i32 to index
        %swap3A_1066 = arith.constant 64 : index
        %swap3A_1067 = tpu.vector_load %arg15[%swap3A_1065, %swap3A_1066] {strides = array<i32>} : memref<128x128xf32, #tpu.memory_space<vmem>>, vector<1x16xf32>,
        %swap3A_1068 = vector.shape_cast %swap3A_1067 : vector<1x16xf32> to vector<16xf32>
        %swap3A_1069 = vector.shape_cast %mul3A_1064 : vector<16xf32> to vector<1x16xf32>
        tpu.vector_store %arg15[%swap3A_1065, %swap3A_1066], %swap3A_1069 {strides = array<i32>} : memref<128x128xf32, #tpu.memory_space<vmem>>, vector<1x16xf32>,
        %get3A_1070 = arith.index_cast %add3A_1012 : i32 to index
        %get3A_1071 = arith.constant 80 : index
        %get3A_1072 = tpu.vector_load %arg15[%get3A_1070, %get3A_1071] {strides = array<i32>} : memref<128x128xf32, #tpu.memory_space<vmem>>, vector<1x16xf32>,
        %get3A_1073 = vector.shape_cast %get3A_1072 : vector<1x16xf32> to vector<16xf32>
        %mul3A_1074 = vector.broadcast %squeeze3A_1014 : f32 to vector<16xf32>
        %mul3A_1075 = arith.mulf %get3A_1073, %mul3A_1074 : vector<16xf32>
        %swap3A_1076 = arith.index_cast %add3A_1012 : i32 to index
        %swap3A_1077 = arith.constant 80 : index
        %swap3A_1078 = tpu.vector_load %arg15[%swap3A_1076, %swap3A_1077] {strides = array<i32>} : memref<128x128xf32, #tpu.memory_space<vmem>>, vector<1x16xf32>,
        %swap3A_1079 = vector.shape_cast %swap3A_1078 : vector<1x16xf32> to vector<16xf32>
        %swap3A_1080 = vector.shape_cast %mul3A_1075 : vector<16xf32> to vector<1x16xf32>
        tpu.vector_store %arg15[%swap3A_1076, %swap3A_1077], %swap3A_1080 {strides = array<i32>} : memref<128x128xf32, #tpu.memory_space<vmem>>, vector<1x16xf32>,
        %get3A_1081 = arith.index_cast %add3A_1012 : i32 to index
        %get3A_1082 = arith.constant 96 : index
        %get3A_1083 = tpu.vector_load %arg15[%get3A_1081, %get3A_1082] {strides = array<i32>} : memref<128x128xf32, #tpu.memory_space<vmem>>, vector<1x16xf32>,
        %get3A_1084 = vector.shape_cast %get3A_1083 : vector<1x16xf32> to vector<16xf32>
        %mul3A_1085 = vector.broadcast %squeeze3A_1014 : f32 to vector<16xf32>
        %mul3A_1086 = arith.mulf %get3A_1084, %mul3A_1085 : vector<16xf32>
        %swap3A_1087 = arith.index_cast %add3A_1012 : i32 to index
        %swap3A_1088 = arith.constant 96 : index
        %swap3A_1089 = tpu.vector_load %arg15[%swap3A_1087, %swap3A_1088] {strides = array<i32>} : memref<128x128xf32, #tpu.memory_space<vmem>>, vector<1x16xf32>,
        %swap3A_1090 = vector.shape_cast %swap3A_1089 : vector<1x16xf32> to vector<16xf32>
        %swap3A_1091 = vector.shape_cast %mul3A_1086 : vector<16xf32> to vector<1x16xf32>
        tpu.vector_store %arg15[%swap3A_1087, %swap3A_1088], %swap3A_1091 {strides = array<i32>} : memref<128x128xf32, #tpu.memory_space<vmem>>, vector<1x16xf32>,
        %get3A_1092 = arith.index_cast %add3A_1012 : i32 to index
        %get3A_1093 = arith.constant 112 : index
        %get3A_1094 = tpu.vector_load %arg15[%get3A_1092, %get3A_1093] {strides = array<i32>} : memref<128x128xf32, #tpu.memory_space<vmem>>, vector<1x16xf32>,
        %get3A_1095 = vector.shape_cast %get3A_1094 : vector<1x16xf32> to vector<16xf32>
        %mul3A_1096 = vector.broadcast %squeeze3A_1014 : f32 to vector<16xf32>
        %mul3A_1097 = arith.mulf %get3A_1095, %mul3A_1096 : vector<16xf32>
        %swap3A_1098 = arith.index_cast %add3A_1012 : i32 to index
        %swap3A_1099 = arith.constant 112 : index
        %swap3A_1100 = tpu.vector_load %arg15[%swap3A_1098, %swap3A_1099] {strides = array<i32>} : memref<128x128xf32, #tpu.memory_space<vmem>>, vector<1x16xf32>,
        %swap3A_1101 = vector.shape_cast %swap3A_1100 : vector<1x16xf32> to vector<16xf32>
        %swap3A_1102 = vector.shape_cast %mul3A_1097 : vector<16xf32> to vector<1x16xf32>
        tpu.vector_store %arg15[%swap3A_1098, %swap3A_1099], %swap3A_1102 {strides = array<i32>} : memref<128x128xf32, #tpu.memory_space<vmem>>, vector<1x16xf32>,
        %mul3A_1103 = arith.constant 16 : i32
        %mul3A_1104 = arith.muli %scan3A_345, %mul3A_1103 : i32
        %add3A_1105 = arith.constant 8 : i32
        %add3A_1106 = arith.addi %mul3A_1104, %add3A_1105 : i32
        %slice3A_1107 = vector.extract_strided_slice %get3A_352 {offsets = [8], sizes = [1], strides = [1]} : vector<16xf32> to vector<1xf32>
        %squeeze3A_1108 = vector.extract %slice3A_1107[0] : f32 from vector<1xf32>
        %get3A_1109 = arith.index_cast %add3A_1106 : i32 to index
        %get3A_1110 = arith.constant 0 : index
        %get3A_1111 = tpu.vector_load %arg15[%get3A_1109, %get3A_1110] {strides = array<i32>} : memref<128x128xf32, #tpu.memory_space<vmem>>, vector<1x16xf32>,
        %get3A_1112 = vector.shape_cast %get3A_1111 : vector<1x16xf32> to vector<16xf32>
        %mul3A_1113 = vector.broadcast %squeeze3A_1108 : f32 to vector<16xf32>
        %mul3A_1114 = arith.mulf %get3A_1112, %mul3A_1113 : vector<16xf32>
        %swap3A_1115 = arith.index_cast %add3A_1106 : i32 to index
        %swap3A_1116 = arith.constant 0 : index
        %swap3A_1117 = tpu.vector_load %arg15[%swap3A_1115, %swap3A_1116] {strides = array<i32>} : memref<128x128xf32, #tpu.memory_space<vmem>>, vector<1x16xf32>,
        %swap3A_1118 = vector.shape_cast %swap3A_1117 : vector<1x16xf32> to vector<16xf32>
        %swap3A_1119 = vector.shape_cast %mul3A_1114 : vector<16xf32> to vector<1x16xf32>
        tpu.vector_store %arg15[%swap3A_1115, %swap3A_1116], %swap3A_1119 {strides = array<i32>} : memref<128x128xf32, #tpu.memory_space<vmem>>, vector<1x16xf32>,
        %get3A_1120 = arith.index_cast %add3A_1106 : i32 to index
        %get3A_1121 = arith.constant 16 : index
        %get3A_1122 = tpu.vector_load %arg15[%get3A_1120, %get3A_1121] {strides = array<i32>} : memref<128x128xf32, #tpu.memory_space<vmem>>, vector<1x16xf32>,
        %get3A_1123 = vector.shape_cast %get3A_1122 : vector<1x16xf32> to vector<16xf32>
        %mul3A_1124 = vector.broadcast %squeeze3A_1108 : f32 to vector<16xf32>
        %mul3A_1125 = arith.mulf %get3A_1123, %mul3A_1124 : vector<16xf32>
        %swap3A_1126 = arith.index_cast %add3A_1106 : i32 to index
        %swap3A_1127 = arith.constant 16 : index
        %swap3A_1128 = tpu.vector_load %arg15[%swap3A_1126, %swap3A_1127] {strides = array<i32>} : memref<128x128xf32, #tpu.memory_space<vmem>>, vector<1x16xf32>,
        %swap3A_1129 = vector.shape_cast %swap3A_1128 : vector<1x16xf32> to vector<16xf32>
        %swap3A_1130 = vector.shape_cast %mul3A_1125 : vector<16xf32> to vector<1x16xf32>
        tpu.vector_store %arg15[%swap3A_1126, %swap3A_1127], %swap3A_1130 {strides = array<i32>} : memref<128x128xf32, #tpu.memory_space<vmem>>, vector<1x16xf32>,
        %get3A_1131 = arith.index_cast %add3A_1106 : i32 to index
        %get3A_1132 = arith.constant 32 : index
        %get3A_1133 = tpu.vector_load %arg15[%get3A_1131, %get3A_1132] {strides = array<i32>} : memref<128x128xf32, #tpu.memory_space<vmem>>, vector<1x16xf32>,
        %get3A_1134 = vector.shape_cast %get3A_1133 : vector<1x16xf32> to vector<16xf32>
        %mul3A_1135 = vector.broadcast %squeeze3A_1108 : f32 to vector<16xf32>
        %mul3A_1136 = arith.mulf %get3A_1134, %mul3A_1135 : vector<16xf32>
        %swap3A_1137 = arith.index_cast %add3A_1106 : i32 to index
        %swap3A_1138 = arith.constant 32 : index
        %swap3A_1139 = tpu.vector_load %arg15[%swap3A_1137, %swap3A_1138] {strides = array<i32>} : memref<128x128xf32, #tpu.memory_space<vmem>>, vector<1x16xf32>,
        %swap3A_1140 = vector.shape_cast %swap3A_1139 : vector<1x16xf32> to vector<16xf32>
        %swap3A_1141 = vector.shape_cast %mul3A_1136 : vector<16xf32> to vector<1x16xf32>
        tpu.vector_store %arg15[%swap3A_1137, %swap3A_1138], %swap3A_1141 {strides = array<i32>} : memref<128x128xf32, #tpu.memory_space<vmem>>, vector<1x16xf32>,
        %get3A_1142 = arith.index_cast %add3A_1106 : i32 to index
        %get3A_1143 = arith.constant 48 : index
        %get3A_1144 = tpu.vector_load %arg15[%get3A_1142, %get3A_1143] {strides = array<i32>} : memref<128x128xf32, #tpu.memory_space<vmem>>, vector<1x16xf32>,
        %get3A_1145 = vector.shape_cast %get3A_1144 : vector<1x16xf32> to vector<16xf32>
        %mul3A_1146 = vector.broadcast %squeeze3A_1108 : f32 to vector<16xf32>
        %mul3A_1147 = arith.mulf %get3A_1145, %mul3A_1146 : vector<16xf32>
        %swap3A_1148 = arith.index_cast %add3A_1106 : i32 to index
        %swap3A_1149 = arith.constant 48 : index
        %swap3A_1150 = tpu.vector_load %arg15[%swap3A_1148, %swap3A_1149] {strides = array<i32>} : memref<128x128xf32, #tpu.memory_space<vmem>>, vector<1x16xf32>,
        %swap3A_1151 = vector.shape_cast %swap3A_1150 : vector<1x16xf32> to vector<16xf32>
        %swap3A_1152 = vector.shape_cast %mul3A_1147 : vector<16xf32> to vector<1x16xf32>
        tpu.vector_store %arg15[%swap3A_1148, %swap3A_1149], %swap3A_1152 {strides = array<i32>} : memref<128x128xf32, #tpu.memory_space<vmem>>, vector<1x16xf32>,
        %get3A_1153 = arith.index_cast %add3A_1106 : i32 to index
        %get3A_1154 = arith.constant 64 : index
        %get3A_1155 = tpu.vector_load %arg15[%get3A_1153, %get3A_1154] {strides = array<i32>} : memref<128x128xf32, #tpu.memory_space<vmem>>, vector<1x16xf32>,
        %get3A_1156 = vector.shape_cast %get3A_1155 : vector<1x16xf32> to vector<16xf32>
        %mul3A_1157 = vector.broadcast %squeeze3A_1108 : f32 to vector<16xf32>
        %mul3A_1158 = arith.mulf %get3A_1156, %mul3A_1157 : vector<16xf32>
        %swap3A_1159 = arith.index_cast %add3A_1106 : i32 to index
        %swap3A_1160 = arith.constant 64 : index
        %swap3A_1161 = tpu.vector_load %arg15[%swap3A_1159, %swap3A_1160] {strides = array<i32>} : memref<128x128xf32, #tpu.memory_space<vmem>>, vector<1x16xf32>,
        %swap3A_1162 = vector.shape_cast %swap3A_1161 : vector<1x16xf32> to vector<16xf32>
        %swap3A_1163 = vector.shape_cast %mul3A_1158 : vector<16xf32> to vector<1x16xf32>
        tpu.vector_store %arg15[%swap3A_1159, %swap3A_1160], %swap3A_1163 {strides = array<i32>} : memref<128x128xf32, #tpu.memory_space<vmem>>, vector<1x16xf32>,
        %get3A_1164 = arith.index_cast %add3A_1106 : i32 to index
        %get3A_1165 = arith.constant 80 : index
        %get3A_1166 = tpu.vector_load %arg15[%get3A_1164, %get3A_1165] {strides = array<i32>} : memref<128x128xf32, #tpu.memory_space<vmem>>, vector<1x16xf32>,
        %get3A_1167 = vector.shape_cast %get3A_1166 : vector<1x16xf32> to vector<16xf32>
        %mul3A_1168 = vector.broadcast %squeeze3A_1108 : f32 to vector<16xf32>
        %mul3A_1169 = arith.mulf %get3A_1167, %mul3A_1168 : vector<16xf32>
        %swap3A_1170 = arith.index_cast %add3A_1106 : i32 to index
        %swap3A_1171 = arith.constant 80 : index
        %swap3A_1172 = tpu.vector_load %arg15[%swap3A_1170, %swap3A_1171] {strides = array<i32>} : memref<128x128xf32, #tpu.memory_space<vmem>>, vector<1x16xf32>,
        %swap3A_1173 = vector.shape_cast %swap3A_1172 : vector<1x16xf32> to vector<16xf32>
        %swap3A_1174 = vector.shape_cast %mul3A_1169 : vector<16xf32> to vector<1x16xf32>
        tpu.vector_store %arg15[%swap3A_1170, %swap3A_1171], %swap3A_1174 {strides = array<i32>} : memref<128x128xf32, #tpu.memory_space<vmem>>, vector<1x16xf32>,
        %get3A_1175 = arith.index_cast %add3A_1106 : i32 to index
        %get3A_1176 = arith.constant 96 : index
        %get3A_1177 = tpu.vector_load %arg15[%get3A_1175, %get3A_1176] {strides = array<i32>} : memref<128x128xf32, #tpu.memory_space<vmem>>, vector<1x16xf32>,
        %get3A_1178 = vector.shape_cast %get3A_1177 : vector<1x16xf32> to vector<16xf32>
        %mul3A_1179 = vector.broadcast %squeeze3A_1108 : f32 to vector<16xf32>
        %mul3A_1180 = arith.mulf %get3A_1178, %mul3A_1179 : vector<16xf32>
        %swap3A_1181 = arith.index_cast %add3A_1106 : i32 to index
        %swap3A_1182 = arith.constant 96 : index
        %swap3A_1183 = tpu.vector_load %arg15[%swap3A_1181, %swap3A_1182] {strides = array<i32>} : memref<128x128xf32, #tpu.memory_space<vmem>>, vector<1x16xf32>,
        %swap3A_1184 = vector.shape_cast %swap3A_1183 : vector<1x16xf32> to vector<16xf32>
        %swap3A_1185 = vector.shape_cast %mul3A_1180 : vector<16xf32> to vector<1x16xf32>
        tpu.vector_store %arg15[%swap3A_1181, %swap3A_1182], %swap3A_1185 {strides = array<i32>} : memref<128x128xf32, #tpu.memory_space<vmem>>, vector<1x16xf32>,
        %get3A_1186 = arith.index_cast %add3A_1106 : i32 to index
        %get3A_1187 = arith.constant 112 : index
        %get3A_1188 = tpu.vector_load %arg15[%get3A_1186, %get3A_1187] {strides = array<i32>} : memref<128x128xf32, #tpu.memory_space<vmem>>, vector<1x16xf32>,
        %get3A_1189 = vector.shape_cast %get3A_1188 : vector<1x16xf32> to vector<16xf32>
        %mul3A_1190 = vector.broadcast %squeeze3A_1108 : f32 to vector<16xf32>
        %mul3A_1191 = arith.mulf %get3A_1189, %mul3A_1190 : vector<16xf32>
        %swap3A_1192 = arith.index_cast %add3A_1106 : i32 to index
        %swap3A_1193 = arith.constant 112 : index
        %swap3A_1194 = tpu.vector_load %arg15[%swap3A_1192, %swap3A_1193] {strides = array<i32>} : memref<128x128xf32, #tpu.memory_space<vmem>>, vector<1x16xf32>,
        %swap3A_1195 = vector.shape_cast %swap3A_1194 : vector<1x16xf32> to vector<16xf32>
        %swap3A_1196 = vector.shape_cast %mul3A_1191 : vector<16xf32> to vector<1x16xf32>
        tpu.vector_store %arg15[%swap3A_1192, %swap3A_1193], %swap3A_1196 {strides = array<i32>} : memref<128x128xf32, #tpu.memory_space<vmem>>, vector<1x16xf32>,
        %mul3A_1197 = arith.constant 16 : i32
        %mul3A_1198 = arith.muli %scan3A_345, %mul3A_1197 : i32
        %add3A_1199 = arith.constant 9 : i32
        %add3A_1200 = arith.addi %mul3A_1198, %add3A_1199 : i32
        %slice3A_1201 = vector.extract_strided_slice %get3A_352 {offsets = [9], sizes = [1], strides = [1]} : vector<16xf32> to vector<1xf32>
        %squeeze3A_1202 = vector.extract %slice3A_1201[0] : f32 from vector<1xf32>
        %get3A_1203 = arith.index_cast %add3A_1200 : i32 to index
        %get3A_1204 = arith.constant 0 : index
        %get3A_1205 = tpu.vector_load %arg15[%get3A_1203, %get3A_1204] {strides = array<i32>} : memref<128x128xf32, #tpu.memory_space<vmem>>, vector<1x16xf32>,
        %get3A_1206 = vector.shape_cast %get3A_1205 : vector<1x16xf32> to vector<16xf32>
        %mul3A_1207 = vector.broadcast %squeeze3A_1202 : f32 to vector<16xf32>
        %mul3A_1208 = arith.mulf %get3A_1206, %mul3A_1207 : vector<16xf32>
        %swap3A_1209 = arith.index_cast %add3A_1200 : i32 to index
        %swap3A_1210 = arith.constant 0 : index
        %swap3A_1211 = tpu.vector_load %arg15[%swap3A_1209, %swap3A_1210] {strides = array<i32>} : memref<128x128xf32, #tpu.memory_space<vmem>>, vector<1x16xf32>,
        %swap3A_1212 = vector.shape_cast %swap3A_1211 : vector<1x16xf32> to vector<16xf32>
        %swap3A_1213 = vector.shape_cast %mul3A_1208 : vector<16xf32> to vector<1x16xf32>
        tpu.vector_store %arg15[%swap3A_1209, %swap3A_1210], %swap3A_1213 {strides = array<i32>} : memref<128x128xf32, #tpu.memory_space<vmem>>, vector<1x16xf32>,
        %get3A_1214 = arith.index_cast %add3A_1200 : i32 to index
        %get3A_1215 = arith.constant 16 : index
        %get3A_1216 = tpu.vector_load %arg15[%get3A_1214, %get3A_1215] {strides = array<i32>} : memref<128x128xf32, #tpu.memory_space<vmem>>, vector<1x16xf32>,
        %get3A_1217 = vector.shape_cast %get3A_1216 : vector<1x16xf32> to vector<16xf32>
        %mul3A_1218 = vector.broadcast %squeeze3A_1202 : f32 to vector<16xf32>
        %mul3A_1219 = arith.mulf %get3A_1217, %mul3A_1218 : vector<16xf32>
        %swap3A_1220 = arith.index_cast %add3A_1200 : i32 to index
        %swap3A_1221 = arith.constant 16 : index
        %swap3A_1222 = tpu.vector_load %arg15[%swap3A_1220, %swap3A_1221] {strides = array<i32>} : memref<128x128xf32, #tpu.memory_space<vmem>>, vector<1x16xf32>,
        %swap3A_1223 = vector.shape_cast %swap3A_1222 : vector<1x16xf32> to vector<16xf32>
        %swap3A_1224 = vector.shape_cast %mul3A_1219 : vector<16xf32> to vector<1x16xf32>
        tpu.vector_store %arg15[%swap3A_1220, %swap3A_1221], %swap3A_1224 {strides = array<i32>} : memref<128x128xf32, #tpu.memory_space<vmem>>, vector<1x16xf32>,
        %get3A_1225 = arith.index_cast %add3A_1200 : i32 to index
        %get3A_1226 = arith.constant 32 : index
        %get3A_1227 = tpu.vector_load %arg15[%get3A_1225, %get3A_1226] {strides = array<i32>} : memref<128x128xf32, #tpu.memory_space<vmem>>, vector<1x16xf32>,
        %get3A_1228 = vector.shape_cast %get3A_1227 : vector<1x16xf32> to vector<16xf32>
        %mul3A_1229 = vector.broadcast %squeeze3A_1202 : f32 to vector<16xf32>
        %mul3A_1230 = arith.mulf %get3A_1228, %mul3A_1229 : vector<16xf32>
        %swap3A_1231 = arith.index_cast %add3A_1200 : i32 to index
        %swap3A_1232 = arith.constant 32 : index
        %swap3A_1233 = tpu.vector_load %arg15[%swap3A_1231, %swap3A_1232] {strides = array<i32>} : memref<128x128xf32, #tpu.memory_space<vmem>>, vector<1x16xf32>,
        %swap3A_1234 = vector.shape_cast %swap3A_1233 : vector<1x16xf32> to vector<16xf32>
        %swap3A_1235 = vector.shape_cast %mul3A_1230 : vector<16xf32> to vector<1x16xf32>
        tpu.vector_store %arg15[%swap3A_1231, %swap3A_1232], %swap3A_1235 {strides = array<i32>} : memref<128x128xf32, #tpu.memory_space<vmem>>, vector<1x16xf32>,
        %get3A_1236 = arith.index_cast %add3A_1200 : i32 to index
        %get3A_1237 = arith.constant 48 : index
        %get3A_1238 = tpu.vector_load %arg15[%get3A_1236, %get3A_1237] {strides = array<i32>} : memref<128x128xf32, #tpu.memory_space<vmem>>, vector<1x16xf32>,
        %get3A_1239 = vector.shape_cast %get3A_1238 : vector<1x16xf32> to vector<16xf32>
        %mul3A_1240 = vector.broadcast %squeeze3A_1202 : f32 to vector<16xf32>
        %mul3A_1241 = arith.mulf %get3A_1239, %mul3A_1240 : vector<16xf32>
        %swap3A_1242 = arith.index_cast %add3A_1200 : i32 to index
        %swap3A_1243 = arith.constant 48 : index
        %swap3A_1244 = tpu.vector_load %arg15[%swap3A_1242, %swap3A_1243] {strides = array<i32>} : memref<128x128xf32, #tpu.memory_space<vmem>>, vector<1x16xf32>,
        %swap3A_1245 = vector.shape_cast %swap3A_1244 : vector<1x16xf32> to vector<16xf32>
        %swap3A_1246 = vector.shape_cast %mul3A_1241 : vector<16xf32> to vector<1x16xf32>
        tpu.vector_store %arg15[%swap3A_1242, %swap3A_1243], %swap3A_1246 {strides = array<i32>} : memref<128x128xf32, #tpu.memory_space<vmem>>, vector<1x16xf32>,
        %get3A_1247 = arith.index_cast %add3A_1200 : i32 to index
        %get3A_1248 = arith.constant 64 : index
        %get3A_1249 = tpu.vector_load %arg15[%get3A_1247, %get3A_1248] {strides = array<i32>} : memref<128x128xf32, #tpu.memory_space<vmem>>, vector<1x16xf32>,
        %get3A_1250 = vector.shape_cast %get3A_1249 : vector<1x16xf32> to vector<16xf32>
        %mul3A_1251 = vector.broadcast %squeeze3A_1202 : f32 to vector<16xf32>
        %mul3A_1252 = arith.mulf %get3A_1250, %mul3A_1251 : vector<16xf32>
        %swap3A_1253 = arith.index_cast %add3A_1200 : i32 to index
        %swap3A_1254 = arith.constant 64 : index
        %swap3A_1255 = tpu.vector_load %arg15[%swap3A_1253, %swap3A_1254] {strides = array<i32>} : memref<128x128xf32, #tpu.memory_space<vmem>>, vector<1x16xf32>,
        %swap3A_1256 = vector.shape_cast %swap3A_1255 : vector<1x16xf32> to vector<16xf32>
        %swap3A_1257 = vector.shape_cast %mul3A_1252 : vector<16xf32> to vector<1x16xf32>
        tpu.vector_store %arg15[%swap3A_1253, %swap3A_1254], %swap3A_1257 {strides = array<i32>} : memref<128x128xf32, #tpu.memory_space<vmem>>, vector<1x16xf32>,
        %get3A_1258 = arith.index_cast %add3A_1200 : i32 to index
        %get3A_1259 = arith.constant 80 : index
        %get3A_1260 = tpu.vector_load %arg15[%get3A_1258, %get3A_1259] {strides = array<i32>} : memref<128x128xf32, #tpu.memory_space<vmem>>, vector<1x16xf32>,
        %get3A_1261 = vector.shape_cast %get3A_1260 : vector<1x16xf32> to vector<16xf32>
        %mul3A_1262 = vector.broadcast %squeeze3A_1202 : f32 to vector<16xf32>
        %mul3A_1263 = arith.mulf %get3A_1261, %mul3A_1262 : vector<16xf32>
        %swap3A_1264 = arith.index_cast %add3A_1200 : i32 to index
        %swap3A_1265 = arith.constant 80 : index
        %swap3A_1266 = tpu.vector_load %arg15[%swap3A_1264, %swap3A_1265] {strides = array<i32>} : memref<128x128xf32, #tpu.memory_space<vmem>>, vector<1x16xf32>,
        %swap3A_1267 = vector.shape_cast %swap3A_1266 : vector<1x16xf32> to vector<16xf32>
        %swap3A_1268 = vector.shape_cast %mul3A_1263 : vector<16xf32> to vector<1x16xf32>
        tpu.vector_store %arg15[%swap3A_1264, %swap3A_1265], %swap3A_1268 {strides = array<i32>} : memref<128x128xf32, #tpu.memory_space<vmem>>, vector<1x16xf32>,
        %get3A_1269 = arith.index_cast %add3A_1200 : i32 to index
        %get3A_1270 = arith.constant 96 : index
        %get3A_1271 = tpu.vector_load %arg15[%get3A_1269, %get3A_1270] {strides = array<i32>} : memref<128x128xf32, #tpu.memory_space<vmem>>, vector<1x16xf32>,
        %get3A_1272 = vector.shape_cast %get3A_1271 : vector<1x16xf32> to vector<16xf32>
        %mul3A_1273 = vector.broadcast %squeeze3A_1202 : f32 to vector<16xf32>
        %mul3A_1274 = arith.mulf %get3A_1272, %mul3A_1273 : vector<16xf32>
        %swap3A_1275 = arith.index_cast %add3A_1200 : i32 to index
        %swap3A_1276 = arith.constant 96 : index
        %swap3A_1277 = tpu.vector_load %arg15[%swap3A_1275, %swap3A_1276] {strides = array<i32>} : memref<128x128xf32, #tpu.memory_space<vmem>>, vector<1x16xf32>,
        %swap3A_1278 = vector.shape_cast %swap3A_1277 : vector<1x16xf32> to vector<16xf32>
        %swap3A_1279 = vector.shape_cast %mul3A_1274 : vector<16xf32> to vector<1x16xf32>
        tpu.vector_store %arg15[%swap3A_1275, %swap3A_1276], %swap3A_1279 {strides = array<i32>} : memref<128x128xf32, #tpu.memory_space<vmem>>, vector<1x16xf32>,
        %get3A_1280 = arith.index_cast %add3A_1200 : i32 to index
        %get3A_1281 = arith.constant 112 : index
        %get3A_1282 = tpu.vector_load %arg15[%get3A_1280, %get3A_1281] {strides = array<i32>} : memref<128x128xf32, #tpu.memory_space<vmem>>, vector<1x16xf32>,
        %get3A_1283 = vector.shape_cast %get3A_1282 : vector<1x16xf32> to vector<16xf32>
        %mul3A_1284 = vector.broadcast %squeeze3A_1202 : f32 to vector<16xf32>
        %mul3A_1285 = arith.mulf %get3A_1283, %mul3A_1284 : vector<16xf32>
        %swap3A_1286 = arith.index_cast %add3A_1200 : i32 to index
        %swap3A_1287 = arith.constant 112 : index
        %swap3A_1288 = tpu.vector_load %arg15[%swap3A_1286, %swap3A_1287] {strides = array<i32>} : memref<128x128xf32, #tpu.memory_space<vmem>>, vector<1x16xf32>,
        %swap3A_1289 = vector.shape_cast %swap3A_1288 : vector<1x16xf32> to vector<16xf32>
        %swap3A_1290 = vector.shape_cast %mul3A_1285 : vector<16xf32> to vector<1x16xf32>
        tpu.vector_store %arg15[%swap3A_1286, %swap3A_1287], %swap3A_1290 {strides = array<i32>} : memref<128x128xf32, #tpu.memory_space<vmem>>, vector<1x16xf32>,
        %mul3A_1291 = arith.constant 16 : i32
        %mul3A_1292 = arith.muli %scan3A_345, %mul3A_1291 : i32
        %add3A_1293 = arith.constant 10 : i32
        %add3A_1294 = arith.addi %mul3A_1292, %add3A_1293 : i32
        %slice3A_1295 = vector.extract_strided_slice %get3A_352 {offsets = [10], sizes = [1], strides = [1]} : vector<16xf32> to vector<1xf32>
        %squeeze3A_1296 = vector.extract %slice3A_1295[0] : f32 from vector<1xf32>
        %get3A_1297 = arith.index_cast %add3A_1294 : i32 to index
        %get3A_1298 = arith.constant 0 : index
        %get3A_1299 = tpu.vector_load %arg15[%get3A_1297, %get3A_1298] {strides = array<i32>} : memref<128x128xf32, #tpu.memory_space<vmem>>, vector<1x16xf32>,
        %get3A_1300 = vector.shape_cast %get3A_1299 : vector<1x16xf32> to vector<16xf32>
        %mul3A_1301 = vector.broadcast %squeeze3A_1296 : f32 to vector<16xf32>
        %mul3A_1302 = arith.mulf %get3A_1300, %mul3A_1301 : vector<16xf32>
        %swap3A_1303 = arith.index_cast %add3A_1294 : i32 to index
        %swap3A_1304 = arith.constant 0 : index
        %swap3A_1305 = tpu.vector_load %arg15[%swap3A_1303, %swap3A_1304] {strides = array<i32>} : memref<128x128xf32, #tpu.memory_space<vmem>>, vector<1x16xf32>,
        %swap3A_1306 = vector.shape_cast %swap3A_1305 : vector<1x16xf32> to vector<16xf32>
        %swap3A_1307 = vector.shape_cast %mul3A_1302 : vector<16xf32> to vector<1x16xf32>
        tpu.vector_store %arg15[%swap3A_1303, %swap3A_1304], %swap3A_1307 {strides = array<i32>} : memref<128x128xf32, #tpu.memory_space<vmem>>, vector<1x16xf32>,
        %get3A_1308 = arith.index_cast %add3A_1294 : i32 to index
        %get3A_1309 = arith.constant 16 : index
        %get3A_1310 = tpu.vector_load %arg15[%get3A_1308, %get3A_1309] {strides = array<i32>} : memref<128x128xf32, #tpu.memory_space<vmem>>, vector<1x16xf32>,
        %get3A_1311 = vector.shape_cast %get3A_1310 : vector<1x16xf32> to vector<16xf32>
        %mul3A_1312 = vector.broadcast %squeeze3A_1296 : f32 to vector<16xf32>
        %mul3A_1313 = arith.mulf %get3A_1311, %mul3A_1312 : vector<16xf32>
        %swap3A_1314 = arith.index_cast %add3A_1294 : i32 to index
        %swap3A_1315 = arith.constant 16 : index
        %swap3A_1316 = tpu.vector_load %arg15[%swap3A_1314, %swap3A_1315] {strides = array<i32>} : memref<128x128xf32, #tpu.memory_space<vmem>>, vector<1x16xf32>,
        %swap3A_1317 = vector.shape_cast %swap3A_1316 : vector<1x16xf32> to vector<16xf32>
        %swap3A_1318 = vector.shape_cast %mul3A_1313 : vector<16xf32> to vector<1x16xf32>
        tpu.vector_store %arg15[%swap3A_1314, %swap3A_1315], %swap3A_1318 {strides = array<i32>} : memref<128x128xf32, #tpu.memory_space<vmem>>, vector<1x16xf32>,
        %get3A_1319 = arith.index_cast %add3A_1294 : i32 to index
        %get3A_1320 = arith.constant 32 : index
        %get3A_1321 = tpu.vector_load %arg15[%get3A_1319, %get3A_1320] {strides = array<i32>} : memref<128x128xf32, #tpu.memory_space<vmem>>, vector<1x16xf32>,
        %get3A_1322 = vector.shape_cast %get3A_1321 : vector<1x16xf32> to vector<16xf32>
        %mul3A_1323 = vector.broadcast %squeeze3A_1296 : f32 to vector<16xf32>
        %mul3A_1324 = arith.mulf %get3A_1322, %mul3A_1323 : vector<16xf32>
        %swap3A_1325 = arith.index_cast %add3A_1294 : i32 to index
        %swap3A_1326 = arith.constant 32 : index
        %swap3A_1327 = tpu.vector_load %arg15[%swap3A_1325, %swap3A_1326] {strides = array<i32>} : memref<128x128xf32, #tpu.memory_space<vmem>>, vector<1x16xf32>,
        %swap3A_1328 = vector.shape_cast %swap3A_1327 : vector<1x16xf32> to vector<16xf32>
        %swap3A_1329 = vector.shape_cast %mul3A_1324 : vector<16xf32> to vector<1x16xf32>
        tpu.vector_store %arg15[%swap3A_1325, %swap3A_1326], %swap3A_1329 {strides = array<i32>} : memref<128x128xf32, #tpu.memory_space<vmem>>, vector<1x16xf32>,
        %get3A_1330 = arith.index_cast %add3A_1294 : i32 to index
        %get3A_1331 = arith.constant 48 : index
        %get3A_1332 = tpu.vector_load %arg15[%get3A_1330, %get3A_1331] {strides = array<i32>} : memref<128x128xf32, #tpu.memory_space<vmem>>, vector<1x16xf32>,
        %get3A_1333 = vector.shape_cast %get3A_1332 : vector<1x16xf32> to vector<16xf32>
        %mul3A_1334 = vector.broadcast %squeeze3A_1296 : f32 to vector<16xf32>
        %mul3A_1335 = arith.mulf %get3A_1333, %mul3A_1334 : vector<16xf32>
        %swap3A_1336 = arith.index_cast %add3A_1294 : i32 to index
        %swap3A_1337 = arith.constant 48 : index
        %swap3A_1338 = tpu.vector_load %arg15[%swap3A_1336, %swap3A_1337] {strides = array<i32>} : memref<128x128xf32, #tpu.memory_space<vmem>>, vector<1x16xf32>,
        %swap3A_1339 = vector.shape_cast %swap3A_1338 : vector<1x16xf32> to vector<16xf32>
        %swap3A_1340 = vector.shape_cast %mul3A_1335 : vector<16xf32> to vector<1x16xf32>
        tpu.vector_store %arg15[%swap3A_1336, %swap3A_1337], %swap3A_1340 {strides = array<i32>} : memref<128x128xf32, #tpu.memory_space<vmem>>, vector<1x16xf32>,
        %get3A_1341 = arith.index_cast %add3A_1294 : i32 to index
        %get3A_1342 = arith.constant 64 : index
        %get3A_1343 = tpu.vector_load %arg15[%get3A_1341, %get3A_1342] {strides = array<i32>} : memref<128x128xf32, #tpu.memory_space<vmem>>, vector<1x16xf32>,
        %get3A_1344 = vector.shape_cast %get3A_1343 : vector<1x16xf32> to vector<16xf32>
        %mul3A_1345 = vector.broadcast %squeeze3A_1296 : f32 to vector<16xf32>
        %mul3A_1346 = arith.mulf %get3A_1344, %mul3A_1345 : vector<16xf32>
        %swap3A_1347 = arith.index_cast %add3A_1294 : i32 to index
        %swap3A_1348 = arith.constant 64 : index
        %swap3A_1349 = tpu.vector_load %arg15[%swap3A_1347, %swap3A_1348] {strides = array<i32>} : memref<128x128xf32, #tpu.memory_space<vmem>>, vector<1x16xf32>,
        %swap3A_1350 = vector.shape_cast %swap3A_1349 : vector<1x16xf32> to vector<16xf32>
        %swap3A_1351 = vector.shape_cast %mul3A_1346 : vector<16xf32> to vector<1x16xf32>
        tpu.vector_store %arg15[%swap3A_1347, %swap3A_1348], %swap3A_1351 {strides = array<i32>} : memref<128x128xf32, #tpu.memory_space<vmem>>, vector<1x16xf32>,
        %get3A_1352 = arith.index_cast %add3A_1294 : i32 to index
        %get3A_1353 = arith.constant 80 : index
        %get3A_1354 = tpu.vector_load %arg15[%get3A_1352, %get3A_1353] {strides = array<i32>} : memref<128x128xf32, #tpu.memory_space<vmem>>, vector<1x16xf32>,
        %get3A_1355 = vector.shape_cast %get3A_1354 : vector<1x16xf32> to vector<16xf32>
        %mul3A_1356 = vector.broadcast %squeeze3A_1296 : f32 to vector<16xf32>
        %mul3A_1357 = arith.mulf %get3A_1355, %mul3A_1356 : vector<16xf32>
        %swap3A_1358 = arith.index_cast %add3A_1294 : i32 to index
        %swap3A_1359 = arith.constant 80 : index
        %swap3A_1360 = tpu.vector_load %arg15[%swap3A_1358, %swap3A_1359] {strides = array<i32>} : memref<128x128xf32, #tpu.memory_space<vmem>>, vector<1x16xf32>,
        %swap3A_1361 = vector.shape_cast %swap3A_1360 : vector<1x16xf32> to vector<16xf32>
        %swap3A_1362 = vector.shape_cast %mul3A_1357 : vector<16xf32> to vector<1x16xf32>
        tpu.vector_store %arg15[%swap3A_1358, %swap3A_1359], %swap3A_1362 {strides = array<i32>} : memref<128x128xf32, #tpu.memory_space<vmem>>, vector<1x16xf32>,
        %get3A_1363 = arith.index_cast %add3A_1294 : i32 to index
        %get3A_1364 = arith.constant 96 : index
        %get3A_1365 = tpu.vector_load %arg15[%get3A_1363, %get3A_1364] {strides = array<i32>} : memref<128x128xf32, #tpu.memory_space<vmem>>, vector<1x16xf32>,
        %get3A_1366 = vector.shape_cast %get3A_1365 : vector<1x16xf32> to vector<16xf32>
        %mul3A_1367 = vector.broadcast %squeeze3A_1296 : f32 to vector<16xf32>
        %mul3A_1368 = arith.mulf %get3A_1366, %mul3A_1367 : vector<16xf32>
        %swap3A_1369 = arith.index_cast %add3A_1294 : i32 to index
        %swap3A_1370 = arith.constant 96 : index
        %swap3A_1371 = tpu.vector_load %arg15[%swap3A_1369, %swap3A_1370] {strides = array<i32>} : memref<128x128xf32, #tpu.memory_space<vmem>>, vector<1x16xf32>,
        %swap3A_1372 = vector.shape_cast %swap3A_1371 : vector<1x16xf32> to vector<16xf32>
        %swap3A_1373 = vector.shape_cast %mul3A_1368 : vector<16xf32> to vector<1x16xf32>
        tpu.vector_store %arg15[%swap3A_1369, %swap3A_1370], %swap3A_1373 {strides = array<i32>} : memref<128x128xf32, #tpu.memory_space<vmem>>, vector<1x16xf32>,
        %get3A_1374 = arith.index_cast %add3A_1294 : i32 to index
        %get3A_1375 = arith.constant 112 : index
        %get3A_1376 = tpu.vector_load %arg15[%get3A_1374, %get3A_1375] {strides = array<i32>} : memref<128x128xf32, #tpu.memory_space<vmem>>, vector<1x16xf32>,
        %get3A_1377 = vector.shape_cast %get3A_1376 : vector<1x16xf32> to vector<16xf32>
        %mul3A_1378 = vector.broadcast %squeeze3A_1296 : f32 to vector<16xf32>
        %mul3A_1379 = arith.mulf %get3A_1377, %mul3A_1378 : vector<16xf32>
        %swap3A_1380 = arith.index_cast %add3A_1294 : i32 to index
        %swap3A_1381 = arith.constant 112 : index
        %swap3A_1382 = tpu.vector_load %arg15[%swap3A_1380, %swap3A_1381] {strides = array<i32>} : memref<128x128xf32, #tpu.memory_space<vmem>>, vector<1x16xf32>,
        %swap3A_1383 = vector.shape_cast %swap3A_1382 : vector<1x16xf32> to vector<16xf32>
        %swap3A_1384 = vector.shape_cast %mul3A_1379 : vector<16xf32> to vector<1x16xf32>
        tpu.vector_store %arg15[%swap3A_1380, %swap3A_1381], %swap3A_1384 {strides = array<i32>} : memref<128x128xf32, #tpu.memory_space<vmem>>, vector<1x16xf32>,
        %mul3A_1385 = arith.constant 16 : i32
        %mul3A_1386 = arith.muli %scan3A_345, %mul3A_1385 : i32
        %add3A_1387 = arith.constant 11 : i32
        %add3A_1388 = arith.addi %mul3A_1386, %add3A_1387 : i32
        %slice3A_1389 = vector.extract_strided_slice %get3A_352 {offsets = [11], sizes = [1], strides = [1]} : vector<16xf32> to vector<1xf32>
        %squeeze3A_1390 = vector.extract %slice3A_1389[0] : f32 from vector<1xf32>
        %get3A_1391 = arith.index_cast %add3A_1388 : i32 to index
        %get3A_1392 = arith.constant 0 : index
        %get3A_1393 = tpu.vector_load %arg15[%get3A_1391, %get3A_1392] {strides = array<i32>} : memref<128x128xf32, #tpu.memory_space<vmem>>, vector<1x16xf32>,
        %get3A_1394 = vector.shape_cast %get3A_1393 : vector<1x16xf32> to vector<16xf32>
        %mul3A_1395 = vector.broadcast %squeeze3A_1390 : f32 to vector<16xf32>
        %mul3A_1396 = arith.mulf %get3A_1394, %mul3A_1395 : vector<16xf32>
        %swap3A_1397 = arith.index_cast %add3A_1388 : i32 to index
        %swap3A_1398 = arith.constant 0 : index
        %swap3A_1399 = tpu.vector_load %arg15[%swap3A_1397, %swap3A_1398] {strides = array<i32>} : memref<128x128xf32, #tpu.memory_space<vmem>>, vector<1x16xf32>,
        %swap3A_1400 = vector.shape_cast %swap3A_1399 : vector<1x16xf32> to vector<16xf32>
        %swap3A_1401 = vector.shape_cast %mul3A_1396 : vector<16xf32> to vector<1x16xf32>
        tpu.vector_store %arg15[%swap3A_1397, %swap3A_1398], %swap3A_1401 {strides = array<i32>} : memref<128x128xf32, #tpu.memory_space<vmem>>, vector<1x16xf32>,
        %get3A_1402 = arith.index_cast %add3A_1388 : i32 to index
        %get3A_1403 = arith.constant 16 : index
        %get3A_1404 = tpu.vector_load %arg15[%get3A_1402, %get3A_1403] {strides = array<i32>} : memref<128x128xf32, #tpu.memory_space<vmem>>, vector<1x16xf32>,
        %get3A_1405 = vector.shape_cast %get3A_1404 : vector<1x16xf32> to vector<16xf32>
        %mul3A_1406 = vector.broadcast %squeeze3A_1390 : f32 to vector<16xf32>
        %mul3A_1407 = arith.mulf %get3A_1405, %mul3A_1406 : vector<16xf32>
        %swap3A_1408 = arith.index_cast %add3A_1388 : i32 to index
        %swap3A_1409 = arith.constant 16 : index
        %swap3A_1410 = tpu.vector_load %arg15[%swap3A_1408, %swap3A_1409] {strides = array<i32>} : memref<128x128xf32, #tpu.memory_space<vmem>>, vector<1x16xf32>,
        %swap3A_1411 = vector.shape_cast %swap3A_1410 : vector<1x16xf32> to vector<16xf32>
        %swap3A_1412 = vector.shape_cast %mul3A_1407 : vector<16xf32> to vector<1x16xf32>
        tpu.vector_store %arg15[%swap3A_1408, %swap3A_1409], %swap3A_1412 {strides = array<i32>} : memref<128x128xf32, #tpu.memory_space<vmem>>, vector<1x16xf32>,
        %get3A_1413 = arith.index_cast %add3A_1388 : i32 to index
        %get3A_1414 = arith.constant 32 : index
        %get3A_1415 = tpu.vector_load %arg15[%get3A_1413, %get3A_1414] {strides = array<i32>} : memref<128x128xf32, #tpu.memory_space<vmem>>, vector<1x16xf32>,
        %get3A_1416 = vector.shape_cast %get3A_1415 : vector<1x16xf32> to vector<16xf32>
        %mul3A_1417 = vector.broadcast %squeeze3A_1390 : f32 to vector<16xf32>
        %mul3A_1418 = arith.mulf %get3A_1416, %mul3A_1417 : vector<16xf32>
        %swap3A_1419 = arith.index_cast %add3A_1388 : i32 to index
        %swap3A_1420 = arith.constant 32 : index
        %swap3A_1421 = tpu.vector_load %arg15[%swap3A_1419, %swap3A_1420] {strides = array<i32>} : memref<128x128xf32, #tpu.memory_space<vmem>>, vector<1x16xf32>,
        %swap3A_1422 = vector.shape_cast %swap3A_1421 : vector<1x16xf32> to vector<16xf32>
        %swap3A_1423 = vector.shape_cast %mul3A_1418 : vector<16xf32> to vector<1x16xf32>
        tpu.vector_store %arg15[%swap3A_1419, %swap3A_1420], %swap3A_1423 {strides = array<i32>} : memref<128x128xf32, #tpu.memory_space<vmem>>, vector<1x16xf32>,
        %get3A_1424 = arith.index_cast %add3A_1388 : i32 to index
        %get3A_1425 = arith.constant 48 : index
        %get3A_1426 = tpu.vector_load %arg15[%get3A_1424, %get3A_1425] {strides = array<i32>} : memref<128x128xf32, #tpu.memory_space<vmem>>, vector<1x16xf32>,
        %get3A_1427 = vector.shape_cast %get3A_1426 : vector<1x16xf32> to vector<16xf32>
        %mul3A_1428 = vector.broadcast %squeeze3A_1390 : f32 to vector<16xf32>
        %mul3A_1429 = arith.mulf %get3A_1427, %mul3A_1428 : vector<16xf32>
        %swap3A_1430 = arith.index_cast %add3A_1388 : i32 to index
        %swap3A_1431 = arith.constant 48 : index
        %swap3A_1432 = tpu.vector_load %arg15[%swap3A_1430, %swap3A_1431] {strides = array<i32>} : memref<128x128xf32, #tpu.memory_space<vmem>>, vector<1x16xf32>,
        %swap3A_1433 = vector.shape_cast %swap3A_1432 : vector<1x16xf32> to vector<16xf32>
        %swap3A_1434 = vector.shape_cast %mul3A_1429 : vector<16xf32> to vector<1x16xf32>
        tpu.vector_store %arg15[%swap3A_1430, %swap3A_1431], %swap3A_1434 {strides = array<i32>} : memref<128x128xf32, #tpu.memory_space<vmem>>, vector<1x16xf32>,
        %get3A_1435 = arith.index_cast %add3A_1388 : i32 to index
        %get3A_1436 = arith.constant 64 : index
        %get3A_1437 = tpu.vector_load %arg15[%get3A_1435, %get3A_1436] {strides = array<i32>} : memref<128x128xf32, #tpu.memory_space<vmem>>, vector<1x16xf32>,
        %get3A_1438 = vector.shape_cast %get3A_1437 : vector<1x16xf32> to vector<16xf32>
        %mul3A_1439 = vector.broadcast %squeeze3A_1390 : f32 to vector<16xf32>
        %mul3A_1440 = arith.mulf %get3A_1438, %mul3A_1439 : vector<16xf32>
        %swap3A_1441 = arith.index_cast %add3A_1388 : i32 to index
        %swap3A_1442 = arith.constant 64 : index
        %swap3A_1443 = tpu.vector_load %arg15[%swap3A_1441, %swap3A_1442] {strides = array<i32>} : memref<128x128xf32, #tpu.memory_space<vmem>>, vector<1x16xf32>,
        %swap3A_1444 = vector.shape_cast %swap3A_1443 : vector<1x16xf32> to vector<16xf32>
        %swap3A_1445 = vector.shape_cast %mul3A_1440 : vector<16xf32> to vector<1x16xf32>
        tpu.vector_store %arg15[%swap3A_1441, %swap3A_1442], %swap3A_1445 {strides = array<i32>} : memref<128x128xf32, #tpu.memory_space<vmem>>, vector<1x16xf32>,
        %get3A_1446 = arith.index_cast %add3A_1388 : i32 to index
        %get3A_1447 = arith.constant 80 : index
        %get3A_1448 = tpu.vector_load %arg15[%get3A_1446, %get3A_1447] {strides = array<i32>} : memref<128x128xf32, #tpu.memory_space<vmem>>, vector<1x16xf32>,
        %get3A_1449 = vector.shape_cast %get3A_1448 : vector<1x16xf32> to vector<16xf32>
        %mul3A_1450 = vector.broadcast %squeeze3A_1390 : f32 to vector<16xf32>
        %mul3A_1451 = arith.mulf %get3A_1449, %mul3A_1450 : vector<16xf32>
        %swap3A_1452 = arith.index_cast %add3A_1388 : i32 to index
        %swap3A_1453 = arith.constant 80 : index
        %swap3A_1454 = tpu.vector_load %arg15[%swap3A_1452, %swap3A_1453] {strides = array<i32>} : memref<128x128xf32, #tpu.memory_space<vmem>>, vector<1x16xf32>,
        %swap3A_1455 = vector.shape_cast %swap3A_1454 : vector<1x16xf32> to vector<16xf32>
        %swap3A_1456 = vector.shape_cast %mul3A_1451 : vector<16xf32> to vector<1x16xf32>
        tpu.vector_store %arg15[%swap3A_1452, %swap3A_1453], %swap3A_1456 {strides = array<i32>} : memref<128x128xf32, #tpu.memory_space<vmem>>, vector<1x16xf32>,
        %get3A_1457 = arith.index_cast %add3A_1388 : i32 to index
        %get3A_1458 = arith.constant 96 : index
        %get3A_1459 = tpu.vector_load %arg15[%get3A_1457, %get3A_1458] {strides = array<i32>} : memref<128x128xf32, #tpu.memory_space<vmem>>, vector<1x16xf32>,
        %get3A_1460 = vector.shape_cast %get3A_1459 : vector<1x16xf32> to vector<16xf32>
        %mul3A_1461 = vector.broadcast %squeeze3A_1390 : f32 to vector<16xf32>
        %mul3A_1462 = arith.mulf %get3A_1460, %mul3A_1461 : vector<16xf32>
        %swap3A_1463 = arith.index_cast %add3A_1388 : i32 to index
        %swap3A_1464 = arith.constant 96 : index
        %swap3A_1465 = tpu.vector_load %arg15[%swap3A_1463, %swap3A_1464] {strides = array<i32>} : memref<128x128xf32, #tpu.memory_space<vmem>>, vector<1x16xf32>,
        %swap3A_1466 = vector.shape_cast %swap3A_1465 : vector<1x16xf32> to vector<16xf32>
        %swap3A_1467 = vector.shape_cast %mul3A_1462 : vector<16xf32> to vector<1x16xf32>
        tpu.vector_store %arg15[%swap3A_1463, %swap3A_1464], %swap3A_1467 {strides = array<i32>} : memref<128x128xf32, #tpu.memory_space<vmem>>, vector<1x16xf32>,
        %get3A_1468 = arith.index_cast %add3A_1388 : i32 to index
        %get3A_1469 = arith.constant 112 : index
        %get3A_1470 = tpu.vector_load %arg15[%get3A_1468, %get3A_1469] {strides = array<i32>} : memref<128x128xf32, #tpu.memory_space<vmem>>, vector<1x16xf32>,
        %get3A_1471 = vector.shape_cast %get3A_1470 : vector<1x16xf32> to vector<16xf32>
        %mul3A_1472 = vector.broadcast %squeeze3A_1390 : f32 to vector<16xf32>
        %mul3A_1473 = arith.mulf %get3A_1471, %mul3A_1472 : vector<16xf32>
        %swap3A_1474 = arith.index_cast %add3A_1388 : i32 to index
        %swap3A_1475 = arith.constant 112 : index
        %swap3A_1476 = tpu.vector_load %arg15[%swap3A_1474, %swap3A_1475] {strides = array<i32>} : memref<128x128xf32, #tpu.memory_space<vmem>>, vector<1x16xf32>,
        %swap3A_1477 = vector.shape_cast %swap3A_1476 : vector<1x16xf32> to vector<16xf32>
        %swap3A_1478 = vector.shape_cast %mul3A_1473 : vector<16xf32> to vector<1x16xf32>
        tpu.vector_store %arg15[%swap3A_1474, %swap3A_1475], %swap3A_1478 {strides = array<i32>} : memref<128x128xf32, #tpu.memory_space<vmem>>, vector<1x16xf32>,
        %mul3A_1479 = arith.constant 16 : i32
        %mul3A_1480 = arith.muli %scan3A_345, %mul3A_1479 : i32
        %add3A_1481 = arith.constant 12 : i32
        %add3A_1482 = arith.addi %mul3A_1480, %add3A_1481 : i32
        %slice3A_1483 = vector.extract_strided_slice %get3A_352 {offsets = [12], sizes = [1], strides = [1]} : vector<16xf32> to vector<1xf32>
        %squeeze3A_1484 = vector.extract %slice3A_1483[0] : f32 from vector<1xf32>
        %get3A_1485 = arith.index_cast %add3A_1482 : i32 to index
        %get3A_1486 = arith.constant 0 : index
        %get3A_1487 = tpu.vector_load %arg15[%get3A_1485, %get3A_1486] {strides = array<i32>} : memref<128x128xf32, #tpu.memory_space<vmem>>, vector<1x16xf32>,
        %get3A_1488 = vector.shape_cast %get3A_1487 : vector<1x16xf32> to vector<16xf32>
        %mul3A_1489 = vector.broadcast %squeeze3A_1484 : f32 to vector<16xf32>
        %mul3A_1490 = arith.mulf %get3A_1488, %mul3A_1489 : vector<16xf32>
        %swap3A_1491 = arith.index_cast %add3A_1482 : i32 to index
        %swap3A_1492 = arith.constant 0 : index
        %swap3A_1493 = tpu.vector_load %arg15[%swap3A_1491, %swap3A_1492] {strides = array<i32>} : memref<128x128xf32, #tpu.memory_space<vmem>>, vector<1x16xf32>,
        %swap3A_1494 = vector.shape_cast %swap3A_1493 : vector<1x16xf32> to vector<16xf32>
        %swap3A_1495 = vector.shape_cast %mul3A_1490 : vector<16xf32> to vector<1x16xf32>
        tpu.vector_store %arg15[%swap3A_1491, %swap3A_1492], %swap3A_1495 {strides = array<i32>} : memref<128x128xf32, #tpu.memory_space<vmem>>, vector<1x16xf32>,
        %get3A_1496 = arith.index_cast %add3A_1482 : i32 to index
        %get3A_1497 = arith.constant 16 : index
        %get3A_1498 = tpu.vector_load %arg15[%get3A_1496, %get3A_1497] {strides = array<i32>} : memref<128x128xf32, #tpu.memory_space<vmem>>, vector<1x16xf32>,
        %get3A_1499 = vector.shape_cast %get3A_1498 : vector<1x16xf32> to vector<16xf32>
        %mul3A_1500 = vector.broadcast %squeeze3A_1484 : f32 to vector<16xf32>
        %mul3A_1501 = arith.mulf %get3A_1499, %mul3A_1500 : vector<16xf32>
        %swap3A_1502 = arith.index_cast %add3A_1482 : i32 to index
        %swap3A_1503 = arith.constant 16 : index
        %swap3A_1504 = tpu.vector_load %arg15[%swap3A_1502, %swap3A_1503] {strides = array<i32>} : memref<128x128xf32, #tpu.memory_space<vmem>>, vector<1x16xf32>,
        %swap3A_1505 = vector.shape_cast %swap3A_1504 : vector<1x16xf32> to vector<16xf32>
        %swap3A_1506 = vector.shape_cast %mul3A_1501 : vector<16xf32> to vector<1x16xf32>
        tpu.vector_store %arg15[%swap3A_1502, %swap3A_1503], %swap3A_1506 {strides = array<i32>} : memref<128x128xf32, #tpu.memory_space<vmem>>, vector<1x16xf32>,
        %get3A_1507 = arith.index_cast %add3A_1482 : i32 to index
        %get3A_1508 = arith.constant 32 : index
        %get3A_1509 = tpu.vector_load %arg15[%get3A_1507, %get3A_1508] {strides = array<i32>} : memref<128x128xf32, #tpu.memory_space<vmem>>, vector<1x16xf32>,
        %get3A_1510 = vector.shape_cast %get3A_1509 : vector<1x16xf32> to vector<16xf32>
        %mul3A_1511 = vector.broadcast %squeeze3A_1484 : f32 to vector<16xf32>
        %mul3A_1512 = arith.mulf %get3A_1510, %mul3A_1511 : vector<16xf32>
        %swap3A_1513 = arith.index_cast %add3A_1482 : i32 to index
        %swap3A_1514 = arith.constant 32 : index
        %swap3A_1515 = tpu.vector_load %arg15[%swap3A_1513, %swap3A_1514] {strides = array<i32>} : memref<128x128xf32, #tpu.memory_space<vmem>>, vector<1x16xf32>,
        %swap3A_1516 = vector.shape_cast %swap3A_1515 : vector<1x16xf32> to vector<16xf32>
        %swap3A_1517 = vector.shape_cast %mul3A_1512 : vector<16xf32> to vector<1x16xf32>
        tpu.vector_store %arg15[%swap3A_1513, %swap3A_1514], %swap3A_1517 {strides = array<i32>} : memref<128x128xf32, #tpu.memory_space<vmem>>, vector<1x16xf32>,
        %get3A_1518 = arith.index_cast %add3A_1482 : i32 to index
        %get3A_1519 = arith.constant 48 : index
        %get3A_1520 = tpu.vector_load %arg15[%get3A_1518, %get3A_1519] {strides = array<i32>} : memref<128x128xf32, #tpu.memory_space<vmem>>, vector<1x16xf32>,
        %get3A_1521 = vector.shape_cast %get3A_1520 : vector<1x16xf32> to vector<16xf32>
        %mul3A_1522 = vector.broadcast %squeeze3A_1484 : f32 to vector<16xf32>
        %mul3A_1523 = arith.mulf %get3A_1521, %mul3A_1522 : vector<16xf32>
        %swap3A_1524 = arith.index_cast %add3A_1482 : i32 to index
        %swap3A_1525 = arith.constant 48 : index
        %swap3A_1526 = tpu.vector_load %arg15[%swap3A_1524, %swap3A_1525] {strides = array<i32>} : memref<128x128xf32, #tpu.memory_space<vmem>>, vector<1x16xf32>,
        %swap3A_1527 = vector.shape_cast %swap3A_1526 : vector<1x16xf32> to vector<16xf32>
        %swap3A_1528 = vector.shape_cast %mul3A_1523 : vector<16xf32> to vector<1x16xf32>
        tpu.vector_store %arg15[%swap3A_1524, %swap3A_1525], %swap3A_1528 {strides = array<i32>} : memref<128x128xf32, #tpu.memory_space<vmem>>, vector<1x16xf32>,
        %get3A_1529 = arith.index_cast %add3A_1482 : i32 to index
        %get3A_1530 = arith.constant 64 : index
        %get3A_1531 = tpu.vector_load %arg15[%get3A_1529, %get3A_1530] {strides = array<i32>} : memref<128x128xf32, #tpu.memory_space<vmem>>, vector<1x16xf32>,
        %get3A_1532 = vector.shape_cast %get3A_1531 : vector<1x16xf32> to vector<16xf32>
        %mul3A_1533 = vector.broadcast %squeeze3A_1484 : f32 to vector<16xf32>
        %mul3A_1534 = arith.mulf %get3A_1532, %mul3A_1533 : vector<16xf32>
        %swap3A_1535 = arith.index_cast %add3A_1482 : i32 to index
        %swap3A_1536 = arith.constant 64 : index
        %swap3A_1537 = tpu.vector_load %arg15[%swap3A_1535, %swap3A_1536] {strides = array<i32>} : memref<128x128xf32, #tpu.memory_space<vmem>>, vector<1x16xf32>,
        %swap3A_1538 = vector.shape_cast %swap3A_1537 : vector<1x16xf32> to vector<16xf32>
        %swap3A_1539 = vector.shape_cast %mul3A_1534 : vector<16xf32> to vector<1x16xf32>
        tpu.vector_store %arg15[%swap3A_1535, %swap3A_1536], %swap3A_1539 {strides = array<i32>} : memref<128x128xf32, #tpu.memory_space<vmem>>, vector<1x16xf32>,
        %get3A_1540 = arith.index_cast %add3A_1482 : i32 to index
        %get3A_1541 = arith.constant 80 : index
        %get3A_1542 = tpu.vector_load %arg15[%get3A_1540, %get3A_1541] {strides = array<i32>} : memref<128x128xf32, #tpu.memory_space<vmem>>, vector<1x16xf32>,
        %get3A_1543 = vector.shape_cast %get3A_1542 : vector<1x16xf32> to vector<16xf32>
        %mul3A_1544 = vector.broadcast %squeeze3A_1484 : f32 to vector<16xf32>
        %mul3A_1545 = arith.mulf %get3A_1543, %mul3A_1544 : vector<16xf32>
        %swap3A_1546 = arith.index_cast %add3A_1482 : i32 to index
        %swap3A_1547 = arith.constant 80 : index
        %swap3A_1548 = tpu.vector_load %arg15[%swap3A_1546, %swap3A_1547] {strides = array<i32>} : memref<128x128xf32, #tpu.memory_space<vmem>>, vector<1x16xf32>,
        %swap3A_1549 = vector.shape_cast %swap3A_1548 : vector<1x16xf32> to vector<16xf32>
        %swap3A_1550 = vector.shape_cast %mul3A_1545 : vector<16xf32> to vector<1x16xf32>
        tpu.vector_store %arg15[%swap3A_1546, %swap3A_1547], %swap3A_1550 {strides = array<i32>} : memref<128x128xf32, #tpu.memory_space<vmem>>, vector<1x16xf32>,
        %get3A_1551 = arith.index_cast %add3A_1482 : i32 to index
        %get3A_1552 = arith.constant 96 : index
        %get3A_1553 = tpu.vector_load %arg15[%get3A_1551, %get3A_1552] {strides = array<i32>} : memref<128x128xf32, #tpu.memory_space<vmem>>, vector<1x16xf32>,
        %get3A_1554 = vector.shape_cast %get3A_1553 : vector<1x16xf32> to vector<16xf32>
        %mul3A_1555 = vector.broadcast %squeeze3A_1484 : f32 to vector<16xf32>
        %mul3A_1556 = arith.mulf %get3A_1554, %mul3A_1555 : vector<16xf32>
        %swap3A_1557 = arith.index_cast %add3A_1482 : i32 to index
        %swap3A_1558 = arith.constant 96 : index
        %swap3A_1559 = tpu.vector_load %arg15[%swap3A_1557, %swap3A_1558] {strides = array<i32>} : memref<128x128xf32, #tpu.memory_space<vmem>>, vector<1x16xf32>,
        %swap3A_1560 = vector.shape_cast %swap3A_1559 : vector<1x16xf32> to vector<16xf32>
        %swap3A_1561 = vector.shape_cast %mul3A_1556 : vector<16xf32> to vector<1x16xf32>
        tpu.vector_store %arg15[%swap3A_1557, %swap3A_1558], %swap3A_1561 {strides = array<i32>} : memref<128x128xf32, #tpu.memory_space<vmem>>, vector<1x16xf32>,
        %get3A_1562 = arith.index_cast %add3A_1482 : i32 to index
        %get3A_1563 = arith.constant 112 : index
        %get3A_1564 = tpu.vector_load %arg15[%get3A_1562, %get3A_1563] {strides = array<i32>} : memref<128x128xf32, #tpu.memory_space<vmem>>, vector<1x16xf32>,
        %get3A_1565 = vector.shape_cast %get3A_1564 : vector<1x16xf32> to vector<16xf32>
        %mul3A_1566 = vector.broadcast %squeeze3A_1484 : f32 to vector<16xf32>
        %mul3A_1567 = arith.mulf %get3A_1565, %mul3A_1566 : vector<16xf32>
        %swap3A_1568 = arith.index_cast %add3A_1482 : i32 to index
        %swap3A_1569 = arith.constant 112 : index
        %swap3A_1570 = tpu.vector_load %arg15[%swap3A_1568, %swap3A_1569] {strides = array<i32>} : memref<128x128xf32, #tpu.memory_space<vmem>>, vector<1x16xf32>,
        %swap3A_1571 = vector.shape_cast %swap3A_1570 : vector<1x16xf32> to vector<16xf32>
        %swap3A_1572 = vector.shape_cast %mul3A_1567 : vector<16xf32> to vector<1x16xf32>
        tpu.vector_store %arg15[%swap3A_1568, %swap3A_1569], %swap3A_1572 {strides = array<i32>} : memref<128x128xf32, #tpu.memory_space<vmem>>, vector<1x16xf32>,
        %mul3A_1573 = arith.constant 16 : i32
        %mul3A_1574 = arith.muli %scan3A_345, %mul3A_1573 : i32
        %add3A_1575 = arith.constant 13 : i32
        %add3A_1576 = arith.addi %mul3A_1574, %add3A_1575 : i32
        %slice3A_1577 = vector.extract_strided_slice %get3A_352 {offsets = [13], sizes = [1], strides = [1]} : vector<16xf32> to vector<1xf32>
        %squeeze3A_1578 = vector.extract %slice3A_1577[0] : f32 from vector<1xf32>
        %get3A_1579 = arith.index_cast %add3A_1576 : i32 to index
        %get3A_1580 = arith.constant 0 : index
        %get3A_1581 = tpu.vector_load %arg15[%get3A_1579, %get3A_1580] {strides = array<i32>} : memref<128x128xf32, #tpu.memory_space<vmem>>, vector<1x16xf32>,
        %get3A_1582 = vector.shape_cast %get3A_1581 : vector<1x16xf32> to vector<16xf32>
        %mul3A_1583 = vector.broadcast %squeeze3A_1578 : f32 to vector<16xf32>
        %mul3A_1584 = arith.mulf %get3A_1582, %mul3A_1583 : vector<16xf32>
        %swap3A_1585 = arith.index_cast %add3A_1576 : i32 to index
        %swap3A_1586 = arith.constant 0 : index
        %swap3A_1587 = tpu.vector_load %arg15[%swap3A_1585, %swap3A_1586] {strides = array<i32>} : memref<128x128xf32, #tpu.memory_space<vmem>>, vector<1x16xf32>,
        %swap3A_1588 = vector.shape_cast %swap3A_1587 : vector<1x16xf32> to vector<16xf32>
        %swap3A_1589 = vector.shape_cast %mul3A_1584 : vector<16xf32> to vector<1x16xf32>
        tpu.vector_store %arg15[%swap3A_1585, %swap3A_1586], %swap3A_1589 {strides = array<i32>} : memref<128x128xf32, #tpu.memory_space<vmem>>, vector<1x16xf32>,
        %get3A_1590 = arith.index_cast %add3A_1576 : i32 to index
        %get3A_1591 = arith.constant 16 : index
        %get3A_1592 = tpu.vector_load %arg15[%get3A_1590, %get3A_1591] {strides = array<i32>} : memref<128x128xf32, #tpu.memory_space<vmem>>, vector<1x16xf32>,
        %get3A_1593 = vector.shape_cast %get3A_1592 : vector<1x16xf32> to vector<16xf32>
        %mul3A_1594 = vector.broadcast %squeeze3A_1578 : f32 to vector<16xf32>
        %mul3A_1595 = arith.mulf %get3A_1593, %mul3A_1594 : vector<16xf32>
        %swap3A_1596 = arith.index_cast %add3A_1576 : i32 to index
        %swap3A_1597 = arith.constant 16 : index
        %swap3A_1598 = tpu.vector_load %arg15[%swap3A_1596, %swap3A_1597] {strides = array<i32>} : memref<128x128xf32, #tpu.memory_space<vmem>>, vector<1x16xf32>,
        %swap3A_1599 = vector.shape_cast %swap3A_1598 : vector<1x16xf32> to vector<16xf32>
        %swap3A_1600 = vector.shape_cast %mul3A_1595 : vector<16xf32> to vector<1x16xf32>
        tpu.vector_store %arg15[%swap3A_1596, %swap3A_1597], %swap3A_1600 {strides = array<i32>} : memref<128x128xf32, #tpu.memory_space<vmem>>, vector<1x16xf32>,
        %get3A_1601 = arith.index_cast %add3A_1576 : i32 to index
        %get3A_1602 = arith.constant 32 : index
        %get3A_1603 = tpu.vector_load %arg15[%get3A_1601, %get3A_1602] {strides = array<i32>} : memref<128x128xf32, #tpu.memory_space<vmem>>, vector<1x16xf32>,
        %get3A_1604 = vector.shape_cast %get3A_1603 : vector<1x16xf32> to vector<16xf32>
        %mul3A_1605 = vector.broadcast %squeeze3A_1578 : f32 to vector<16xf32>
        %mul3A_1606 = arith.mulf %get3A_1604, %mul3A_1605 : vector<16xf32>
        %swap3A_1607 = arith.index_cast %add3A_1576 : i32 to index
        %swap3A_1608 = arith.constant 32 : index
        %swap3A_1609 = tpu.vector_load %arg15[%swap3A_1607, %swap3A_1608] {strides = array<i32>} : memref<128x128xf32, #tpu.memory_space<vmem>>, vector<1x16xf32>,
        %swap3A_1610 = vector.shape_cast %swap3A_1609 : vector<1x16xf32> to vector<16xf32>
        %swap3A_1611 = vector.shape_cast %mul3A_1606 : vector<16xf32> to vector<1x16xf32>
        tpu.vector_store %arg15[%swap3A_1607, %swap3A_1608], %swap3A_1611 {strides = array<i32>} : memref<128x128xf32, #tpu.memory_space<vmem>>, vector<1x16xf32>,
        %get3A_1612 = arith.index_cast %add3A_1576 : i32 to index
        %get3A_1613 = arith.constant 48 : index
        %get3A_1614 = tpu.vector_load %arg15[%get3A_1612, %get3A_1613] {strides = array<i32>} : memref<128x128xf32, #tpu.memory_space<vmem>>, vector<1x16xf32>,
        %get3A_1615 = vector.shape_cast %get3A_1614 : vector<1x16xf32> to vector<16xf32>
        %mul3A_1616 = vector.broadcast %squeeze3A_1578 : f32 to vector<16xf32>
        %mul3A_1617 = arith.mulf %get3A_1615, %mul3A_1616 : vector<16xf32>
        %swap3A_1618 = arith.index_cast %add3A_1576 : i32 to index
        %swap3A_1619 = arith.constant 48 : index
        %swap3A_1620 = tpu.vector_load %arg15[%swap3A_1618, %swap3A_1619] {strides = array<i32>} : memref<128x128xf32, #tpu.memory_space<vmem>>, vector<1x16xf32>,
        %swap3A_1621 = vector.shape_cast %swap3A_1620 : vector<1x16xf32> to vector<16xf32>
        %swap3A_1622 = vector.shape_cast %mul3A_1617 : vector<16xf32> to vector<1x16xf32>
        tpu.vector_store %arg15[%swap3A_1618, %swap3A_1619], %swap3A_1622 {strides = array<i32>} : memref<128x128xf32, #tpu.memory_space<vmem>>, vector<1x16xf32>,
        %get3A_1623 = arith.index_cast %add3A_1576 : i32 to index
        %get3A_1624 = arith.constant 64 : index
        %get3A_1625 = tpu.vector_load %arg15[%get3A_1623, %get3A_1624] {strides = array<i32>} : memref<128x128xf32, #tpu.memory_space<vmem>>, vector<1x16xf32>,
        %get3A_1626 = vector.shape_cast %get3A_1625 : vector<1x16xf32> to vector<16xf32>
        %mul3A_1627 = vector.broadcast %squeeze3A_1578 : f32 to vector<16xf32>
        %mul3A_1628 = arith.mulf %get3A_1626, %mul3A_1627 : vector<16xf32>
        %swap3A_1629 = arith.index_cast %add3A_1576 : i32 to index
        %swap3A_1630 = arith.constant 64 : index
        %swap3A_1631 = tpu.vector_load %arg15[%swap3A_1629, %swap3A_1630] {strides = array<i32>} : memref<128x128xf32, #tpu.memory_space<vmem>>, vector<1x16xf32>,
        %swap3A_1632 = vector.shape_cast %swap3A_1631 : vector<1x16xf32> to vector<16xf32>
        %swap3A_1633 = vector.shape_cast %mul3A_1628 : vector<16xf32> to vector<1x16xf32>
        tpu.vector_store %arg15[%swap3A_1629, %swap3A_1630], %swap3A_1633 {strides = array<i32>} : memref<128x128xf32, #tpu.memory_space<vmem>>, vector<1x16xf32>,
        %get3A_1634 = arith.index_cast %add3A_1576 : i32 to index
        %get3A_1635 = arith.constant 80 : index
        %get3A_1636 = tpu.vector_load %arg15[%get3A_1634, %get3A_1635] {strides = array<i32>} : memref<128x128xf32, #tpu.memory_space<vmem>>, vector<1x16xf32>,
        %get3A_1637 = vector.shape_cast %get3A_1636 : vector<1x16xf32> to vector<16xf32>
        %mul3A_1638 = vector.broadcast %squeeze3A_1578 : f32 to vector<16xf32>
        %mul3A_1639 = arith.mulf %get3A_1637, %mul3A_1638 : vector<16xf32>
        %swap3A_1640 = arith.index_cast %add3A_1576 : i32 to index
        %swap3A_1641 = arith.constant 80 : index
        %swap3A_1642 = tpu.vector_load %arg15[%swap3A_1640, %swap3A_1641] {strides = array<i32>} : memref<128x128xf32, #tpu.memory_space<vmem>>, vector<1x16xf32>,
        %swap3A_1643 = vector.shape_cast %swap3A_1642 : vector<1x16xf32> to vector<16xf32>
        %swap3A_1644 = vector.shape_cast %mul3A_1639 : vector<16xf32> to vector<1x16xf32>
        tpu.vector_store %arg15[%swap3A_1640, %swap3A_1641], %swap3A_1644 {strides = array<i32>} : memref<128x128xf32, #tpu.memory_space<vmem>>, vector<1x16xf32>,
        %get3A_1645 = arith.index_cast %add3A_1576 : i32 to index
        %get3A_1646 = arith.constant 96 : index
        %get3A_1647 = tpu.vector_load %arg15[%get3A_1645, %get3A_1646] {strides = array<i32>} : memref<128x128xf32, #tpu.memory_space<vmem>>, vector<1x16xf32>,
        %get3A_1648 = vector.shape_cast %get3A_1647 : vector<1x16xf32> to vector<16xf32>
        %mul3A_1649 = vector.broadcast %squeeze3A_1578 : f32 to vector<16xf32>
        %mul3A_1650 = arith.mulf %get3A_1648, %mul3A_1649 : vector<16xf32>
        %swap3A_1651 = arith.index_cast %add3A_1576 : i32 to index
        %swap3A_1652 = arith.constant 96 : index
        %swap3A_1653 = tpu.vector_load %arg15[%swap3A_1651, %swap3A_1652] {strides = array<i32>} : memref<128x128xf32, #tpu.memory_space<vmem>>, vector<1x16xf32>,
        %swap3A_1654 = vector.shape_cast %swap3A_1653 : vector<1x16xf32> to vector<16xf32>
        %swap3A_1655 = vector.shape_cast %mul3A_1650 : vector<16xf32> to vector<1x16xf32>
        tpu.vector_store %arg15[%swap3A_1651, %swap3A_1652], %swap3A_1655 {strides = array<i32>} : memref<128x128xf32, #tpu.memory_space<vmem>>, vector<1x16xf32>,
        %get3A_1656 = arith.index_cast %add3A_1576 : i32 to index
        %get3A_1657 = arith.constant 112 : index
        %get3A_1658 = tpu.vector_load %arg15[%get3A_1656, %get3A_1657] {strides = array<i32>} : memref<128x128xf32, #tpu.memory_space<vmem>>, vector<1x16xf32>,
        %get3A_1659 = vector.shape_cast %get3A_1658 : vector<1x16xf32> to vector<16xf32>
        %mul3A_1660 = vector.broadcast %squeeze3A_1578 : f32 to vector<16xf32>
        %mul3A_1661 = arith.mulf %get3A_1659, %mul3A_1660 : vector<16xf32>
        %swap3A_1662 = arith.index_cast %add3A_1576 : i32 to index
        %swap3A_1663 = arith.constant 112 : index
        %swap3A_1664 = tpu.vector_load %arg15[%swap3A_1662, %swap3A_1663] {strides = array<i32>} : memref<128x128xf32, #tpu.memory_space<vmem>>, vector<1x16xf32>,
        %swap3A_1665 = vector.shape_cast %swap3A_1664 : vector<1x16xf32> to vector<16xf32>
        %swap3A_1666 = vector.shape_cast %mul3A_1661 : vector<16xf32> to vector<1x16xf32>
        tpu.vector_store %arg15[%swap3A_1662, %swap3A_1663], %swap3A_1666 {strides = array<i32>} : memref<128x128xf32, #tpu.memory_space<vmem>>, vector<1x16xf32>,
        %mul3A_1667 = arith.constant 16 : i32
        %mul3A_1668 = arith.muli %scan3A_345, %mul3A_1667 : i32
        %add3A_1669 = arith.constant 14 : i32
        %add3A_1670 = arith.addi %mul3A_1668, %add3A_1669 : i32
        %slice3A_1671 = vector.extract_strided_slice %get3A_352 {offsets = [14], sizes = [1], strides = [1]} : vector<16xf32> to vector<1xf32>
        %squeeze3A_1672 = vector.extract %slice3A_1671[0] : f32 from vector<1xf32>
        %get3A_1673 = arith.index_cast %add3A_1670 : i32 to index
        %get3A_1674 = arith.constant 0 : index
        %get3A_1675 = tpu.vector_load %arg15[%get3A_1673, %get3A_1674] {strides = array<i32>} : memref<128x128xf32, #tpu.memory_space<vmem>>, vector<1x16xf32>,
        %get3A_1676 = vector.shape_cast %get3A_1675 : vector<1x16xf32> to vector<16xf32>
        %mul3A_1677 = vector.broadcast %squeeze3A_1672 : f32 to vector<16xf32>
        %mul3A_1678 = arith.mulf %get3A_1676, %mul3A_1677 : vector<16xf32>
        %swap3A_1679 = arith.index_cast %add3A_1670 : i32 to index
        %swap3A_1680 = arith.constant 0 : index
        %swap3A_1681 = tpu.vector_load %arg15[%swap3A_1679, %swap3A_1680] {strides = array<i32>} : memref<128x128xf32, #tpu.memory_space<vmem>>, vector<1x16xf32>,
        %swap3A_1682 = vector.shape_cast %swap3A_1681 : vector<1x16xf32> to vector<16xf32>
        %swap3A_1683 = vector.shape_cast %mul3A_1678 : vector<16xf32> to vector<1x16xf32>
        tpu.vector_store %arg15[%swap3A_1679, %swap3A_1680], %swap3A_1683 {strides = array<i32>} : memref<128x128xf32, #tpu.memory_space<vmem>>, vector<1x16xf32>,
        %get3A_1684 = arith.index_cast %add3A_1670 : i32 to index
        %get3A_1685 = arith.constant 16 : index
        %get3A_1686 = tpu.vector_load %arg15[%get3A_1684, %get3A_1685] {strides = array<i32>} : memref<128x128xf32, #tpu.memory_space<vmem>>, vector<1x16xf32>,
        %get3A_1687 = vector.shape_cast %get3A_1686 : vector<1x16xf32> to vector<16xf32>
        %mul3A_1688 = vector.broadcast %squeeze3A_1672 : f32 to vector<16xf32>
        %mul3A_1689 = arith.mulf %get3A_1687, %mul3A_1688 : vector<16xf32>
        %swap3A_1690 = arith.index_cast %add3A_1670 : i32 to index
        %swap3A_1691 = arith.constant 16 : index
        %swap3A_1692 = tpu.vector_load %arg15[%swap3A_1690, %swap3A_1691] {strides = array<i32>} : memref<128x128xf32, #tpu.memory_space<vmem>>, vector<1x16xf32>,
        %swap3A_1693 = vector.shape_cast %swap3A_1692 : vector<1x16xf32> to vector<16xf32>
        %swap3A_1694 = vector.shape_cast %mul3A_1689 : vector<16xf32> to vector<1x16xf32>
        tpu.vector_store %arg15[%swap3A_1690, %swap3A_1691], %swap3A_1694 {strides = array<i32>} : memref<128x128xf32, #tpu.memory_space<vmem>>, vector<1x16xf32>,
        %get3A_1695 = arith.index_cast %add3A_1670 : i32 to index
        %get3A_1696 = arith.constant 32 : index
        %get3A_1697 = tpu.vector_load %arg15[%get3A_1695, %get3A_1696] {strides = array<i32>} : memref<128x128xf32, #tpu.memory_space<vmem>>, vector<1x16xf32>,
        %get3A_1698 = vector.shape_cast %get3A_1697 : vector<1x16xf32> to vector<16xf32>
        %mul3A_1699 = vector.broadcast %squeeze3A_1672 : f32 to vector<16xf32>
        %mul3A_1700 = arith.mulf %get3A_1698, %mul3A_1699 : vector<16xf32>
        %swap3A_1701 = arith.index_cast %add3A_1670 : i32 to index
        %swap3A_1702 = arith.constant 32 : index
        %swap3A_1703 = tpu.vector_load %arg15[%swap3A_1701, %swap3A_1702] {strides = array<i32>} : memref<128x128xf32, #tpu.memory_space<vmem>>, vector<1x16xf32>,
        %swap3A_1704 = vector.shape_cast %swap3A_1703 : vector<1x16xf32> to vector<16xf32>
        %swap3A_1705 = vector.shape_cast %mul3A_1700 : vector<16xf32> to vector<1x16xf32>
        tpu.vector_store %arg15[%swap3A_1701, %swap3A_1702], %swap3A_1705 {strides = array<i32>} : memref<128x128xf32, #tpu.memory_space<vmem>>, vector<1x16xf32>,
        %get3A_1706 = arith.index_cast %add3A_1670 : i32 to index
        %get3A_1707 = arith.constant 48 : index
        %get3A_1708 = tpu.vector_load %arg15[%get3A_1706, %get3A_1707] {strides = array<i32>} : memref<128x128xf32, #tpu.memory_space<vmem>>, vector<1x16xf32>,
        %get3A_1709 = vector.shape_cast %get3A_1708 : vector<1x16xf32> to vector<16xf32>
        %mul3A_1710 = vector.broadcast %squeeze3A_1672 : f32 to vector<16xf32>
        %mul3A_1711 = arith.mulf %get3A_1709, %mul3A_1710 : vector<16xf32>
        %swap3A_1712 = arith.index_cast %add3A_1670 : i32 to index
        %swap3A_1713 = arith.constant 48 : index
        %swap3A_1714 = tpu.vector_load %arg15[%swap3A_1712, %swap3A_1713] {strides = array<i32>} : memref<128x128xf32, #tpu.memory_space<vmem>>, vector<1x16xf32>,
        %swap3A_1715 = vector.shape_cast %swap3A_1714 : vector<1x16xf32> to vector<16xf32>
        %swap3A_1716 = vector.shape_cast %mul3A_1711 : vector<16xf32> to vector<1x16xf32>
        tpu.vector_store %arg15[%swap3A_1712, %swap3A_1713], %swap3A_1716 {strides = array<i32>} : memref<128x128xf32, #tpu.memory_space<vmem>>, vector<1x16xf32>,
        %get3A_1717 = arith.index_cast %add3A_1670 : i32 to index
        %get3A_1718 = arith.constant 64 : index
        %get3A_1719 = tpu.vector_load %arg15[%get3A_1717, %get3A_1718] {strides = array<i32>} : memref<128x128xf32, #tpu.memory_space<vmem>>, vector<1x16xf32>,
        %get3A_1720 = vector.shape_cast %get3A_1719 : vector<1x16xf32> to vector<16xf32>
        %mul3A_1721 = vector.broadcast %squeeze3A_1672 : f32 to vector<16xf32>
        %mul3A_1722 = arith.mulf %get3A_1720, %mul3A_1721 : vector<16xf32>
        %swap3A_1723 = arith.index_cast %add3A_1670 : i32 to index
        %swap3A_1724 = arith.constant 64 : index
        %swap3A_1725 = tpu.vector_load %arg15[%swap3A_1723, %swap3A_1724] {strides = array<i32>} : memref<128x128xf32, #tpu.memory_space<vmem>>, vector<1x16xf32>,
        %swap3A_1726 = vector.shape_cast %swap3A_1725 : vector<1x16xf32> to vector<16xf32>
        %swap3A_1727 = vector.shape_cast %mul3A_1722 : vector<16xf32> to vector<1x16xf32>
        tpu.vector_store %arg15[%swap3A_1723, %swap3A_1724], %swap3A_1727 {strides = array<i32>} : memref<128x128xf32, #tpu.memory_space<vmem>>, vector<1x16xf32>,
        %get3A_1728 = arith.index_cast %add3A_1670 : i32 to index
        %get3A_1729 = arith.constant 80 : index
        %get3A_1730 = tpu.vector_load %arg15[%get3A_1728, %get3A_1729] {strides = array<i32>} : memref<128x128xf32, #tpu.memory_space<vmem>>, vector<1x16xf32>,
        %get3A_1731 = vector.shape_cast %get3A_1730 : vector<1x16xf32> to vector<16xf32>
        %mul3A_1732 = vector.broadcast %squeeze3A_1672 : f32 to vector<16xf32>
        %mul3A_1733 = arith.mulf %get3A_1731, %mul3A_1732 : vector<16xf32>
        %swap3A_1734 = arith.index_cast %add3A_1670 : i32 to index
        %swap3A_1735 = arith.constant 80 : index
        %swap3A_1736 = tpu.vector_load %arg15[%swap3A_1734, %swap3A_1735] {strides = array<i32>} : memref<128x128xf32, #tpu.memory_space<vmem>>, vector<1x16xf32>,
        %swap3A_1737 = vector.shape_cast %swap3A_1736 : vector<1x16xf32> to vector<16xf32>
        %swap3A_1738 = vector.shape_cast %mul3A_1733 : vector<16xf32> to vector<1x16xf32>
        tpu.vector_store %arg15[%swap3A_1734, %swap3A_1735], %swap3A_1738 {strides = array<i32>} : memref<128x128xf32, #tpu.memory_space<vmem>>, vector<1x16xf32>,
        %get3A_1739 = arith.index_cast %add3A_1670 : i32 to index
        %get3A_1740 = arith.constant 96 : index
        %get3A_1741 = tpu.vector_load %arg15[%get3A_1739, %get3A_1740] {strides = array<i32>} : memref<128x128xf32, #tpu.memory_space<vmem>>, vector<1x16xf32>,
        %get3A_1742 = vector.shape_cast %get3A_1741 : vector<1x16xf32> to vector<16xf32>
        %mul3A_1743 = vector.broadcast %squeeze3A_1672 : f32 to vector<16xf32>
        %mul3A_1744 = arith.mulf %get3A_1742, %mul3A_1743 : vector<16xf32>
        %swap3A_1745 = arith.index_cast %add3A_1670 : i32 to index
        %swap3A_1746 = arith.constant 96 : index
        %swap3A_1747 = tpu.vector_load %arg15[%swap3A_1745, %swap3A_1746] {strides = array<i32>} : memref<128x128xf32, #tpu.memory_space<vmem>>, vector<1x16xf32>,
        %swap3A_1748 = vector.shape_cast %swap3A_1747 : vector<1x16xf32> to vector<16xf32>
        %swap3A_1749 = vector.shape_cast %mul3A_1744 : vector<16xf32> to vector<1x16xf32>
        tpu.vector_store %arg15[%swap3A_1745, %swap3A_1746], %swap3A_1749 {strides = array<i32>} : memref<128x128xf32, #tpu.memory_space<vmem>>, vector<1x16xf32>,
        %get3A_1750 = arith.index_cast %add3A_1670 : i32 to index
        %get3A_1751 = arith.constant 112 : index
        %get3A_1752 = tpu.vector_load %arg15[%get3A_1750, %get3A_1751] {strides = array<i32>} : memref<128x128xf32, #tpu.memory_space<vmem>>, vector<1x16xf32>,
        %get3A_1753 = vector.shape_cast %get3A_1752 : vector<1x16xf32> to vector<16xf32>
        %mul3A_1754 = vector.broadcast %squeeze3A_1672 : f32 to vector<16xf32>
        %mul3A_1755 = arith.mulf %get3A_1753, %mul3A_1754 : vector<16xf32>
        %swap3A_1756 = arith.index_cast %add3A_1670 : i32 to index
        %swap3A_1757 = arith.constant 112 : index
        %swap3A_1758 = tpu.vector_load %arg15[%swap3A_1756, %swap3A_1757] {strides = array<i32>} : memref<128x128xf32, #tpu.memory_space<vmem>>, vector<1x16xf32>,
        %swap3A_1759 = vector.shape_cast %swap3A_1758 : vector<1x16xf32> to vector<16xf32>
        %swap3A_1760 = vector.shape_cast %mul3A_1755 : vector<16xf32> to vector<1x16xf32>
        tpu.vector_store %arg15[%swap3A_1756, %swap3A_1757], %swap3A_1760 {strides = array<i32>} : memref<128x128xf32, #tpu.memory_space<vmem>>, vector<1x16xf32>,
        %mul3A_1761 = arith.constant 16 : i32
        %mul3A_1762 = arith.muli %scan3A_345, %mul3A_1761 : i32
        %add3A_1763 = arith.constant 15 : i32
        %add3A_1764 = arith.addi %mul3A_1762, %add3A_1763 : i32
        %slice3A_1765 = vector.extract_strided_slice %get3A_352 {offsets = [15], sizes = [1], strides = [1]} : vector<16xf32> to vector<1xf32>
        %squeeze3A_1766 = vector.extract %slice3A_1765[0] : f32 from vector<1xf32>
        %get3A_1767 = arith.index_cast %add3A_1764 : i32 to index
        %get3A_1768 = arith.constant 0 : index
        %get3A_1769 = tpu.vector_load %arg15[%get3A_1767, %get3A_1768] {strides = array<i32>} : memref<128x128xf32, #tpu.memory_space<vmem>>, vector<1x16xf32>,
        %get3A_1770 = vector.shape_cast %get3A_1769 : vector<1x16xf32> to vector<16xf32>
        %mul3A_1771 = vector.broadcast %squeeze3A_1766 : f32 to vector<16xf32>
        %mul3A_1772 = arith.mulf %get3A_1770, %mul3A_1771 : vector<16xf32>
        %swap3A_1773 = arith.index_cast %add3A_1764 : i32 to index
        %swap3A_1774 = arith.constant 0 : index
        %swap3A_1775 = tpu.vector_load %arg15[%swap3A_1773, %swap3A_1774] {strides = array<i32>} : memref<128x128xf32, #tpu.memory_space<vmem>>, vector<1x16xf32>,
        %swap3A_1776 = vector.shape_cast %swap3A_1775 : vector<1x16xf32> to vector<16xf32>
        %swap3A_1777 = vector.shape_cast %mul3A_1772 : vector<16xf32> to vector<1x16xf32>
        tpu.vector_store %arg15[%swap3A_1773, %swap3A_1774], %swap3A_1777 {strides = array<i32>} : memref<128x128xf32, #tpu.memory_space<vmem>>, vector<1x16xf32>,
        %get3A_1778 = arith.index_cast %add3A_1764 : i32 to index
        %get3A_1779 = arith.constant 16 : index
        %get3A_1780 = tpu.vector_load %arg15[%get3A_1778, %get3A_1779] {strides = array<i32>} : memref<128x128xf32, #tpu.memory_space<vmem>>, vector<1x16xf32>,
        %get3A_1781 = vector.shape_cast %get3A_1780 : vector<1x16xf32> to vector<16xf32>
        %mul3A_1782 = vector.broadcast %squeeze3A_1766 : f32 to vector<16xf32>
        %mul3A_1783 = arith.mulf %get3A_1781, %mul3A_1782 : vector<16xf32>
        %swap3A_1784 = arith.index_cast %add3A_1764 : i32 to index
        %swap3A_1785 = arith.constant 16 : index
        %swap3A_1786 = tpu.vector_load %arg15[%swap3A_1784, %swap3A_1785] {strides = array<i32>} : memref<128x128xf32, #tpu.memory_space<vmem>>, vector<1x16xf32>,
        %swap3A_1787 = vector.shape_cast %swap3A_1786 : vector<1x16xf32> to vector<16xf32>
        %swap3A_1788 = vector.shape_cast %mul3A_1783 : vector<16xf32> to vector<1x16xf32>
        tpu.vector_store %arg15[%swap3A_1784, %swap3A_1785], %swap3A_1788 {strides = array<i32>} : memref<128x128xf32, #tpu.memory_space<vmem>>, vector<1x16xf32>,
        %get3A_1789 = arith.index_cast %add3A_1764 : i32 to index
        %get3A_1790 = arith.constant 32 : index
        %get3A_1791 = tpu.vector_load %arg15[%get3A_1789, %get3A_1790] {strides = array<i32>} : memref<128x128xf32, #tpu.memory_space<vmem>>, vector<1x16xf32>,
        %get3A_1792 = vector.shape_cast %get3A_1791 : vector<1x16xf32> to vector<16xf32>
        %mul3A_1793 = vector.broadcast %squeeze3A_1766 : f32 to vector<16xf32>
        %mul3A_1794 = arith.mulf %get3A_1792, %mul3A_1793 : vector<16xf32>
        %swap3A_1795 = arith.index_cast %add3A_1764 : i32 to index
        %swap3A_1796 = arith.constant 32 : index
        %swap3A_1797 = tpu.vector_load %arg15[%swap3A_1795, %swap3A_1796] {strides = array<i32>} : memref<128x128xf32, #tpu.memory_space<vmem>>, vector<1x16xf32>,
        %swap3A_1798 = vector.shape_cast %swap3A_1797 : vector<1x16xf32> to vector<16xf32>
        %swap3A_1799 = vector.shape_cast %mul3A_1794 : vector<16xf32> to vector<1x16xf32>
        tpu.vector_store %arg15[%swap3A_1795, %swap3A_1796], %swap3A_1799 {strides = array<i32>} : memref<128x128xf32, #tpu.memory_space<vmem>>, vector<1x16xf32>,
        %get3A_1800 = arith.index_cast %add3A_1764 : i32 to index
        %get3A_1801 = arith.constant 48 : index
        %get3A_1802 = tpu.vector_load %arg15[%get3A_1800, %get3A_1801] {strides = array<i32>} : memref<128x128xf32, #tpu.memory_space<vmem>>, vector<1x16xf32>,
        %get3A_1803 = vector.shape_cast %get3A_1802 : vector<1x16xf32> to vector<16xf32>
        %mul3A_1804 = vector.broadcast %squeeze3A_1766 : f32 to vector<16xf32>
        %mul3A_1805 = arith.mulf %get3A_1803, %mul3A_1804 : vector<16xf32>
        %swap3A_1806 = arith.index_cast %add3A_1764 : i32 to index
        %swap3A_1807 = arith.constant 48 : index
        %swap3A_1808 = tpu.vector_load %arg15[%swap3A_1806, %swap3A_1807] {strides = array<i32>} : memref<128x128xf32, #tpu.memory_space<vmem>>, vector<1x16xf32>,
        %swap3A_1809 = vector.shape_cast %swap3A_1808 : vector<1x16xf32> to vector<16xf32>
        %swap3A_1810 = vector.shape_cast %mul3A_1805 : vector<16xf32> to vector<1x16xf32>
        tpu.vector_store %arg15[%swap3A_1806, %swap3A_1807], %swap3A_1810 {strides = array<i32>} : memref<128x128xf32, #tpu.memory_space<vmem>>, vector<1x16xf32>,
        %get3A_1811 = arith.index_cast %add3A_1764 : i32 to index
        %get3A_1812 = arith.constant 64 : index
        %get3A_1813 = tpu.vector_load %arg15[%get3A_1811, %get3A_1812] {strides = array<i32>} : memref<128x128xf32, #tpu.memory_space<vmem>>, vector<1x16xf32>,
        %get3A_1814 = vector.shape_cast %get3A_1813 : vector<1x16xf32> to vector<16xf32>
        %mul3A_1815 = vector.broadcast %squeeze3A_1766 : f32 to vector<16xf32>
        %mul3A_1816 = arith.mulf %get3A_1814, %mul3A_1815 : vector<16xf32>
        %swap3A_1817 = arith.index_cast %add3A_1764 : i32 to index
        %swap3A_1818 = arith.constant 64 : index
        %swap3A_1819 = tpu.vector_load %arg15[%swap3A_1817, %swap3A_1818] {strides = array<i32>} : memref<128x128xf32, #tpu.memory_space<vmem>>, vector<1x16xf32>,
        %swap3A_1820 = vector.shape_cast %swap3A_1819 : vector<1x16xf32> to vector<16xf32>
        %swap3A_1821 = vector.shape_cast %mul3A_1816 : vector<16xf32> to vector<1x16xf32>
        tpu.vector_store %arg15[%swap3A_1817, %swap3A_1818], %swap3A_1821 {strides = array<i32>} : memref<128x128xf32, #tpu.memory_space<vmem>>, vector<1x16xf32>,
        %get3A_1822 = arith.index_cast %add3A_1764 : i32 to index
        %get3A_1823 = arith.constant 80 : index
        %get3A_1824 = tpu.vector_load %arg15[%get3A_1822, %get3A_1823] {strides = array<i32>} : memref<128x128xf32, #tpu.memory_space<vmem>>, vector<1x16xf32>,
        %get3A_1825 = vector.shape_cast %get3A_1824 : vector<1x16xf32> to vector<16xf32>
        %mul3A_1826 = vector.broadcast %squeeze3A_1766 : f32 to vector<16xf32>
        %mul3A_1827 = arith.mulf %get3A_1825, %mul3A_1826 : vector<16xf32>
        %swap3A_1828 = arith.index_cast %add3A_1764 : i32 to index
        %swap3A_1829 = arith.constant 80 : index
        %swap3A_1830 = tpu.vector_load %arg15[%swap3A_1828, %swap3A_1829] {strides = array<i32>} : memref<128x128xf32, #tpu.memory_space<vmem>>, vector<1x16xf32>,
        %swap3A_1831 = vector.shape_cast %swap3A_1830 : vector<1x16xf32> to vector<16xf32>
        %swap3A_1832 = vector.shape_cast %mul3A_1827 : vector<16xf32> to vector<1x16xf32>
        tpu.vector_store %arg15[%swap3A_1828, %swap3A_1829], %swap3A_1832 {strides = array<i32>} : memref<128x128xf32, #tpu.memory_space<vmem>>, vector<1x16xf32>,
        %get3A_1833 = arith.index_cast %add3A_1764 : i32 to index
        %get3A_1834 = arith.constant 96 : index
        %get3A_1835 = tpu.vector_load %arg15[%get3A_1833, %get3A_1834] {strides = array<i32>} : memref<128x128xf32, #tpu.memory_space<vmem>>, vector<1x16xf32>,
        %get3A_1836 = vector.shape_cast %get3A_1835 : vector<1x16xf32> to vector<16xf32>
        %mul3A_1837 = vector.broadcast %squeeze3A_1766 : f32 to vector<16xf32>
        %mul3A_1838 = arith.mulf %get3A_1836, %mul3A_1837 : vector<16xf32>
        %swap3A_1839 = arith.index_cast %add3A_1764 : i32 to index
        %swap3A_1840 = arith.constant 96 : index
        %swap3A_1841 = tpu.vector_load %arg15[%swap3A_1839, %swap3A_1840] {strides = array<i32>} : memref<128x128xf32, #tpu.memory_space<vmem>>, vector<1x16xf32>,
        %swap3A_1842 = vector.shape_cast %swap3A_1841 : vector<1x16xf32> to vector<16xf32>
        %swap3A_1843 = vector.shape_cast %mul3A_1838 : vector<16xf32> to vector<1x16xf32>
        tpu.vector_store %arg15[%swap3A_1839, %swap3A_1840], %swap3A_1843 {strides = array<i32>} : memref<128x128xf32, #tpu.memory_space<vmem>>, vector<1x16xf32>,
        %get3A_1844 = arith.index_cast %add3A_1764 : i32 to index
        %get3A_1845 = arith.constant 112 : index
        %get3A_1846 = tpu.vector_load %arg15[%get3A_1844, %get3A_1845] {strides = array<i32>} : memref<128x128xf32, #tpu.memory_space<vmem>>, vector<1x16xf32>,
        %get3A_1847 = vector.shape_cast %get3A_1846 : vector<1x16xf32> to vector<16xf32>
        %mul3A_1848 = vector.broadcast %squeeze3A_1766 : f32 to vector<16xf32>
        %mul3A_1849 = arith.mulf %get3A_1847, %mul3A_1848 : vector<16xf32>
        %swap3A_1850 = arith.index_cast %add3A_1764 : i32 to index
        %swap3A_1851 = arith.constant 112 : index
        %swap3A_1852 = tpu.vector_load %arg15[%swap3A_1850, %swap3A_1851] {strides = array<i32>} : memref<128x128xf32, #tpu.memory_space<vmem>>, vector<1x16xf32>,
        %swap3A_1853 = vector.shape_cast %swap3A_1852 : vector<1x16xf32> to vector<16xf32>
        %swap3A_1854 = vector.shape_cast %mul3A_1849 : vector<16xf32> to vector<1x16xf32>
        tpu.vector_store %arg15[%swap3A_1850, %swap3A_1851], %swap3A_1854 {strides = array<i32>} : memref<128x128xf32, #tpu.memory_space<vmem>>, vector<1x16xf32>,
      }
      %scan3A_336 = arith.constant 8 : i32
      %run_scoped3A_337 = arith.constant 0 : i32
      "tpu.region"() ({
        %run_scoped3A_345 = tpu.sem_alloc : memref<!tpu.dma_semaphore, #tpu.memory_space<semaphore_mem>>
        %dma_start3A_346 = arith.constant 0 : i32
        %dma_start3A_347 = tpu.memref_slice %arg13[%run_scoped3A_337, %dma_start3A_346] : memref<1x128xi32, #tpu.memory_space<vmem>> -> memref<1x128xi32, #tpu.memory_space<vmem>>
        %dma_start3A_348 = tpu.memref_squeeze %dma_start3A_347 : memref<1x128xi32, #tpu.memory_space<vmem>> -> memref<128xi32, #tpu.memory_space<vmem>>
        %dma_start3A_349 = arith.constant 0 : i32
        %dma_start3A_350 = arith.constant 0 : i32
        %dma_start3A_351 = tpu.memref_slice %arg16[%dma_start3A_349, %dma_start3A_350] : memref<10240x128xf32, #tpu.memory_space<vmem_shared>> -> memref<10240x128xf32, #tpu.memory_space<vmem_shared>>
        tpu.enqueue_indirect_dma source(%arg15 : memref<128x128xf32, #tpu.memory_space<vmem>>) target(%dma_start3A_351 : memref<10240x128xf32, #tpu.memory_space<vmem_shared>>) offsets(%dma_start3A_348 : memref<128xi32, #tpu.memory_space<vmem>>) semaphore(%run_scoped3A_345 : memref<!tpu.dma_semaphore, #tpu.memory_space<semaphore_mem>>) {add = true}
        %dma_wait3A_352 = arith.constant 0 : i32
        %dma_wait3A_353 = tpu.memref_slice %arg13[%run_scoped3A_337, %dma_wait3A_352] : memref<1x128xi32, #tpu.memory_space<vmem>> -> memref<1x128xi32, #tpu.memory_space<vmem>>
        %dma_wait3A_354 = tpu.memref_squeeze %dma_wait3A_353 : memref<1x128xi32, #tpu.memory_space<vmem>> -> memref<128xi32, #tpu.memory_space<vmem>>
        %dma_wait3A_355 = arith.constant 0 : i32
        %dma_wait3A_356 = arith.constant 0 : i32
        %dma_wait3A_357 = tpu.memref_slice %arg16[%dma_wait3A_355, %dma_wait3A_356] : memref<10240x128xf32, #tpu.memory_space<vmem_shared>> -> memref<10240x128xf32, #tpu.memory_space<vmem_shared>>
        tpu.wait_indirect_dma semaphore(%run_scoped3A_345 : memref<!tpu.dma_semaphore, #tpu.memory_space<semaphore_mem>>) src(%arg15 : memref<128x128xf32, #tpu.memory_space<vmem>>) dst(%dma_wait3A_357 : memref<10240x128xf32, #tpu.memory_space<vmem_shared>>)
        tpu.yield
      }) : () -> ()
      %add3A_338 = arith.constant 2 : i32
      %add3A_339 = arith.addi %add3A_316, %add3A_338 : i32
      %lt3A_340 = arith.constant 80 : i32
      %lt3A_341 = arith.cmpi slt, %add3A_339, %lt3A_340 : i32
      %convert_element_type3A_342 = arith.extui %lt3A_341 : i1 to i32
      %cond3A_343 = arith.constant 0 : i32
      %cond3A_344 = arith.cmpi ne, %convert_element_type3A_342, %cond3A_343 : i32
      scf.if %cond3A_344 {
        %add3A_345 = arith.constant 2 : i32
        %add3A_346 = arith.addi %add3A_316, %add3A_345 : i32
        %dma_start3A_347 = arith.constant 0 : i32
        %dma_start3A_348 = arith.constant 0 : i32
        %dma_start3A_349 = tpu.memref_slice %arg3[%add3A, %add3A_346, %dma_start3A_347, %dma_start3A_348] : memref<32x80x1x128xi32, #tpu.memory_space<hbm>> -> memref<1x1x1x128xi32, #tpu.memory_space<hbm>>
        %dma_start3A_350 = tpu.memref_squeeze %dma_start3A_349 : memref<1x1x1x128xi32, #tpu.memory_space<hbm>> -> memref<1x128xi32, #tpu.memory_space<hbm>>
        %dma_start3A_351 = arith.constant 0 : i32
        %dma_start3A_352 = arith.constant 0 : i32
        %dma_start3A_353 = tpu.memref_slice %arg3[%add3A, %add3A_346, %dma_start3A_351, %dma_start3A_352] : memref<32x80x1x128xi32, #tpu.memory_space<hbm>> -> memref<1x1x1x128xi32, #tpu.memory_space<hbm>>
        %dma_start3A_354 = tpu.memref_squeeze %dma_start3A_353 : memref<1x1x1x128xi32, #tpu.memory_space<hbm>> -> memref<1x128xi32, #tpu.memory_space<hbm>>
        tpu.enqueue_dma source(%dma_start3A_354 : memref<1x128xi32, #tpu.memory_space<hbm>>) target(%arg7 : memref<1x128xi32, #tpu.memory_space<vmem>>) target_semaphore(%arg20 : memref<!tpu.dma_semaphore, #tpu.memory_space<semaphore_mem>>)
        %dma_start3A_355 = arith.constant 0 : i32
        %dma_start3A_356 = arith.constant 0 : i32
        %dma_start3A_357 = tpu.memref_slice %arg4[%add3A, %add3A_346, %dma_start3A_355, %dma_start3A_356] : memref<32x80x1x128xf32, #tpu.memory_space<hbm>> -> memref<1x1x1x128xf32, #tpu.memory_space<hbm>>
        %dma_start3A_358 = tpu.memref_squeeze %dma_start3A_357 : memref<1x1x1x128xf32, #tpu.memory_space<hbm>> -> memref<1x128xf32, #tpu.memory_space<hbm>>
        %dma_start3A_359 = arith.constant 0 : i32
        %dma_start3A_360 = arith.constant 0 : i32
        %dma_start3A_361 = tpu.memref_slice %arg4[%add3A, %add3A_346, %dma_start3A_359, %dma_start3A_360] : memref<32x80x1x128xf32, #tpu.memory_space<hbm>> -> memref<1x1x1x128xf32, #tpu.memory_space<hbm>>
        %dma_start3A_362 = tpu.memref_squeeze %dma_start3A_361 : memref<1x1x1x128xf32, #tpu.memory_space<hbm>> -> memref<1x128xf32, #tpu.memory_space<hbm>>
        tpu.enqueue_dma source(%dma_start3A_362 : memref<1x128xf32, #tpu.memory_space<hbm>>) target(%arg9 : memref<1x128xf32, #tpu.memory_space<vmem>>) target_semaphore(%arg22 : memref<!tpu.dma_semaphore, #tpu.memory_space<semaphore_mem>>)
      } else {
      }
    }
    %scan3A_262 = arith.constant 40 : i32
    %barrier3A_263 = arith.constant 0 : index
    tpu.barrier barrier_id(%barrier3A_263)
    %add3A_264 = arith.constant 0 : i32
    %add3A_265 = arith.addi %mul3A_7, %add3A_264 : i32
    %add3A_266 = arith.constant 0 : i32
    %add3A_267 = arith.addi %mul3A_7, %add3A_266 : i32
    "tpu.region"() ({
      %run_scoped3A = tpu.sem_alloc : memref<!tpu.dma_semaphore, #tpu.memory_space<semaphore_mem>>
      %dma_start3A_284 = arith.constant 0 : i32
      %dma_start3A_285 = tpu.memref_slice %arg5[%arg0, %add3A_267, %dma_start3A_284] : memref<2x10240x128xf32, #tpu.memory_space<hbm>> -> memref<1x128x128xf32, #tpu.memory_space<hbm>>
      %dma_start3A_286 = tpu.memref_squeeze %dma_start3A_285 : memref<1x128x128xf32, #tpu.memory_space<hbm>> -> memref<128x128xf32, #tpu.memory_space<hbm>>
      %dma_start3A_287 = arith.constant 0 : i32
      %dma_start3A_288 = tpu.memref_slice %arg16[%add3A_265, %dma_start3A_287] : memref<10240x128xf32, #tpu.memory_space<vmem_shared>> -> memref<128x128xf32, #tpu.memory_space<vmem_shared>>
      tpu.enqueue_dma source(%dma_start3A_288 : memref<128x128xf32, #tpu.memory_space<vmem_shared>>) target(%dma_start3A_286 : memref<128x128xf32, #tpu.memory_space<hbm>>) target_semaphore(%run_scoped3A : memref<!tpu.dma_semaphore, #tpu.memory_space<semaphore_mem>>)
      %dma_wait3A_289 = arith.constant 0 : i32
      %dma_wait3A_290 = tpu.memref_slice %arg5[%arg0, %add3A_267, %dma_wait3A_289] : memref<2x10240x128xf32, #tpu.memory_space<hbm>> -> memref<1x128x128xf32, #tpu.memory_space<hbm>>
      %dma_wait3A_291 = tpu.memref_squeeze %dma_wait3A_290 : memref<1x128x128xf32, #tpu.memory_space<hbm>> -> memref<128x128xf32, #tpu.memory_space<hbm>>
      %dma_wait3A_292 = arith.constant 0 : i32
      %dma_wait3A_293 = tpu.memref_slice %arg16[%add3A_265, %dma_wait3A_292] : memref<10240x128xf32, #tpu.memory_space<vmem_shared>> -> memref<128x128xf32, #tpu.memory_space<vmem_shared>>
      tpu.wait_dma2 semaphore(%run_scoped3A : memref<!tpu.dma_semaphore, #tpu.memory_space<semaphore_mem>>) src(%dma_wait3A_293 : memref<128x128xf32, #tpu.memory_space<vmem_shared>>) dst(%dma_wait3A_291 : memref<128x128xf32, #tpu.memory_space<hbm>>)
      tpu.yield
    }) : () -> ()
    %add3A_268 = arith.constant 128 : i32
    %add3A_269 = arith.addi %mul3A_7, %add3A_268 : i32
    %add3A_270 = arith.constant 128 : i32
    %add3A_271 = arith.addi %mul3A_7, %add3A_270 : i32
    "tpu.region"() ({
      %run_scoped3A = tpu.sem_alloc : memref<!tpu.dma_semaphore, #tpu.memory_space<semaphore_mem>>
      %dma_start3A_284 = arith.constant 0 : i32
      %dma_start3A_285 = tpu.memref_slice %arg5[%arg0, %add3A_271, %dma_start3A_284] : memref<2x10240x128xf32, #tpu.memory_space<hbm>> -> memref<1x128x128xf32, #tpu.memory_space<hbm>>
      %dma_start3A_286 = tpu.memref_squeeze %dma_start3A_285 : memref<1x128x128xf32, #tpu.memory_space<hbm>> -> memref<128x128xf32, #tpu.memory_space<hbm>>
      %dma_start3A_287 = arith.constant 0 : i32
      %dma_start3A_288 = tpu.memref_slice %arg16[%add3A_269, %dma_start3A_287] : memref<10240x128xf32, #tpu.memory_space<vmem_shared>> -> memref<128x128xf32, #tpu.memory_space<vmem_shared>>
      tpu.enqueue_dma source(%dma_start3A_288 : memref<128x128xf32, #tpu.memory_space<vmem_shared>>) target(%dma_start3A_286 : memref<128x128xf32, #tpu.memory_space<hbm>>) target_semaphore(%run_scoped3A : memref<!tpu.dma_semaphore, #tpu.memory_space<semaphore_mem>>)
      %dma_wait3A_289 = arith.constant 0 : i32
      %dma_wait3A_290 = tpu.memref_slice %arg5[%arg0, %add3A_271, %dma_wait3A_289] : memref<2x10240x128xf32, #tpu.memory_space<hbm>> -> memref<1x128x128xf32, #tpu.memory_space<hbm>>
      %dma_wait3A_291 = tpu.memref_squeeze %dma_wait3A_290 : memref<1x128x128xf32, #tpu.memory_space<hbm>> -> memref<128x128xf32, #tpu.memory_space<hbm>>
      %dma_wait3A_292 = arith.constant 0 : i32
      %dma_wait3A_293 = tpu.memref_slice %arg16[%add3A_269, %dma_wait3A_292] : memref<10240x128xf32, #tpu.memory_space<vmem_shared>> -> memref<128x128xf32, #tpu.memory_space<vmem_shared>>
      tpu.wait_dma2 semaphore(%run_scoped3A : memref<!tpu.dma_semaphore, #tpu.memory_space<semaphore_mem>>) src(%dma_wait3A_293 : memref<128x128xf32, #tpu.memory_space<vmem_shared>>) dst(%dma_wait3A_291 : memref<128x128xf32, #tpu.memory_space<hbm>>)
      tpu.yield
    }) : () -> ()
    %add3A_272 = arith.constant 256 : i32
    %add3A_273 = arith.addi %mul3A_7, %add3A_272 : i32
    %add3A_274 = arith.constant 256 : i32
    %add3A_275 = arith.addi %mul3A_7, %add3A_274 : i32
    "tpu.region"() ({
      %run_scoped3A = tpu.sem_alloc : memref<!tpu.dma_semaphore, #tpu.memory_space<semaphore_mem>>
      %dma_start3A_284 = arith.constant 0 : i32
      %dma_start3A_285 = tpu.memref_slice %arg5[%arg0, %add3A_275, %dma_start3A_284] : memref<2x10240x128xf32, #tpu.memory_space<hbm>> -> memref<1x128x128xf32, #tpu.memory_space<hbm>>
      %dma_start3A_286 = tpu.memref_squeeze %dma_start3A_285 : memref<1x128x128xf32, #tpu.memory_space<hbm>> -> memref<128x128xf32, #tpu.memory_space<hbm>>
      %dma_start3A_287 = arith.constant 0 : i32
      %dma_start3A_288 = tpu.memref_slice %arg16[%add3A_273, %dma_start3A_287] : memref<10240x128xf32, #tpu.memory_space<vmem_shared>> -> memref<128x128xf32, #tpu.memory_space<vmem_shared>>
      tpu.enqueue_dma source(%dma_start3A_288 : memref<128x128xf32, #tpu.memory_space<vmem_shared>>) target(%dma_start3A_286 : memref<128x128xf32, #tpu.memory_space<hbm>>) target_semaphore(%run_scoped3A : memref<!tpu.dma_semaphore, #tpu.memory_space<semaphore_mem>>)
      %dma_wait3A_289 = arith.constant 0 : i32
      %dma_wait3A_290 = tpu.memref_slice %arg5[%arg0, %add3A_275, %dma_wait3A_289] : memref<2x10240x128xf32, #tpu.memory_space<hbm>> -> memref<1x128x128xf32, #tpu.memory_space<hbm>>
      %dma_wait3A_291 = tpu.memref_squeeze %dma_wait3A_290 : memref<1x128x128xf32, #tpu.memory_space<hbm>> -> memref<128x128xf32, #tpu.memory_space<hbm>>
      %dma_wait3A_292 = arith.constant 0 : i32
      %dma_wait3A_293 = tpu.memref_slice %arg16[%add3A_273, %dma_wait3A_292] : memref<10240x128xf32, #tpu.memory_space<vmem_shared>> -> memref<128x128xf32, #tpu.memory_space<vmem_shared>>
      tpu.wait_dma2 semaphore(%run_scoped3A : memref<!tpu.dma_semaphore, #tpu.memory_space<semaphore_mem>>) src(%dma_wait3A_293 : memref<128x128xf32, #tpu.memory_space<vmem_shared>>) dst(%dma_wait3A_291 : memref<128x128xf32, #tpu.memory_space<hbm>>)
      tpu.yield
    }) : () -> ()
    %add3A_276 = arith.constant 384 : i32
    %add3A_277 = arith.addi %mul3A_7, %add3A_276 : i32
    %add3A_278 = arith.constant 384 : i32
    %add3A_279 = arith.addi %mul3A_7, %add3A_278 : i32
    "tpu.region"() ({
      %run_scoped3A = tpu.sem_alloc : memref<!tpu.dma_semaphore, #tpu.memory_space<semaphore_mem>>
      %dma_start3A_284 = arith.constant 0 : i32
      %dma_start3A_285 = tpu.memref_slice %arg5[%arg0, %add3A_279, %dma_start3A_284] : memref<2x10240x128xf32, #tpu.memory_space<hbm>> -> memref<1x128x128xf32, #tpu.memory_space<hbm>>
      %dma_start3A_286 = tpu.memref_squeeze %dma_start3A_285 : memref<1x128x128xf32, #tpu.memory_space<hbm>> -> memref<128x128xf32, #tpu.memory_space<hbm>>
      %dma_start3A_287 = arith.constant 0 : i32
      %dma_start3A_288 = tpu.memref_slice %arg16[%add3A_277, %dma_start3A_287] : memref<10240x128xf32, #tpu.memory_space<vmem_shared>> -> memref<128x128xf32, #tpu.memory_space<vmem_shared>>
      tpu.enqueue_dma source(%dma_start3A_288 : memref<128x128xf32, #tpu.memory_space<vmem_shared>>) target(%dma_start3A_286 : memref<128x128xf32, #tpu.memory_space<hbm>>) target_semaphore(%run_scoped3A : memref<!tpu.dma_semaphore, #tpu.memory_space<semaphore_mem>>)
      %dma_wait3A_289 = arith.constant 0 : i32
      %dma_wait3A_290 = tpu.memref_slice %arg5[%arg0, %add3A_279, %dma_wait3A_289] : memref<2x10240x128xf32, #tpu.memory_space<hbm>> -> memref<1x128x128xf32, #tpu.memory_space<hbm>>
      %dma_wait3A_291 = tpu.memref_squeeze %dma_wait3A_290 : memref<1x128x128xf32, #tpu.memory_space<hbm>> -> memref<128x128xf32, #tpu.memory_space<hbm>>
      %dma_wait3A_292 = arith.constant 0 : i32
      %dma_wait3A_293 = tpu.memref_slice %arg16[%add3A_277, %dma_wait3A_292] : memref<10240x128xf32, #tpu.memory_space<vmem_shared>> -> memref<128x128xf32, #tpu.memory_space<vmem_shared>>
      tpu.wait_dma2 semaphore(%run_scoped3A : memref<!tpu.dma_semaphore, #tpu.memory_space<semaphore_mem>>) src(%dma_wait3A_293 : memref<128x128xf32, #tpu.memory_space<vmem_shared>>) dst(%dma_wait3A_291 : memref<128x128xf32, #tpu.memory_space<hbm>>)
      tpu.yield
    }) : () -> ()
    %add3A_280 = arith.constant 512 : i32
    %add3A_281 = arith.addi %mul3A_7, %add3A_280 : i32
    %add3A_282 = arith.constant 512 : i32
    %add3A_283 = arith.addi %mul3A_7, %add3A_282 : i32
    "tpu.region"() ({
      %run_scoped3A = tpu.sem_alloc : memref<!tpu.dma_semaphore, #tpu.memory_space<semaphore_mem>>
      %dma_start3A_284 = arith.constant 0 : i32
      %dma_start3A_285 = tpu.memref_slice %arg5[%arg0, %add3A_283, %dma_start3A_284] : memref<2x10240x128xf32, #tpu.memory_space<hbm>> -> memref<1x128x128xf32, #tpu.memory_space<hbm>>
      %dma_start3A_286 = tpu.memref_squeeze %dma_start3A_285 : memref<1x128x128xf32, #tpu.memory_space<hbm>> -> memref<128x128xf32, #tpu.memory_space<hbm>>
      %dma_start3A_287 = arith.constant 0 : i32
      %dma_start3A_288 = tpu.memref_slice %arg16[%add3A_281, %dma_start3A_287] : memref<10240x128xf32, #tpu.memory_space<vmem_shared>> -> memref<128x128xf32, #tpu.memory_space<vmem_shared>>
      tpu.enqueue_dma source(%dma_start3A_288 : memref<128x128xf32, #tpu.memory_space<vmem_shared>>) target(%dma_start3A_286 : memref<128x128xf32, #tpu.memory_space<hbm>>) target_semaphore(%run_scoped3A : memref<!tpu.dma_semaphore, #tpu.memory_space<semaphore_mem>>)
      %dma_wait3A_289 = arith.constant 0 : i32
      %dma_wait3A_290 = tpu.memref_slice %arg5[%arg0, %add3A_283, %dma_wait3A_289] : memref<2x10240x128xf32, #tpu.memory_space<hbm>> -> memref<1x128x128xf32, #tpu.memory_space<hbm>>
      %dma_wait3A_291 = tpu.memref_squeeze %dma_wait3A_290 : memref<1x128x128xf32, #tpu.memory_space<hbm>> -> memref<128x128xf32, #tpu.memory_space<hbm>>
      %dma_wait3A_292 = arith.constant 0 : i32
      %dma_wait3A_293 = tpu.memref_slice %arg16[%add3A_281, %dma_wait3A_292] : memref<10240x128xf32, #tpu.memory_space<vmem_shared>> -> memref<128x128xf32, #tpu.memory_space<vmem_shared>>
      tpu.wait_dma2 semaphore(%run_scoped3A : memref<!tpu.dma_semaphore, #tpu.memory_space<semaphore_mem>>) src(%dma_wait3A_293 : memref<128x128xf32, #tpu.memory_space<vmem_shared>>) dst(%dma_wait3A_291 : memref<128x128xf32, #tpu.memory_space<hbm>>)
      tpu.yield
    }) : () -> ()
    return
  }
}

module attributes {stable_mosaic.version = 14 : i64} {
  func.func @body(%arg0: i32, %arg1: memref<1000x128xf32, #tpu.memory_space<vmem>>, %arg2: memref<2x1000x128xf32, #tpu.memory_space<vmem>>, %arg3: memref<128x512xf32, #tpu.memory_space<vmem>>, %arg4: memref<128x512xf32, #tpu.memory_space<vmem>>, %arg5: memref<1x512xf32, #tpu.memory_space<vmem>>, %arg6: memref<512x10xf32, #tpu.memory_space<vmem>>, %arg7: memref<1x10xf32, #tpu.memory_space<vmem>>, %arg8: memref<1x10xf32, #tpu.memory_space<vmem>>, %arg9: memref<1x512xf32, #tpu.memory_space<vmem>>) attributes {dimension_semantics = [#tpu.dimension_semantics<arbitrary>], iteration_bounds = array<i64: 10>, scalar_prefetch = 0 : i64, scratch_operands = 1 : i64, tpu.core_type = #tpu.core_type<tc>, window_params = [{transform_indices = @transform_0, window_bounds = array<i64: 1000, 128>}, {transform_indices = @transform_1, window_bounds = array<i64: 2, 1000, 128>}, {pipeline_mode = #tpu.pipeline_mode<synchronous>, transform_indices = @transform_2, window_bounds = array<i64: 128, 512>}, {pipeline_mode = #tpu.pipeline_mode<synchronous>, transform_indices = @transform_3, window_bounds = array<i64: 128, 512>}, {pipeline_mode = #tpu.pipeline_mode<synchronous>, transform_indices = @transform_4, window_bounds = array<i64: 1, 512>}, {pipeline_mode = #tpu.pipeline_mode<synchronous>, transform_indices = @transform_5, window_bounds = array<i64: 512, 10>}, {pipeline_mode = #tpu.pipeline_mode<synchronous>, transform_indices = @transform_6, window_bounds = array<i64: 1, 10>}, {pipeline_mode = #tpu.pipeline_mode<synchronous>, transform_indices = @transform_7, window_bounds = array<i64: 1, 10>}]} {
    %get3A = arith.constant 0 : index
    %get3A_0 = arith.constant 0 : index
    %get3A_1 = arith.constant 0 : index
    %get3A_2 = vector.load %arg2[%get3A, %get3A_0, %get3A_1] : memref<2x1000x128xf32, #tpu.memory_space<vmem>>, vector<1x1000x128xf32>
    %get3A_3 = vector.shape_cast %get3A_2 : vector<1x1000x128xf32> to vector<1000x128xf32>
    %get3A_4 = arith.constant 1 : index
    %get3A_5 = arith.constant 0 : index
    %get3A_6 = arith.constant 0 : index
    %get3A_7 = vector.load %arg2[%get3A_4, %get3A_5, %get3A_6] : memref<2x1000x128xf32, #tpu.memory_space<vmem>>, vector<1x1000x128xf32>
    %get3A_8 = vector.shape_cast %get3A_7 : vector<1x1000x128xf32> to vector<1000x128xf32>
    %add3A = arith.addf %get3A_3, %get3A_8 : vector<1000x128xf32>
    %get3A_9 = arith.constant 0 : index
    %get3A_10 = arith.constant 0 : index
    %get3A_11 = vector.load %arg1[%get3A_9, %get3A_10] : memref<1000x128xf32, #tpu.memory_space<vmem>>, vector<1000x128xf32>
    %get3A_12 = arith.constant 0 : index
    %get3A_13 = arith.constant 0 : index
    %get3A_14 = vector.load %arg3[%get3A_12, %get3A_13] : memref<128x512xf32, #tpu.memory_space<vmem>>, vector<128x512xf32>
    %dot_general3A = arith.constant dense<0.000000e+00> : vector<1000x512xf32>
    %dot_general3A_15 = tpu.matmul %get3A_11, %get3A_14, %dot_general3A {dimension_numbers = #tpu.dot_dimension_numbers<[1], [0], [0], [1], [0, 0, 1, 1], [], []>, transpose_lhs_hint = false} : vector<1000x128xf32>, vector<128x512xf32>, vector<1000x512xf32> -> vector<1000x512xf32>
    %get3A_16 = arith.constant 0 : index
    %get3A_17 = arith.constant 0 : index
    %get3A_18 = vector.load %arg4[%get3A_16, %get3A_17] : memref<128x512xf32, #tpu.memory_space<vmem>>, vector<128x512xf32>
    %dot_general3A_19 = arith.constant dense<0.000000e+00> : vector<1000x512xf32>
    %dot_general3A_20 = tpu.matmul %add3A, %get3A_18, %dot_general3A_19 {dimension_numbers = #tpu.dot_dimension_numbers<[1], [0], [0], [1], [0, 0, 1, 1], [], []>, transpose_lhs_hint = false} : vector<1000x128xf32>, vector<128x512xf32>, vector<1000x512xf32> -> vector<1000x512xf32>
    %add3A_21 = arith.addf %dot_general3A_15, %dot_general3A_20 : vector<1000x512xf32>
    %get3A_22 = arith.constant 0 : index
    %get3A_23 = arith.constant 0 : index
    %get3A_24 = vector.load %arg5[%get3A_22, %get3A_23] : memref<1x512xf32, #tpu.memory_space<vmem>>, vector<1x512xf32>
    %add3A_25 = vector.broadcast %get3A_24 : vector<1x512xf32> to vector<1000x512xf32>
    %add3A_26 = arith.addf %add3A_21, %add3A_25 : vector<1000x512xf32>
    %max3A = arith.constant 0.000000e+00 : f32
    %max3A_27 = vector.broadcast %max3A : f32 to vector<1000x512xf32>
    %max3A_28 = arith.maximumf %add3A_26, %max3A_27 : vector<1000x512xf32>
    %reduce_sum3A = arith.constant dense<0.000000e+00> : vector<512xf32>
    %reduce_sum3A_29 = vector.multi_reduction <add>, %max3A_28, %reduce_sum3A [0] : vector<1000x512xf32> to vector<512xf32>
    %broadcast_in_dim3A = vector.shape_cast %reduce_sum3A_29 : vector<512xf32> to vector<1x512xf32>
    %eq3A = arith.constant 0 : i32
    %eq3A_30 = arith.cmpi eq, %arg0, %eq3A : i32
    %convert_element_type3A = arith.extui %eq3A_30 : i1 to i32
    %cond3A = arith.constant 0 : i32
    %cond3A_31 = arith.cmpi ne, %convert_element_type3A, %cond3A : i32
    scf.if %cond3A_31 {
      %swap3A = arith.constant 0 : index
      %swap3A_41 = arith.constant 0 : index
      %swap3A_42 = vector.load %arg9[%swap3A, %swap3A_41] : memref<1x512xf32, #tpu.memory_space<vmem>>, vector<1x512xf32>
      tpu.vector_store %arg9[%swap3A, %swap3A_41], %broadcast_in_dim3A {strides = array<i32>} : memref<1x512xf32, #tpu.memory_space<vmem>>, vector<1x512xf32>,
    } else {
    }
    %gt3A = arith.constant 0 : i32
    %gt3A_32 = arith.cmpi sgt, %arg0, %gt3A : i32
    %convert_element_type3A_33 = arith.extui %gt3A_32 : i1 to i32
    %cond3A_34 = arith.constant 0 : i32
    %cond3A_35 = arith.cmpi ne, %convert_element_type3A_33, %cond3A_34 : i32
    scf.if %cond3A_35 {
      %get3A_41 = arith.constant 0 : index
      %get3A_42 = arith.constant 0 : index
      %get3A_43 = vector.load %arg9[%get3A_41, %get3A_42] : memref<1x512xf32, #tpu.memory_space<vmem>>, vector<1x512xf32>
      %add3A_44 = arith.addf %get3A_43, %broadcast_in_dim3A : vector<1x512xf32>
      %swap3A = arith.constant 0 : index
      %swap3A_45 = arith.constant 0 : index
      %swap3A_46 = vector.load %arg9[%swap3A, %swap3A_45] : memref<1x512xf32, #tpu.memory_space<vmem>>, vector<1x512xf32>
      tpu.vector_store %arg9[%swap3A, %swap3A_45], %add3A_44 {strides = array<i32>} : memref<1x512xf32, #tpu.memory_space<vmem>>, vector<1x512xf32>,
    } else {
    }
    %eq3A_36 = arith.constant 9 : i32
    %eq3A_37 = arith.cmpi eq, %arg0, %eq3A_36 : i32
    %convert_element_type3A_38 = arith.extui %eq3A_37 : i1 to i32
    %cond3A_39 = arith.constant 0 : i32
    %cond3A_40 = arith.cmpi ne, %convert_element_type3A_38, %cond3A_39 : i32
    scf.if %cond3A_40 {
      %get3A_41 = arith.constant 0 : index
      %get3A_42 = arith.constant 0 : index
      %get3A_43 = vector.load %arg9[%get3A_41, %get3A_42] : memref<1x512xf32, #tpu.memory_space<vmem>>, vector<1x512xf32>
      %get3A_44 = arith.constant 0 : index
      %get3A_45 = arith.constant 0 : index
      %get3A_46 = vector.load %arg6[%get3A_44, %get3A_45] : memref<512x10xf32, #tpu.memory_space<vmem>>, vector<512x10xf32>
      %dot_general3A_47 = arith.constant dense<0.000000e+00> : vector<1x10xf32>
      %dot_general3A_48 = tpu.matmul %get3A_43, %get3A_46, %dot_general3A_47 {dimension_numbers = #tpu.dot_dimension_numbers<[1], [0], [0], [1], [0, 0, 1, 1], [], []>, transpose_lhs_hint = false} : vector<1x512xf32>, vector<512x10xf32>, vector<1x10xf32> -> vector<1x10xf32>
      %get3A_49 = arith.constant 0 : index
      %get3A_50 = arith.constant 0 : index
      %get3A_51 = vector.load %arg7[%get3A_49, %get3A_50] : memref<1x10xf32, #tpu.memory_space<vmem>>, vector<1x10xf32>
      %add3A_52 = arith.addf %dot_general3A_48, %get3A_51 : vector<1x10xf32>
      %reduce_max3A = arith.constant dense<0xFF800000> : vector<1xf32>
      %reduce_max3A_53 = vector.multi_reduction <maximumf>, %add3A_52, %reduce_max3A [1] : vector<1x10xf32> to vector<1xf32>
      %broadcast_in_dim3A_54 = vector.shape_cast %reduce_max3A_53 : vector<1xf32> to vector<1x1xf32>
      %sub3A = vector.broadcast %broadcast_in_dim3A_54 : vector<1x1xf32> to vector<1x10xf32>
      %sub3A_55 = arith.subf %add3A_52, %sub3A : vector<1x10xf32>
      %exp3A = math.exp %sub3A_55 : vector<1x10xf32>
      %reduce_sum3A_56 = arith.constant dense<0.000000e+00> : vector<1xf32>
      %reduce_sum3A_57 = vector.multi_reduction <add>, %exp3A, %reduce_sum3A_56 [1] : vector<1x10xf32> to vector<1xf32>
      %broadcast_in_dim3A_58 = vector.shape_cast %reduce_sum3A_57 : vector<1xf32> to vector<1x1xf32>
      %div3A = vector.broadcast %broadcast_in_dim3A_58 : vector<1x1xf32> to vector<1x10xf32>
      %div3A_59 = arith.divf %exp3A, %div3A : vector<1x10xf32>
      %swap3A = arith.constant 0 : index
      %swap3A_60 = arith.constant 0 : index
      %swap3A_61 = vector.load %arg8[%swap3A, %swap3A_60] : memref<1x10xf32, #tpu.memory_space<vmem>>, vector<1x10xf32>
      tpu.vector_store %arg8[%swap3A, %swap3A_60], %div3A_59 {strides = array<i32>} : memref<1x10xf32, #tpu.memory_space<vmem>>, vector<1x10xf32>,
    } else {
    }
    return
  }
  func.func @transform_0(%arg0: i32) -> (i32, i32) {
    %c0_i32 = arith.constant 0 : i32
    %c0_i32_0 = arith.constant 0 : i32
    return %arg0, %c0_i32 : i32, i32
  }
  func.func @transform_1(%arg0: i32) -> (i32, i32, i32) {
    %c0_i32 = arith.constant 0 : i32
    %c0_i32_0 = arith.constant 0 : i32
    %c0_i32_1 = arith.constant 0 : i32
    return %c0_i32, %arg0, %c0_i32_0 : i32, i32, i32
  }
  func.func @transform_2(%arg0: i32) -> (i32, i32) {
    %c0_i32 = arith.constant 0 : i32
    %c0_i32_0 = arith.constant 0 : i32
    %c0_i32_1 = arith.constant 0 : i32
    return %c0_i32, %c0_i32_0 : i32, i32
  }
  func.func @transform_3(%arg0: i32) -> (i32, i32) {
    %c0_i32 = arith.constant 0 : i32
    %c0_i32_0 = arith.constant 0 : i32
    %c0_i32_1 = arith.constant 0 : i32
    return %c0_i32, %c0_i32_0 : i32, i32
  }
  func.func @transform_4(%arg0: i32) -> (i32, i32) {
    %c0_i32 = arith.constant 0 : i32
    %c0_i32_0 = arith.constant 0 : i32
    %c0_i32_1 = arith.constant 0 : i32
    return %c0_i32, %c0_i32_0 : i32, i32
  }
  func.func @transform_5(%arg0: i32) -> (i32, i32) {
    %c0_i32 = arith.constant 0 : i32
    %c0_i32_0 = arith.constant 0 : i32
    %c0_i32_1 = arith.constant 0 : i32
    return %c0_i32, %c0_i32_0 : i32, i32
  }
  func.func @transform_6(%arg0: i32) -> (i32, i32) {
    %c0_i32 = arith.constant 0 : i32
    %c0_i32_0 = arith.constant 0 : i32
    %c0_i32_1 = arith.constant 0 : i32
    return %c0_i32, %c0_i32_0 : i32, i32
  }
  func.func @transform_7(%arg0: i32) -> (i32, i32) {
    %c0_i32 = arith.constant 0 : i32
    %c0_i32_0 = arith.constant 0 : i32
    %c0_i32_1 = arith.constant 0 : i32
    return %c0_i32, %c0_i32_0 : i32, i32
  }
}

</mosaic_0001>

<sc_bundles>
// kernel: kernel.4.cloned.1.call-start
scs
__scs_entry_jumppad:
0x0: {  	(pc) =	sbr.rel $0x88, $3  }
0x1: {  	(tag) =	ssettag $0x0;
	lr =	simm.s32 $0x1  }
0x2: {  	[smem:$0x3F99] =	sst lr;
	_ =	strace $0xD0000000  }
0x3: {  	_ = 	snop  }
0x4: {  	_ = 	snop  }
0x5: {  	_ = 	snop  }
0x6: {  	_ = 	snop  }
0x7: {  	_ = 	snop  }
__scs_overlays_trampoline_lowered:
0x8: {  	[smem:$0x3FA8] =	sst s0  }
0x9: {  	[smem:$0x3FA9] =	sst s1  }
0xa: {  	[smem:$0x3FAA] =	sst s2  }
0xb: {  	[smem:$0x3FAB] =	sst s3  }
0xc: {  	[smem:$0x3FAC] =	sst s4  }
0xd: {  	[smem:$0x3FAD] =	sst s5  }
0xe: {  	[smem:$0x3FAE] =	sst s6  }
0xf: {  	[smem:$0x3FAF] =	sst s7  }
0x10: {  	[smem:$0x3FB0] =	sst s8  }
0x11: {  	[smem:$0x3FB1] =	sst s9;
	s0 =	simm.s32 @!p0 $0x0  }
0x12: {  	s1 =	sld [smem:$0x3F97];
	s0 =	simm.s32 @p0 $0x1  }
0x13: {  	[smem:$0x3FB2] =	sst s0;
	s0 =	simm.s32 @!p1 $0x0  }
0x14: {  	s2 =	sld [smem:$0x3F96];
	s0 =	simm.s32 @p1 $0x1  }
0x15: {  	[smem:$0x3FB3] =	sst s0;
	s0 =	simm.s32 @!p2 $0x0  }
0x16: {  	s3 =	sld [smem:$0x3FDB];
	s0 =	simm.s32 @p2 $0x1  }
0x17: {  	s4 =	simm.s32 $0x1BF5;
	[smem:$0x3FB5] =	sst s0  }
0x18: {  	s0 =	sld [smem:$0x3F98];
	_ =	swait.ge [sflag:s4], $0x0  }
0x19: {  	s7 =	sld [smem:$0x3F99]  }
0x1a: {  	s8 =	sadd.s32 $0xFFFFE003, lr  }
0x1b: {  	s9 =	sadd.s32 $0xFFFFFEF7, lr;
	s5 =	simm.s32 $0xFFFFFFFF;
	p2 =	slt.u32 s8, $0xFFFFF086  }
0x1c: {  	p1 =	slt.u32 s9, $0xF7A;
	s5 =	simm.s32 @!p2 $0x0  }
0x1d: {  	s5 =	simm.s32 @p1 $0x1;
	p0 =	seq.s32 s7, s2  }
0x1e: {  	s7 =	smul.u32 @!p0 $0xF7A, s2;
	p2 =	seq.s32 @!p0 s5, $0x0  }
0x1f: {  	s9 =	smul.u32 $0xF7A, s1;
	s8 =	simm.s32 @!p0 $0x1BF5;
	p2 =	por !p2, p0  }
0x20: {  	[sflag:s8] =	ssyncset.s32 @!p0 $0xFFFFF086;
	s6 =	sadd.s32 @!p0 s3, s7;
	s7 =	simm.s32 @!p0 $0x108  }
0x21: {  	s3 =	sadd.s32 s3, s9;
	s6 =	sadd.s32 @!p0 $0x88, s6;
	s7 =	simm.s32 @p2 $0x1082  }
0x22: {  	[simem:s7], [sflag:s8] =	dma.local @!p0 [hbm:s6], $0xF7A  }
0x23: {  	s9 =	sor.u32 $0xD0000000, s2;
	s6 =	simm.s32 $0x108;
	_ =	swait.ge @!p0 [sflag:s8], $0x0  }
0x24: {  	s3 =	sadd.s32 $0x88, s3;
	s6 =	simm.s32 @!p1 $0x1082;
	[sflag:s4] =	ssyncset.s32 $0xFFFFF086  }
0x25: {  	[simem:s6], [sflag:s4] =	dma.local [hbm:s3], $0xF7A  }
0x26: {  	[smem:$0x3F99] =	sst s1;
	(tag) =	ssettag s2;
	_ =	strace s9  }
0x27: {  	s1 =	sld [smem:$0x3FA9]  }
0x28: {  	s2 =	sld [smem:$0x3FAA]  }
0x29: {  	s4 =	sld [smem:$0x3FAC]  }
0x2a: {  	p0 =	seq.s32 s5, $0x0;
	s5 =	sld [smem:$0x3FAD]  }
0x2b: {  	s6 =	sld [smem:$0x3FAE]  }
0x2c: {  	s7 =	sld [smem:$0x3FAF]  }
0x2d: {  	s3 =	simm.s32 $0x108;
	s8 =	sld [smem:$0x3FB0]  }
0x2e: {  	s3 =	simm.s32 @!p0 $0x1082;
	s9 =	sld [smem:$0x3FB1]  }
0x2f: {  	lr =	sadd.s32 s0, s3;
	s0 =	sld [smem:$0x3FA8]  }
0x30: {  	s3 =	sld [smem:$0x3FAB]  }
0x31: {  	[smem:$0x3FB4] =	sst s10  }
0x32: {  	s10 =	sld [smem:$0x3FB2];
	_ =	sdelay $0x3  }
0x33: {  	p0 =	seq.s32 s10, $0x1;
	s10 =	sld [smem:$0x3FB4];
	_ =	sdelay $0x3  }
0x34: {  	[smem:$0x3FB4] =	sst s10  }
0x35: {  	s10 =	sld [smem:$0x3FB3];
	_ =	sdelay $0x3  }
0x36: {  	p1 =	seq.s32 s10, $0x1;
	s10 =	sld [smem:$0x3FB4];
	_ =	sdelay $0x3  }
0x37: {  	[smem:$0x3FB4] =	sst s10  }
0x38: {  	s10 =	sld [smem:$0x3FB5]  }
0x39: {  	_ = 	snop;
	(pc) =	sbr.ind lr, $3  }
0x3a: {  	_ = 	snop  }
0x3b: {  	_ = 	snop  }
0x3c: {  	p2 =	seq.s32 s10, $0x1;
	s10 =	sld [smem:$0x3FB4]  }
0x3d: {  	_ =	shalt  }
0x3e: {  	_ =	shalt  }
0x3f: {  	_ =	shalt  }
0x40: {  	_ =	shalt  }
0x41: {  	_ =	shalt  }
0x42: {  	_ =	shalt  }
0x43: {  	_ =	shalt  }
0x44: {  	_ =	shalt  }
0x45: {  	_ =	shalt  }
0x46: {  	_ =	shalt  }
0x47: {  	_ =	shalt  }
0x48: {  	_ =	shalt  }
0x49: {  	_ =	shalt  }
0x4a: {  	_ =	shalt  }
0x4b: {  	_ =	shalt  }
0x4c: {  	_ =	shalt  }
0x4d: {  	_ =	shalt  }
0x4e: {  	_ =	shalt  }
0x4f: {  	_ =	shalt  }
0x50: {  	_ =	shalt  }
0x51: {  	_ =	shalt  }
0x52: {  	_ =	shalt  }
0x53: {  	_ =	shalt  }
0x54: {  	_ =	shalt  }
0x55: {  	_ =	shalt  }
0x56: {  	_ =	shalt  }
0x57: {  	_ =	shalt  }
0x58: {  	_ =	shalt  }
0x59: {  	_ =	shalt  }
0x5a: {  	_ =	shalt  }
0x5b: {  	_ =	shalt  }
0x5c: {  	_ =	shalt  }
0x5d: {  	_ =	shalt  }
0x5e: {  	_ =	shalt  }
0x5f: {  	_ =	shalt  }
0x60: {  	_ =	shalt  }
0x61: {  	_ =	shalt  }
0x62: {  	_ =	shalt  }
0x63: {  	_ =	shalt  }
0x64: {  	_ =	shalt  }
0x65: {  	_ =	shalt  }
0x66: {  	_ =	shalt  }
0x67: {  	_ =	shalt  }
0x68: {  	_ =	shalt  }
0x69: {  	_ =	shalt  }
0x6a: {  	_ =	shalt  }
0x6b: {  	_ =	shalt  }
0x6c: {  	_ =	shalt  }
0x6d: {  	_ =	shalt  }
0x6e: {  	_ =	shalt  }
0x6f: {  	_ =	shalt  }
0x70: {  	_ =	shalt  }
0x71: {  	_ =	shalt  }
0x72: {  	_ =	shalt  }
0x73: {  	_ =	shalt  }
0x74: {  	_ =	shalt  }
0x75: {  	_ =	shalt  }
0x76: {  	_ =	shalt  }
0x77: {  	_ =	shalt  }
0x78: {  	_ =	shalt  }
0x79: {  	_ =	shalt  }
0x7a: {  	_ =	shalt  }
0x7b: {  	_ =	shalt  }
0x7c: {  	_ =	shalt  }
0x7d: {  	_ =	shalt  }
0x7e: {  	_ =	shalt  }
0x7f: {  	_ =	shalt  }
0x80: {  	_ =	shalt  }
0x81: {  	_ =	shalt  }
0x82: {  	_ =	shalt  }
0x83: {  	_ =	shalt  }
0x84: {  	_ =	shalt  }
0x85: {  	_ =	shalt  }
0x86: {  	_ =	shalt  }
0x87: {  	_ =	shalt  }
.Lfunc_end0:
.L_simem_size_0:
called_computation_lowered:
.L_overlay_start_0:
0x88: {  	s2 =	sld [smem:$0x3FD9]  }
0x89: {  	s3 =	sld [smem:$0x3FFE];
	_ =	sdelay $0x1  }
0x8a: {  	s1 =	srdreg.scid  }
0x8b: {  	s0 =	sand.u32 $0x1, s1  }
0x8c: {  	s17 =	sshll.u32 s0, $0xA;
	s2 =	sadd.s32 s3, s2  }
0x8d: {  	s2 =	sadd.s32 s2, s17  }
0x8e: {  	[smem:$0x3FC0] =	sst s2  }
0x8f: {  	_ = 	snop  }
0x90: {  	s2 =	sld [smem:$0x3FC9];
	(tm) =	ssettm $0x1  }
0x91: {  	s18 =	sld [smem:$0x3FFB];
	_ =	sdelay $0x3  }
0x92: {  	_ =	strace s18  }
0x93: {  	s3 =	sld [smem:$0x3FFC];
	_ =	sdelay $0x3  }
0x94: {  	_ =	strace s3  }
0x95: {  	s3 =	sld [smem:$0x3FFD];
	_ =	sdelay $0x3  }
0x96: {  	_ =	strace s3  }
0x97: {  	_ =	strace $0x8FFFFFFF  }
0x98: {  	s19 =	sld [smem:$0x3FDB];
	_ =	sdelay $0x1  }
0x99: {  	s4 =	simm.s32 $_scs_section_size  }
0x9a: {  	s5 =	simm.s32 $_size__tile_overlayer_lowered;
	s6 =	simm.s32 $_tile_overlayer_lowered  }
0x9b: {  	s22 =	simm.s32 $0x1BFF;
	s21 =	sshll.u32 s6, $0x1;
	s3 =	sadd.s32 s4, s19  }
0x9c: {  	s7 =	simm.s32 $0x0;
	s20 =	sshll.u32 s5, $0x1;
	s5 =	sadd.s32 s21, s3  }
0x9d: {  	[timem:s7], [sflag:s22] =	dma.local [hbm:s5], s20  }
0x9e: {  	_ =	swait.ge [sflag:s22], s20  }
0x9f: {  	s4 =	ssub.s32 $0x0, s20;
	[sflag:s22] =	ssyncset.done $0x0  }
0xa0: {  	[sflag:s22] =	ssyncadd.s32 s4;
	_ =	sdelay $0x1  }
0xa1: {  	s23 =	simm.s32 $0x1B8B  }
0xa2: {  	_ =	swait.ge [sflag:s23], $0x1  }
0xa3: {  	[sflag:s23] =	ssyncset.done $0x0  }
0xa4: {  	s25 =	simm.s32 $0x1B8E;
	s24 =	sld [smem:$0x3FFE];
	[sflag:s23] =	ssyncadd.s32 $0xFFFFFFFF  }
0xa5: {  	s26 =	simm.s32 $execute0_lowered;
	[smem:$0x3FD2] =	sst s25  }
0xa6: {  	s5 =	sshll.u32 s26, $0x1;
	_ =	strace $0x80000046;
	[dreg:$0x1] =	wrdreg $0xFFFFFFFF  }
0xa7: {  	s28 =	simm.s32 $_size_execute0_lowered;
	s3 =	sadd.s32 s3, s5;
	[dreg:$0x0] =	wrdreg $0x0  }
0xa8: {  	s5 =	sshll.u32 s28, $0x1;
	[dreg:$0x2] =	wrdreg s3  }
0xa9: {  	[dreg:$0x3] =	wrdreg s5  }
0xaa: {  	[dreg:$0x4] =	wrdreg $0xC0  }
0xab: {  	_ =	task [dreg:s7], $0x5FFFF  }
0xac: {  	[dreg:$0x1] =	wrdreg $0xFFFFFFFF  }
0xad: {  	[dreg:$0x0] =	wrdreg $0x60  }
0xae: {  	[dreg:$0x2] =	wrdreg s2  }
0xaf: {  	[dreg:$0x3] =	wrdreg s24  }
0xb0: {  	[dreg:$0x4] =	wrdreg $0x84000  }
0xb1: {  	[dreg:$0x5] =	wrdreg $0x9  }
0xb2: {  	_ =	task.clear_ibuf [dreg:s7], $0x6FFFF;
	_ =	strace $0x90000046  }
0xb3: {  	s29 =	simm.s32 $0x9;
	_ =	strace $0x80000048  }
0xb4: {  	_ =	swait.ge [sflag:s29], $0x1  }
0xb5: {  	[sflag:s29] =	ssyncadd.s32 $0xFFFFFFFF  }
0xb6: {  	_ =	strace $0x90000048  }
0xb7: {  	_ =	sfence  }
0xb8: {  	s30 =	sld [smem:$0x0];
	_ =	sdelay $0x2  }
0xb9: {  	s31 =	sshll.u32 s1, $0xD;
	s1 =	sshrl.u32 s1, $0x2  }
0xba: {  	s3 =	sand.u32 $0x4000, s31;
	s1 =	sadd.s32 s1, s30  }
0xbb: {  	s0 =	sor.u32 s3, s0;
	s1 =	sshll.u32 s1, $0x11  }
0xbc: {  	s0 =	sor.u32 s1, s0  }
0xbd: {  	s0 =	sadd.s32 $0x8F2B, s0  }
0xbe: {  	[sflag:s0] =	ssyncadd.remote.s32 $0x1  }
0xbf: {  	_ =	sfence.sel $0xFFFF  }
0xc0: {  	[dreg:$0x0] =	wrdreg $0xFFFFFFFF;
	(pc) =	sbr.abs _section_cstart, $3  }
0xc1: {  	[dreg:$0x1] =	wrdreg $0xFFFFFFFF  }
0xc2: {  	_ =	task.clear_ibuf [dreg:s7], $0x2FFFF;
	_ =	strace $0x9FFFFFFF  }
0xc3: {  	(tm) =	ssettm $0x7FFFFFFF  }
tec
execute0_lowered:
.L_overlay_start_1:
0x0: {  	(tag) =	ssettag $0x1  }
0x1: {  	s1 =	rddreg [dreg:$0x0]  }
0x2: {  	s0 =	rddreg [dreg:$0x1]  }
0x3: {  	s2 =	rddreg [dreg:$0x2];
	s4 =	simm.s32 $0x0;
	s3 =	srdreg.scid  }
0x4: {  	s10 =	stileid.u32;
	s28 =	simm.s32 $0x3;
	s29 =	simm.s32 $0x5  }
0x5: {  	s30 =	simm.s32 $0x80;
	s31 =	simm.s32 $0x4;
	[smem:$0x7FF] =	sst s4  }
0x6: {  	s3 =	sand.u32 $0x1, s3;
	s8 =	smul.u32 $0x50000, s10;
	s5 =	sadd.s32 $0x1600, s0  }
0x7: {  	s12 =	smul.u32 $0x14000, s10;
	s6 =	sadd.s32 $0xB600, s0;
	s0 =	sadd.s32 $0x15600, s0  }
0x8: {  	_ =	strace $0x80000047;
	s7 =	ssub.s32 $0x2, s3;
	s24 =	sshll.u32 s3, $0x4  }
0x9: {  	s3 =	smul.u32 $0x140000, s3;
	s9 =	sshrl.u32 s7, $0x1;
	s8 =	sshrl.u32 s8, $0x2  }
0xa: {  	s14 =	sadd.s32 $0x4000, s12;
	s25 =	sor.u32 s10, s24;
	s15 =	sadd.s32 $0x8000, s12  }
0xb: {  	s18 =	sadd.s32 $0xC000, s12;
	s19 =	sadd.s32 $0x10000, s12;
	s13 =	ssub.s32 s7, s9  }
0xc: {  	s7 =	sadd.s32 s8, s2;
	s8 =	sadd.s32 s14, s2;
	s17 =	smul.u32 $0x2800, s25  }
0xd: {  	s9 =	sadd.s32 s15, s2;
	s10 =	sadd.s32 s18, s2;
	s11 =	sadd.s32 s19, s2  }
0xe: {  	s12 =	sadd.s32 s12, s3;
	s14 =	sadd.s32 s3, s14;
	s23 =	sadd.s32 s3, s15  }
0xf: {  	s24 =	sadd.s32 s3, s18;
	s3 =	sadd.s32 s3, s19;
	s15 =	simm.s32 $0x380  }
0x10: {  	s18 =	simm.s32 $0x0;
	s12 =	sshrl.u32 s12, $0x3;
	s22 =	sshrl.u32 s14, $0x3  }
0x11: {  	s14 =	sshrl.u32 s24, $0x3;
	s3 =	sshrl.u32 s3, $0x3;
	s24 =	simm.s32 $0x400  }
0x12: {  	s16 =	sshrl.u32 s17, $0x3;
	s12 =	sadd.s32 s0, s12;
	s25 =	sadd.s32 s0, s14  }
0x13: {  	s14 =	simm.s32 $0x300;
	s20 =	sadd.s32 s5, s16;
	[dreg:$0x8] =	wrdreg s12  }
0x14: {  	s26 =	sadd.s32 s6, s16;
	s16 =	sor.u32 $0x10, s16;
	[dreg:$0xb] =	wrdreg s25  }
0x15: {  	s12 =	sadd.s32 s0, s22;
	s25 =	simm.s32 $0x7;
	[dreg:$0x4] =	wrdreg s20  }
0x16: {  	[dreg:$0x5] =	wrdreg s26;
	s21 =	sadd.s32 s5, s16;
	s16 =	sadd.s32 s6, s16  }
0x17: {  	[dreg:$0x9] =	wrdreg s12;
	s12 =	sshrl.u32 s23, $0x3;
	s26 =	smax.u32 s13, $0x1  }
.Ltmp0:
0x18: {  	s13 =	simm.s32 $0x4400;
	[dreg:$0x6] =	wrdreg s21;
	(pc) =	sbr.rel .LBB2_1-.Ltmp0, $4  }
0x19: {  	[dreg:$0x7] =	wrdreg s16;
	s16 =	sor.u32 $0x100, s17;
	s17 =	sor.u32 $0x180, s17  }
0x1a: {  	s12 =	sadd.s32 s0, s12;
	s0 =	sadd.s32 s0, s3;
	[dreg:$0xd] =	wrdreg s26  }
0x1b: {  	s26 =	simm.s32 $0x1;
	s3 =	simm.s32 $0x6;
	[dreg:$0xa] =	wrdreg s12  }
0x1c: {  	v0 =	vimm.f32 $0.0e+00;
	[dreg:$0xc] =	wrdreg s0;
	s0 =	simm.s32 $0x180;
	s12 =	simm.s32 $0x280  }
.LBB2_10:
0x1d: {  	s19 =	stileid.u32  }
0x1e: {  	[bflag:$0x0] =	sbarrier.arrive $0xFFFF;
	s19 =	sshll.u32 s19, $0x6  }
0x1f: {  	s20 =	sshrl.u32 s7, $0x3;
	s21 =	rddreg [dreg:$0x8];
	s19 =	sor.u32 $0x1C07, s19  }
0x20: {  	[hbm:s21], [sflag:s19] =	dma.local [spmem:s20], $0x800  }
0x21: {  	_ =	swait.ge [sflag:s25], $0x800  }
0x22: {  	[sflag:s25] =	ssyncset.done $0x0  }
0x23: {  	s22 =	sshrl.u32 s8, $0x3;
	s23 =	rddreg [dreg:$0x9];
	[sflag:s25] =	ssyncadd.s32 $0xFFFFF800  }
0x24: {  	[hbm:s23], [sflag:s19] =	dma.local [spmem:s22], $0x800  }
0x25: {  	_ =	swait.ge [sflag:s25], $0x800  }
0x26: {  	[sflag:s25] =	ssyncset.done $0x0  }
0x27: {  	s22 =	sshrl.u32 s9, $0x3;
	s23 =	rddreg [dreg:$0xa];
	[sflag:s25] =	ssyncadd.s32 $0xFFFFF800  }
0x28: {  	[hbm:s23], [sflag:s19] =	dma.local [spmem:s22], $0x800  }
0x29: {  	_ =	swait.ge [sflag:s25], $0x800  }
0x2a: {  	[sflag:s25] =	ssyncset.done $0x0  }
0x2b: {  	s22 =	sshrl.u32 s10, $0x3;
	s23 =	rddreg [dreg:$0xb];
	[sflag:s25] =	ssyncadd.s32 $0xFFFFF800  }
0x2c: {  	[hbm:s23], [sflag:s19] =	dma.local [spmem:s22], $0x800  }
0x2d: {  	_ =	swait.ge [sflag:s25], $0x800  }
0x2e: {  	[sflag:s25] =	ssyncset.done $0x0  }
0x2f: {  	s21 =	sshrl.u32 s11, $0x3;
	s22 =	rddreg [dreg:$0xc];
	[sflag:s25] =	ssyncadd.s32 $0xFFFFF800  }
0x30: {  	[hbm:s22], [sflag:s19] =	dma.local [spmem:s21], $0x800  }
0x31: {  	_ =	swait.ge [sflag:s25], $0x800  }
0x32: {  	s18 =	sadd.s32 $0x1, s18;
	s23 =	rddreg [dreg:$0xd]  }
0x33: {  	p0 =	sne.s32 s18, s23  }
.Ltmp1:
0x34: {  	_ = 	snop;
	(pc) =	sbr.rel @!p0 .LBB2_11-.Ltmp1, $3  }
0x35: {  	_ =	sdelay $0x1  }
0x36: {  	[sflag:s25] =	ssyncset.done $0x0  }
0x37: {  	[sflag:s25] =	ssyncadd.s32 $0xFFFFF800  }
.LBB2_1:
0x38: {  	s19 =	simm.s32 $0x0;
	s20 =	simm.s32 $0x200  }
.LBB2_2:
0x39: {  	p0 =	sne.s32 s20, $0xFE00;
	[tilespmem:s19+$0x470] =	vst v0  }
0x3a: {  	[tilespmem:s19+$0x400] =	vst v0  }
0x3b: {  	[tilespmem:s19+$0x410] =	vst v0  }
.Ltmp2:
0x3c: {  	[tilespmem:s19+$0x420] =	vst v0;
	(pc) =	sbr.rel @p0 .LBB2_2-.Ltmp2, $4  }
0x3d: {  	[tilespmem:s19+$0x430] =	vst v0  }
0x3e: {  	[tilespmem:s19+$0x440] =	vst v0  }
0x3f: {  	[tilespmem:s19+$0x450] =	vst v0  }
0x40: {  	[tilespmem:s19+$0x460] =	vst v0;
	s19 =	sshra.s32 s20, $0x2;
	s20 =	sadd.s32 $0x200, s20  }
0x41: {  	[tilespmem:s19+$0x470] =	vst v0  }
0x42: {  	[tilespmem:s19+$0x400] =	vst v0  }
0x43: {  	[tilespmem:s19+$0x410] =	vst v0  }
0x44: {  	[tilespmem:s19+$0x420] =	vst v0  }
0x45: {  	[tilespmem:s19+$0x430] =	vst v0  }
0x46: {  	[tilespmem:s19+$0x440] =	vst v0  }
0x47: {  	[tilespmem:s19+$0x450] =	vst v0  }
0x48: {  	[tilespmem:s19+$0x460] =	vst v0  }
0x49: {  	[spmem:s7] =	stream.linear.scatter [tilespmem:s24], [sflag:$0x7], $0x4000, $0x38;
	[tilespmem:$0x1C400] =	vst v63  }
0x4a: {  	_ =	swait.ge [sflag:s25], $0x4000  }
0x4b: {  	[sflag:s25] =	ssyncset.done $0x0  }
0x4c: {  	[sflag:s25] =	ssyncadd.s32 $0xFFFFC000  }
0x4d: {  	[spmem:s8] =	stream.linear.scatter [tilespmem:s24], [sflag:$0x7], $0x4000, $0x38;
	[tilespmem:$0x1C400] =	vst v63  }
0x4e: {  	_ =	swait.ge [sflag:s25], $0x4000  }
0x4f: {  	[sflag:s25] =	ssyncset.done $0x0  }
0x50: {  	[sflag:s25] =	ssyncadd.s32 $0xFFFFC000  }
0x51: {  	[spmem:s9] =	stream.linear.scatter [tilespmem:s24], [sflag:$0x7], $0x4000, $0x38;
	[tilespmem:$0x1C400] =	vst v63  }
0x52: {  	_ =	swait.ge [sflag:s25], $0x4000  }
0x53: {  	[sflag:s25] =	ssyncset.done $0x0  }
0x54: {  	[sflag:s25] =	ssyncadd.s32 $0xFFFFC000  }
0x55: {  	[spmem:s10] =	stream.linear.scatter [tilespmem:s24], [sflag:$0x7], $0x4000, $0x38;
	[tilespmem:$0x1C400] =	vst v63  }
0x56: {  	_ =	swait.ge [sflag:s25], $0x4000  }
0x57: {  	[sflag:s25] =	ssyncset.done $0x0  }
0x58: {  	[sflag:s25] =	ssyncadd.s32 $0xFFFFC000  }
0x59: {  	[spmem:s11] =	stream.linear.scatter [tilespmem:s24], [sflag:$0x7], $0x4000, $0x38;
	[tilespmem:$0x1C400] =	vst v63  }
0x5a: {  	_ =	swait.ge [sflag:s25], $0x4000  }
0x5b: {  	[sflag:s25] =	ssyncset.done $0x0  }
0x5c: {  	[sflag:s25] =	ssyncadd.s32 $0xFFFFC000  }
0x5d: {  	[bflag:$0x0] =	sbarrier.arrive $0xFFFF  }
0x5e: {  	s19 =	simm.s32 $0x0;
	s20 =	rddreg [dreg:$0x4]  }
0x5f: {  	[tilespmem:s19], [sflag:$0x3] =	stream.linear.gather [hbm4b:s20+s19], $0x80, $0x38;
	[tilespmem:$0x1C400] =	vst v63  }
0x60: {  	s21 =	simm.s32 $0x100;
	s23 =	rddreg [dreg:$0x5]  }
0x61: {  	[tilespmem:s21], [sflag:$0x5] =	stream.linear.gather [hbm4b:s23+s19], $0x80, $0x38;
	[tilespmem:$0x1C400] =	vst v63  }
0x62: {  	_ =	swait.ge [sflag:s28], $0x80  }
0x63: {  	[sflag:s28] =	ssyncset.done $0x0  }
0x64: {  	[sflag:s28] =	ssyncadd.s32 $0xFFFFFF80  }
0x65: {  	_ =	swait.ge [sflag:s29], $0x80  }
0x66: {  	[sflag:s29] =	ssyncset.done $0x0  }
0x67: {  	[sflag:s29] =	ssyncadd.s32 $0xFFFFFF80  }
0x68: {  	v1 =	vld [tilespmem:$0x0];
	_ =	sdelay $0x1  }
0x69: {  	v2 =	vld [tilespmem:$0x10];
	_ =	sdelay $0x1  }
0x6a: {  	v3 =	vld [tilespmem:$0x20]  }
0x6b: {  	v4 =	vand.u32 $0xFFFF, v1  }
0x6c: {  	v62 =	vld [tilespmem:$0x30];
	v1 =	vshra.s32 v1, $0x10;
	[tilespmem:$0x200] =	vst v4  }
0x6d: {  	[tilespmem:$0x300] =	vst v1;
	v1 =	vand.u32 $0xFFFF, v2  }
0x6e: {  	[tilespmem:$0x210] =	vst v1;
	v1 =	vshra.s32 v2, $0x10;
	v2 =	vld [tilespmem:$0x40]  }
0x6f: {  	[tilespmem:$0x310] =	vst v1;
	v1 =	vand.u32 $0xFFFF, v3  }
0x70: {  	[tilespmem:$0x220] =	vst v1;
	v1 =	vshra.s32 v3, $0x10;
	v3 =	vld [tilespmem:$0x50]  }
0x71: {  	[tilespmem:$0x320] =	vst v1;
	v1 =	vand.u32 $0xFFFF, v62  }
0x72: {  	v63 =	vld [tilespmem:$0x60];
	[tilespmem:$0x230] =	vst v1;
	v1 =	vshra.s32 v62, $0x10  }
0x73: {  	[tilespmem:$0x330] =	vst v1;
	v1 =	vand.u32 $0xFFFF, v2  }
0x74: {  	[tilespmem:$0x240] =	vst v1;
	v1 =	vshra.s32 v2, $0x10;
	v2 =	vld [tilespmem:$0x70]  }
0x75: {  	[tilespmem:$0x340] =	vst v1;
	v1 =	vand.u32 $0xFFFF, v3  }
0x76: {  	[tilespmem:$0x250] =	vst v1;
	v1 =	vshra.s32 v3, $0x10  }
0x77: {  	[tilespmem:$0x350] =	vst v1;
	v1 =	vand.u32 $0xFFFF, v63  }
0x78: {  	[tilespmem:$0x260] =	vst v1;
	v1 =	vshra.s32 v63, $0x10  }
0x79: {  	[tilespmem:$0x360] =	vst v1;
	v1 =	vand.u32 $0xFFFF, v2  }
0x7a: {  	[tilespmem:$0x270] =	vst v1;
	v1 =	vshra.s32 v2, $0x10  }
0x7b: {  	s21 =	simm.s32 $0x200;
	[tilespmem:$0x370] =	vst v1  }
0x7c: {  	[tilespmem:s24], [sflag:$0x1] =	stream.indirect.gather [hbm4b:s1+s30], $0x80, s21, s30, $0xb8;
	[tilespmem:$0x1C400] =	vst v63  }
0x7d: {  	s22 =	rddreg [dreg:$0x6]  }
0x7e: {  	[tilespmem:s30], [sflag:$0x4] =	stream.linear.gather [hbm4b:s22+s19], $0x80, $0x38;
	[tilespmem:$0x1C400] =	vst v63  }
0x7f: {  	s23 =	rddreg [dreg:$0x7]  }
0x80: {  	[tilespmem:s0], [sflag:$0x6] =	stream.linear.gather [hbm4b:s23+s19], $0x80, $0x38;
	[tilespmem:$0x1C400] =	vst v63  }
.LBB2_4:
0x81: {  	_ =	swait.ge [sflag:s26], $0x4000  }
0x82: {  	[sflag:s26] =	ssyncset.done $0x0  }
0x83: {  	[sflag:s26] =	ssyncadd.s32 $0xFFFFC000  }
0x84: {  	_ =	swait.ge [sflag:s31], $0x80  }
0x85: {  	[sflag:s31] =	ssyncset.done $0x0  }
0x86: {  	[sflag:s31] =	ssyncadd.s32 $0xFFFFFF80  }
0x87: {  	_ =	swait.ge [sflag:s3], $0x80  }
0x88: {  	[sflag:s3] =	ssyncset.done $0x0  }
0x89: {  	[sflag:s3] =	ssyncadd.s32 $0xFFFFFF80  }
0x8a: {  	v1 =	vld [tilespmem:$0x80];
	_ =	sdelay $0x1  }
0x8b: {  	v2 =	vld [tilespmem:$0x90];
	_ =	sdelay $0x1  }
0x8c: {  	v3 =	vld [tilespmem:$0xA0]  }
0x8d: {  	v4 =	vand.u32 $0xFFFF, v1  }
0x8e: {  	v19 =	vld [tilespmem:$0xB0];
	v1 =	vshra.s32 v1, $0x10;
	[tilespmem:$0x280] =	vst v4  }
0x8f: {  	[tilespmem:$0x380] =	vst v1;
	v1 =	vand.u32 $0xFFFF, v2  }
0x90: {  	[tilespmem:$0x290] =	vst v1;
	v1 =	vshra.s32 v2, $0x10;
	v2 =	vld [tilespmem:$0xC0]  }
0x91: {  	[tilespmem:$0x390] =	vst v1;
	v1 =	vand.u32 $0xFFFF, v3  }
0x92: {  	[tilespmem:$0x2A0] =	vst v1;
	v1 =	vshra.s32 v3, $0x10;
	v3 =	vld [tilespmem:$0xD0]  }
0x93: {  	[tilespmem:$0x3A0] =	vst v1;
	v1 =	vand.u32 $0xFFFF, v19  }
0x94: {  	v20 =	vld [tilespmem:$0xE0];
	[tilespmem:$0x2B0] =	vst v1;
	v1 =	vshra.s32 v19, $0x10  }
0x95: {  	[tilespmem:$0x3B0] =	vst v1;
	v1 =	vand.u32 $0xFFFF, v2  }
0x96: {  	[tilespmem:$0x2C0] =	vst v1;
	v1 =	vshra.s32 v2, $0x10;
	v2 =	vld [tilespmem:$0xF0]  }
0x97: {  	[tilespmem:$0x3C0] =	vst v1;
	v1 =	vand.u32 $0xFFFF, v3  }
0x98: {  	[tilespmem:$0x2D0] =	vst v1;
	v1 =	vshra.s32 v3, $0x10  }
0x99: {  	[tilespmem:$0x3D0] =	vst v1;
	v1 =	vand.u32 $0xFFFF, v20  }
0x9a: {  	[tilespmem:$0x2E0] =	vst v1;
	v1 =	vshra.s32 v20, $0x10  }
0x9b: {  	[tilespmem:$0x3E0] =	vst v1;
	v1 =	vand.u32 $0xFFFF, v2  }
0x9c: {  	s20 =	simm.s32 $0x0;
	[tilespmem:$0x2F0] =	vst v1;
	v1 =	vshra.s32 v2, $0x10  }
0x9d: {  	s20 =	sand.u32 $0x3FFFFFF0, s20;
	[tilespmem:$0x3F0] =	vst v1  }
0x9e: {  	[tilespmem:s13], [sflag:$0x2] =	stream.indirect.gather [hbm4b:s1+s30], $0x80, s12, s30, $0xb8;
	[tilespmem:$0x1C400] =	vst v63  }
0x9f: {  	s21 =	simm.s32 $0x0;
	v1 =	vld [tilespmem:s20+$0x100]  }
0xa0: {  	s20 =	sand.u32 $0x3FFFF800, s21  }
0xa1: {  	v3 =	vld [tilespmem:s20+$0x420]  }
0xa2: {  	v21 =	vld [tilespmem:s20+$0x430]  }
0xa3: {  	v10 =	vld [tilespmem:s20+$0x460]  }
0xa4: {  	v11 =	vld [tilespmem:s20+$0x470];
	v2 =	vbroadcast v1, $0x0  }
0xa5: {  	v12 =	vld [tilespmem:s20+$0x480]  }
0xa6: {  	v13 =	vld [tilespmem:s20+$0x490];
	v3 =	vmul.f32 v3, v2  }
0xa7: {  	v14 =	vld [tilespmem:s20+$0x4A0];
	v4 =	vmul.f32 v21, v2  }
0xa8: {  	v9 =	vld [tilespmem:s20+$0x4B0];
	v23 =	vbroadcast v1, $0x1;
	v22 =	vmul.f32 v10, v2;
	[tilespmem:s20+$0x420] =	vst v3  }
0xa9: {  	v7 =	vld [tilespmem:s20+$0x4C0];
	v11 =	vmul.f32 v11, v2;
	[tilespmem:s20+$0x430] =	vst v4  }
0xaa: {  	v8 =	vld [tilespmem:s20+$0x4D0];
	v12 =	vmul.f32 v12, v23;
	[tilespmem:s20+$0x460] =	vst v22  }
0xab: {  	v25 =	vld [tilespmem:s20+$0x4F0];
	v13 =	vmul.f32 v13, v23;
	[tilespmem:s20+$0x470] =	vst v11  }
0xac: {  	v26 =	vld [tilespmem:s20+$0x500];
	v14 =	vmul.f32 v14, v23;
	[tilespmem:s20+$0x480] =	vst v12  }
0xad: {  	v27 =	vld [tilespmem:s20+$0x510];
	v9 =	vmul.f32 v9, v23;
	[tilespmem:s20+$0x490] =	vst v13  }
0xae: {  	v6 =	vld [tilespmem:s20+$0x970];
	v7 =	vmul.f32 v7, v23;
	[tilespmem:s20+$0x4A0] =	vst v14  }
0xaf: {  	v24 =	vld [tilespmem:s20+$0x4E0];
	v15 =	vbroadcast v1, $0x2;
	v8 =	vmul.f32 v8, v23;
	[tilespmem:s20+$0x4B0] =	vst v9  }
0xb0: {  	v28 =	vld [tilespmem:s20+$0x520];
	v10 =	vmul.f32 v25, v23;
	[tilespmem:s20+$0x4C0] =	vst v7  }
0xb1: {  	v29 =	vld [tilespmem:s20+$0x530];
	v5 =	vbroadcast v1, $0xA;
	v32 =	vmul.f32 v26, v15;
	[tilespmem:s20+$0x4D0] =	vst v8  }
0xb2: {  	v30 =	vld [tilespmem:s20+$0x540];
	v34 =	vmul.f32 v27, v15;
	[tilespmem:s20+$0x4F0] =	vst v10  }
0xb3: {  	v33 =	vld [tilespmem:s20+$0x560];
	v3 =	vmul.f32 v6, v5;
	[tilespmem:s20+$0x500] =	vst v32  }
0xb4: {  	v35 =	vld [tilespmem:s20+$0x570];
	v11 =	vmul.f32 v24, v23;
	[tilespmem:s20+$0x510] =	vst v34  }
0xb5: {  	v36 =	vld [tilespmem:s20+$0x580];
	v9 =	vmul.f32 v28, v15;
	[tilespmem:s20+$0x970] =	vst v3  }
0xb6: {  	v31 =	vld [tilespmem:s20+$0x550];
	v7 =	vmul.f32 v29, v15;
	[tilespmem:s20+$0x4E0] =	vst v11  }
0xb7: {  	v37 =	vld [tilespmem:s20+$0x590];
	v8 =	vmul.f32 v30, v15;
	[tilespmem:s20+$0x520] =	vst v9  }
0xb8: {  	v38 =	vld [tilespmem:s20+$0x5A0];
	v41 =	vbroadcast v1, $0x3;
	v10 =	vmul.f32 v33, v15;
	[tilespmem:s20+$0x530] =	vst v7  }
0xb9: {  	v39 =	vld [tilespmem:s20+$0x5B0];
	v12 =	vmul.f32 v35, v15;
	[tilespmem:s20+$0x540] =	vst v8  }
0xba: {  	v42 =	vld [tilespmem:s20+$0x5D0];
	v13 =	vmul.f32 v36, v41;
	[tilespmem:s20+$0x560] =	vst v10  }
0xbb: {  	v43 =	vld [tilespmem:s20+$0x5E0];
	v11 =	vmul.f32 v31, v15;
	[tilespmem:s20+$0x570] =	vst v12  }
0xbc: {  	v44 =	vld [tilespmem:s20+$0x5F0];
	v9 =	vmul.f32 v37, v41;
	[tilespmem:s20+$0x580] =	vst v13  }
0xbd: {  	v40 =	vld [tilespmem:s20+$0x5C0];
	v7 =	vmul.f32 v38, v41;
	[tilespmem:s20+$0x550] =	vst v11  }
0xbe: {  	v45 =	vld [tilespmem:s20+$0x600];
	v8 =	vmul.f32 v39, v41;
	[tilespmem:s20+$0x590] =	vst v9  }
0xbf: {  	v46 =	vld [tilespmem:s20+$0x610];
	v10 =	vmul.f32 v42, v41;
	[tilespmem:s20+$0x5A0] =	vst v7  }
0xc0: {  	v47 =	vld [tilespmem:s20+$0x620];
	v12 =	vmul.f32 v43, v41;
	[tilespmem:s20+$0x5B0] =	vst v8  }
0xc1: {  	v49 =	vld [tilespmem:s20+$0x640];
	v50 =	vbroadcast v1, $0x4;
	v13 =	vmul.f32 v44, v41;
	[tilespmem:s20+$0x5D0] =	vst v10  }
0xc2: {  	v51 =	vld [tilespmem:s20+$0x650];
	v11 =	vmul.f32 v40, v41;
	[tilespmem:s20+$0x5E0] =	vst v12  }
0xc3: {  	v52 =	vld [tilespmem:s20+$0x660];
	v9 =	vmul.f32 v45, v50;
	[tilespmem:s20+$0x5F0] =	vst v13  }
0xc4: {  	v48 =	vld [tilespmem:s20+$0x630];
	v7 =	vmul.f32 v46, v50;
	[tilespmem:s20+$0x5C0] =	vst v11  }
0xc5: {  	v53 =	vld [tilespmem:s20+$0x670];
	v8 =	vmul.f32 v47, v50;
	[tilespmem:s20+$0x600] =	vst v9  }
0xc6: {  	v54 =	vld [tilespmem:s20+$0x680];
	v10 =	vmul.f32 v49, v50;
	[tilespmem:s20+$0x610] =	vst v7  }
0xc7: {  	v55 =	vld [tilespmem:s20+$0x690];
	v12 =	vmul.f32 v51, v50;
	[tilespmem:s20+$0x620] =	vst v8  }
0xc8: {  	v57 =	vld [tilespmem:s20+$0x6B0];
	v13 =	vmul.f32 v52, v50;
	[tilespmem:s20+$0x640] =	vst v10  }
0xc9: {  	v58 =	vld [tilespmem:s20+$0x6C0];
	v59 =	vbroadcast v1, $0x5;
	v11 =	vmul.f32 v48, v50;
	[tilespmem:s20+$0x650] =	vst v12  }
0xca: {  	v60 =	vld [tilespmem:s20+$0x6D0];
	v9 =	vmul.f32 v53, v50;
	[tilespmem:s20+$0x660] =	vst v13  }
0xcb: {  	v56 =	vld [tilespmem:s20+$0x6A0];
	v7 =	vmul.f32 v54, v59;
	[tilespmem:s20+$0x630] =	vst v11  }
0xcc: {  	v61 =	vld [tilespmem:s20+$0x6E0];
	v8 =	vmul.f32 v55, v59;
	[tilespmem:s20+$0x670] =	vst v9  }
0xcd: {  	v62 =	vld [tilespmem:s20+$0x6F0];
	v10 =	vmul.f32 v57, v59;
	[tilespmem:s20+$0x680] =	vst v7  }
0xce: {  	v63 =	vld [tilespmem:s20+$0x700];
	v12 =	vmul.f32 v58, v59;
	[tilespmem:s20+$0x690] =	vst v8  }
0xcf: {  	v19 =	vld [tilespmem:s20+$0x720];
	v13 =	vmul.f32 v60, v59;
	[tilespmem:s20+$0x6B0] =	vst v10  }
0xd0: {  	v20 =	vld [tilespmem:s20+$0x730];
	v11 =	vmul.f32 v56, v59;
	[tilespmem:s20+$0x6C0] =	vst v12  }
0xd1: {  	v21 =	vld [tilespmem:s20+$0x740];
	v22 =	vbroadcast v1, $0x6;
	v9 =	vmul.f32 v61, v59;
	[tilespmem:s20+$0x6D0] =	vst v13  }
0xd2: {  	v18 =	vld [tilespmem:s20+$0x710];
	v7 =	vmul.f32 v62, v59;
	[tilespmem:s20+$0x6A0] =	vst v11  }
0xd3: {  	v23 =	vld [tilespmem:s20+$0x750];
	v8 =	vmul.f32 v63, v22;
	[tilespmem:s20+$0x6E0] =	vst v9  }
0xd4: {  	v24 =	vld [tilespmem:s20+$0x760];
	v10 =	vmul.f32 v19, v22;
	[tilespmem:s20+$0x6F0] =	vst v7  }
0xd5: {  	v25 =	vld [tilespmem:s20+$0x770];
	v12 =	vmul.f32 v20, v22;
	[tilespmem:s20+$0x700] =	vst v8  }
0xd6: {  	v27 =	vld [tilespmem:s20+$0x790];
	v13 =	vmul.f32 v21, v22;
	[tilespmem:s20+$0x720] =	vst v10  }
0xd7: {  	v28 =	vld [tilespmem:s20+$0x7A0];
	v11 =	vmul.f32 v18, v22;
	[tilespmem:s20+$0x730] =	vst v12  }
0xd8: {  	v29 =	vld [tilespmem:s20+$0x7B0];
	v9 =	vmul.f32 v23, v22;
	[tilespmem:s20+$0x740] =	vst v13  }
0xd9: {  	v31 =	vbroadcast v1, $0x7;
	v53 =	vld [tilespmem:s20+$0x900];
	v7 =	vmul.f32 v24, v22;
	[tilespmem:s20+$0x710] =	vst v11  }
0xda: {  	v57 =	vld [tilespmem:s20+$0x940];
	v8 =	vmul.f32 v25, v22;
	[tilespmem:s20+$0x750] =	vst v9  }
0xdb: {  	v58 =	vld [tilespmem:s20+$0x950];
	v10 =	vmul.f32 v27, v31;
	[tilespmem:s20+$0x760] =	vst v7  }
0xdc: {  	v26 =	vld [tilespmem:s20+$0x780];
	v12 =	vmul.f32 v28, v31;
	[tilespmem:s20+$0x770] =	vst v8  }
0xdd: {  	v30 =	vld [tilespmem:s20+$0x7C0];
	v13 =	vmul.f32 v29, v31;
	[tilespmem:s20+$0x790] =	vst v10  }
0xde: {  	v32 =	vld [tilespmem:s20+$0x7D0];
	v59 =	vmul.f32 v53, v5;
	[tilespmem:s20+$0x7A0] =	vst v12  }
0xdf: {  	v33 =	vld [tilespmem:s20+$0x7E0];
	v18 =	vmul.f32 v57, v5;
	[tilespmem:s20+$0x7B0] =	vst v13  }
0xe0: {  	v35 =	vld [tilespmem:s20+$0x800];
	v20 =	vmul.f32 v58, v5;
	[tilespmem:s20+$0x900] =	vst v59  }
0xe1: {  	v36 =	vld [tilespmem:s20+$0x810];
	v11 =	vmul.f32 v26, v31;
	[tilespmem:s20+$0x940] =	vst v18  }
0xe2: {  	v37 =	vld [tilespmem:s20+$0x820];
	v9 =	vmul.f32 v30, v31;
	[tilespmem:s20+$0x950] =	vst v20  }
0xe3: {  	v4 =	vld [tilespmem:s20+$0x980];
	v40 =	vbroadcast v1, $0x8;
	v7 =	vmul.f32 v32, v31;
	[tilespmem:s20+$0x780] =	vst v11  }
0xe4: {  	v6 =	vld [tilespmem:s20+$0x990];
	v8 =	vmul.f32 v33, v31;
	[tilespmem:s20+$0x7C0] =	vst v9  }
0xe5: {  	v3 =	vld [tilespmem:s20+$0xBD0];
	v10 =	vmul.f32 v35, v40;
	[tilespmem:s20+$0x7D0] =	vst v7  }
0xe6: {  	v61 =	vld [tilespmem:s20+$0x400];
	v23 =	vbroadcast v1, $0xB;
	v12 =	vmul.f32 v36, v40;
	[tilespmem:s20+$0x7E0] =	vst v8  }
0xe7: {  	v34 =	vld [tilespmem:s20+$0x7F0];
	v13 =	vmul.f32 v37, v40;
	[tilespmem:s20+$0x800] =	vst v10  }
0xe8: {  	v38 =	vld [tilespmem:s20+$0x830];
	v27 =	vbroadcast v1, $0xF;
	v4 =	vmul.f32 v4, v23;
	[tilespmem:s20+$0x810] =	vst v12  }
0xe9: {  	v39 =	vld [tilespmem:s20+$0x840];
	v6 =	vmul.f32 v6, v23;
	[tilespmem:s20+$0x820] =	vst v13  }
0xea: {  	v41 =	vld [tilespmem:s20+$0x850];
	v3 =	vmul.f32 v3, v27;
	[tilespmem:s20+$0x980] =	vst v4  }
0xeb: {  	v43 =	vld [tilespmem:s20+$0x870];
	v24 =	vmul.f32 v2, v61;
	[tilespmem:s20+$0x990] =	vst v6  }
0xec: {  	v44 =	vld [tilespmem:s20+$0x880];
	v11 =	vmul.f32 v34, v31;
	[tilespmem:s20+$0xBD0] =	vst v3  }
0xed: {  	v45 =	vld [tilespmem:s20+$0x890];
	v9 =	vmul.f32 v38, v40;
	[tilespmem:s20+$0x400] =	vst v24  }
0xee: {  	v63 =	vld [tilespmem:s20+$0x440];
	v7 =	vmul.f32 v39, v40;
	[tilespmem:s20+$0x7F0] =	vst v11  }
0xef: {  	v49 =	vbroadcast v1, $0x9;
	v29 =	vld [tilespmem:s20+$0x9F0];
	v8 =	vmul.f32 v41, v40;
	[tilespmem:s20+$0x830] =	vst v9  }
0xf0: {  	v42 =	vld [tilespmem:s20+$0x860];
	v10 =	vmul.f32 v43, v40;
	[tilespmem:s20+$0x840] =	vst v7  }
0xf1: {  	v46 =	vld [tilespmem:s20+$0x8A0];
	v12 =	vmul.f32 v44, v49;
	[tilespmem:s20+$0x850] =	vst v8  }
0xf2: {  	v47 =	vld [tilespmem:s20+$0x8B0];
	v13 =	vmul.f32 v45, v49;
	[tilespmem:s20+$0x870] =	vst v10  }
0xf3: {  	v48 =	vld [tilespmem:s20+$0x8C0];
	v3 =	vmul.f32 v63, v2;
	[tilespmem:s20+$0x880] =	vst v12  }
0xf4: {  	v51 =	vld [tilespmem:s20+$0x8E0];
	v6 =	vmul.f32 v29, v23;
	[tilespmem:s20+$0x890] =	vst v13  }
0xf5: {  	v52 =	vld [tilespmem:s20+$0x8F0];
	v11 =	vmul.f32 v42, v40;
	[tilespmem:s20+$0x440] =	vst v3  }
0xf6: {  	v28 =	vld [tilespmem:s20+$0x9E0];
	v9 =	vmul.f32 v46, v49;
	[tilespmem:s20+$0x9F0] =	vst v6  }
0xf7: {  	v26 =	vld [tilespmem:s20+$0x9D0];
	v7 =	vmul.f32 v47, v49;
	[tilespmem:s20+$0x860] =	vst v11  }
0xf8: {  	v30 =	vld [tilespmem:s20+$0xA00];
	v8 =	vmul.f32 v48, v49;
	[tilespmem:s20+$0x8A0] =	vst v9  }
0xf9: {  	v50 =	vld [tilespmem:s20+$0x8D0];
	v10 =	vmul.f32 v51, v49;
	[tilespmem:s20+$0x8B0] =	vst v7  }
0xfa: {  	v54 =	vld [tilespmem:s20+$0x910];
	v12 =	vmul.f32 v52, v49;
	[tilespmem:s20+$0x8C0] =	vst v8  }
0xfb: {  	v55 =	vld [tilespmem:s20+$0x920];
	v35 =	vbroadcast v1, $0xC;
	v40 =	vmul.f32 v28, v23;
	[tilespmem:s20+$0x8E0] =	vst v10  }
0xfc: {  	v56 =	vld [tilespmem:s20+$0x930];
	v32 =	vmul.f32 v26, v23;
	[tilespmem:s20+$0x8F0] =	vst v12  }
0xfd: {  	v60 =	vld [tilespmem:s20+$0x960];
	v15 =	vmul.f32 v30, v35;
	[tilespmem:s20+$0x9E0] =	vst v40  }
0xfe: {  	v62 =	vld [tilespmem:s20+$0x410];
	v11 =	vmul.f32 v50, v49;
	[tilespmem:s20+$0x9D0] =	vst v32  }
0xff: {  	v19 =	vld [tilespmem:s20+$0x450];
	v9 =	vmul.f32 v54, v5;
	[tilespmem:s20+$0xA00] =	vst v15  }
0x100: {  	v33 =	vld [tilespmem:s20+$0xA30];
	v7 =	vmul.f32 v55, v5;
	[tilespmem:s20+$0x8D0] =	vst v11  }
0x101: {  	v61 =	vld [tilespmem:s20+$0xBF0];
	v8 =	vmul.f32 v56, v5;
	[tilespmem:s20+$0x910] =	vst v9  }
0x102: {  	v38 =	vld [tilespmem:s20+$0xA70];
	v5 =	vmul.f32 v60, v5;
	[tilespmem:s20+$0x920] =	vst v7  }
0x103: {  	v21 =	vld [tilespmem:s20+$0x9A0];
	v12 =	vmul.f32 v62, v2;
	[tilespmem:s20+$0x930] =	vst v8  }
0x104: {  	v22 =	vld [tilespmem:s20+$0x9B0];
	v2 =	vmul.f32 v19, v2;
	[tilespmem:s20+$0x960] =	vst v5  }
0x105: {  	v25 =	vld [tilespmem:s20+$0x9C0];
	v62 =	vmul.f32 v33, v35;
	[tilespmem:s20+$0x410] =	vst v12  }
0x106: {  	v31 =	vld [tilespmem:s20+$0xA10];
	v63 =	vmul.f32 v61, v27;
	[tilespmem:s20+$0x450] =	vst v2  }
0x107: {  	v34 =	vld [tilespmem:s20+$0xA40];
	v15 =	vmul.f32 v38, v35;
	[tilespmem:s20+$0xA30] =	vst v62  }
0x108: {  	v41 =	vld [tilespmem:s20+$0xAA0];
	v7 =	vmul.f32 v21, v23;
	[tilespmem:s20+$0xBF0] =	vst v63  }
0x109: {  	v46 =	vld [tilespmem:s20+$0xAE0];
	v8 =	vmul.f32 v22, v23;
	[tilespmem:s20+$0xA70] =	vst v15  }
0x10a: {  	v36 =	vld [tilespmem:s20+$0xA50];
	v5 =	vmul.f32 v25, v23;
	[tilespmem:s20+$0x9A0] =	vst v7  }
0x10b: {  	v44 =	vbroadcast v1, $0xD;
	v9 =	vmul.f32 v31, v35;
	v2 =	vld [tilespmem:s20+$0xA90];
	[tilespmem:s20+$0x9B0] =	vst v8  }
0x10c: {  	v37 =	vld [tilespmem:s20+$0xA60];
	v12 =	vmul.f32 v34, v35;
	[tilespmem:s20+$0x9C0] =	vst v5  }
0x10d: {  	v39 =	vld [tilespmem:s20+$0xA80];
	v11 =	vmul.f32 v41, v44;
	[tilespmem:s20+$0xA10] =	vst v9  }
0x10e: {  	v42 =	vld [tilespmem:s20+$0xAB0];
	v51 =	vmul.f32 v46, v44;
	[tilespmem:s20+$0xA40] =	vst v12  }
0x10f: {  	v48 =	vld [tilespmem:s20+$0xB10];
	v8 =	vmul.f32 v36, v35;
	[tilespmem:s20+$0xAA0] =	vst v11  }
0x110: {  	v49 =	vld [tilespmem:s20+$0xB20];
	[tilespmem:s20+$0xAE0] =	vst v51;
	v2 =	vmul.f32 v2, v44  }
0x111: {  	v50 =	vld [tilespmem:s20+$0xB30];
	v5 =	vmul.f32 v37, v35;
	[tilespmem:s20+$0xA50] =	vst v8  }
0x112: {  	v1 =	vbroadcast v1, $0xE;
	v9 =	vmul.f32 v39, v44;
	[tilespmem:s20+$0xA90] =	vst v2;
	v2 =	vld [tilespmem:s20+$0xB00]  }
0x113: {  	v60 =	vld [tilespmem:s20+$0xBE0];
	v12 =	vmul.f32 v42, v44;
	[tilespmem:s20+$0xA60] =	vst v5  }
0x114: {  	v45 =	vld [tilespmem:s20+$0xAD0];
	v11 =	vmul.f32 v48, v1;
	[tilespmem:s20+$0xA80] =	vst v9  }
0x115: {  	v47 =	vld [tilespmem:s20+$0xAF0];
	v10 =	vmul.f32 v49, v1;
	[tilespmem:s20+$0xAB0] =	vst v12  }
0x116: {  	v43 =	vld [tilespmem:s20+$0xAC0];
	v6 =	vmul.f32 v50, v1;
	[tilespmem:s20+$0xB10] =	vst v11  }
0x117: {  	v55 =	vld [tilespmem:s20+$0xB80];
	[tilespmem:s20+$0xB20] =	vst v10;
	v2 =	vmul.f32 v2, v1  }
0x118: {  	v57 =	vld [tilespmem:s20+$0xBA0];
	v4 =	vmul.f32 v60, v27;
	[tilespmem:s20+$0xB30] =	vst v6  }
0x119: {  	v5 =	vmul.f32 v45, v44;
	[tilespmem:s20+$0xB00] =	vst v2;
	v2 =	vld [tilespmem:s20+$0xB70]  }
0x11a: {  	v52 =	vld [tilespmem:s20+$0xB40];
	v9 =	vmul.f32 v47, v44;
	[tilespmem:s20+$0xBE0] =	vst v4  }
0x11b: {  	v56 =	vld [tilespmem:s20+$0xB90];
	v8 =	vmul.f32 v43, v44;
	[tilespmem:s20+$0xAD0] =	vst v5  }
0x11c: {  	v54 =	vld [tilespmem:s20+$0xB60];
	v11 =	vmul.f32 v55, v27;
	[tilespmem:s20+$0xAF0] =	vst v9  }
0x11d: {  	v58 =	vld [tilespmem:s20+$0xBB0];
	v6 =	vmul.f32 v57, v27;
	[tilespmem:s20+$0xAC0] =	vst v8  }
0x11e: {  	v53 =	vld [tilespmem:s20+$0xB50];
	[tilespmem:s20+$0xB80] =	vst v11;
	v2 =	vmul.f32 v2, v1  }
0x11f: {  	v59 =	vld [tilespmem:s20+$0xBC0];
	v5 =	vmul.f32 v52, v1;
	[tilespmem:s20+$0xBA0] =	vst v6  }
0x120: {  	[tilespmem:s20+$0xB70] =	vst v2;
	v2 =	vmul.f32 v56, v27  }
0x121: {  	v3 =	vld [tilespmem:s20+$0xA20];
	v9 =	vmul.f32 v54, v1;
	[tilespmem:s20+$0xB40] =	vst v5  }
0x122: {  	[tilespmem:s20+$0xB90] =	vst v2;
	v2 =	vmul.f32 v58, v27  }
0x123: {  	[tilespmem:s20+$0xB60] =	vst v9;
	v1 =	vmul.f32 v53, v1  }
0x124: {  	[tilespmem:s20+$0xBB0] =	vst v2;
	v2 =	vmul.f32 v59, v27  }
0x125: {  	[tilespmem:s20+$0xB50] =	vst v1  }
0x126: {  	s21 =	simm.s32 $0x1;
	[tilespmem:s20+$0xBC0] =	vst v2;
	v2 =	vmul.f32 v3, v35  }
.LBB2_5:
0x127: {  	s22 =	sshll.u32 s21, $0x4  }
0x128: {  	p0 =	sne.s32 s21, $0x7;
	[tilespmem:s20+$0xA20] =	vst v2;
	s20 =	smov.u32 s21;
	s21 =	sadd.s32 $0x1, s21  }
0x129: {  	s22 =	sand.u32 $0x3FFFFFF0, s22  }
0x12a: {  	s20 =	sshll.u32 s20, $0xB;
	v1 =	vld [tilespmem:s22+$0x100]  }
0x12b: {  	s20 =	sand.u32 $0x3FFFF800, s20  }
0x12c: {  	v8 =	vld [tilespmem:s20+$0x4C0]  }
0x12d: {  	v9 =	vld [tilespmem:s20+$0x4D0]  }
0x12e: {  	v10 =	vld [tilespmem:s20+$0x4B0]  }
0x12f: {  	v2 =	vbroadcast v1, $0x0;
	v3 =	vld [tilespmem:s20+$0x420];
	v7 =	vbroadcast v1, $0x4  }
0x130: {  	v5 =	vld [tilespmem:s20+$0x430]  }
0x131: {  	v6 =	vld [tilespmem:s20+$0x970]  }
0x132: {  	v11 =	vld [tilespmem:s20+$0x460]  }
0x133: {  	v12 =	vld [tilespmem:s20+$0x470]  }
0x134: {  	v4 =	vbroadcast v1, $0xA;
	v3 =	vmul.f32 v3, v2;
	v13 =	vld [tilespmem:s20+$0x480]  }
0x135: {  	v5 =	vmul.f32 v5, v2;
	v14 =	vld [tilespmem:s20+$0x490]  }
0x136: {  	[tilespmem:s20+$0x420] =	vst v3;
	v15 =	vld [tilespmem:s20+$0x4A0];
	v3 =	vmul.f32 v6, v4  }
0x137: {  	[tilespmem:s20+$0x430] =	vst v5;
	v6 =	vmul.f32 v11, v2;
	v11 =	vbroadcast v1, $0x1;
	v5 =	vld [tilespmem:s20+$0x980]  }
0x138: {  	v12 =	vmul.f32 v12, v2;
	[tilespmem:s20+$0x970] =	vst v3;
	v3 =	vld [tilespmem:s20+$0xBD0]  }
0x139: {  	[tilespmem:s20+$0x460] =	vst v6;
	v13 =	vmul.f32 v13, v11;
	v6 =	vld [tilespmem:s20+$0x990]  }
0x13a: {  	[tilespmem:s20+$0x470] =	vst v12;
	v12 =	vmul.f32 v14, v11;
	v14 =	vld [tilespmem:s20+$0x4E0]  }
0x13b: {  	[tilespmem:s20+$0x480] =	vst v13;
	v13 =	vmul.f32 v15, v11;
	v15 =	vld [tilespmem:s20+$0x4F0]  }
0x13c: {  	v10 =	vmul.f32 v10, v11;
	[tilespmem:s20+$0x490] =	vst v12;
	v12 =	vld [tilespmem:s20+$0x500]  }
0x13d: {  	v8 =	vmul.f32 v8, v11;
	[tilespmem:s20+$0x4A0] =	vst v13;
	v13 =	vld [tilespmem:s20+$0x510]  }
0x13e: {  	v9 =	vmul.f32 v9, v11;
	[tilespmem:s20+$0x4B0] =	vst v10;
	v10 =	vld [tilespmem:s20+$0x520]  }
0x13f: {  	[tilespmem:s20+$0x4C0] =	vst v8;
	v8 =	vmul.f32 v14, v11;
	v14 =	vbroadcast v1, $0x2;
	v16 =	vld [tilespmem:s20+$0x530]  }
0x140: {  	[tilespmem:s20+$0x4D0] =	vst v9;
	v9 =	vmul.f32 v15, v11;
	v11 =	vld [tilespmem:s20+$0x540]  }
0x141: {  	[tilespmem:s20+$0x4E0] =	vst v8;
	v8 =	vmul.f32 v12, v14;
	v12 =	vld [tilespmem:s20+$0x550]  }
0x142: {  	[tilespmem:s20+$0x4F0] =	vst v9;
	v9 =	vmul.f32 v13, v14;
	v13 =	vld [tilespmem:s20+$0x560]  }
0x143: {  	[tilespmem:s20+$0x500] =	vst v8;
	v8 =	vmul.f32 v10, v14;
	v10 =	vld [tilespmem:s20+$0x570]  }
0x144: {  	[tilespmem:s20+$0x510] =	vst v9;
	v9 =	vmul.f32 v16, v14;
	v15 =	vld [tilespmem:s20+$0x580]  }
0x145: {  	[tilespmem:s20+$0x520] =	vst v8;
	v8 =	vmul.f32 v11, v14;
	v11 =	vld [tilespmem:s20+$0x590]  }
0x146: {  	[tilespmem:s20+$0x530] =	vst v9;
	v9 =	vmul.f32 v12, v14;
	v12 =	vld [tilespmem:s20+$0x5A0]  }
0x147: {  	[tilespmem:s20+$0x540] =	vst v8;
	v8 =	vmul.f32 v13, v14;
	v13 =	vbroadcast v1, $0x3;
	v16 =	vld [tilespmem:s20+$0x5B0]  }
0x148: {  	[tilespmem:s20+$0x550] =	vst v9;
	v9 =	vmul.f32 v10, v14;
	v10 =	vld [tilespmem:s20+$0x5C0]  }
0x149: {  	[tilespmem:s20+$0x560] =	vst v8;
	v8 =	vmul.f32 v15, v13;
	v14 =	vld [tilespmem:s20+$0x5D0]  }
0x14a: {  	[tilespmem:s20+$0x570] =	vst v9;
	v9 =	vmul.f32 v11, v13;
	v11 =	vld [tilespmem:s20+$0x5E0]  }
0x14b: {  	[tilespmem:s20+$0x580] =	vst v8;
	v8 =	vmul.f32 v12, v13;
	v12 =	vld [tilespmem:s20+$0x5F0]  }
0x14c: {  	[tilespmem:s20+$0x590] =	vst v9;
	v9 =	vmul.f32 v16, v13;
	v15 =	vld [tilespmem:s20+$0x600]  }
0x14d: {  	[tilespmem:s20+$0x5A0] =	vst v8;
	v8 =	vmul.f32 v10, v13;
	v10 =	vld [tilespmem:s20+$0x610]  }
0x14e: {  	[tilespmem:s20+$0x5B0] =	vst v9;
	v9 =	vmul.f32 v14, v13;
	v14 =	vld [tilespmem:s20+$0x620]  }
0x14f: {  	[tilespmem:s20+$0x5C0] =	vst v8;
	v8 =	vmul.f32 v11, v13;
	v11 =	vld [tilespmem:s20+$0x630]  }
0x150: {  	[tilespmem:s20+$0x5D0] =	vst v9;
	v9 =	vmul.f32 v12, v13;
	v12 =	vld [tilespmem:s20+$0x640]  }
0x151: {  	[tilespmem:s20+$0x5E0] =	vst v8;
	v8 =	vmul.f32 v15, v7;
	v13 =	vld [tilespmem:s20+$0x650]  }
0x152: {  	[tilespmem:s20+$0x5F0] =	vst v9;
	v9 =	vmul.f32 v10, v7;
	v10 =	vld [tilespmem:s20+$0x660]  }
0x153: {  	[tilespmem:s20+$0x600] =	vst v8;
	v8 =	vmul.f32 v14, v7;
	v14 =	vld [tilespmem:s20+$0x670]  }
0x154: {  	[tilespmem:s20+$0x610] =	vst v9;
	v9 =	vmul.f32 v11, v7;
	v11 =	vld [tilespmem:s20+$0x680]  }
0x155: {  	[tilespmem:s20+$0x620] =	vst v8;
	v8 =	vmul.f32 v12, v7;
	v12 =	vld [tilespmem:s20+$0x690]  }
0x156: {  	[tilespmem:s20+$0x630] =	vst v9;
	v9 =	vmul.f32 v13, v7;
	v13 =	vld [tilespmem:s20+$0x6A0]  }
0x157: {  	[tilespmem:s20+$0x640] =	vst v8;
	v8 =	vmul.f32 v10, v7;
	v10 =	vbroadcast v1, $0x5;
	v15 =	vld [tilespmem:s20+$0x6B0]  }
0x158: {  	[tilespmem:s20+$0x650] =	vst v9;
	v7 =	vmul.f32 v14, v7;
	v9 =	vld [tilespmem:s20+$0x6C0]  }
0x159: {  	[tilespmem:s20+$0x660] =	vst v8;
	v8 =	vmul.f32 v11, v10;
	v11 =	vld [tilespmem:s20+$0x6D0]  }
0x15a: {  	[tilespmem:s20+$0x670] =	vst v7;
	v7 =	vmul.f32 v12, v10;
	v12 =	vld [tilespmem:s20+$0x6E0]  }
0x15b: {  	[tilespmem:s20+$0x680] =	vst v8;
	v8 =	vmul.f32 v13, v10;
	v13 =	vld [tilespmem:s20+$0x6F0]  }
0x15c: {  	[tilespmem:s20+$0x690] =	vst v7;
	v7 =	vmul.f32 v15, v10;
	v14 =	vld [tilespmem:s20+$0x700]  }
0x15d: {  	[tilespmem:s20+$0x6A0] =	vst v8;
	v8 =	vmul.f32 v9, v10;
	v9 =	vld [tilespmem:s20+$0x710]  }
0x15e: {  	[tilespmem:s20+$0x6B0] =	vst v7;
	v7 =	vmul.f32 v11, v10;
	v11 =	vld [tilespmem:s20+$0x720]  }
0x15f: {  	[tilespmem:s20+$0x6C0] =	vst v8;
	v8 =	vmul.f32 v12, v10;
	v12 =	vbroadcast v1, $0x6;
	v15 =	vld [tilespmem:s20+$0x730]  }
0x160: {  	[tilespmem:s20+$0x6D0] =	vst v7;
	v7 =	vmul.f32 v13, v10;
	v10 =	vld [tilespmem:s20+$0x740]  }
0x161: {  	[tilespmem:s20+$0x6E0] =	vst v8;
	v8 =	vmul.f32 v14, v12;
	v13 =	vld [tilespmem:s20+$0x750]  }
0x162: {  	[tilespmem:s20+$0x6F0] =	vst v7;
	v7 =	vmul.f32 v9, v12;
	v9 =	vld [tilespmem:s20+$0x760]  }
0x163: {  	[tilespmem:s20+$0x700] =	vst v8;
	v8 =	vmul.f32 v11, v12;
	v11 =	vld [tilespmem:s20+$0x770]  }
0x164: {  	[tilespmem:s20+$0x710] =	vst v7;
	v7 =	vmul.f32 v15, v12;
	v14 =	vld [tilespmem:s20+$0x780]  }
0x165: {  	[tilespmem:s20+$0x720] =	vst v8;
	v8 =	vmul.f32 v10, v12;
	v10 =	vld [tilespmem:s20+$0x790]  }
0x166: {  	[tilespmem:s20+$0x730] =	vst v7;
	v7 =	vmul.f32 v13, v12;
	v13 =	vld [tilespmem:s20+$0x7A0]  }
0x167: {  	[tilespmem:s20+$0x740] =	vst v8;
	v8 =	vmul.f32 v9, v12;
	v9 =	vbroadcast v1, $0x7;
	v15 =	vld [tilespmem:s20+$0x7B0]  }
0x168: {  	[tilespmem:s20+$0x750] =	vst v7;
	v7 =	vmul.f32 v11, v12;
	v11 =	vld [tilespmem:s20+$0x7C0]  }
0x169: {  	[tilespmem:s20+$0x760] =	vst v8;
	v8 =	vmul.f32 v14, v9;
	v12 =	vld [tilespmem:s20+$0x7D0]  }
0x16a: {  	[tilespmem:s20+$0x770] =	vst v7;
	v7 =	vmul.f32 v10, v9;
	v10 =	vld [tilespmem:s20+$0x7E0]  }
0x16b: {  	[tilespmem:s20+$0x780] =	vst v8;
	v8 =	vmul.f32 v13, v9;
	v13 =	vld [tilespmem:s20+$0x7F0]  }
0x16c: {  	[tilespmem:s20+$0x790] =	vst v7;
	v7 =	vmul.f32 v15, v9;
	v14 =	vld [tilespmem:s20+$0x800]  }
0x16d: {  	[tilespmem:s20+$0x7A0] =	vst v8;
	v8 =	vmul.f32 v11, v9;
	v11 =	vld [tilespmem:s20+$0x810]  }
0x16e: {  	[tilespmem:s20+$0x7B0] =	vst v7;
	v7 =	vmul.f32 v12, v9;
	v12 =	vld [tilespmem:s20+$0x820]  }
0x16f: {  	[tilespmem:s20+$0x7C0] =	vst v8;
	v8 =	vmul.f32 v10, v9;
	v10 =	vbroadcast v1, $0x8;
	v15 =	vld [tilespmem:s20+$0x830]  }
0x170: {  	[tilespmem:s20+$0x7D0] =	vst v7;
	v7 =	vmul.f32 v13, v9;
	v9 =	vld [tilespmem:s20+$0x840]  }
0x171: {  	[tilespmem:s20+$0x7E0] =	vst v8;
	v8 =	vmul.f32 v14, v10;
	v13 =	vld [tilespmem:s20+$0x850]  }
0x172: {  	[tilespmem:s20+$0x7F0] =	vst v7;
	v7 =	vmul.f32 v11, v10;
	v11 =	vld [tilespmem:s20+$0x860]  }
0x173: {  	[tilespmem:s20+$0x800] =	vst v8;
	v8 =	vmul.f32 v12, v10;
	v12 =	vld [tilespmem:s20+$0x870]  }
0x174: {  	[tilespmem:s20+$0x810] =	vst v7;
	v7 =	vmul.f32 v15, v10;
	v14 =	vld [tilespmem:s20+$0x880]  }
0x175: {  	[tilespmem:s20+$0x820] =	vst v8;
	v8 =	vmul.f32 v9, v10;
	v9 =	vld [tilespmem:s20+$0x890]  }
0x176: {  	[tilespmem:s20+$0x830] =	vst v7;
	v7 =	vmul.f32 v13, v10;
	v13 =	vld [tilespmem:s20+$0x8A0]  }
0x177: {  	[tilespmem:s20+$0x840] =	vst v8;
	v8 =	vmul.f32 v11, v10;
	v11 =	vbroadcast v1, $0x9;
	v15 =	vld [tilespmem:s20+$0x8B0]  }
0x178: {  	[tilespmem:s20+$0x850] =	vst v7;
	v7 =	vmul.f32 v12, v10;
	v10 =	vld [tilespmem:s20+$0x8C0]  }
0x179: {  	[tilespmem:s20+$0x860] =	vst v8;
	v8 =	vmul.f32 v14, v11;
	v12 =	vld [tilespmem:s20+$0x8D0]  }
0x17a: {  	[tilespmem:s20+$0x870] =	vst v7;
	v7 =	vmul.f32 v9, v11;
	v9 =	vld [tilespmem:s20+$0x8E0]  }
0x17b: {  	[tilespmem:s20+$0x880] =	vst v8;
	v8 =	vmul.f32 v13, v11;
	v13 =	vld [tilespmem:s20+$0x8F0]  }
0x17c: {  	[tilespmem:s20+$0x890] =	vst v7;
	v7 =	vmul.f32 v15, v11;
	v14 =	vld [tilespmem:s20+$0x900]  }
0x17d: {  	[tilespmem:s20+$0x8A0] =	vst v8;
	v8 =	vmul.f32 v10, v11;
	v10 =	vld [tilespmem:s20+$0x910]  }
0x17e: {  	[tilespmem:s20+$0x8B0] =	vst v7;
	v7 =	vmul.f32 v12, v11;
	v12 =	vld [tilespmem:s20+$0x920]  }
0x17f: {  	[tilespmem:s20+$0x8C0] =	vst v8;
	v8 =	vmul.f32 v9, v11;
	v9 =	vld [tilespmem:s20+$0x930]  }
0x180: {  	[tilespmem:s20+$0x8D0] =	vst v7;
	v7 =	vmul.f32 v13, v11;
	v11 =	vld [tilespmem:s20+$0x940]  }
0x181: {  	[tilespmem:s20+$0x8E0] =	vst v8;
	v8 =	vmul.f32 v14, v4;
	v13 =	vld [tilespmem:s20+$0x950]  }
0x182: {  	[tilespmem:s20+$0x8F0] =	vst v7;
	v7 =	vmul.f32 v10, v4;
	v10 =	vld [tilespmem:s20+$0x960]  }
0x183: {  	v14 =	vld [tilespmem:s20+$0x400];
	[tilespmem:s20+$0x900] =	vst v8;
	v8 =	vmul.f32 v12, v4  }
0x184: {  	v12 =	vld [tilespmem:s20+$0x410];
	[tilespmem:s20+$0x910] =	vst v7;
	v7 =	vmul.f32 v9, v4  }
0x185: {  	v9 =	vld [tilespmem:s20+$0x440];
	[tilespmem:s20+$0x920] =	vst v8;
	v8 =	vmul.f32 v11, v4  }
0x186: {  	v11 =	vld [tilespmem:s20+$0x450];
	[tilespmem:s20+$0x930] =	vst v7;
	v7 =	vmul.f32 v13, v4  }
0x187: {  	[tilespmem:s20+$0x940] =	vst v8;
	v8 =	vmul.f32 v10, v4;
	v10 =	vbroadcast v1, $0xB;
	v13 =	vld [tilespmem:s20+$0x9A0]  }
0x188: {  	v4 =	vbroadcast v1, $0xF;
	v14 =	vmul.f32 v2, v14;
	[tilespmem:s20+$0x950] =	vst v7;
	v7 =	vld [tilespmem:s20+$0x9B0]  }
0x189: {  	v12 =	vmul.f32 v12, v2;
	[tilespmem:s20+$0x960] =	vst v8;
	v5 =	vmul.f32 v5, v10;
	v8 =	vld [tilespmem:s20+$0x9C0]  }
0x18a: {  	v6 =	vmul.f32 v6, v10;
	[tilespmem:s20+$0x400] =	vst v14;
	v9 =	vmul.f32 v9, v2;
	v14 =	vld [tilespmem:s20+$0x9D0]  }
0x18b: {  	v3 =	vmul.f32 v3, v4;
	v11 =	vmul.f32 v11, v2;
	[tilespmem:s20+$0x980] =	vst v5;
	v2 =	vld [tilespmem:s20+$0x9E0]  }
0x18c: {  	[tilespmem:s20+$0x990] =	vst v6;
	v5 =	vmul.f32 v13, v10;
	v6 =	vld [tilespmem:s20+$0x9F0]  }
0x18d: {  	v7 =	vmul.f32 v7, v10;
	v13 =	vld [tilespmem:s20+$0xA00];
	[tilespmem:s20+$0xBD0] =	vst v3  }
0x18e: {  	[tilespmem:s20+$0x410] =	vst v12;
	v3 =	vmul.f32 v8, v10;
	v8 =	vld [tilespmem:s20+$0xA10]  }
0x18f: {  	[tilespmem:s20+$0x440] =	vst v9;
	v9 =	vmul.f32 v14, v10;
	v12 =	vld [tilespmem:s20+$0xA20]  }
0x190: {  	v14 =	vbroadcast v1, $0xC;
	[tilespmem:s20+$0x9A0] =	vst v5;
	v5 =	vmul.f32 v2, v10;
	v15 =	vld [tilespmem:s20+$0xA30]  }
0x191: {  	[tilespmem:s20+$0x9D0] =	vst v9;
	v6 =	vmul.f32 v6, v10;
	v9 =	vld [tilespmem:s20+$0xA40]  }
0x192: {  	[tilespmem:s20+$0x9B0] =	vst v7;
	v2 =	vmul.f32 v13, v14;
	v7 =	vld [tilespmem:s20+$0xA50]  }
0x193: {  	[tilespmem:s20+$0x9C0] =	vst v3;
	v3 =	vmul.f32 v8, v14;
	v8 =	vld [tilespmem:s20+$0xA60]  }
0x194: {  	[tilespmem:s20+$0xA00] =	vst v2;
	v2 =	vmul.f32 v12, v14;
	v10 =	vld [tilespmem:s20+$0xA70]  }
0x195: {  	[tilespmem:s20+$0xA10] =	vst v3;
	v3 =	vld [tilespmem:s20+$0xA80]  }
0x196: {  	[tilespmem:s20+$0x450] =	vst v11;
	v9 =	vmul.f32 v9, v14;
	v11 =	vld [tilespmem:s20+$0xA90]  }
0x197: {  	[tilespmem:s20+$0x9E0] =	vst v5;
	v5 =	vmul.f32 v7, v14;
	v7 =	vld [tilespmem:s20+$0xAA0]  }
0x198: {  	[tilespmem:s20+$0xA40] =	vst v9;
	v8 =	vmul.f32 v8, v14;
	v9 =	vbroadcast v1, $0xD;
	v12 =	vld [tilespmem:s20+$0xAB0]  }
0x199: {  	[tilespmem:s20+$0xA50] =	vst v5;
	v5 =	vmul.f32 v10, v14;
	v10 =	vld [tilespmem:s20+$0xAC0]  }
0x19a: {  	[tilespmem:s20+$0xA60] =	vst v8;
	v3 =	vmul.f32 v3, v9;
	v8 =	vld [tilespmem:s20+$0xAD0]  }
0x19b: {  	[tilespmem:s20+$0xA70] =	vst v5;
	v5 =	vmul.f32 v11, v9;
	v11 =	vld [tilespmem:s20+$0xAE0]  }
0x19c: {  	[tilespmem:s20+$0xA80] =	vst v3;
	v3 =	vmul.f32 v7, v9;
	v7 =	vld [tilespmem:s20+$0xAF0]  }
0x19d: {  	[tilespmem:s20+$0xA90] =	vst v5;
	v5 =	vmul.f32 v12, v9;
	v12 =	vld [tilespmem:s20+$0xB00]  }
0x19e: {  	[tilespmem:s20+$0xAA0] =	vst v3;
	v3 =	vmul.f32 v10, v9;
	v10 =	vld [tilespmem:s20+$0xB10]  }
0x19f: {  	[tilespmem:s20+$0xAB0] =	vst v5;
	v5 =	vmul.f32 v8, v9;
	v8 =	vld [tilespmem:s20+$0xB20]  }
0x1a0: {  	v1 =	vbroadcast v1, $0xE;
	[tilespmem:s20+$0x9F0] =	vst v6;
	v6 =	vmul.f32 v11, v9;
	v11 =	vld [tilespmem:s20+$0xB30]  }
0x1a1: {  	[tilespmem:s20+$0xAD0] =	vst v5;
	v5 =	vmul.f32 v7, v9;
	v7 =	vld [tilespmem:s20+$0xB40]  }
0x1a2: {  	[tilespmem:s20+$0xAE0] =	vst v6;
	v6 =	vmul.f32 v12, v1;
	v9 =	vld [tilespmem:s20+$0xB50]  }
0x1a3: {  	[tilespmem:s20+$0xAF0] =	vst v5;
	v5 =	vmul.f32 v10, v1;
	v10 =	vld [tilespmem:s20+$0xB60]  }
0x1a4: {  	[tilespmem:s20+$0xB00] =	vst v6;
	v6 =	vmul.f32 v8, v1;
	v8 =	vld [tilespmem:s20+$0xB70]  }
0x1a5: {  	[tilespmem:s20+$0xB10] =	vst v5;
	v5 =	vmul.f32 v11, v1;
	v11 =	vld [tilespmem:s20+$0xB80]  }
0x1a6: {  	[tilespmem:s20+$0xB20] =	vst v6;
	v6 =	vmul.f32 v7, v1;
	v7 =	vld [tilespmem:s20+$0xB90]  }
0x1a7: {  	[tilespmem:s20+$0xB30] =	vst v5;
	v5 =	vmul.f32 v9, v1;
	v9 =	vld [tilespmem:s20+$0xBA0]  }
0x1a8: {  	[tilespmem:s20+$0xB40] =	vst v6;
	v6 =	vmul.f32 v10, v1;
	v10 =	vld [tilespmem:s20+$0xBB0]  }
0x1a9: {  	[tilespmem:s20+$0xAC0] =	vst v3;
	v1 =	vmul.f32 v8, v1;
	v3 =	vld [tilespmem:s20+$0xBC0]  }
0x1aa: {  	[tilespmem:s20+$0xB60] =	vst v6;
	v6 =	vmul.f32 v11, v4;
	v8 =	vld [tilespmem:s20+$0xBE0]  }
0x1ab: {  	[tilespmem:s20+$0xB70] =	vst v1;
	v1 =	vmul.f32 v7, v4;
	v7 =	vld [tilespmem:s20+$0xBF0]  }
0x1ac: {  	[tilespmem:s20+$0xB80] =	vst v6;
	v6 =	vmul.f32 v9, v4  }
0x1ad: {  	[tilespmem:s20+$0xB90] =	vst v1;
	v1 =	vmul.f32 v10, v4  }
0x1ae: {  	v9 =	vmul.f32 v15, v14;
	[tilespmem:s20+$0xBA0] =	vst v6  }
0x1af: {  	[tilespmem:s20+$0xBB0] =	vst v1;
	v1 =	vmul.f32 v3, v4  }
.Ltmp3:
0x1b0: {  	[tilespmem:s20+$0xA30] =	vst v9;
	v3 =	vmul.f32 v7, v4;
	(pc) =	sbr.rel @p0 .LBB2_5-.Ltmp3, $4  }
0x1b1: {  	[tilespmem:s20+$0xBC0] =	vst v1  }
0x1b2: {  	v1 =	vmul.f32 v8, v4;
	[tilespmem:s20+$0xBF0] =	vst v3  }
0x1b3: {  	[tilespmem:s20+$0xB50] =	vst v5  }
0x1b4: {  	[tilespmem:s20+$0xBE0] =	vst v1  }
0x1b5: {  	[tilespmem:s20+$0xA20] =	vst v2  }
0x1b6: {  	[spmem:s2] =	stream.indirect.scatter.add.f32 [tilespmem:s24], [sflag:$0x7], $0x80, s14, s30, $0xb8;
	[tilespmem:$0x1C400] =	vst v63  }
0x1b7: {  	_ =	swait.ge [sflag:s25], $0x4000  }
0x1b8: {  	p0 =	seq.s32 s19, $0x27;
	[sflag:s25] =	ssyncset.done $0x0  }
0x1b9: {  	s20 =	sshll.u32 s19, $0x8;
	s21 =	simm.s32 @p0 $0x2;
	[sflag:s25] =	ssyncadd.s32 $0xFFFFC000  }
0x1ba: {  	s22 =	sadd.s32 @!p0 s20, s16;
	_ =	swait.ge @p0 [sflag:s21], $0x4000  }
0x1bb: {  	s22 =	sshrl.u32 @!p0 s22, $0x3;
	[sflag:s21] =	ssyncset.done @p0 $0x0  }
0x1bc: {  	s23 =	simm.s32 @!p0 $0x0;
	[sflag:s21] =	ssyncadd.s32 @p0 $0xFFFFC000;
	s21 =	sadd.s32 @!p0 s5, s22  }
0x1bd: {  	[tilespmem:s23], [sflag:$0x3] =	stream.linear.gather @!p0 [hbm4b:s21+s23], $0x80, $0x38;
	[tilespmem:$0x1C400] =	vst v63  }
0x1be: {  	s21 =	sadd.s32 @!p0 s6, s22;
	s22 =	simm.s32 @!p0 $0x100  }
0x1bf: {  	[tilespmem:s22], [sflag:$0x5] =	stream.linear.gather @!p0 [hbm4b:s21+s23], $0x80, $0x38;
	[tilespmem:$0x1C400] =	vst v63  }
0x1c0: {  	s21 =	simm.s32 @!p0 $0x2  }
0x1c1: {  	_ =	swait.ge @!p0 [sflag:s21], $0x4000  }
0x1c2: {  	[sflag:s21] =	ssyncset.done @!p0 $0x0  }
0x1c3: {  	[sflag:s21] =	ssyncadd.s32 @!p0 $0xFFFFC000;
	s21 =	simm.s32 @!p0 $0x3  }
0x1c4: {  	_ =	swait.ge @!p0 [sflag:s21], $0x80  }
0x1c5: {  	[sflag:s21] =	ssyncset.done @!p0 $0x0  }
0x1c6: {  	[sflag:s21] =	ssyncadd.s32 @!p0 $0xFFFFFF80;
	s21 =	simm.s32 @!p0 $0x5  }
0x1c7: {  	_ =	swait.ge @!p0 [sflag:s21], $0x80  }
0x1c8: {  	[sflag:s21] =	ssyncset.done @!p0 $0x0  }
0x1c9: {  	[sflag:s21] =	ssyncadd.s32 @!p0 $0xFFFFFF80  }
0x1ca: {  	v1 =	vld @!p0 [tilespmem:$0x0];
	_ =	sdelay $0x1  }
0x1cb: {  	v2 =	vld @!p0 [tilespmem:$0x10];
	_ =	sdelay $0x1  }
0x1cc: {  	v3 =	vld @!p0 [tilespmem:$0x20]  }
0x1cd: {  	v4 =	vand.u32 @!p0 $0xFFFF, v1  }
0x1ce: {  	v1 =	vshra.s32 @!p0 v1, $0x10;
	[tilespmem:$0x200] =	vst @!p0 v4;
	v4 =	vld @!p0 [tilespmem:$0x30]  }
0x1cf: {  	[tilespmem:$0x300] =	vst @!p0 v1;
	v1 =	vand.u32 @!p0 $0xFFFF, v2  }
0x1d0: {  	[tilespmem:$0x210] =	vst @!p0 v1;
	v1 =	vshra.s32 @!p0 v2, $0x10;
	v2 =	vld @!p0 [tilespmem:$0x40]  }
0x1d1: {  	[tilespmem:$0x310] =	vst @!p0 v1;
	v1 =	vand.u32 @!p0 $0xFFFF, v3  }
0x1d2: {  	[tilespmem:$0x220] =	vst @!p0 v1;
	v1 =	vshra.s32 @!p0 v3, $0x10;
	v3 =	vld @!p0 [tilespmem:$0x50]  }
0x1d3: {  	[tilespmem:$0x320] =	vst @!p0 v1;
	v1 =	vand.u32 @!p0 $0xFFFF, v4  }
0x1d4: {  	[tilespmem:$0x230] =	vst @!p0 v1;
	v1 =	vshra.s32 @!p0 v4, $0x10;
	v4 =	vld @!p0 [tilespmem:$0x60]  }
0x1d5: {  	[tilespmem:$0x330] =	vst @!p0 v1;
	v1 =	vand.u32 @!p0 $0xFFFF, v2  }
0x1d6: {  	[tilespmem:$0x240] =	vst @!p0 v1;
	v1 =	vshra.s32 @!p0 v2, $0x10;
	v2 =	vld @!p0 [tilespmem:$0x70]  }
0x1d7: {  	[tilespmem:$0x340] =	vst @!p0 v1;
	v1 =	vand.u32 @!p0 $0xFFFF, v3  }
0x1d8: {  	[tilespmem:$0x250] =	vst @!p0 v1;
	v1 =	vshra.s32 @!p0 v3, $0x10  }
0x1d9: {  	[tilespmem:$0x350] =	vst @!p0 v1;
	v1 =	vand.u32 @!p0 $0xFFFF, v4  }
0x1da: {  	[tilespmem:$0x260] =	vst @!p0 v1;
	v1 =	vshra.s32 @!p0 v4, $0x10  }
0x1db: {  	[tilespmem:$0x360] =	vst @!p0 v1;
	v1 =	vand.u32 @!p0 $0xFFFF, v2  }
0x1dc: {  	[tilespmem:$0x270] =	vst @!p0 v1;
	v1 =	vshra.s32 @!p0 v2, $0x10  }
0x1dd: {  	s22 =	simm.s32 @!p0 $0x200;
	s23 =	simm.s32 @!p0 $0x400;
	s21 =	simm.s32 @!p0 $0x80;
	[tilespmem:$0x370] =	vst @!p0 v1  }
0x1de: {  	[tilespmem:s23], [sflag:$0x1] =	stream.indirect.gather @!p0 [hbm4b:s1+s21], $0x80, s22, s21, $0xb8;
	[tilespmem:$0x1C400] =	vst v63  }
0x1df: {  	s22 =	simm.s32 $0x0  }
0x1e0: {  	s21 =	sand.u32 $0x3FFFFFF0, s22  }
0x1e1: {  	s23 =	simm.s32 $0x0;
	v1 =	vld [tilespmem:s21+$0x180]  }
0x1e2: {  	s21 =	sand.u32 $0x3FFFF800, s23  }
0x1e3: {  	v3 =	vld [tilespmem:s21+$0x4420]  }
0x1e4: {  	v21 =	vld [tilespmem:s21+$0x4430]  }
0x1e5: {  	v10 =	vld [tilespmem:s21+$0x4460]  }
0x1e6: {  	v11 =	vld [tilespmem:s21+$0x4470];
	v2 =	vbroadcast v1, $0x0  }
0x1e7: {  	v12 =	vld [tilespmem:s21+$0x4480]  }
0x1e8: {  	v13 =	vld [tilespmem:s21+$0x4490];
	v3 =	vmul.f32 v3, v2  }
0x1e9: {  	v14 =	vld [tilespmem:s21+$0x44A0];
	v4 =	vmul.f32 v21, v2  }
0x1ea: {  	v9 =	vld [tilespmem:s21+$0x44B0];
	v23 =	vbroadcast v1, $0x1;
	v22 =	vmul.f32 v10, v2;
	[tilespmem:s21+$0x4420] =	vst v3  }
0x1eb: {  	v7 =	vld [tilespmem:s21+$0x44C0];
	v11 =	vmul.f32 v11, v2;
	[tilespmem:s21+$0x4430] =	vst v4  }
0x1ec: {  	v8 =	vld [tilespmem:s21+$0x44D0];
	v12 =	vmul.f32 v12, v23;
	[tilespmem:s21+$0x4460] =	vst v22  }
0x1ed: {  	v25 =	vld [tilespmem:s21+$0x44F0];
	v13 =	vmul.f32 v13, v23;
	[tilespmem:s21+$0x4470] =	vst v11  }
0x1ee: {  	v26 =	vld [tilespmem:s21+$0x4500];
	v14 =	vmul.f32 v14, v23;
	[tilespmem:s21+$0x4480] =	vst v12  }
0x1ef: {  	v27 =	vld [tilespmem:s21+$0x4510];
	v9 =	vmul.f32 v9, v23;
	[tilespmem:s21+$0x4490] =	vst v13  }
0x1f0: {  	v6 =	vld [tilespmem:s21+$0x4970];
	v7 =	vmul.f32 v7, v23;
	[tilespmem:s21+$0x44A0] =	vst v14  }
0x1f1: {  	v24 =	vld [tilespmem:s21+$0x44E0];
	v15 =	vbroadcast v1, $0x2;
	v8 =	vmul.f32 v8, v23;
	[tilespmem:s21+$0x44B0] =	vst v9  }
0x1f2: {  	v28 =	vld [tilespmem:s21+$0x4520];
	v10 =	vmul.f32 v25, v23;
	[tilespmem:s21+$0x44C0] =	vst v7  }
0x1f3: {  	v29 =	vld [tilespmem:s21+$0x4530];
	v5 =	vbroadcast v1, $0xA;
	v32 =	vmul.f32 v26, v15;
	[tilespmem:s21+$0x44D0] =	vst v8  }
0x1f4: {  	v30 =	vld [tilespmem:s21+$0x4540];
	v34 =	vmul.f32 v27, v15;
	[tilespmem:s21+$0x44F0] =	vst v10  }
0x1f5: {  	v33 =	vld [tilespmem:s21+$0x4560];
	v3 =	vmul.f32 v6, v5;
	[tilespmem:s21+$0x4500] =	vst v32  }
0x1f6: {  	v35 =	vld [tilespmem:s21+$0x4570];
	v11 =	vmul.f32 v24, v23;
	[tilespmem:s21+$0x4510] =	vst v34  }
0x1f7: {  	v36 =	vld [tilespmem:s21+$0x4580];
	v9 =	vmul.f32 v28, v15;
	[tilespmem:s21+$0x4970] =	vst v3  }
0x1f8: {  	v31 =	vld [tilespmem:s21+$0x4550];
	v7 =	vmul.f32 v29, v15;
	[tilespmem:s21+$0x44E0] =	vst v11  }
0x1f9: {  	v37 =	vld [tilespmem:s21+$0x4590];
	v8 =	vmul.f32 v30, v15;
	[tilespmem:s21+$0x4520] =	vst v9  }
0x1fa: {  	v38 =	vld [tilespmem:s21+$0x45A0];
	v41 =	vbroadcast v1, $0x3;
	v10 =	vmul.f32 v33, v15;
	[tilespmem:s21+$0x4530] =	vst v7  }
0x1fb: {  	v39 =	vld [tilespmem:s21+$0x45B0];
	v12 =	vmul.f32 v35, v15;
	[tilespmem:s21+$0x4540] =	vst v8  }
0x1fc: {  	v42 =	vld [tilespmem:s21+$0x45D0];
	v13 =	vmul.f32 v36, v41;
	[tilespmem:s21+$0x4560] =	vst v10  }
0x1fd: {  	v43 =	vld [tilespmem:s21+$0x45E0];
	v11 =	vmul.f32 v31, v15;
	[tilespmem:s21+$0x4570] =	vst v12  }
0x1fe: {  	v44 =	vld [tilespmem:s21+$0x45F0];
	v9 =	vmul.f32 v37, v41;
	[tilespmem:s21+$0x4580] =	vst v13  }
0x1ff: {  	v40 =	vld [tilespmem:s21+$0x45C0];
	v7 =	vmul.f32 v38, v41;
	[tilespmem:s21+$0x4550] =	vst v11  }
0x200: {  	v45 =	vld [tilespmem:s21+$0x4600];
	v8 =	vmul.f32 v39, v41;
	[tilespmem:s21+$0x4590] =	vst v9  }
0x201: {  	v46 =	vld [tilespmem:s21+$0x4610];
	v10 =	vmul.f32 v42, v41;
	[tilespmem:s21+$0x45A0] =	vst v7  }
0x202: {  	v47 =	vld [tilespmem:s21+$0x4620];
	v12 =	vmul.f32 v43, v41;
	[tilespmem:s21+$0x45B0] =	vst v8  }
0x203: {  	v49 =	vld [tilespmem:s21+$0x4640];
	v50 =	vbroadcast v1, $0x4;
	v13 =	vmul.f32 v44, v41;
	[tilespmem:s21+$0x45D0] =	vst v10  }
0x204: {  	v51 =	vld [tilespmem:s21+$0x4650];
	v11 =	vmul.f32 v40, v41;
	[tilespmem:s21+$0x45E0] =	vst v12  }
0x205: {  	v52 =	vld [tilespmem:s21+$0x4660];
	v9 =	vmul.f32 v45, v50;
	[tilespmem:s21+$0x45F0] =	vst v13  }
0x206: {  	v48 =	vld [tilespmem:s21+$0x4630];
	v7 =	vmul.f32 v46, v50;
	[tilespmem:s21+$0x45C0] =	vst v11  }
0x207: {  	v53 =	vld [tilespmem:s21+$0x4670];
	v8 =	vmul.f32 v47, v50;
	[tilespmem:s21+$0x4600] =	vst v9  }
0x208: {  	v54 =	vld [tilespmem:s21+$0x4680];
	v10 =	vmul.f32 v49, v50;
	[tilespmem:s21+$0x4610] =	vst v7  }
0x209: {  	v55 =	vld [tilespmem:s21+$0x4690];
	v12 =	vmul.f32 v51, v50;
	[tilespmem:s21+$0x4620] =	vst v8  }
0x20a: {  	v57 =	vld [tilespmem:s21+$0x46B0];
	v13 =	vmul.f32 v52, v50;
	[tilespmem:s21+$0x4640] =	vst v10  }
0x20b: {  	v58 =	vld [tilespmem:s21+$0x46C0];
	v59 =	vbroadcast v1, $0x5;
	v11 =	vmul.f32 v48, v50;
	[tilespmem:s21+$0x4650] =	vst v12  }
0x20c: {  	v60 =	vld [tilespmem:s21+$0x46D0];
	v9 =	vmul.f32 v53, v50;
	[tilespmem:s21+$0x4660] =	vst v13  }
0x20d: {  	v56 =	vld [tilespmem:s21+$0x46A0];
	v7 =	vmul.f32 v54, v59;
	[tilespmem:s21+$0x4630] =	vst v11  }
0x20e: {  	v61 =	vld [tilespmem:s21+$0x46E0];
	v8 =	vmul.f32 v55, v59;
	[tilespmem:s21+$0x4670] =	vst v9  }
0x20f: {  	v62 =	vld [tilespmem:s21+$0x46F0];
	v10 =	vmul.f32 v57, v59;
	[tilespmem:s21+$0x4680] =	vst v7  }
0x210: {  	v63 =	vld [tilespmem:s21+$0x4700];
	v12 =	vmul.f32 v58, v59;
	[tilespmem:s21+$0x4690] =	vst v8  }
0x211: {  	v19 =	vld [tilespmem:s21+$0x4720];
	v13 =	vmul.f32 v60, v59;
	[tilespmem:s21+$0x46B0] =	vst v10  }
0x212: {  	v20 =	vld [tilespmem:s21+$0x4730];
	v11 =	vmul.f32 v56, v59;
	[tilespmem:s21+$0x46C0] =	vst v12  }
0x213: {  	v21 =	vld [tilespmem:s21+$0x4740];
	v22 =	vbroadcast v1, $0x6;
	v9 =	vmul.f32 v61, v59;
	[tilespmem:s21+$0x46D0] =	vst v13  }
0x214: {  	v18 =	vld [tilespmem:s21+$0x4710];
	v7 =	vmul.f32 v62, v59;
	[tilespmem:s21+$0x46A0] =	vst v11  }
0x215: {  	v23 =	vld [tilespmem:s21+$0x4750];
	v8 =	vmul.f32 v63, v22;
	[tilespmem:s21+$0x46E0] =	vst v9  }
0x216: {  	v24 =	vld [tilespmem:s21+$0x4760];
	v10 =	vmul.f32 v19, v22;
	[tilespmem:s21+$0x46F0] =	vst v7  }
0x217: {  	v25 =	vld [tilespmem:s21+$0x4770];
	v12 =	vmul.f32 v20, v22;
	[tilespmem:s21+$0x4700] =	vst v8  }
0x218: {  	v27 =	vld [tilespmem:s21+$0x4790];
	v13 =	vmul.f32 v21, v22;
	[tilespmem:s21+$0x4720] =	vst v10  }
0x219: {  	v28 =	vld [tilespmem:s21+$0x47A0];
	v11 =	vmul.f32 v18, v22;
	[tilespmem:s21+$0x4730] =	vst v12  }
0x21a: {  	v29 =	vld [tilespmem:s21+$0x47B0];
	v9 =	vmul.f32 v23, v22;
	[tilespmem:s21+$0x4740] =	vst v13  }
0x21b: {  	v31 =	vbroadcast v1, $0x7;
	v53 =	vld [tilespmem:s21+$0x4900];
	v7 =	vmul.f32 v24, v22;
	[tilespmem:s21+$0x4710] =	vst v11  }
0x21c: {  	v57 =	vld [tilespmem:s21+$0x4940];
	v8 =	vmul.f32 v25, v22;
	[tilespmem:s21+$0x4750] =	vst v9  }
0x21d: {  	v58 =	vld [tilespmem:s21+$0x4950];
	v10 =	vmul.f32 v27, v31;
	[tilespmem:s21+$0x4760] =	vst v7  }
0x21e: {  	v26 =	vld [tilespmem:s21+$0x4780];
	v12 =	vmul.f32 v28, v31;
	[tilespmem:s21+$0x4770] =	vst v8  }
0x21f: {  	v30 =	vld [tilespmem:s21+$0x47C0];
	v13 =	vmul.f32 v29, v31;
	[tilespmem:s21+$0x4790] =	vst v10  }
0x220: {  	v32 =	vld [tilespmem:s21+$0x47D0];
	v59 =	vmul.f32 v53, v5;
	[tilespmem:s21+$0x47A0] =	vst v12  }
0x221: {  	v33 =	vld [tilespmem:s21+$0x47E0];
	v18 =	vmul.f32 v57, v5;
	[tilespmem:s21+$0x47B0] =	vst v13  }
0x222: {  	v35 =	vld [tilespmem:s21+$0x4800];
	v20 =	vmul.f32 v58, v5;
	[tilespmem:s21+$0x4900] =	vst v59  }
0x223: {  	v36 =	vld [tilespmem:s21+$0x4810];
	v11 =	vmul.f32 v26, v31;
	[tilespmem:s21+$0x4940] =	vst v18  }
0x224: {  	v37 =	vld [tilespmem:s21+$0x4820];
	v9 =	vmul.f32 v30, v31;
	[tilespmem:s21+$0x4950] =	vst v20  }
0x225: {  	v4 =	vld [tilespmem:s21+$0x4980];
	v40 =	vbroadcast v1, $0x8;
	v7 =	vmul.f32 v32, v31;
	[tilespmem:s21+$0x4780] =	vst v11  }
0x226: {  	v6 =	vld [tilespmem:s21+$0x4990];
	v8 =	vmul.f32 v33, v31;
	[tilespmem:s21+$0x47C0] =	vst v9  }
0x227: {  	v3 =	vld [tilespmem:s21+$0x4BD0];
	v10 =	vmul.f32 v35, v40;
	[tilespmem:s21+$0x47D0] =	vst v7  }
0x228: {  	v61 =	vld [tilespmem:s21+$0x4400];
	v23 =	vbroadcast v1, $0xB;
	v12 =	vmul.f32 v36, v40;
	[tilespmem:s21+$0x47E0] =	vst v8  }
0x229: {  	v34 =	vld [tilespmem:s21+$0x47F0];
	v13 =	vmul.f32 v37, v40;
	[tilespmem:s21+$0x4800] =	vst v10  }
0x22a: {  	v38 =	vld [tilespmem:s21+$0x4830];
	v27 =	vbroadcast v1, $0xF;
	v4 =	vmul.f32 v4, v23;
	[tilespmem:s21+$0x4810] =	vst v12  }
0x22b: {  	v39 =	vld [tilespmem:s21+$0x4840];
	v6 =	vmul.f32 v6, v23;
	[tilespmem:s21+$0x4820] =	vst v13  }
0x22c: {  	v41 =	vld [tilespmem:s21+$0x4850];
	v3 =	vmul.f32 v3, v27;
	[tilespmem:s21+$0x4980] =	vst v4  }
0x22d: {  	v43 =	vld [tilespmem:s21+$0x4870];
	v24 =	vmul.f32 v2, v61;
	[tilespmem:s21+$0x4990] =	vst v6  }
0x22e: {  	v44 =	vld [tilespmem:s21+$0x4880];
	v11 =	vmul.f32 v34, v31;
	[tilespmem:s21+$0x4BD0] =	vst v3  }
0x22f: {  	v45 =	vld [tilespmem:s21+$0x4890];
	v9 =	vmul.f32 v38, v40;
	[tilespmem:s21+$0x4400] =	vst v24  }
0x230: {  	v63 =	vld [tilespmem:s21+$0x4440];
	v7 =	vmul.f32 v39, v40;
	[tilespmem:s21+$0x47F0] =	vst v11  }
0x231: {  	v49 =	vbroadcast v1, $0x9;
	v29 =	vld [tilespmem:s21+$0x49F0];
	v8 =	vmul.f32 v41, v40;
	[tilespmem:s21+$0x4830] =	vst v9  }
0x232: {  	v42 =	vld [tilespmem:s21+$0x4860];
	v10 =	vmul.f32 v43, v40;
	[tilespmem:s21+$0x4840] =	vst v7  }
0x233: {  	v46 =	vld [tilespmem:s21+$0x48A0];
	v12 =	vmul.f32 v44, v49;
	[tilespmem:s21+$0x4850] =	vst v8  }
0x234: {  	v47 =	vld [tilespmem:s21+$0x48B0];
	v13 =	vmul.f32 v45, v49;
	[tilespmem:s21+$0x4870] =	vst v10  }
0x235: {  	v48 =	vld [tilespmem:s21+$0x48C0];
	v3 =	vmul.f32 v63, v2;
	[tilespmem:s21+$0x4880] =	vst v12  }
0x236: {  	v51 =	vld [tilespmem:s21+$0x48E0];
	v6 =	vmul.f32 v29, v23;
	[tilespmem:s21+$0x4890] =	vst v13  }
0x237: {  	v52 =	vld [tilespmem:s21+$0x48F0];
	v11 =	vmul.f32 v42, v40;
	[tilespmem:s21+$0x4440] =	vst v3  }
0x238: {  	v28 =	vld [tilespmem:s21+$0x49E0];
	v9 =	vmul.f32 v46, v49;
	[tilespmem:s21+$0x49F0] =	vst v6  }
0x239: {  	v26 =	vld [tilespmem:s21+$0x49D0];
	v7 =	vmul.f32 v47, v49;
	[tilespmem:s21+$0x4860] =	vst v11  }
0x23a: {  	v30 =	vld [tilespmem:s21+$0x4A00];
	v8 =	vmul.f32 v48, v49;
	[tilespmem:s21+$0x48A0] =	vst v9  }
0x23b: {  	v50 =	vld [tilespmem:s21+$0x48D0];
	v10 =	vmul.f32 v51, v49;
	[tilespmem:s21+$0x48B0] =	vst v7  }
0x23c: {  	v54 =	vld [tilespmem:s21+$0x4910];
	v12 =	vmul.f32 v52, v49;
	[tilespmem:s21+$0x48C0] =	vst v8  }
0x23d: {  	v55 =	vld [tilespmem:s21+$0x4920];
	v35 =	vbroadcast v1, $0xC;
	v40 =	vmul.f32 v28, v23;
	[tilespmem:s21+$0x48E0] =	vst v10  }
0x23e: {  	v56 =	vld [tilespmem:s21+$0x4930];
	v32 =	vmul.f32 v26, v23;
	[tilespmem:s21+$0x48F0] =	vst v12  }
0x23f: {  	v60 =	vld [tilespmem:s21+$0x4960];
	v15 =	vmul.f32 v30, v35;
	[tilespmem:s21+$0x49E0] =	vst v40  }
0x240: {  	v62 =	vld [tilespmem:s21+$0x4410];
	v11 =	vmul.f32 v50, v49;
	[tilespmem:s21+$0x49D0] =	vst v32  }
0x241: {  	v19 =	vld [tilespmem:s21+$0x4450];
	v9 =	vmul.f32 v54, v5;
	[tilespmem:s21+$0x4A00] =	vst v15  }
0x242: {  	v33 =	vld [tilespmem:s21+$0x4A30];
	v7 =	vmul.f32 v55, v5;
	[tilespmem:s21+$0x48D0] =	vst v11  }
0x243: {  	v61 =	vld [tilespmem:s21+$0x4BF0];
	v8 =	vmul.f32 v56, v5;
	[tilespmem:s21+$0x4910] =	vst v9  }
0x244: {  	v38 =	vld [tilespmem:s21+$0x4A70];
	v5 =	vmul.f32 v60, v5;
	[tilespmem:s21+$0x4920] =	vst v7  }
0x245: {  	v21 =	vld [tilespmem:s21+$0x49A0];
	v12 =	vmul.f32 v62, v2;
	[tilespmem:s21+$0x4930] =	vst v8  }
0x246: {  	v22 =	vld [tilespmem:s21+$0x49B0];
	v2 =	vmul.f32 v19, v2;
	[tilespmem:s21+$0x4960] =	vst v5  }
0x247: {  	v25 =	vld [tilespmem:s21+$0x49C0];
	v62 =	vmul.f32 v33, v35;
	[tilespmem:s21+$0x4410] =	vst v12  }
0x248: {  	v31 =	vld [tilespmem:s21+$0x4A10];
	v63 =	vmul.f32 v61, v27;
	[tilespmem:s21+$0x4450] =	vst v2  }
0x249: {  	v34 =	vld [tilespmem:s21+$0x4A40];
	v15 =	vmul.f32 v38, v35;
	[tilespmem:s21+$0x4A30] =	vst v62  }
0x24a: {  	v41 =	vld [tilespmem:s21+$0x4AA0];
	v7 =	vmul.f32 v21, v23;
	[tilespmem:s21+$0x4BF0] =	vst v63  }
0x24b: {  	v46 =	vld [tilespmem:s21+$0x4AE0];
	v8 =	vmul.f32 v22, v23;
	[tilespmem:s21+$0x4A70] =	vst v15  }
0x24c: {  	v36 =	vld [tilespmem:s21+$0x4A50];
	v5 =	vmul.f32 v25, v23;
	[tilespmem:s21+$0x49A0] =	vst v7  }
0x24d: {  	v44 =	vbroadcast v1, $0xD;
	v9 =	vmul.f32 v31, v35;
	v2 =	vld [tilespmem:s21+$0x4A90];
	[tilespmem:s21+$0x49B0] =	vst v8  }
0x24e: {  	v37 =	vld [tilespmem:s21+$0x4A60];
	v12 =	vmul.f32 v34, v35;
	[tilespmem:s21+$0x49C0] =	vst v5  }
0x24f: {  	v39 =	vld [tilespmem:s21+$0x4A80];
	v11 =	vmul.f32 v41, v44;
	[tilespmem:s21+$0x4A10] =	vst v9  }
0x250: {  	v42 =	vld [tilespmem:s21+$0x4AB0];
	v51 =	vmul.f32 v46, v44;
	[tilespmem:s21+$0x4A40] =	vst v12  }
0x251: {  	v48 =	vld [tilespmem:s21+$0x4B10];
	v8 =	vmul.f32 v36, v35;
	[tilespmem:s21+$0x4AA0] =	vst v11  }
0x252: {  	v49 =	vld [tilespmem:s21+$0x4B20];
	[tilespmem:s21+$0x4AE0] =	vst v51;
	v2 =	vmul.f32 v2, v44  }
0x253: {  	v50 =	vld [tilespmem:s21+$0x4B30];
	v5 =	vmul.f32 v37, v35;
	[tilespmem:s21+$0x4A50] =	vst v8  }
0x254: {  	v1 =	vbroadcast v1, $0xE;
	v9 =	vmul.f32 v39, v44;
	[tilespmem:s21+$0x4A90] =	vst v2;
	v2 =	vld [tilespmem:s21+$0x4B00]  }
0x255: {  	v60 =	vld [tilespmem:s21+$0x4BE0];
	v12 =	vmul.f32 v42, v44;
	[tilespmem:s21+$0x4A60] =	vst v5  }
0x256: {  	v45 =	vld [tilespmem:s21+$0x4AD0];
	v11 =	vmul.f32 v48, v1;
	[tilespmem:s21+$0x4A80] =	vst v9  }
0x257: {  	v47 =	vld [tilespmem:s21+$0x4AF0];
	v10 =	vmul.f32 v49, v1;
	[tilespmem:s21+$0x4AB0] =	vst v12  }
0x258: {  	v43 =	vld [tilespmem:s21+$0x4AC0];
	v6 =	vmul.f32 v50, v1;
	[tilespmem:s21+$0x4B10] =	vst v11  }
0x259: {  	v55 =	vld [tilespmem:s21+$0x4B80];
	[tilespmem:s21+$0x4B20] =	vst v10;
	v2 =	vmul.f32 v2, v1  }
0x25a: {  	v57 =	vld [tilespmem:s21+$0x4BA0];
	v4 =	vmul.f32 v60, v27;
	[tilespmem:s21+$0x4B30] =	vst v6  }
0x25b: {  	v5 =	vmul.f32 v45, v44;
	[tilespmem:s21+$0x4B00] =	vst v2;
	v2 =	vld [tilespmem:s21+$0x4B70]  }
0x25c: {  	v52 =	vld [tilespmem:s21+$0x4B40];
	v9 =	vmul.f32 v47, v44;
	[tilespmem:s21+$0x4BE0] =	vst v4  }
0x25d: {  	v56 =	vld [tilespmem:s21+$0x4B90];
	v8 =	vmul.f32 v43, v44;
	[tilespmem:s21+$0x4AD0] =	vst v5  }
0x25e: {  	v54 =	vld [tilespmem:s21+$0x4B60];
	v11 =	vmul.f32 v55, v27;
	[tilespmem:s21+$0x4AF0] =	vst v9  }
0x25f: {  	v58 =	vld [tilespmem:s21+$0x4BB0];
	v6 =	vmul.f32 v57, v27;
	[tilespmem:s21+$0x4AC0] =	vst v8  }
0x260: {  	v53 =	vld [tilespmem:s21+$0x4B50];
	[tilespmem:s21+$0x4B80] =	vst v11;
	v2 =	vmul.f32 v2, v1  }
0x261: {  	v59 =	vld [tilespmem:s21+$0x4BC0];
	v5 =	vmul.f32 v52, v1;
	[tilespmem:s21+$0x4BA0] =	vst v6  }
0x262: {  	[tilespmem:s21+$0x4B70] =	vst v2;
	v2 =	vmul.f32 v56, v27  }
0x263: {  	v3 =	vld [tilespmem:s21+$0x4A20];
	v9 =	vmul.f32 v54, v1;
	[tilespmem:s21+$0x4B40] =	vst v5  }
0x264: {  	[tilespmem:s21+$0x4B90] =	vst v2;
	v2 =	vmul.f32 v58, v27  }
0x265: {  	[tilespmem:s21+$0x4B60] =	vst v9;
	v1 =	vmul.f32 v53, v1  }
0x266: {  	[tilespmem:s21+$0x4BB0] =	vst v2;
	v2 =	vmul.f32 v59, v27  }
0x267: {  	[tilespmem:s21+$0x4B50] =	vst v1  }
0x268: {  	s22 =	simm.s32 $0x1;
	[tilespmem:s21+$0x4BC0] =	vst v2;
	v2 =	vmul.f32 v3, v35  }
.LBB2_7:
0x269: {  	s23 =	sshll.u32 s22, $0x4  }
0x26a: {  	p1 =	sne.s32 s22, $0x7;
	[tilespmem:s21+$0x4A20] =	vst v2;
	s21 =	smov.u32 s22;
	s22 =	sadd.s32 $0x1, s22  }
0x26b: {  	s23 =	sand.u32 $0x3FFFFFF0, s23  }
0x26c: {  	s21 =	sshll.u32 s21, $0xB;
	v1 =	vld [tilespmem:s23+$0x180]  }
0x26d: {  	s21 =	sand.u32 $0x3FFFF800, s21  }
0x26e: {  	v8 =	vld [tilespmem:s21+$0x44C0]  }
0x26f: {  	v9 =	vld [tilespmem:s21+$0x44D0]  }
0x270: {  	v10 =	vld [tilespmem:s21+$0x44B0]  }
0x271: {  	v2 =	vbroadcast v1, $0x0;
	v3 =	vld [tilespmem:s21+$0x4420];
	v7 =	vbroadcast v1, $0x4  }
0x272: {  	v5 =	vld [tilespmem:s21+$0x4430]  }
0x273: {  	v6 =	vld [tilespmem:s21+$0x4970]  }
0x274: {  	v11 =	vld [tilespmem:s21+$0x4460]  }
0x275: {  	v12 =	vld [tilespmem:s21+$0x4470]  }
0x276: {  	v4 =	vbroadcast v1, $0xA;
	v3 =	vmul.f32 v3, v2;
	v13 =	vld [tilespmem:s21+$0x4480]  }
0x277: {  	v5 =	vmul.f32 v5, v2;
	v14 =	vld [tilespmem:s21+$0x4490]  }
0x278: {  	[tilespmem:s21+$0x4420] =	vst v3;
	v15 =	vld [tilespmem:s21+$0x44A0];
	v3 =	vmul.f32 v6, v4  }
0x279: {  	[tilespmem:s21+$0x4430] =	vst v5;
	v6 =	vmul.f32 v11, v2;
	v11 =	vbroadcast v1, $0x1;
	v5 =	vld [tilespmem:s21+$0x4980]  }
0x27a: {  	v12 =	vmul.f32 v12, v2;
	[tilespmem:s21+$0x4970] =	vst v3;
	v3 =	vld [tilespmem:s21+$0x4BD0]  }
0x27b: {  	[tilespmem:s21+$0x4460] =	vst v6;
	v13 =	vmul.f32 v13, v11;
	v6 =	vld [tilespmem:s21+$0x4990]  }
0x27c: {  	[tilespmem:s21+$0x4470] =	vst v12;
	v12 =	vmul.f32 v14, v11;
	v14 =	vld [tilespmem:s21+$0x44E0]  }
0x27d: {  	[tilespmem:s21+$0x4480] =	vst v13;
	v13 =	vmul.f32 v15, v11;
	v15 =	vld [tilespmem:s21+$0x44F0]  }
0x27e: {  	v10 =	vmul.f32 v10, v11;
	[tilespmem:s21+$0x4490] =	vst v12;
	v12 =	vld [tilespmem:s21+$0x4500]  }
0x27f: {  	v8 =	vmul.f32 v8, v11;
	[tilespmem:s21+$0x44A0] =	vst v13;
	v13 =	vld [tilespmem:s21+$0x4510]  }
0x280: {  	v9 =	vmul.f32 v9, v11;
	[tilespmem:s21+$0x44B0] =	vst v10;
	v10 =	vld [tilespmem:s21+$0x4520]  }
0x281: {  	[tilespmem:s21+$0x44C0] =	vst v8;
	v8 =	vmul.f32 v14, v11;
	v14 =	vbroadcast v1, $0x2;
	v16 =	vld [tilespmem:s21+$0x4530]  }
0x282: {  	[tilespmem:s21+$0x44D0] =	vst v9;
	v9 =	vmul.f32 v15, v11;
	v11 =	vld [tilespmem:s21+$0x4540]  }
0x283: {  	[tilespmem:s21+$0x44E0] =	vst v8;
	v8 =	vmul.f32 v12, v14;
	v12 =	vld [tilespmem:s21+$0x4550]  }
0x284: {  	[tilespmem:s21+$0x44F0] =	vst v9;
	v9 =	vmul.f32 v13, v14;
	v13 =	vld [tilespmem:s21+$0x4560]  }
0x285: {  	[tilespmem:s21+$0x4500] =	vst v8;
	v8 =	vmul.f32 v10, v14;
	v10 =	vld [tilespmem:s21+$0x4570]  }
0x286: {  	[tilespmem:s21+$0x4510] =	vst v9;
	v9 =	vmul.f32 v16, v14;
	v15 =	vld [tilespmem:s21+$0x4580]  }
0x287: {  	[tilespmem:s21+$0x4520] =	vst v8;
	v8 =	vmul.f32 v11, v14;
	v11 =	vld [tilespmem:s21+$0x4590]  }
0x288: {  	[tilespmem:s21+$0x4530] =	vst v9;
	v9 =	vmul.f32 v12, v14;
	v12 =	vld [tilespmem:s21+$0x45A0]  }
0x289: {  	[tilespmem:s21+$0x4540] =	vst v8;
	v8 =	vmul.f32 v13, v14;
	v13 =	vbroadcast v1, $0x3;
	v16 =	vld [tilespmem:s21+$0x45B0]  }
0x28a: {  	[tilespmem:s21+$0x4550] =	vst v9;
	v9 =	vmul.f32 v10, v14;
	v10 =	vld [tilespmem:s21+$0x45C0]  }
0x28b: {  	[tilespmem:s21+$0x4560] =	vst v8;
	v8 =	vmul.f32 v15, v13;
	v14 =	vld [tilespmem:s21+$0x45D0]  }
0x28c: {  	[tilespmem:s21+$0x4570] =	vst v9;
	v9 =	vmul.f32 v11, v13;
	v11 =	vld [tilespmem:s21+$0x45E0]  }
0x28d: {  	[tilespmem:s21+$0x4580] =	vst v8;
	v8 =	vmul.f32 v12, v13;
	v12 =	vld [tilespmem:s21+$0x45F0]  }
0x28e: {  	[tilespmem:s21+$0x4590] =	vst v9;
	v9 =	vmul.f32 v16, v13;
	v15 =	vld [tilespmem:s21+$0x4600]  }
0x28f: {  	[tilespmem:s21+$0x45A0] =	vst v8;
	v8 =	vmul.f32 v10, v13;
	v10 =	vld [tilespmem:s21+$0x4610]  }
0x290: {  	[tilespmem:s21+$0x45B0] =	vst v9;
	v9 =	vmul.f32 v14, v13;
	v14 =	vld [tilespmem:s21+$0x4620]  }
0x291: {  	[tilespmem:s21+$0x45C0] =	vst v8;
	v8 =	vmul.f32 v11, v13;
	v11 =	vld [tilespmem:s21+$0x4630]  }
0x292: {  	[tilespmem:s21+$0x45D0] =	vst v9;
	v9 =	vmul.f32 v12, v13;
	v12 =	vld [tilespmem:s21+$0x4640]  }
0x293: {  	[tilespmem:s21+$0x45E0] =	vst v8;
	v8 =	vmul.f32 v15, v7;
	v13 =	vld [tilespmem:s21+$0x4650]  }
0x294: {  	[tilespmem:s21+$0x45F0] =	vst v9;
	v9 =	vmul.f32 v10, v7;
	v10 =	vld [tilespmem:s21+$0x4660]  }
0x295: {  	[tilespmem:s21+$0x4600] =	vst v8;
	v8 =	vmul.f32 v14, v7;
	v14 =	vld [tilespmem:s21+$0x4670]  }
0x296: {  	[tilespmem:s21+$0x4610] =	vst v9;
	v9 =	vmul.f32 v11, v7;
	v11 =	vld [tilespmem:s21+$0x4680]  }
0x297: {  	[tilespmem:s21+$0x4620] =	vst v8;
	v8 =	vmul.f32 v12, v7;
	v12 =	vld [tilespmem:s21+$0x4690]  }
0x298: {  	[tilespmem:s21+$0x4630] =	vst v9;
	v9 =	vmul.f32 v13, v7;
	v13 =	vld [tilespmem:s21+$0x46A0]  }
0x299: {  	[tilespmem:s21+$0x4640] =	vst v8;
	v8 =	vmul.f32 v10, v7;
	v10 =	vbroadcast v1, $0x5;
	v15 =	vld [tilespmem:s21+$0x46B0]  }
0x29a: {  	[tilespmem:s21+$0x4650] =	vst v9;
	v7 =	vmul.f32 v14, v7;
	v9 =	vld [tilespmem:s21+$0x46C0]  }
0x29b: {  	[tilespmem:s21+$0x4660] =	vst v8;
	v8 =	vmul.f32 v11, v10;
	v11 =	vld [tilespmem:s21+$0x46D0]  }
0x29c: {  	[tilespmem:s21+$0x4670] =	vst v7;
	v7 =	vmul.f32 v12, v10;
	v12 =	vld [tilespmem:s21+$0x46E0]  }
0x29d: {  	[tilespmem:s21+$0x4680] =	vst v8;
	v8 =	vmul.f32 v13, v10;
	v13 =	vld [tilespmem:s21+$0x46F0]  }
0x29e: {  	[tilespmem:s21+$0x4690] =	vst v7;
	v7 =	vmul.f32 v15, v10;
	v14 =	vld [tilespmem:s21+$0x4700]  }
0x29f: {  	[tilespmem:s21+$0x46A0] =	vst v8;
	v8 =	vmul.f32 v9, v10;
	v9 =	vld [tilespmem:s21+$0x4710]  }
0x2a0: {  	[tilespmem:s21+$0x46B0] =	vst v7;
	v7 =	vmul.f32 v11, v10;
	v11 =	vld [tilespmem:s21+$0x4720]  }
0x2a1: {  	[tilespmem:s21+$0x46C0] =	vst v8;
	v8 =	vmul.f32 v12, v10;
	v12 =	vbroadcast v1, $0x6;
	v15 =	vld [tilespmem:s21+$0x4730]  }
0x2a2: {  	[tilespmem:s21+$0x46D0] =	vst v7;
	v7 =	vmul.f32 v13, v10;
	v10 =	vld [tilespmem:s21+$0x4740]  }
0x2a3: {  	[tilespmem:s21+$0x46E0] =	vst v8;
	v8 =	vmul.f32 v14, v12;
	v13 =	vld [tilespmem:s21+$0x4750]  }
0x2a4: {  	[tilespmem:s21+$0x46F0] =	vst v7;
	v7 =	vmul.f32 v9, v12;
	v9 =	vld [tilespmem:s21+$0x4760]  }
0x2a5: {  	[tilespmem:s21+$0x4700] =	vst v8;
	v8 =	vmul.f32 v11, v12;
	v11 =	vld [tilespmem:s21+$0x4770]  }
0x2a6: {  	[tilespmem:s21+$0x4710] =	vst v7;
	v7 =	vmul.f32 v15, v12;
	v14 =	vld [tilespmem:s21+$0x4780]  }
0x2a7: {  	[tilespmem:s21+$0x4720] =	vst v8;
	v8 =	vmul.f32 v10, v12;
	v10 =	vld [tilespmem:s21+$0x4790]  }
0x2a8: {  	[tilespmem:s21+$0x4730] =	vst v7;
	v7 =	vmul.f32 v13, v12;
	v13 =	vld [tilespmem:s21+$0x47A0]  }
0x2a9: {  	[tilespmem:s21+$0x4740] =	vst v8;
	v8 =	vmul.f32 v9, v12;
	v9 =	vbroadcast v1, $0x7;
	v15 =	vld [tilespmem:s21+$0x47B0]  }
0x2aa: {  	[tilespmem:s21+$0x4750] =	vst v7;
	v7 =	vmul.f32 v11, v12;
	v11 =	vld [tilespmem:s21+$0x47C0]  }
0x2ab: {  	[tilespmem:s21+$0x4760] =	vst v8;
	v8 =	vmul.f32 v14, v9;
	v12 =	vld [tilespmem:s21+$0x47D0]  }
0x2ac: {  	[tilespmem:s21+$0x4770] =	vst v7;
	v7 =	vmul.f32 v10, v9;
	v10 =	vld [tilespmem:s21+$0x47E0]  }
0x2ad: {  	[tilespmem:s21+$0x4780] =	vst v8;
	v8 =	vmul.f32 v13, v9;
	v13 =	vld [tilespmem:s21+$0x47F0]  }
0x2ae: {  	[tilespmem:s21+$0x4790] =	vst v7;
	v7 =	vmul.f32 v15, v9;
	v14 =	vld [tilespmem:s21+$0x4800]  }
0x2af: {  	[tilespmem:s21+$0x47A0] =	vst v8;
	v8 =	vmul.f32 v11, v9;
	v11 =	vld [tilespmem:s21+$0x4810]  }
0x2b0: {  	[tilespmem:s21+$0x47B0] =	vst v7;
	v7 =	vmul.f32 v12, v9;
	v12 =	vld [tilespmem:s21+$0x4820]  }
0x2b1: {  	[tilespmem:s21+$0x47C0] =	vst v8;
	v8 =	vmul.f32 v10, v9;
	v10 =	vbroadcast v1, $0x8;
	v15 =	vld [tilespmem:s21+$0x4830]  }
0x2b2: {  	[tilespmem:s21+$0x47D0] =	vst v7;
	v7 =	vmul.f32 v13, v9;
	v9 =	vld [tilespmem:s21+$0x4840]  }
0x2b3: {  	[tilespmem:s21+$0x47E0] =	vst v8;
	v8 =	vmul.f32 v14, v10;
	v13 =	vld [tilespmem:s21+$0x4850]  }
0x2b4: {  	[tilespmem:s21+$0x47F0] =	vst v7;
	v7 =	vmul.f32 v11, v10;
	v11 =	vld [tilespmem:s21+$0x4860]  }
0x2b5: {  	[tilespmem:s21+$0x4800] =	vst v8;
	v8 =	vmul.f32 v12, v10;
	v12 =	vld [tilespmem:s21+$0x4870]  }
0x2b6: {  	[tilespmem:s21+$0x4810] =	vst v7;
	v7 =	vmul.f32 v15, v10;
	v14 =	vld [tilespmem:s21+$0x4880]  }
0x2b7: {  	[tilespmem:s21+$0x4820] =	vst v8;
	v8 =	vmul.f32 v9, v10;
	v9 =	vld [tilespmem:s21+$0x4890]  }
0x2b8: {  	[tilespmem:s21+$0x4830] =	vst v7;
	v7 =	vmul.f32 v13, v10;
	v13 =	vld [tilespmem:s21+$0x48A0]  }
0x2b9: {  	[tilespmem:s21+$0x4840] =	vst v8;
	v8 =	vmul.f32 v11, v10;
	v11 =	vbroadcast v1, $0x9;
	v15 =	vld [tilespmem:s21+$0x48B0]  }
0x2ba: {  	[tilespmem:s21+$0x4850] =	vst v7;
	v7 =	vmul.f32 v12, v10;
	v10 =	vld [tilespmem:s21+$0x48C0]  }
0x2bb: {  	[tilespmem:s21+$0x4860] =	vst v8;
	v8 =	vmul.f32 v14, v11;
	v12 =	vld [tilespmem:s21+$0x48D0]  }
0x2bc: {  	[tilespmem:s21+$0x4870] =	vst v7;
	v7 =	vmul.f32 v9, v11;
	v9 =	vld [tilespmem:s21+$0x48E0]  }
0x2bd: {  	[tilespmem:s21+$0x4880] =	vst v8;
	v8 =	vmul.f32 v13, v11;
	v13 =	vld [tilespmem:s21+$0x48F0]  }
0x2be: {  	[tilespmem:s21+$0x4890] =	vst v7;
	v7 =	vmul.f32 v15, v11;
	v14 =	vld [tilespmem:s21+$0x4900]  }
0x2bf: {  	[tilespmem:s21+$0x48A0] =	vst v8;
	v8 =	vmul.f32 v10, v11;
	v10 =	vld [tilespmem:s21+$0x4910]  }
0x2c0: {  	[tilespmem:s21+$0x48B0] =	vst v7;
	v7 =	vmul.f32 v12, v11;
	v12 =	vld [tilespmem:s21+$0x4920]  }
0x2c1: {  	[tilespmem:s21+$0x48C0] =	vst v8;
	v8 =	vmul.f32 v9, v11;
	v9 =	vld [tilespmem:s21+$0x4930]  }
0x2c2: {  	[tilespmem:s21+$0x48D0] =	vst v7;
	v7 =	vmul.f32 v13, v11;
	v11 =	vld [tilespmem:s21+$0x4940]  }
0x2c3: {  	[tilespmem:s21+$0x48E0] =	vst v8;
	v8 =	vmul.f32 v14, v4;
	v13 =	vld [tilespmem:s21+$0x4950]  }
0x2c4: {  	[tilespmem:s21+$0x48F0] =	vst v7;
	v7 =	vmul.f32 v10, v4;
	v10 =	vld [tilespmem:s21+$0x4960]  }
0x2c5: {  	v14 =	vld [tilespmem:s21+$0x4400];
	[tilespmem:s21+$0x4900] =	vst v8;
	v8 =	vmul.f32 v12, v4  }
0x2c6: {  	v12 =	vld [tilespmem:s21+$0x4410];
	[tilespmem:s21+$0x4910] =	vst v7;
	v7 =	vmul.f32 v9, v4  }
0x2c7: {  	v9 =	vld [tilespmem:s21+$0x4440];
	[tilespmem:s21+$0x4920] =	vst v8;
	v8 =	vmul.f32 v11, v4  }
0x2c8: {  	v11 =	vld [tilespmem:s21+$0x4450];
	[tilespmem:s21+$0x4930] =	vst v7;
	v7 =	vmul.f32 v13, v4  }
0x2c9: {  	[tilespmem:s21+$0x4940] =	vst v8;
	v8 =	vmul.f32 v10, v4;
	v10 =	vbroadcast v1, $0xB;
	v13 =	vld [tilespmem:s21+$0x49A0]  }
0x2ca: {  	v4 =	vbroadcast v1, $0xF;
	v14 =	vmul.f32 v2, v14;
	[tilespmem:s21+$0x4950] =	vst v7;
	v7 =	vld [tilespmem:s21+$0x49B0]  }
0x2cb: {  	v12 =	vmul.f32 v12, v2;
	[tilespmem:s21+$0x4960] =	vst v8;
	v5 =	vmul.f32 v5, v10;
	v8 =	vld [tilespmem:s21+$0x49C0]  }
0x2cc: {  	v6 =	vmul.f32 v6, v10;
	[tilespmem:s21+$0x4400] =	vst v14;
	v9 =	vmul.f32 v9, v2;
	v14 =	vld [tilespmem:s21+$0x49D0]  }
0x2cd: {  	v3 =	vmul.f32 v3, v4;
	v11 =	vmul.f32 v11, v2;
	[tilespmem:s21+$0x4980] =	vst v5;
	v2 =	vld [tilespmem:s21+$0x49E0]  }
0x2ce: {  	[tilespmem:s21+$0x4990] =	vst v6;
	v5 =	vmul.f32 v13, v10;
	v6 =	vld [tilespmem:s21+$0x49F0]  }
0x2cf: {  	v7 =	vmul.f32 v7, v10;
	v13 =	vld [tilespmem:s21+$0x4A00];
	[tilespmem:s21+$0x4BD0] =	vst v3  }
0x2d0: {  	[tilespmem:s21+$0x4410] =	vst v12;
	v3 =	vmul.f32 v8, v10;
	v8 =	vld [tilespmem:s21+$0x4A10]  }
0x2d1: {  	[tilespmem:s21+$0x4440] =	vst v9;
	v9 =	vmul.f32 v14, v10;
	v12 =	vld [tilespmem:s21+$0x4A20]  }
0x2d2: {  	v14 =	vbroadcast v1, $0xC;
	[tilespmem:s21+$0x49A0] =	vst v5;
	v5 =	vmul.f32 v2, v10;
	v15 =	vld [tilespmem:s21+$0x4A30]  }
0x2d3: {  	[tilespmem:s21+$0x49D0] =	vst v9;
	v6 =	vmul.f32 v6, v10;
	v9 =	vld [tilespmem:s21+$0x4A40]  }
0x2d4: {  	[tilespmem:s21+$0x49B0] =	vst v7;
	v2 =	vmul.f32 v13, v14;
	v7 =	vld [tilespmem:s21+$0x4A50]  }
0x2d5: {  	[tilespmem:s21+$0x49C0] =	vst v3;
	v3 =	vmul.f32 v8, v14;
	v8 =	vld [tilespmem:s21+$0x4A60]  }
0x2d6: {  	[tilespmem:s21+$0x4A00] =	vst v2;
	v2 =	vmul.f32 v12, v14;
	v10 =	vld [tilespmem:s21+$0x4A70]  }
0x2d7: {  	[tilespmem:s21+$0x4A10] =	vst v3;
	v3 =	vld [tilespmem:s21+$0x4A80]  }
0x2d8: {  	[tilespmem:s21+$0x4450] =	vst v11;
	v9 =	vmul.f32 v9, v14;
	v11 =	vld [tilespmem:s21+$0x4A90]  }
0x2d9: {  	[tilespmem:s21+$0x49E0] =	vst v5;
	v5 =	vmul.f32 v7, v14;
	v7 =	vld [tilespmem:s21+$0x4AA0]  }
0x2da: {  	[tilespmem:s21+$0x4A40] =	vst v9;
	v8 =	vmul.f32 v8, v14;
	v9 =	vbroadcast v1, $0xD;
	v12 =	vld [tilespmem:s21+$0x4AB0]  }
0x2db: {  	[tilespmem:s21+$0x4A50] =	vst v5;
	v5 =	vmul.f32 v10, v14;
	v10 =	vld [tilespmem:s21+$0x4AC0]  }
0x2dc: {  	[tilespmem:s21+$0x4A60] =	vst v8;
	v3 =	vmul.f32 v3, v9;
	v8 =	vld [tilespmem:s21+$0x4AD0]  }
0x2dd: {  	[tilespmem:s21+$0x4A70] =	vst v5;
	v5 =	vmul.f32 v11, v9;
	v11 =	vld [tilespmem:s21+$0x4AE0]  }
0x2de: {  	[tilespmem:s21+$0x4A80] =	vst v3;
	v3 =	vmul.f32 v7, v9;
	v7 =	vld [tilespmem:s21+$0x4AF0]  }
0x2df: {  	[tilespmem:s21+$0x4A90] =	vst v5;
	v5 =	vmul.f32 v12, v9;
	v12 =	vld [tilespmem:s21+$0x4B00]  }
0x2e0: {  	[tilespmem:s21+$0x4AA0] =	vst v3;
	v3 =	vmul.f32 v10, v9;
	v10 =	vld [tilespmem:s21+$0x4B10]  }
0x2e1: {  	[tilespmem:s21+$0x4AB0] =	vst v5;
	v5 =	vmul.f32 v8, v9;
	v8 =	vld [tilespmem:s21+$0x4B20]  }
0x2e2: {  	v1 =	vbroadcast v1, $0xE;
	[tilespmem:s21+$0x49F0] =	vst v6;
	v6 =	vmul.f32 v11, v9;
	v11 =	vld [tilespmem:s21+$0x4B30]  }
0x2e3: {  	[tilespmem:s21+$0x4AD0] =	vst v5;
	v5 =	vmul.f32 v7, v9;
	v7 =	vld [tilespmem:s21+$0x4B40]  }
0x2e4: {  	[tilespmem:s21+$0x4AE0] =	vst v6;
	v6 =	vmul.f32 v12, v1;
	v9 =	vld [tilespmem:s21+$0x4B50]  }
0x2e5: {  	[tilespmem:s21+$0x4AF0] =	vst v5;
	v5 =	vmul.f32 v10, v1;
	v10 =	vld [tilespmem:s21+$0x4B60]  }
0x2e6: {  	[tilespmem:s21+$0x4B00] =	vst v6;
	v6 =	vmul.f32 v8, v1;
	v8 =	vld [tilespmem:s21+$0x4B70]  }
0x2e7: {  	[tilespmem:s21+$0x4B10] =	vst v5;
	v5 =	vmul.f32 v11, v1;
	v11 =	vld [tilespmem:s21+$0x4B80]  }
0x2e8: {  	[tilespmem:s21+$0x4B20] =	vst v6;
	v6 =	vmul.f32 v7, v1;
	v7 =	vld [tilespmem:s21+$0x4B90]  }
0x2e9: {  	[tilespmem:s21+$0x4B30] =	vst v5;
	v5 =	vmul.f32 v9, v1;
	v9 =	vld [tilespmem:s21+$0x4BA0]  }
0x2ea: {  	[tilespmem:s21+$0x4B40] =	vst v6;
	v6 =	vmul.f32 v10, v1;
	v10 =	vld [tilespmem:s21+$0x4BB0]  }
0x2eb: {  	[tilespmem:s21+$0x4AC0] =	vst v3;
	v1 =	vmul.f32 v8, v1;
	v3 =	vld [tilespmem:s21+$0x4BC0]  }
0x2ec: {  	[tilespmem:s21+$0x4B60] =	vst v6;
	v6 =	vmul.f32 v11, v4;
	v8 =	vld [tilespmem:s21+$0x4BE0]  }
0x2ed: {  	[tilespmem:s21+$0x4B70] =	vst v1;
	v1 =	vmul.f32 v7, v4;
	v7 =	vld [tilespmem:s21+$0x4BF0]  }
0x2ee: {  	[tilespmem:s21+$0x4B80] =	vst v6;
	v6 =	vmul.f32 v9, v4  }
0x2ef: {  	[tilespmem:s21+$0x4B90] =	vst v1;
	v1 =	vmul.f32 v10, v4  }
0x2f0: {  	v9 =	vmul.f32 v15, v14;
	[tilespmem:s21+$0x4BA0] =	vst v6  }
0x2f1: {  	[tilespmem:s21+$0x4BB0] =	vst v1;
	v1 =	vmul.f32 v3, v4  }
.Ltmp4:
0x2f2: {  	[tilespmem:s21+$0x4A30] =	vst v9;
	v3 =	vmul.f32 v7, v4;
	(pc) =	sbr.rel @p1 .LBB2_7-.Ltmp4, $4  }
0x2f3: {  	[tilespmem:s21+$0x4BC0] =	vst v1  }
0x2f4: {  	v1 =	vmul.f32 v8, v4;
	[tilespmem:s21+$0x4BF0] =	vst v3  }
0x2f5: {  	[tilespmem:s21+$0x4B50] =	vst v5  }
0x2f6: {  	[tilespmem:s21+$0x4BE0] =	vst v1  }
.Ltmp5:
0x2f7: {  	[tilespmem:s21+$0x4A20] =	vst v2;
	(pc) =	sbr.rel @p0 .LBB2_10-.Ltmp5, $4  }
0x2f8: {  	[spmem:s2] =	stream.indirect.scatter.add.f32 [tilespmem:s13], [sflag:$0x7], $0x80, s15, s30, $0xb8;
	[tilespmem:$0x1C400] =	vst v63  }
0x2f9: {  	_ =	swait.ge [sflag:s25], $0x4000  }
0x2fa: {  	[sflag:s25] =	ssyncset.done $0x0  }
0x2fb: {  	[sflag:s25] =	ssyncadd.s32 $0xFFFFC000  }
0x2fc: {  	s20 =	sadd.s32 s20, s17  }
.Ltmp6:
0x2fd: {  	s20 =	sshrl.u32 s20, $0x3;
	(pc) =	sbr.rel .LBB2_4-.Ltmp6, $4  }
0x2fe: {  	s21 =	sadd.s32 s5, s20  }
0x2ff: {  	[tilespmem:s30], [sflag:$0x4] =	stream.linear.gather [hbm4b:s21+s4], $0x80, $0x38;
	[tilespmem:$0x1C400] =	vst v63  }
0x300: {  	s19 =	sadd.s32 $0x1, s19;
	s20 =	sadd.s32 s6, s20  }
0x301: {  	[tilespmem:s0], [sflag:$0x6] =	stream.linear.gather [hbm4b:s20+s4], $0x80, $0x38;
	[tilespmem:$0x1C400] =	vst v63  }
.LBB2_11:
0x302: {  	_ =	sfence.sel $0x180000  }
0x303: {  	[bflag:$0x0] =	sbarrier.arrive $0xFFFF  }
0x304: {  	_ =	strace $0x90000047  }
0x305: {  	s0 =	stileid.u32;
	[bflag:$0x2] =	sbarrier.arrive $0xFFFF  }
0x306: {  	p0 =	sne.s32 s0, $0x0;
	s0 =	rddreg [dreg:$0x3]  }
0x307: {  	s0 =	sadd.s32 @!p0 $0x100000, s0  }
0x308: {  	[sflag:s0] =	ssyncadd.tile.s32 @!p0 $0x1;
	_ =	shalt  }
.Lfunc_end2:
_tile_overlayer_lowered:
.L_overlay_start_2:
0x309: {  	(tag) =	ssettag $0x2  }
0x30a: {  	s0 =	rddreg [dreg:$0x0];
	s2 =	stileid.u32  }
0x30b: {  	s1 =	rddreg [dreg:$0x1];
	p0 =	sne.s32 s2, $0x0  }
0x30c: {  	s3 =	rddreg [dreg:$0x2];
	[bflag:$0x3] =	sbarrier.arrive $0xFFFF;
	s2 =	simm.s32 @!p0 $0x1C07  }
0x30d: {  	[timem:s3], [sflag:s2] =	dma.local @!p0 [hbm:s0], s1  }
0x30e: {  	s0 =	simm.s32 @!p0 $0x7  }
0x30f: {  	_ =	swait.ge @!p0 [sflag:s0], s1  }
0x310: {  	s1 =	ssub.s32 @!p0 $0x0, s1;
	[sflag:s0] =	ssyncset.done @!p0 $0x0  }
0x311: {  	[sflag:s0] =	ssyncadd.s32 @!p0 s1  }
0x312: {  	[bflag:$0x3] =	sbarrier.arrive $0xFFFF  }
0x313: {  	_ =	shalt  }

</sc_bundles>
